<compile_context>
chip_gen: v7x
topology: tpu7x:2x2x1
jax: 0.10.2.dev20260603
libtpu: 0.0.44.dev20260713+nightly
codegen_flags: <defaults>
</compile_context>

<pallas_src>
import jax
import jax.numpy as jnp
from jax import lax
from jax.experimental import pallas as pl
from jax.experimental.pallas import tpu as pltpu
from jax.experimental.pallas import tpu_sc as plsc

K0, K1, K2 = 3, 3, 3
KPROD = K0 * K1 * K2
NL = 16
GC = 16
NBR_CAP = 4112
ACC_ROWS = 40

_TAKE_DNUMS = lax.GatherDimensionNumbers(
    offset_dims=(), collapsed_slice_dims=(0,), start_index_map=(0,))


def _take(v, idx):
    return lax.gather(v, idx[:, None], _TAKE_DNUMS, (1,),
                      mode=lax.GatherScatterMode.PROMISE_IN_BOUNDS)


def _sc_body(px_h, py_h, pz_h, qx_h, qy_h, qz_h, r_h, fw_h, wsum_h,
             pxv, pyv, pzv, featv, qxv, qyv, qzv, rv, nbrv, accv, outv,
             spx, spy, spz, sidx, cidv, cellst, cursor, sem, sem2):
    n = px_h.shape[0]
    m_total = wsum_h.shape[0] // (KPROD * 32)
    cid = lax.axis_index("c")
    sid = lax.axis_index("s")
    wid = sid * 2 + cid
    m_per = m_total // 32
    base = wid * m_per

    pltpu.sync_copy(px_h, pxv)
    pltpu.sync_copy(py_h, pyv)
    pltpu.sync_copy(pz_h, pzv)
    pltpu.sync_copy(fw_h, featv)
    pltpu.sync_copy(qx_h.at[pl.ds(base, m_per)], qxv)
    pltpu.sync_copy(qy_h.at[pl.ds(base, m_per)], qyv)
    pltpu.sync_copy(qz_h.at[pl.ds(base, m_per)], qzv)
    pltpu.sync_copy(r_h.at[pl.ds(base, m_per)], rv)

    iota = lax.iota(jnp.int32, NL)
    zi = iota * 0
    zf = zi.astype(jnp.float32)

    def splat(v, j):
        return _take(v, zi + j)

    fgc = float(GC)

    def cbody(t, _):
        off = t * NL
        yc = jnp.clip((pyv[pl.ds(off, NL)] * fgc).astype(jnp.int32),
                      0, GC - 1)
        zc = jnp.clip((pzv[pl.ds(off, NL)] * fgc).astype(jnp.int32),
                      0, GC - 1)
        cidv[pl.ds(off, NL)] = zc * GC + yc
        return 0

    lax.fori_loop(0, n // NL, cbody, 0)

    for i in range(17):
        cursor[pl.ds(i * NL, NL)] = zi

    def hbody(t, _):
        c = cidv[pl.ds(t * NL, NL)]
        dup, last = plsc.scan_count(c)
        plsc.addupdate_scatter(cursor, [c], dup, mask=last)
        return 0

    lax.fori_loop(0, n // NL, hbody, 0)

    carry = zi
    for i in range(GC * GC // NL):
        v = cursor[pl.ds(i * NL, NL)]
        cs = plsc.cumsum(v)
        cellst[pl.ds(i * NL, NL)] = carry + (cs - v)
        carry = carry + splat(cs, NL - 1)
    cellst[pl.ds(GC * GC, NL)] = carry

    for i in range(17):
        cursor[pl.ds(i * NL, NL)] = cellst[pl.ds(i * NL, NL)]

    def sbody(t, _):
        off = t * NL
        c = cidv[pl.ds(off, NL)]
        dup, last = plsc.scan_count(c)
        cur = plsc.load_gather(cursor, [c])
        pos = cur + dup - 1
        plsc.store_scatter(sidx, [pos], iota + off)
        plsc.store_scatter(spx, [pos], pxv[pl.ds(off, NL)])
        plsc.store_scatter(spy, [pos], pyv[pl.ds(off, NL)])
        plsc.store_scatter(spz, [pos], pzv[pl.ds(off, NL)])
        plsc.addupdate_scatter(cursor, [c], dup, mask=last)
        return 0

    lax.fori_loop(0, n // NL, sbody, 0)

    def mbody(m, carry_):
        gb = (m // NL) * NL
        qx16 = qxv[pl.ds(gb, NL)]
        qy16 = qyv[pl.ds(gb, NL)]
        qz16 = qzv[pl.ds(gb, NL)]
        r16 = rv[pl.ds(gb, NL)]
        qxs = splat(qx16, m - gb)
        qys = splat(qy16, m - gb)
        qzs = splat(qz16, m - gb)
        rs = splat(r16, m - gb)
        r2s = rs * rs
        inv_rs = 1.0 / rs

        y0v = jnp.clip(((qys - rs) * fgc).astype(jnp.int32), 0, GC - 1)
        y1v = jnp.clip(((qys + rs) * fgc).astype(jnp.int32), 0, GC - 1)
        z0v = jnp.clip(((qzs - rs) * fgc).astype(jnp.int32), 0, GC - 1)
        z1v = jnp.clip(((qzs + rs) * fgc).astype(jnp.int32), 0, GC - 1)
        zpk = jnp.max(z0v * 256 + z1v)
        z0 = zpk >> 8
        z1 = zpk & 255

        def zbody(zc, cv_in):
            zb = zi + zc * GC
            st = plsc.load_gather(cellst, [zb + y0v])
            en = plsc.load_gather(cellst, [zb + y1v + 1])
            nch = jnp.max(en - st)

            def tbody(t, cv):
                idxs = st + iota + t * NL
                ok = idxs < en
                idc = jnp.where(ok, idxs, 0)
                gx = plsc.load_gather(spx, [idc])
                gy = plsc.load_gather(spy, [idc])
                gz = plsc.load_gather(spz, [idc])
                oid = plsc.load_gather(sidx, [idc])
                dx = gx - qxs
                dy = gy - qys
                dz = gz - qzs
                d2 = dx * dx + dy * dy + dz * dz
                msk = (d2 <= r2s) & ok
                hits = plsc.all_reduce_population_count(msk)
                pos = cv + plsc.cumsum(msk.astype(jnp.int32)) - 1
                plsc.store_scatter(nbrv, [pos], oid, mask=msk)
                return cv + hits

            return plsc.parallel_loop(
                0, (nch + NL - 1) // NL, carry=cv_in)(tbody)

        cnt_vec = lax.fori_loop(z0, z1 + 1, zbody, zi)
        cnt = jnp.max(cnt_vec)
        plsc.store_scatter(nbrv, [cnt_vec + iota], zi)

        for i in range(2 * KPROD):
            accv[pl.ds(i * NL, NL)] = zf

        def bbody(jb):
            j16 = jb * NL
            idx = nbrv[pl.ds(j16, NL)]
            gx = plsc.load_gather(pxv, [idx])
            gy = plsc.load_gather(pyv, [idx])
            gz = plsc.load_gather(pzv, [idx])
            dx = gx - qxs
            dy = gy - qys
            dz = gz - qzs
            d2 = jnp.maximum(dx * dx + dy * dy + dz * dz, 1e-20)
            ib = plsc.bitcast(d2, jnp.int32)
            y = plsc.bitcast(jnp.int32(0x5F3759DF) - (ib >> 1), jnp.float32)
            y = y * (1.5 - 0.5 * d2 * y * y)
            y = y * (1.5 - 0.5 * d2 * y * y)
            sq = d2 * y
            relx = dx * inv_rs
            rely = dy * inv_rs
            relz = dz * inv_rs
            norm = sq * inv_rs
            ma = jnp.maximum(jnp.maximum(jnp.abs(relx), jnp.abs(rely)),
                             jnp.abs(relz))
            scale = jnp.where(ma > 1e-8, norm / jnp.maximum(ma, 1e-8), 0.0)
            t0 = jnp.clip(relx * scale + 1.0, 0.0, 2.0)
            t1 = jnp.clip(rely * scale + 1.0, 0.0, 2.0)
            t2 = jnp.clip(relz * scale + 1.0, 0.0, 2.0)
            lo0 = t0.astype(jnp.int32)
            lo1 = t1.astype(jnp.int32)
            lo2 = t2.astype(jnp.int32)
            f0 = t0 - lo0.astype(jnp.float32)
            f1 = t1 - lo1.astype(jnp.float32)
            f2 = t2 - lo2.astype(jnp.float32)
            kb32 = (lo0 * 9 + lo1 * 3 + lo2) * 32
            wb = idx * NL
            validf = ((iota + j16) < cnt_vec).astype(jnp.float32)

            for j in range(NL):
                jj = zi + j
                row = plsc.load_gather(featv, [_take(wb, jj) + iota])
                fa, fb = plsc.unpack(
                    plsc.bitcast(row, jnp.bfloat16),
                    format=plsc.PackFormat.INTERLEAVED)
                f0j = _take(f0, jj)
                f1j = _take(f1, jj)
                f2j = _take(f2, jj)
                aj = _take(validf, jj)
                addr = _take(kb32, jj) + iota
                g0 = aj - f0j * aj
                h0 = f0j * aj
                g1 = 1.0 - f1j
                g2 = 1.0 - f2j
                pgg = g1 * g2
                pfg = f1j * g2
                pgf = g1 * f2j
                pff = f1j * f2j
                for s0, w0 in ((0, g0), (1, h0)):
                    for (s1, s2), p12 in (((0, 0), pgg), ((0, 1), pgf),
                                          ((1, 0), pfg), ((1, 1), pff)):
                        w = w0 * p12
                        o = (s0 * 9 + s1 * 3 + s2) * 32
                        plsc.addupdate_scatter(accv, [addr + o], w * fa)
                        plsc.addupdate_scatter(accv, [addr + (o + 16)],
                                               w * fb)

        nb = (cnt + NL - 1) // NL
        plsc.parallel_loop(0, nb)(bbody)

        inv_cnt = 1.0 / jnp.maximum(cnt_vec.astype(jnp.float32), 1.0)

        def ship(ov, semb):
            @pl.when(m > 1)
            def _():
                pltpu.make_async_copy(
                    ov, wsum_h.at[pl.ds((base + m - 2) * 864, 864)],
                    semb).wait()

            for i in range(KPROD * 2):
                ov[pl.ds(i * NL, NL)] = accv[pl.ds(i * NL, NL)] * inv_cnt
            pltpu.async_copy(ov, wsum_h.at[pl.ds((base + m) * 864, 864)],
                             semb)

        @pl.when(m % 2 == 0)
        def _():
            ship(outv.at[pl.ds(0, 864)], sem)

        @pl.when(m % 2 == 1)
        def _():
            ship(outv.at[pl.ds(864, 864)], sem2)
        return carry_

    lax.fori_loop(0, m_per, mbody, 0)
    pltpu.make_async_copy(
        outv.at[pl.ds(0, 864)],
        wsum_h.at[pl.ds((base + m_per - 2) * 864, 864)], sem).wait()
    pltpu.make_async_copy(
        outv.at[pl.ds(864, 864)],
        wsum_h.at[pl.ds((base + m_per - 1) * 864, 864)], sem2).wait()


def _mm_body(ws_ref, wr_ref, b_ref, o_ref):
    o_ref[...] = (jnp.dot(ws_ref[...], wr_ref[...],
                          preferred_element_type=jnp.float32)
                  + b_ref[0, :][None, :])


def kernel(inp_features, inp_positions, out_positions, extents, kernel, bias):
    n, cin = inp_features.shape
    m = out_positions.shape[0]
    cout = kernel.shape[-1]
    half = cin // 2

    px = inp_positions[:, 0].reshape(n)
    py = inp_positions[:, 1].reshape(n)
    pz = inp_positions[:, 2].reshape(n)
    qx = out_positions[:, 0].reshape(m)
    qy = out_positions[:, 1].reshape(m)
    qz = out_positions[:, 2].reshape(m)
    radii = (0.5 * extents).reshape(m)

    fb = inp_features.astype(jnp.bfloat16)
    lo = lax.bitcast_convert_type(fb[:, :half], jnp.uint16).astype(jnp.uint32)
    hi = lax.bitcast_convert_type(fb[:, half:], jnp.uint16).astype(jnp.uint32)
    featw = lax.bitcast_convert_type(lo | (hi << 16),
                                     jnp.int32).reshape(n * half)

    mesh = plsc.VectorSubcoreMesh(core_axis_name="c", subcore_axis_name="s")
    wsum = pl.kernel(
        _sc_body,
        out_type=jax.ShapeDtypeStruct((m * KPROD * cin,), jnp.float32),
        mesh=mesh,
        scratch_types=[
            pltpu.VMEM((n,), jnp.float32),
            pltpu.VMEM((n,), jnp.float32),
            pltpu.VMEM((n,), jnp.float32),
            pltpu.VMEM((n * half,), jnp.int32),
            pltpu.VMEM((m // 32,), jnp.float32),
            pltpu.VMEM((m // 32,), jnp.float32),
            pltpu.VMEM((m // 32,), jnp.float32),
            pltpu.VMEM((m // 32,), jnp.float32),
            pltpu.VMEM((NBR_CAP,), jnp.int32),
            pltpu.VMEM((ACC_ROWS * 32,), jnp.float32),
            pltpu.VMEM((2 * KPROD * 32,), jnp.float32),
            pltpu.VMEM((n,), jnp.float32),
            pltpu.VMEM((n,), jnp.float32),
            pltpu.VMEM((n,), jnp.float32),
            pltpu.VMEM((n,), jnp.int32),
            pltpu.VMEM((n,), jnp.int32),
            pltpu.VMEM((272,), jnp.int32),
            pltpu.VMEM((272,), jnp.int32),
            pltpu.SemaphoreType.DMA,
            pltpu.SemaphoreType.DMA,
        ],
        compiler_params=pltpu.CompilerParams(needs_layout_passes=False),
    )(px, py, pz, qx, qy, qz, radii, featw)

    wr = kernel.reshape(KPROD * cin, cout)
    bias2 = bias.reshape(1, cout)
    out = pl.pallas_call(
        _mm_body,
        out_shape=jax.ShapeDtypeStruct((m, cout), jnp.float32),
    )(wsum.reshape(m, KPROD * cin), wr, bias2)
    return out

# --- scband reference (transcript-rebuilt; emitter-appended) ---
"""Pipeline reference for scband-continuous-conv-46291157517027 (READ-ONLY COPY).

The authoritative reference and input builder live on the scoring server;
editing this copy changes nothing except your own understanding.
"""

import jax, jax.numpy as jnp
import numpy as np

# Open3D-style ContinuousConv: fixed-radius neighbor search + ball_to_cube_radial
# coordinate mapping + trilinear ('linear', align_corners=True) kernel interpolation,
# normalize=True (divide by neighbor count), use_bias=True, no activation.

K0, K1, K2 = 3, 3, 3
KPROD = K0 * K1 * K2


def _axis_weights(t, ksize):
    # linear interpolation weights with coordinate clamping ('linear' mode)
    t = jnp.clip(t, 0.0, ksize - 1.0)
    lo = jnp.floor(t)
    frac = t - lo
    lo_i = lo.astype(jnp.int32)
    hi_i = jnp.minimum(lo_i + 1, ksize - 1)
    w = jnp.zeros((ksize,), jnp.float32)
    w = w.at[lo_i].add(1.0 - frac)
    w = w.at[hi_i].add(frac)
    return w


def _interp_grid_weights(coord):
    # coord: [3] cube coordinate in [-1, 1]; align_corners=True mapping to voxel centers
    t0 = (coord[0] + 1.0) * 0.5 * (K0 - 1)
    t1 = (coord[1] + 1.0) * 0.5 * (K1 - 1)
    t2 = (coord[2] + 1.0) * 0.5 * (K2 - 1)
    w0 = _axis_weights(t0, K0)
    w1 = _axis_weights(t1, K1)
    w2 = _axis_weights(t2, K2)
    grid = w0[:, None, None] * w1[None, :, None] * w2[None, None, :]
    return grid.reshape(KPROD)


def _cconv(inp_features, inp_positions, out_positions, extents, kernel, bias):
    M = out_positions.shape[0]
    Cin = inp_features.shape[1]
    Wr = kernel.reshape(KPROD, Cin, kernel.shape[-1])
    radii = 0.5 * extents  # per-output-point search radius (L2 metric)

    def one_out(q, r):
        diff = inp_positions - q[None, :]            # [N,3] (inp - out)
        d2 = jnp.sum(diff * diff, axis=-1)           # [N]
        mask = (d2 <= r * r).astype(jnp.float32)     # fixed radius search membership
        rel = diff / r                               # unit-ball coordinates
        norm = jnp.sqrt(jnp.maximum(d2, 1e-20)) / r  # ||rel||_2
        maxabs = jnp.max(jnp.abs(rel), axis=-1)      # ||rel||_inf
        # ball_to_cube_radial: radially stretch sphere onto cube
        scale = jnp.where(maxabs > 1e-8, norm / jnp.maximum(maxabs, 1e-8), 0.0)
        cube = rel * scale[:, None]                  # [N,3] in [-1,1]^3
        wgrid = jax.vmap(_interp_grid_weights)(cube)  # [N, 27]
        wsum = jnp.einsum('nk,n,nc->kc', wgrid, mask, inp_features)
        out = jnp.einsum('kc,kcf->f', wsum, Wr)
        count = jnp.sum(mask)
        out = out / jnp.maximum(count, 1.0)          # normalize=True (no window fn)
        return out + bias

    CH = 64
    qs = out_positions.reshape(M // CH, CH, 3)
    rs = radii.reshape(M // CH, CH)

    def chunk_fn(args):
        q, r = args
        return jax.vmap(one_out)(q, r)

    out = jax.lax.map(chunk_fn, (qs, rs))
    return out.reshape(M, -1)


def setup_inputs(seed: int = 0):
    key = jax.random.key(seed)
    k1, k2, k3, k4, k5 = jax.random.split(key, 5)
    N, M, Cin, Cout = 4096, 2048, 32, 32
    return {
        'inp_features': jax.random.normal(k1, (N, Cin), jnp.float32),
        'inp_positions': jax.random.uniform(k2, (N, 3), jnp.float32),
        'out_positions': jax.random.uniform(k3, (M, 3), jnp.float32),
        'extents': 0.1 + 0.2 * jax.random.uniform(k4, (M,), jnp.float32),
        'kernel': jax.random.uniform(k5, (K0, K1, K2, Cin, Cout), jnp.float32, -0.05, 0.05),
        'bias': jnp.zeros((Cout,), jnp.float32),
    }


def reference(inp_features, inp_positions, out_positions, extents, kernel, bias):
    return _cconv(inp_features, inp_positions, out_positions, extents, kernel, bias)

if __name__ == "__main__":
    import jax
    _d = setup_inputs()
    print(jax.jit(kernel)(*tuple(_d.values())))

</pallas_src>

<mosaic_0001>
#map = affine_map<(d0, d1) -> (0)>
module attributes {stable_mosaic.version = 14 : i64} {
  func.func @_sc_body(%arg0: i32, %arg1: i32, %arg2: memref<4096xf32, #tpu.memory_space<hbm>>, %arg3: memref<4096xf32, #tpu.memory_space<hbm>>, %arg4: memref<4096xf32, #tpu.memory_space<hbm>>, %arg5: memref<2048xf32, #tpu.memory_space<hbm>>, %arg6: memref<2048xf32, #tpu.memory_space<hbm>>, %arg7: memref<2048xf32, #tpu.memory_space<hbm>>, %arg8: memref<2048xf32, #tpu.memory_space<hbm>>, %arg9: memref<65536xi32, #tpu.memory_space<hbm>>, %arg10: memref<1769472xf32, #tpu.memory_space<hbm>>, %arg11: memref<4096xf32, #tpu.memory_space<vmem>>, %arg12: memref<4096xf32, #tpu.memory_space<vmem>>, %arg13: memref<4096xf32, #tpu.memory_space<vmem>>, %arg14: memref<65536xi32, #tpu.memory_space<vmem>>, %arg15: memref<64xf32, #tpu.memory_space<vmem>>, %arg16: memref<64xf32, #tpu.memory_space<vmem>>, %arg17: memref<64xf32, #tpu.memory_space<vmem>>, %arg18: memref<64xf32, #tpu.memory_space<vmem>>, %arg19: memref<4112xi32, #tpu.memory_space<vmem>>, %arg20: memref<1280xf32, #tpu.memory_space<vmem>>, %arg21: memref<1728xf32, #tpu.memory_space<vmem>>, %arg22: memref<4096xf32, #tpu.memory_space<vmem>>, %arg23: memref<4096xf32, #tpu.memory_space<vmem>>, %arg24: memref<4096xf32, #tpu.memory_space<vmem>>, %arg25: memref<4096xi32, #tpu.memory_space<vmem>>, %arg26: memref<4096xi32, #tpu.memory_space<vmem>>, %arg27: memref<272xi32, #tpu.memory_space<vmem>>, %arg28: memref<272xi32, #tpu.memory_space<vmem>>, %arg29: memref<!tpu.dma_semaphore, #tpu.memory_space<semaphore_mem>>, %arg30: memref<!tpu.dma_semaphore, #tpu.memory_space<semaphore_mem>>) attributes {dimension_semantics = [#tpu.dimension_semantics<core_parallel>, #tpu.dimension_semantics<subcore_parallel>], iteration_bounds = array<i64: 2, 16>, scalar_prefetch = 0 : i64, scratch_operands = 20 : i64, tpu.core_type = #tpu.core_type<sc_vector_subcore>, window_params = [{transform_indices = #map}, {transform_indices = #map}, {transform_indices = #map}, {transform_indices = #map}, {transform_indices = #map}, {transform_indices = #map}, {transform_indices = #map}, {transform_indices = #map}, {transform_indices = #map}]} {
    %mul3A = arith.constant 2 : i32
    %mul3A_0 = arith.muli %arg1, %mul3A : i32
    %add3A = arith.addi %mul3A_0, %arg0 : i32
    %mul3A_1 = arith.constant 64 : i32
    %mul3A_2 = arith.muli %add3A, %mul3A_1 : i32
    "tpu.region"() ({
      %run_scoped3A = tpu.sem_alloc : memref<!tpu.dma_semaphore, #tpu.memory_space<semaphore_mem>>
      tpu.enqueue_dma source(%arg2 : memref<4096xf32, #tpu.memory_space<hbm>>) target(%arg11 : memref<4096xf32, #tpu.memory_space<vmem>>) target_semaphore(%run_scoped3A : memref<!tpu.dma_semaphore, #tpu.memory_space<semaphore_mem>>)
      tpu.wait_dma2 semaphore(%run_scoped3A : memref<!tpu.dma_semaphore, #tpu.memory_space<semaphore_mem>>) src(%arg2 : memref<4096xf32, #tpu.memory_space<hbm>>) dst(%arg11 : memref<4096xf32, #tpu.memory_space<vmem>>)
      tpu.yield
    }) : () -> ()
    "tpu.region"() ({
      %run_scoped3A = tpu.sem_alloc : memref<!tpu.dma_semaphore, #tpu.memory_space<semaphore_mem>>
      tpu.enqueue_dma source(%arg3 : memref<4096xf32, #tpu.memory_space<hbm>>) target(%arg12 : memref<4096xf32, #tpu.memory_space<vmem>>) target_semaphore(%run_scoped3A : memref<!tpu.dma_semaphore, #tpu.memory_space<semaphore_mem>>)
      tpu.wait_dma2 semaphore(%run_scoped3A : memref<!tpu.dma_semaphore, #tpu.memory_space<semaphore_mem>>) src(%arg3 : memref<4096xf32, #tpu.memory_space<hbm>>) dst(%arg12 : memref<4096xf32, #tpu.memory_space<vmem>>)
      tpu.yield
    }) : () -> ()
    "tpu.region"() ({
      %run_scoped3A = tpu.sem_alloc : memref<!tpu.dma_semaphore, #tpu.memory_space<semaphore_mem>>
      tpu.enqueue_dma source(%arg4 : memref<4096xf32, #tpu.memory_space<hbm>>) target(%arg13 : memref<4096xf32, #tpu.memory_space<vmem>>) target_semaphore(%run_scoped3A : memref<!tpu.dma_semaphore, #tpu.memory_space<semaphore_mem>>)
      tpu.wait_dma2 semaphore(%run_scoped3A : memref<!tpu.dma_semaphore, #tpu.memory_space<semaphore_mem>>) src(%arg4 : memref<4096xf32, #tpu.memory_space<hbm>>) dst(%arg13 : memref<4096xf32, #tpu.memory_space<vmem>>)
      tpu.yield
    }) : () -> ()
    "tpu.region"() ({
      %run_scoped3A = tpu.sem_alloc : memref<!tpu.dma_semaphore, #tpu.memory_space<semaphore_mem>>
      tpu.enqueue_dma source(%arg9 : memref<65536xi32, #tpu.memory_space<hbm>>) target(%arg14 : memref<65536xi32, #tpu.memory_space<vmem>>) target_semaphore(%run_scoped3A : memref<!tpu.dma_semaphore, #tpu.memory_space<semaphore_mem>>)
      tpu.wait_dma2 semaphore(%run_scoped3A : memref<!tpu.dma_semaphore, #tpu.memory_space<semaphore_mem>>) src(%arg9 : memref<65536xi32, #tpu.memory_space<hbm>>) dst(%arg14 : memref<65536xi32, #tpu.memory_space<vmem>>)
      tpu.yield
    }) : () -> ()
    "tpu.region"() ({
      %run_scoped3A = tpu.sem_alloc : memref<!tpu.dma_semaphore, #tpu.memory_space<semaphore_mem>>
      %dma_start3A = tpu.memref_slice %arg5[%mul3A_2] : memref<2048xf32, #tpu.memory_space<hbm>> -> memref<64xf32, #tpu.memory_space<hbm>>
      %dma_start3A_409 = tpu.memref_slice %arg5[%mul3A_2] : memref<2048xf32, #tpu.memory_space<hbm>> -> memref<64xf32, #tpu.memory_space<hbm>>
      tpu.enqueue_dma source(%dma_start3A_409 : memref<64xf32, #tpu.memory_space<hbm>>) target(%arg15 : memref<64xf32, #tpu.memory_space<vmem>>) target_semaphore(%run_scoped3A : memref<!tpu.dma_semaphore, #tpu.memory_space<semaphore_mem>>)
      %dma_wait3A_410 = tpu.memref_slice %arg5[%mul3A_2] : memref<2048xf32, #tpu.memory_space<hbm>> -> memref<64xf32, #tpu.memory_space<hbm>>
      %dma_wait3A_411 = tpu.memref_slice %arg5[%mul3A_2] : memref<2048xf32, #tpu.memory_space<hbm>> -> memref<64xf32, #tpu.memory_space<hbm>>
      tpu.wait_dma2 semaphore(%run_scoped3A : memref<!tpu.dma_semaphore, #tpu.memory_space<semaphore_mem>>) src(%dma_wait3A_411 : memref<64xf32, #tpu.memory_space<hbm>>) dst(%arg15 : memref<64xf32, #tpu.memory_space<vmem>>)
      tpu.yield
    }) : () -> ()
    "tpu.region"() ({
      %run_scoped3A = tpu.sem_alloc : memref<!tpu.dma_semaphore, #tpu.memory_space<semaphore_mem>>
      %dma_start3A = tpu.memref_slice %arg6[%mul3A_2] : memref<2048xf32, #tpu.memory_space<hbm>> -> memref<64xf32, #tpu.memory_space<hbm>>
      %dma_start3A_409 = tpu.memref_slice %arg6[%mul3A_2] : memref<2048xf32, #tpu.memory_space<hbm>> -> memref<64xf32, #tpu.memory_space<hbm>>
      tpu.enqueue_dma source(%dma_start3A_409 : memref<64xf32, #tpu.memory_space<hbm>>) target(%arg16 : memref<64xf32, #tpu.memory_space<vmem>>) target_semaphore(%run_scoped3A : memref<!tpu.dma_semaphore, #tpu.memory_space<semaphore_mem>>)
      %dma_wait3A_410 = tpu.memref_slice %arg6[%mul3A_2] : memref<2048xf32, #tpu.memory_space<hbm>> -> memref<64xf32, #tpu.memory_space<hbm>>
      %dma_wait3A_411 = tpu.memref_slice %arg6[%mul3A_2] : memref<2048xf32, #tpu.memory_space<hbm>> -> memref<64xf32, #tpu.memory_space<hbm>>
      tpu.wait_dma2 semaphore(%run_scoped3A : memref<!tpu.dma_semaphore, #tpu.memory_space<semaphore_mem>>) src(%dma_wait3A_411 : memref<64xf32, #tpu.memory_space<hbm>>) dst(%arg16 : memref<64xf32, #tpu.memory_space<vmem>>)
      tpu.yield
    }) : () -> ()
    "tpu.region"() ({
      %run_scoped3A = tpu.sem_alloc : memref<!tpu.dma_semaphore, #tpu.memory_space<semaphore_mem>>
      %dma_start3A = tpu.memref_slice %arg7[%mul3A_2] : memref<2048xf32, #tpu.memory_space<hbm>> -> memref<64xf32, #tpu.memory_space<hbm>>
      %dma_start3A_409 = tpu.memref_slice %arg7[%mul3A_2] : memref<2048xf32, #tpu.memory_space<hbm>> -> memref<64xf32, #tpu.memory_space<hbm>>
      tpu.enqueue_dma source(%dma_start3A_409 : memref<64xf32, #tpu.memory_space<hbm>>) target(%arg17 : memref<64xf32, #tpu.memory_space<vmem>>) target_semaphore(%run_scoped3A : memref<!tpu.dma_semaphore, #tpu.memory_space<semaphore_mem>>)
      %dma_wait3A_410 = tpu.memref_slice %arg7[%mul3A_2] : memref<2048xf32, #tpu.memory_space<hbm>> -> memref<64xf32, #tpu.memory_space<hbm>>
      %dma_wait3A_411 = tpu.memref_slice %arg7[%mul3A_2] : memref<2048xf32, #tpu.memory_space<hbm>> -> memref<64xf32, #tpu.memory_space<hbm>>
      tpu.wait_dma2 semaphore(%run_scoped3A : memref<!tpu.dma_semaphore, #tpu.memory_space<semaphore_mem>>) src(%dma_wait3A_411 : memref<64xf32, #tpu.memory_space<hbm>>) dst(%arg17 : memref<64xf32, #tpu.memory_space<vmem>>)
      tpu.yield
    }) : () -> ()
    "tpu.region"() ({
      %run_scoped3A = tpu.sem_alloc : memref<!tpu.dma_semaphore, #tpu.memory_space<semaphore_mem>>
      %dma_start3A = tpu.memref_slice %arg8[%mul3A_2] : memref<2048xf32, #tpu.memory_space<hbm>> -> memref<64xf32, #tpu.memory_space<hbm>>
      %dma_start3A_409 = tpu.memref_slice %arg8[%mul3A_2] : memref<2048xf32, #tpu.memory_space<hbm>> -> memref<64xf32, #tpu.memory_space<hbm>>
      tpu.enqueue_dma source(%dma_start3A_409 : memref<64xf32, #tpu.memory_space<hbm>>) target(%arg18 : memref<64xf32, #tpu.memory_space<vmem>>) target_semaphore(%run_scoped3A : memref<!tpu.dma_semaphore, #tpu.memory_space<semaphore_mem>>)
      %dma_wait3A_410 = tpu.memref_slice %arg8[%mul3A_2] : memref<2048xf32, #tpu.memory_space<hbm>> -> memref<64xf32, #tpu.memory_space<hbm>>
      %dma_wait3A_411 = tpu.memref_slice %arg8[%mul3A_2] : memref<2048xf32, #tpu.memory_space<hbm>> -> memref<64xf32, #tpu.memory_space<hbm>>
      tpu.wait_dma2 semaphore(%run_scoped3A : memref<!tpu.dma_semaphore, #tpu.memory_space<semaphore_mem>>) src(%dma_wait3A_411 : memref<64xf32, #tpu.memory_space<hbm>>) dst(%arg18 : memref<64xf32, #tpu.memory_space<vmem>>)
      tpu.yield
    }) : () -> ()
    %iota3A = tpu.iota {dimensions = array<i32: 0>} : vector<16xi32>
    %mul3A_3 = arith.constant 0 : i32
    %mul3A_4 = vector.broadcast %mul3A_3 : i32 to vector<16xi32>
    %mul3A_5 = arith.muli %iota3A, %mul3A_4 : vector<16xi32>
    %convert_element_type3A = arith.sitofp %mul3A_5 : vector<16xi32> to vector<16xf32>
    %scan3A = arith.constant 0 : i32
    %scan3A_6 = arith.constant 0 : i32
    %scan3A_7 = arith.constant 256 : i32
    %scan3A_8 = arith.addi %scan3A_6, %scan3A_7 : i32
    %scan3A_9 = arith.constant 1 : i32
    %scan3A_10 = scf.for %scan3A_409 = %scan3A_6 to %scan3A_8 step %scan3A_9 iter_args(%scan3A_410 = %scan3A) -> (i32)  : i32 {
      %mul3A_411 = arith.constant 16 : i32
      %mul3A_412 = arith.muli %scan3A_409, %mul3A_411 : i32
      %get3A_413 = arith.index_cast %mul3A_412 : i32 to index
      %get3A_414 = tpu.vector_load %arg12[%get3A_413] {strides = array<i32>} : memref<4096xf32, #tpu.memory_space<vmem>>, vector<16xf32>,
      %mul3A_415 = arith.constant 1.600000e+01 : f32
      %mul3A_416 = vector.broadcast %mul3A_415 : f32 to vector<16xf32>
      %mul3A_417 = arith.mulf %get3A_414, %mul3A_416 : vector<16xf32>
      %convert_element_type3A_418 = arith.fptosi %mul3A_417 : vector<16xf32> to vector<16xi32>
      %jit3A = arith.constant 0 : i32
      %jit3A_419 = arith.constant 15 : i32
      %max3A = vector.broadcast %jit3A : i32 to vector<16xi32>
      %max3A_420 = arith.maxsi %max3A, %convert_element_type3A_418 : vector<16xi32>
      %min3A = vector.broadcast %jit3A_419 : i32 to vector<16xi32>
      %min3A_421 = arith.minsi %min3A, %max3A_420 : vector<16xi32>
      %get3A_422 = arith.index_cast %mul3A_412 : i32 to index
      %get3A_423 = tpu.vector_load %arg13[%get3A_422] {strides = array<i32>} : memref<4096xf32, #tpu.memory_space<vmem>>, vector<16xf32>,
      %mul3A_424 = arith.constant 1.600000e+01 : f32
      %mul3A_425 = vector.broadcast %mul3A_424 : f32 to vector<16xf32>
      %mul3A_426 = arith.mulf %get3A_423, %mul3A_425 : vector<16xf32>
      %convert_element_type3A_427 = arith.fptosi %mul3A_426 : vector<16xf32> to vector<16xi32>
      %jit3A_428 = arith.constant 0 : i32
      %jit3A_429 = arith.constant 15 : i32
      %max3A_430 = vector.broadcast %jit3A_428 : i32 to vector<16xi32>
      %max3A_431 = arith.maxsi %max3A_430, %convert_element_type3A_427 : vector<16xi32>
      %min3A_432 = vector.broadcast %jit3A_429 : i32 to vector<16xi32>
      %min3A_433 = arith.minsi %min3A_432, %max3A_431 : vector<16xi32>
      %mul3A_434 = arith.constant 16 : i32
      %mul3A_435 = vector.broadcast %mul3A_434 : i32 to vector<16xi32>
      %mul3A_436 = arith.muli %min3A_433, %mul3A_435 : vector<16xi32>
      %add3A_437 = arith.addi %mul3A_436, %min3A_421 : vector<16xi32>
      %swap3A_438 = arith.index_cast %mul3A_412 : i32 to index
      %swap3A_439 = tpu.vector_load %arg26[%swap3A_438] {strides = array<i32>} : memref<4096xi32, #tpu.memory_space<vmem>>, vector<16xi32>,
      tpu.vector_store %arg26[%swap3A_438], %add3A_437 {strides = array<i32>} : memref<4096xi32, #tpu.memory_space<vmem>>, vector<16xi32>,
      %scan3A_440 = arith.constant 0 : i32
      scf.yield %scan3A_440 : i32
    }
    %scan3A_11 = arith.constant 256 : i32
    %swap3A = arith.constant 0 : index
    %swap3A_12 = tpu.vector_load %arg28[%swap3A] {strides = array<i32>} : memref<272xi32, #tpu.memory_space<vmem>>, vector<16xi32>,
    tpu.vector_store %arg28[%swap3A], %mul3A_5 {strides = array<i32>} : memref<272xi32, #tpu.memory_space<vmem>>, vector<16xi32>,
    %swap3A_13 = arith.constant 16 : index
    %swap3A_14 = tpu.vector_load %arg28[%swap3A_13] {strides = array<i32>} : memref<272xi32, #tpu.memory_space<vmem>>, vector<16xi32>,
    tpu.vector_store %arg28[%swap3A_13], %mul3A_5 {strides = array<i32>} : memref<272xi32, #tpu.memory_space<vmem>>, vector<16xi32>,
    %swap3A_15 = arith.constant 32 : index
    %swap3A_16 = tpu.vector_load %arg28[%swap3A_15] {strides = array<i32>} : memref<272xi32, #tpu.memory_space<vmem>>, vector<16xi32>,
    tpu.vector_store %arg28[%swap3A_15], %mul3A_5 {strides = array<i32>} : memref<272xi32, #tpu.memory_space<vmem>>, vector<16xi32>,
    %swap3A_17 = arith.constant 48 : index
    %swap3A_18 = tpu.vector_load %arg28[%swap3A_17] {strides = array<i32>} : memref<272xi32, #tpu.memory_space<vmem>>, vector<16xi32>,
    tpu.vector_store %arg28[%swap3A_17], %mul3A_5 {strides = array<i32>} : memref<272xi32, #tpu.memory_space<vmem>>, vector<16xi32>,
    %swap3A_19 = arith.constant 64 : index
    %swap3A_20 = tpu.vector_load %arg28[%swap3A_19] {strides = array<i32>} : memref<272xi32, #tpu.memory_space<vmem>>, vector<16xi32>,
    tpu.vector_store %arg28[%swap3A_19], %mul3A_5 {strides = array<i32>} : memref<272xi32, #tpu.memory_space<vmem>>, vector<16xi32>,
    %swap3A_21 = arith.constant 80 : index
    %swap3A_22 = tpu.vector_load %arg28[%swap3A_21] {strides = array<i32>} : memref<272xi32, #tpu.memory_space<vmem>>, vector<16xi32>,
    tpu.vector_store %arg28[%swap3A_21], %mul3A_5 {strides = array<i32>} : memref<272xi32, #tpu.memory_space<vmem>>, vector<16xi32>,
    %swap3A_23 = arith.constant 96 : index
    %swap3A_24 = tpu.vector_load %arg28[%swap3A_23] {strides = array<i32>} : memref<272xi32, #tpu.memory_space<vmem>>, vector<16xi32>,
    tpu.vector_store %arg28[%swap3A_23], %mul3A_5 {strides = array<i32>} : memref<272xi32, #tpu.memory_space<vmem>>, vector<16xi32>,
    %swap3A_25 = arith.constant 112 : index
    %swap3A_26 = tpu.vector_load %arg28[%swap3A_25] {strides = array<i32>} : memref<272xi32, #tpu.memory_space<vmem>>, vector<16xi32>,
    tpu.vector_store %arg28[%swap3A_25], %mul3A_5 {strides = array<i32>} : memref<272xi32, #tpu.memory_space<vmem>>, vector<16xi32>,
    %swap3A_27 = arith.constant 128 : index
    %swap3A_28 = tpu.vector_load %arg28[%swap3A_27] {strides = array<i32>} : memref<272xi32, #tpu.memory_space<vmem>>, vector<16xi32>,
    tpu.vector_store %arg28[%swap3A_27], %mul3A_5 {strides = array<i32>} : memref<272xi32, #tpu.memory_space<vmem>>, vector<16xi32>,
    %swap3A_29 = arith.constant 144 : index
    %swap3A_30 = tpu.vector_load %arg28[%swap3A_29] {strides = array<i32>} : memref<272xi32, #tpu.memory_space<vmem>>, vector<16xi32>,
    tpu.vector_store %arg28[%swap3A_29], %mul3A_5 {strides = array<i32>} : memref<272xi32, #tpu.memory_space<vmem>>, vector<16xi32>,
    %swap3A_31 = arith.constant 160 : index
    %swap3A_32 = tpu.vector_load %arg28[%swap3A_31] {strides = array<i32>} : memref<272xi32, #tpu.memory_space<vmem>>, vector<16xi32>,
    tpu.vector_store %arg28[%swap3A_31], %mul3A_5 {strides = array<i32>} : memref<272xi32, #tpu.memory_space<vmem>>, vector<16xi32>,
    %swap3A_33 = arith.constant 176 : index
    %swap3A_34 = tpu.vector_load %arg28[%swap3A_33] {strides = array<i32>} : memref<272xi32, #tpu.memory_space<vmem>>, vector<16xi32>,
    tpu.vector_store %arg28[%swap3A_33], %mul3A_5 {strides = array<i32>} : memref<272xi32, #tpu.memory_space<vmem>>, vector<16xi32>,
    %swap3A_35 = arith.constant 192 : index
    %swap3A_36 = tpu.vector_load %arg28[%swap3A_35] {strides = array<i32>} : memref<272xi32, #tpu.memory_space<vmem>>, vector<16xi32>,
    tpu.vector_store %arg28[%swap3A_35], %mul3A_5 {strides = array<i32>} : memref<272xi32, #tpu.memory_space<vmem>>, vector<16xi32>,
    %swap3A_37 = arith.constant 208 : index
    %swap3A_38 = tpu.vector_load %arg28[%swap3A_37] {strides = array<i32>} : memref<272xi32, #tpu.memory_space<vmem>>, vector<16xi32>,
    tpu.vector_store %arg28[%swap3A_37], %mul3A_5 {strides = array<i32>} : memref<272xi32, #tpu.memory_space<vmem>>, vector<16xi32>,
    %swap3A_39 = arith.constant 224 : index
    %swap3A_40 = tpu.vector_load %arg28[%swap3A_39] {strides = array<i32>} : memref<272xi32, #tpu.memory_space<vmem>>, vector<16xi32>,
    tpu.vector_store %arg28[%swap3A_39], %mul3A_5 {strides = array<i32>} : memref<272xi32, #tpu.memory_space<vmem>>, vector<16xi32>,
    %swap3A_41 = arith.constant 240 : index
    %swap3A_42 = tpu.vector_load %arg28[%swap3A_41] {strides = array<i32>} : memref<272xi32, #tpu.memory_space<vmem>>, vector<16xi32>,
    tpu.vector_store %arg28[%swap3A_41], %mul3A_5 {strides = array<i32>} : memref<272xi32, #tpu.memory_space<vmem>>, vector<16xi32>,
    %swap3A_43 = arith.constant 256 : index
    %swap3A_44 = tpu.vector_load %arg28[%swap3A_43] {strides = array<i32>} : memref<272xi32, #tpu.memory_space<vmem>>, vector<16xi32>,
    tpu.vector_store %arg28[%swap3A_43], %mul3A_5 {strides = array<i32>} : memref<272xi32, #tpu.memory_space<vmem>>, vector<16xi32>,
    %scan3A_45 = arith.constant 0 : i32
    %scan3A_46 = arith.constant 0 : i32
    %scan3A_47 = arith.constant 256 : i32
    %scan3A_48 = arith.addi %scan3A_46, %scan3A_47 : i32
    %scan3A_49 = arith.constant 1 : i32
    %scan3A_50 = scf.for %scan3A_409 = %scan3A_46 to %scan3A_48 step %scan3A_49 iter_args(%scan3A_410 = %scan3A_45) -> (i32)  : i32 {
      %mul3A_411 = arith.constant 16 : i32
      %mul3A_412 = arith.muli %scan3A_409, %mul3A_411 : i32
      %get3A_413 = arith.index_cast %mul3A_412 : i32 to index
      %get3A_414 = tpu.vector_load %arg26[%get3A_413] {strides = array<i32>} : memref<4096xi32, #tpu.memory_space<vmem>>, vector<16xi32>,
      %broadcast_in_dim3A_415 = arith.constant true
      %broadcast_in_dim3A_416 = vector.broadcast %broadcast_in_dim3A_415 : i1 to vector<16xi1>
      %unique3A, %unique3A_417 = tpu.scan_count mask(%broadcast_in_dim3A_416 : vector<16xi1>) value(%get3A_414 : vector<16xi32>) : vector<16xi1>, vector<16xi32>
      tpu.vector_store_idx %arg28[%get3A_414], %unique3A_417 masked %unique3A {add = true} : memref<272xi32, #tpu.memory_space<vmem>>[vector<16xi32>], vector<16xi32>, vector<16xi1>
      %scan3A_418 = arith.constant 0 : i32
      scf.yield %scan3A_418 : i32
    }
    %scan3A_51 = arith.constant 256 : i32
    %get3A = arith.constant 0 : index
    %get3A_52 = tpu.vector_load %arg28[%get3A] {strides = array<i32>} : memref<272xi32, #tpu.memory_space<vmem>>, vector<16xi32>,
    %broadcast_in_dim3A = arith.constant true
    %broadcast_in_dim3A_53 = vector.broadcast %broadcast_in_dim3A : i1 to vector<16xi1>
    %masked_cumsum3A = tpu.scan <sum>, %get3A_52 masked %broadcast_in_dim3A_53 : vector<16xi32>, vector<16xi1> -> vector<16xi32>
    %sub3A = arith.subi %masked_cumsum3A, %get3A_52 : vector<16xi32>
    %add3A_54 = arith.addi %mul3A_5, %sub3A : vector<16xi32>
    %swap3A_55 = arith.constant 0 : index
    %swap3A_56 = tpu.vector_load %arg27[%swap3A_55] {strides = array<i32>} : memref<272xi32, #tpu.memory_space<vmem>>, vector<16xi32>,
    tpu.vector_store %arg27[%swap3A_55], %add3A_54 {strides = array<i32>} : memref<272xi32, #tpu.memory_space<vmem>>, vector<16xi32>,
    %add3A_57 = arith.constant 15 : i32
    %add3A_58 = vector.broadcast %add3A_57 : i32 to vector<16xi32>
    %add3A_59 = arith.addi %mul3A_5, %add3A_58 : vector<16xi32>
    %broadcast_in_dim3A_60 = vector.shape_cast %add3A_59 : vector<16xi32> to vector<16x1xi32>
    %gather3A = vector.shape_cast %broadcast_in_dim3A_60 : vector<16x1xi32> to vector<16xi32>
    %gather3A_61 = tpu.dynamic_gather %masked_cumsum3A[%gather3A] in [0] : vector<16xi32>, vector<16xi32> -> vector<16xi32>
    %add3A_62 = arith.addi %mul3A_5, %gather3A_61 : vector<16xi32>
    %get3A_63 = arith.constant 16 : index
    %get3A_64 = tpu.vector_load %arg28[%get3A_63] {strides = array<i32>} : memref<272xi32, #tpu.memory_space<vmem>>, vector<16xi32>,
    %broadcast_in_dim3A_65 = arith.constant true
    %broadcast_in_dim3A_66 = vector.broadcast %broadcast_in_dim3A_65 : i1 to vector<16xi1>
    %masked_cumsum3A_67 = tpu.scan <sum>, %get3A_64 masked %broadcast_in_dim3A_66 : vector<16xi32>, vector<16xi1> -> vector<16xi32>
    %sub3A_68 = arith.subi %masked_cumsum3A_67, %get3A_64 : vector<16xi32>
    %add3A_69 = arith.addi %add3A_62, %sub3A_68 : vector<16xi32>
    %swap3A_70 = arith.constant 16 : index
    %swap3A_71 = tpu.vector_load %arg27[%swap3A_70] {strides = array<i32>} : memref<272xi32, #tpu.memory_space<vmem>>, vector<16xi32>,
    tpu.vector_store %arg27[%swap3A_70], %add3A_69 {strides = array<i32>} : memref<272xi32, #tpu.memory_space<vmem>>, vector<16xi32>,
    %add3A_72 = arith.constant 15 : i32
    %add3A_73 = vector.broadcast %add3A_72 : i32 to vector<16xi32>
    %add3A_74 = arith.addi %mul3A_5, %add3A_73 : vector<16xi32>
    %broadcast_in_dim3A_75 = vector.shape_cast %add3A_74 : vector<16xi32> to vector<16x1xi32>
    %gather3A_76 = vector.shape_cast %broadcast_in_dim3A_75 : vector<16x1xi32> to vector<16xi32>
    %gather3A_77 = tpu.dynamic_gather %masked_cumsum3A_67[%gather3A_76] in [0] : vector<16xi32>, vector<16xi32> -> vector<16xi32>
    %add3A_78 = arith.addi %add3A_62, %gather3A_77 : vector<16xi32>
    %get3A_79 = arith.constant 32 : index
    %get3A_80 = tpu.vector_load %arg28[%get3A_79] {strides = array<i32>} : memref<272xi32, #tpu.memory_space<vmem>>, vector<16xi32>,
    %broadcast_in_dim3A_81 = arith.constant true
    %broadcast_in_dim3A_82 = vector.broadcast %broadcast_in_dim3A_81 : i1 to vector<16xi1>
    %masked_cumsum3A_83 = tpu.scan <sum>, %get3A_80 masked %broadcast_in_dim3A_82 : vector<16xi32>, vector<16xi1> -> vector<16xi32>
    %sub3A_84 = arith.subi %masked_cumsum3A_83, %get3A_80 : vector<16xi32>
    %add3A_85 = arith.addi %add3A_78, %sub3A_84 : vector<16xi32>
    %swap3A_86 = arith.constant 32 : index
    %swap3A_87 = tpu.vector_load %arg27[%swap3A_86] {strides = array<i32>} : memref<272xi32, #tpu.memory_space<vmem>>, vector<16xi32>,
    tpu.vector_store %arg27[%swap3A_86], %add3A_85 {strides = array<i32>} : memref<272xi32, #tpu.memory_space<vmem>>, vector<16xi32>,
    %add3A_88 = arith.constant 15 : i32
    %add3A_89 = vector.broadcast %add3A_88 : i32 to vector<16xi32>
    %add3A_90 = arith.addi %mul3A_5, %add3A_89 : vector<16xi32>
    %broadcast_in_dim3A_91 = vector.shape_cast %add3A_90 : vector<16xi32> to vector<16x1xi32>
    %gather3A_92 = vector.shape_cast %broadcast_in_dim3A_91 : vector<16x1xi32> to vector<16xi32>
    %gather3A_93 = tpu.dynamic_gather %masked_cumsum3A_83[%gather3A_92] in [0] : vector<16xi32>, vector<16xi32> -> vector<16xi32>
    %add3A_94 = arith.addi %add3A_78, %gather3A_93 : vector<16xi32>
    %get3A_95 = arith.constant 48 : index
    %get3A_96 = tpu.vector_load %arg28[%get3A_95] {strides = array<i32>} : memref<272xi32, #tpu.memory_space<vmem>>, vector<16xi32>,
    %broadcast_in_dim3A_97 = arith.constant true
    %broadcast_in_dim3A_98 = vector.broadcast %broadcast_in_dim3A_97 : i1 to vector<16xi1>
    %masked_cumsum3A_99 = tpu.scan <sum>, %get3A_96 masked %broadcast_in_dim3A_98 : vector<16xi32>, vector<16xi1> -> vector<16xi32>
    %sub3A_100 = arith.subi %masked_cumsum3A_99, %get3A_96 : vector<16xi32>
    %add3A_101 = arith.addi %add3A_94, %sub3A_100 : vector<16xi32>
    %swap3A_102 = arith.constant 48 : index
    %swap3A_103 = tpu.vector_load %arg27[%swap3A_102] {strides = array<i32>} : memref<272xi32, #tpu.memory_space<vmem>>, vector<16xi32>,
    tpu.vector_store %arg27[%swap3A_102], %add3A_101 {strides = array<i32>} : memref<272xi32, #tpu.memory_space<vmem>>, vector<16xi32>,
    %add3A_104 = arith.constant 15 : i32
    %add3A_105 = vector.broadcast %add3A_104 : i32 to vector<16xi32>
    %add3A_106 = arith.addi %mul3A_5, %add3A_105 : vector<16xi32>
    %broadcast_in_dim3A_107 = vector.shape_cast %add3A_106 : vector<16xi32> to vector<16x1xi32>
    %gather3A_108 = vector.shape_cast %broadcast_in_dim3A_107 : vector<16x1xi32> to vector<16xi32>
    %gather3A_109 = tpu.dynamic_gather %masked_cumsum3A_99[%gather3A_108] in [0] : vector<16xi32>, vector<16xi32> -> vector<16xi32>
    %add3A_110 = arith.addi %add3A_94, %gather3A_109 : vector<16xi32>
    %get3A_111 = arith.constant 64 : index
    %get3A_112 = tpu.vector_load %arg28[%get3A_111] {strides = array<i32>} : memref<272xi32, #tpu.memory_space<vmem>>, vector<16xi32>,
    %broadcast_in_dim3A_113 = arith.constant true
    %broadcast_in_dim3A_114 = vector.broadcast %broadcast_in_dim3A_113 : i1 to vector<16xi1>
    %masked_cumsum3A_115 = tpu.scan <sum>, %get3A_112 masked %broadcast_in_dim3A_114 : vector<16xi32>, vector<16xi1> -> vector<16xi32>
    %sub3A_116 = arith.subi %masked_cumsum3A_115, %get3A_112 : vector<16xi32>
    %add3A_117 = arith.addi %add3A_110, %sub3A_116 : vector<16xi32>
    %swap3A_118 = arith.constant 64 : index
    %swap3A_119 = tpu.vector_load %arg27[%swap3A_118] {strides = array<i32>} : memref<272xi32, #tpu.memory_space<vmem>>, vector<16xi32>,
    tpu.vector_store %arg27[%swap3A_118], %add3A_117 {strides = array<i32>} : memref<272xi32, #tpu.memory_space<vmem>>, vector<16xi32>,
    %add3A_120 = arith.constant 15 : i32
    %add3A_121 = vector.broadcast %add3A_120 : i32 to vector<16xi32>
    %add3A_122 = arith.addi %mul3A_5, %add3A_121 : vector<16xi32>
    %broadcast_in_dim3A_123 = vector.shape_cast %add3A_122 : vector<16xi32> to vector<16x1xi32>
    %gather3A_124 = vector.shape_cast %broadcast_in_dim3A_123 : vector<16x1xi32> to vector<16xi32>
    %gather3A_125 = tpu.dynamic_gather %masked_cumsum3A_115[%gather3A_124] in [0] : vector<16xi32>, vector<16xi32> -> vector<16xi32>
    %add3A_126 = arith.addi %add3A_110, %gather3A_125 : vector<16xi32>
    %get3A_127 = arith.constant 80 : index
    %get3A_128 = tpu.vector_load %arg28[%get3A_127] {strides = array<i32>} : memref<272xi32, #tpu.memory_space<vmem>>, vector<16xi32>,
    %broadcast_in_dim3A_129 = arith.constant true
    %broadcast_in_dim3A_130 = vector.broadcast %broadcast_in_dim3A_129 : i1 to vector<16xi1>
    %masked_cumsum3A_131 = tpu.scan <sum>, %get3A_128 masked %broadcast_in_dim3A_130 : vector<16xi32>, vector<16xi1> -> vector<16xi32>
    %sub3A_132 = arith.subi %masked_cumsum3A_131, %get3A_128 : vector<16xi32>
    %add3A_133 = arith.addi %add3A_126, %sub3A_132 : vector<16xi32>
    %swap3A_134 = arith.constant 80 : index
    %swap3A_135 = tpu.vector_load %arg27[%swap3A_134] {strides = array<i32>} : memref<272xi32, #tpu.memory_space<vmem>>, vector<16xi32>,
    tpu.vector_store %arg27[%swap3A_134], %add3A_133 {strides = array<i32>} : memref<272xi32, #tpu.memory_space<vmem>>, vector<16xi32>,
    %add3A_136 = arith.constant 15 : i32
    %add3A_137 = vector.broadcast %add3A_136 : i32 to vector<16xi32>
    %add3A_138 = arith.addi %mul3A_5, %add3A_137 : vector<16xi32>
    %broadcast_in_dim3A_139 = vector.shape_cast %add3A_138 : vector<16xi32> to vector<16x1xi32>
    %gather3A_140 = vector.shape_cast %broadcast_in_dim3A_139 : vector<16x1xi32> to vector<16xi32>
    %gather3A_141 = tpu.dynamic_gather %masked_cumsum3A_131[%gather3A_140] in [0] : vector<16xi32>, vector<16xi32> -> vector<16xi32>
    %add3A_142 = arith.addi %add3A_126, %gather3A_141 : vector<16xi32>
    %get3A_143 = arith.constant 96 : index
    %get3A_144 = tpu.vector_load %arg28[%get3A_143] {strides = array<i32>} : memref<272xi32, #tpu.memory_space<vmem>>, vector<16xi32>,
    %broadcast_in_dim3A_145 = arith.constant true
    %broadcast_in_dim3A_146 = vector.broadcast %broadcast_in_dim3A_145 : i1 to vector<16xi1>
    %masked_cumsum3A_147 = tpu.scan <sum>, %get3A_144 masked %broadcast_in_dim3A_146 : vector<16xi32>, vector<16xi1> -> vector<16xi32>
    %sub3A_148 = arith.subi %masked_cumsum3A_147, %get3A_144 : vector<16xi32>
    %add3A_149 = arith.addi %add3A_142, %sub3A_148 : vector<16xi32>
    %swap3A_150 = arith.constant 96 : index
    %swap3A_151 = tpu.vector_load %arg27[%swap3A_150] {strides = array<i32>} : memref<272xi32, #tpu.memory_space<vmem>>, vector<16xi32>,
    tpu.vector_store %arg27[%swap3A_150], %add3A_149 {strides = array<i32>} : memref<272xi32, #tpu.memory_space<vmem>>, vector<16xi32>,
    %add3A_152 = arith.constant 15 : i32
    %add3A_153 = vector.broadcast %add3A_152 : i32 to vector<16xi32>
    %add3A_154 = arith.addi %mul3A_5, %add3A_153 : vector<16xi32>
    %broadcast_in_dim3A_155 = vector.shape_cast %add3A_154 : vector<16xi32> to vector<16x1xi32>
    %gather3A_156 = vector.shape_cast %broadcast_in_dim3A_155 : vector<16x1xi32> to vector<16xi32>
    %gather3A_157 = tpu.dynamic_gather %masked_cumsum3A_147[%gather3A_156] in [0] : vector<16xi32>, vector<16xi32> -> vector<16xi32>
    %add3A_158 = arith.addi %add3A_142, %gather3A_157 : vector<16xi32>
    %get3A_159 = arith.constant 112 : index
    %get3A_160 = tpu.vector_load %arg28[%get3A_159] {strides = array<i32>} : memref<272xi32, #tpu.memory_space<vmem>>, vector<16xi32>,
    %broadcast_in_dim3A_161 = arith.constant true
    %broadcast_in_dim3A_162 = vector.broadcast %broadcast_in_dim3A_161 : i1 to vector<16xi1>
    %masked_cumsum3A_163 = tpu.scan <sum>, %get3A_160 masked %broadcast_in_dim3A_162 : vector<16xi32>, vector<16xi1> -> vector<16xi32>
    %sub3A_164 = arith.subi %masked_cumsum3A_163, %get3A_160 : vector<16xi32>
    %add3A_165 = arith.addi %add3A_158, %sub3A_164 : vector<16xi32>
    %swap3A_166 = arith.constant 112 : index
    %swap3A_167 = tpu.vector_load %arg27[%swap3A_166] {strides = array<i32>} : memref<272xi32, #tpu.memory_space<vmem>>, vector<16xi32>,
    tpu.vector_store %arg27[%swap3A_166], %add3A_165 {strides = array<i32>} : memref<272xi32, #tpu.memory_space<vmem>>, vector<16xi32>,
    %add3A_168 = arith.constant 15 : i32
    %add3A_169 = vector.broadcast %add3A_168 : i32 to vector<16xi32>
    %add3A_170 = arith.addi %mul3A_5, %add3A_169 : vector<16xi32>
    %broadcast_in_dim3A_171 = vector.shape_cast %add3A_170 : vector<16xi32> to vector<16x1xi32>
    %gather3A_172 = vector.shape_cast %broadcast_in_dim3A_171 : vector<16x1xi32> to vector<16xi32>
    %gather3A_173 = tpu.dynamic_gather %masked_cumsum3A_163[%gather3A_172] in [0] : vector<16xi32>, vector<16xi32> -> vector<16xi32>
    %add3A_174 = arith.addi %add3A_158, %gather3A_173 : vector<16xi32>
    %get3A_175 = arith.constant 128 : index
    %get3A_176 = tpu.vector_load %arg28[%get3A_175] {strides = array<i32>} : memref<272xi32, #tpu.memory_space<vmem>>, vector<16xi32>,
    %broadcast_in_dim3A_177 = arith.constant true
    %broadcast_in_dim3A_178 = vector.broadcast %broadcast_in_dim3A_177 : i1 to vector<16xi1>
    %masked_cumsum3A_179 = tpu.scan <sum>, %get3A_176 masked %broadcast_in_dim3A_178 : vector<16xi32>, vector<16xi1> -> vector<16xi32>
    %sub3A_180 = arith.subi %masked_cumsum3A_179, %get3A_176 : vector<16xi32>
    %add3A_181 = arith.addi %add3A_174, %sub3A_180 : vector<16xi32>
    %swap3A_182 = arith.constant 128 : index
    %swap3A_183 = tpu.vector_load %arg27[%swap3A_182] {strides = array<i32>} : memref<272xi32, #tpu.memory_space<vmem>>, vector<16xi32>,
    tpu.vector_store %arg27[%swap3A_182], %add3A_181 {strides = array<i32>} : memref<272xi32, #tpu.memory_space<vmem>>, vector<16xi32>,
    %add3A_184 = arith.constant 15 : i32
    %add3A_185 = vector.broadcast %add3A_184 : i32 to vector<16xi32>
    %add3A_186 = arith.addi %mul3A_5, %add3A_185 : vector<16xi32>
    %broadcast_in_dim3A_187 = vector.shape_cast %add3A_186 : vector<16xi32> to vector<16x1xi32>
    %gather3A_188 = vector.shape_cast %broadcast_in_dim3A_187 : vector<16x1xi32> to vector<16xi32>
    %gather3A_189 = tpu.dynamic_gather %masked_cumsum3A_179[%gather3A_188] in [0] : vector<16xi32>, vector<16xi32> -> vector<16xi32>
    %add3A_190 = arith.addi %add3A_174, %gather3A_189 : vector<16xi32>
    %get3A_191 = arith.constant 144 : index
    %get3A_192 = tpu.vector_load %arg28[%get3A_191] {strides = array<i32>} : memref<272xi32, #tpu.memory_space<vmem>>, vector<16xi32>,
    %broadcast_in_dim3A_193 = arith.constant true
    %broadcast_in_dim3A_194 = vector.broadcast %broadcast_in_dim3A_193 : i1 to vector<16xi1>
    %masked_cumsum3A_195 = tpu.scan <sum>, %get3A_192 masked %broadcast_in_dim3A_194 : vector<16xi32>, vector<16xi1> -> vector<16xi32>
    %sub3A_196 = arith.subi %masked_cumsum3A_195, %get3A_192 : vector<16xi32>
    %add3A_197 = arith.addi %add3A_190, %sub3A_196 : vector<16xi32>
    %swap3A_198 = arith.constant 144 : index
    %swap3A_199 = tpu.vector_load %arg27[%swap3A_198] {strides = array<i32>} : memref<272xi32, #tpu.memory_space<vmem>>, vector<16xi32>,
    tpu.vector_store %arg27[%swap3A_198], %add3A_197 {strides = array<i32>} : memref<272xi32, #tpu.memory_space<vmem>>, vector<16xi32>,
    %add3A_200 = arith.constant 15 : i32
    %add3A_201 = vector.broadcast %add3A_200 : i32 to vector<16xi32>
    %add3A_202 = arith.addi %mul3A_5, %add3A_201 : vector<16xi32>
    %broadcast_in_dim3A_203 = vector.shape_cast %add3A_202 : vector<16xi32> to vector<16x1xi32>
    %gather3A_204 = vector.shape_cast %broadcast_in_dim3A_203 : vector<16x1xi32> to vector<16xi32>
    %gather3A_205 = tpu.dynamic_gather %masked_cumsum3A_195[%gather3A_204] in [0] : vector<16xi32>, vector<16xi32> -> vector<16xi32>
    %add3A_206 = arith.addi %add3A_190, %gather3A_205 : vector<16xi32>
    %get3A_207 = arith.constant 160 : index
    %get3A_208 = tpu.vector_load %arg28[%get3A_207] {strides = array<i32>} : memref<272xi32, #tpu.memory_space<vmem>>, vector<16xi32>,
    %broadcast_in_dim3A_209 = arith.constant true
    %broadcast_in_dim3A_210 = vector.broadcast %broadcast_in_dim3A_209 : i1 to vector<16xi1>
    %masked_cumsum3A_211 = tpu.scan <sum>, %get3A_208 masked %broadcast_in_dim3A_210 : vector<16xi32>, vector<16xi1> -> vector<16xi32>
    %sub3A_212 = arith.subi %masked_cumsum3A_211, %get3A_208 : vector<16xi32>
    %add3A_213 = arith.addi %add3A_206, %sub3A_212 : vector<16xi32>
    %swap3A_214 = arith.constant 160 : index
    %swap3A_215 = tpu.vector_load %arg27[%swap3A_214] {strides = array<i32>} : memref<272xi32, #tpu.memory_space<vmem>>, vector<16xi32>,
    tpu.vector_store %arg27[%swap3A_214], %add3A_213 {strides = array<i32>} : memref<272xi32, #tpu.memory_space<vmem>>, vector<16xi32>,
    %add3A_216 = arith.constant 15 : i32
    %add3A_217 = vector.broadcast %add3A_216 : i32 to vector<16xi32>
    %add3A_218 = arith.addi %mul3A_5, %add3A_217 : vector<16xi32>
    %broadcast_in_dim3A_219 = vector.shape_cast %add3A_218 : vector<16xi32> to vector<16x1xi32>
    %gather3A_220 = vector.shape_cast %broadcast_in_dim3A_219 : vector<16x1xi32> to vector<16xi32>
    %gather3A_221 = tpu.dynamic_gather %masked_cumsum3A_211[%gather3A_220] in [0] : vector<16xi32>, vector<16xi32> -> vector<16xi32>
    %add3A_222 = arith.addi %add3A_206, %gather3A_221 : vector<16xi32>
    %get3A_223 = arith.constant 176 : index
    %get3A_224 = tpu.vector_load %arg28[%get3A_223] {strides = array<i32>} : memref<272xi32, #tpu.memory_space<vmem>>, vector<16xi32>,
    %broadcast_in_dim3A_225 = arith.constant true
    %broadcast_in_dim3A_226 = vector.broadcast %broadcast_in_dim3A_225 : i1 to vector<16xi1>
    %masked_cumsum3A_227 = tpu.scan <sum>, %get3A_224 masked %broadcast_in_dim3A_226 : vector<16xi32>, vector<16xi1> -> vector<16xi32>
    %sub3A_228 = arith.subi %masked_cumsum3A_227, %get3A_224 : vector<16xi32>
    %add3A_229 = arith.addi %add3A_222, %sub3A_228 : vector<16xi32>
    %swap3A_230 = arith.constant 176 : index
    %swap3A_231 = tpu.vector_load %arg27[%swap3A_230] {strides = array<i32>} : memref<272xi32, #tpu.memory_space<vmem>>, vector<16xi32>,
    tpu.vector_store %arg27[%swap3A_230], %add3A_229 {strides = array<i32>} : memref<272xi32, #tpu.memory_space<vmem>>, vector<16xi32>,
    %add3A_232 = arith.constant 15 : i32
    %add3A_233 = vector.broadcast %add3A_232 : i32 to vector<16xi32>
    %add3A_234 = arith.addi %mul3A_5, %add3A_233 : vector<16xi32>
    %broadcast_in_dim3A_235 = vector.shape_cast %add3A_234 : vector<16xi32> to vector<16x1xi32>
    %gather3A_236 = vector.shape_cast %broadcast_in_dim3A_235 : vector<16x1xi32> to vector<16xi32>
    %gather3A_237 = tpu.dynamic_gather %masked_cumsum3A_227[%gather3A_236] in [0] : vector<16xi32>, vector<16xi32> -> vector<16xi32>
    %add3A_238 = arith.addi %add3A_222, %gather3A_237 : vector<16xi32>
    %get3A_239 = arith.constant 192 : index
    %get3A_240 = tpu.vector_load %arg28[%get3A_239] {strides = array<i32>} : memref<272xi32, #tpu.memory_space<vmem>>, vector<16xi32>,
    %broadcast_in_dim3A_241 = arith.constant true
    %broadcast_in_dim3A_242 = vector.broadcast %broadcast_in_dim3A_241 : i1 to vector<16xi1>
    %masked_cumsum3A_243 = tpu.scan <sum>, %get3A_240 masked %broadcast_in_dim3A_242 : vector<16xi32>, vector<16xi1> -> vector<16xi32>
    %sub3A_244 = arith.subi %masked_cumsum3A_243, %get3A_240 : vector<16xi32>
    %add3A_245 = arith.addi %add3A_238, %sub3A_244 : vector<16xi32>
    %swap3A_246 = arith.constant 192 : index
    %swap3A_247 = tpu.vector_load %arg27[%swap3A_246] {strides = array<i32>} : memref<272xi32, #tpu.memory_space<vmem>>, vector<16xi32>,
    tpu.vector_store %arg27[%swap3A_246], %add3A_245 {strides = array<i32>} : memref<272xi32, #tpu.memory_space<vmem>>, vector<16xi32>,
    %add3A_248 = arith.constant 15 : i32
    %add3A_249 = vector.broadcast %add3A_248 : i32 to vector<16xi32>
    %add3A_250 = arith.addi %mul3A_5, %add3A_249 : vector<16xi32>
    %broadcast_in_dim3A_251 = vector.shape_cast %add3A_250 : vector<16xi32> to vector<16x1xi32>
    %gather3A_252 = vector.shape_cast %broadcast_in_dim3A_251 : vector<16x1xi32> to vector<16xi32>
    %gather3A_253 = tpu.dynamic_gather %masked_cumsum3A_243[%gather3A_252] in [0] : vector<16xi32>, vector<16xi32> -> vector<16xi32>
    %add3A_254 = arith.addi %add3A_238, %gather3A_253 : vector<16xi32>
    %get3A_255 = arith.constant 208 : index
    %get3A_256 = tpu.vector_load %arg28[%get3A_255] {strides = array<i32>} : memref<272xi32, #tpu.memory_space<vmem>>, vector<16xi32>,
    %broadcast_in_dim3A_257 = arith.constant true
    %broadcast_in_dim3A_258 = vector.broadcast %broadcast_in_dim3A_257 : i1 to vector<16xi1>
    %masked_cumsum3A_259 = tpu.scan <sum>, %get3A_256 masked %broadcast_in_dim3A_258 : vector<16xi32>, vector<16xi1> -> vector<16xi32>
    %sub3A_260 = arith.subi %masked_cumsum3A_259, %get3A_256 : vector<16xi32>
    %add3A_261 = arith.addi %add3A_254, %sub3A_260 : vector<16xi32>
    %swap3A_262 = arith.constant 208 : index
    %swap3A_263 = tpu.vector_load %arg27[%swap3A_262] {strides = array<i32>} : memref<272xi32, #tpu.memory_space<vmem>>, vector<16xi32>,
    tpu.vector_store %arg27[%swap3A_262], %add3A_261 {strides = array<i32>} : memref<272xi32, #tpu.memory_space<vmem>>, vector<16xi32>,
    %add3A_264 = arith.constant 15 : i32
    %add3A_265 = vector.broadcast %add3A_264 : i32 to vector<16xi32>
    %add3A_266 = arith.addi %mul3A_5, %add3A_265 : vector<16xi32>
    %broadcast_in_dim3A_267 = vector.shape_cast %add3A_266 : vector<16xi32> to vector<16x1xi32>
    %gather3A_268 = vector.shape_cast %broadcast_in_dim3A_267 : vector<16x1xi32> to vector<16xi32>
    %gather3A_269 = tpu.dynamic_gather %masked_cumsum3A_259[%gather3A_268] in [0] : vector<16xi32>, vector<16xi32> -> vector<16xi32>
    %add3A_270 = arith.addi %add3A_254, %gather3A_269 : vector<16xi32>
    %get3A_271 = arith.constant 224 : index
    %get3A_272 = tpu.vector_load %arg28[%get3A_271] {strides = array<i32>} : memref<272xi32, #tpu.memory_space<vmem>>, vector<16xi32>,
    %broadcast_in_dim3A_273 = arith.constant true
    %broadcast_in_dim3A_274 = vector.broadcast %broadcast_in_dim3A_273 : i1 to vector<16xi1>
    %masked_cumsum3A_275 = tpu.scan <sum>, %get3A_272 masked %broadcast_in_dim3A_274 : vector<16xi32>, vector<16xi1> -> vector<16xi32>
    %sub3A_276 = arith.subi %masked_cumsum3A_275, %get3A_272 : vector<16xi32>
    %add3A_277 = arith.addi %add3A_270, %sub3A_276 : vector<16xi32>
    %swap3A_278 = arith.constant 224 : index
    %swap3A_279 = tpu.vector_load %arg27[%swap3A_278] {strides = array<i32>} : memref<272xi32, #tpu.memory_space<vmem>>, vector<16xi32>,
    tpu.vector_store %arg27[%swap3A_278], %add3A_277 {strides = array<i32>} : memref<272xi32, #tpu.memory_space<vmem>>, vector<16xi32>,
    %add3A_280 = arith.constant 15 : i32
    %add3A_281 = vector.broadcast %add3A_280 : i32 to vector<16xi32>
    %add3A_282 = arith.addi %mul3A_5, %add3A_281 : vector<16xi32>
    %broadcast_in_dim3A_283 = vector.shape_cast %add3A_282 : vector<16xi32> to vector<16x1xi32>
    %gather3A_284 = vector.shape_cast %broadcast_in_dim3A_283 : vector<16x1xi32> to vector<16xi32>
    %gather3A_285 = tpu.dynamic_gather %masked_cumsum3A_275[%gather3A_284] in [0] : vector<16xi32>, vector<16xi32> -> vector<16xi32>
    %add3A_286 = arith.addi %add3A_270, %gather3A_285 : vector<16xi32>
    %get3A_287 = arith.constant 240 : index
    %get3A_288 = tpu.vector_load %arg28[%get3A_287] {strides = array<i32>} : memref<272xi32, #tpu.memory_space<vmem>>, vector<16xi32>,
    %broadcast_in_dim3A_289 = arith.constant true
    %broadcast_in_dim3A_290 = vector.broadcast %broadcast_in_dim3A_289 : i1 to vector<16xi1>
    %masked_cumsum3A_291 = tpu.scan <sum>, %get3A_288 masked %broadcast_in_dim3A_290 : vector<16xi32>, vector<16xi1> -> vector<16xi32>
    %sub3A_292 = arith.subi %masked_cumsum3A_291, %get3A_288 : vector<16xi32>
    %add3A_293 = arith.addi %add3A_286, %sub3A_292 : vector<16xi32>
    %swap3A_294 = arith.constant 240 : index
    %swap3A_295 = tpu.vector_load %arg27[%swap3A_294] {strides = array<i32>} : memref<272xi32, #tpu.memory_space<vmem>>, vector<16xi32>,
    tpu.vector_store %arg27[%swap3A_294], %add3A_293 {strides = array<i32>} : memref<272xi32, #tpu.memory_space<vmem>>, vector<16xi32>,
    %add3A_296 = arith.constant 15 : i32
    %add3A_297 = vector.broadcast %add3A_296 : i32 to vector<16xi32>
    %add3A_298 = arith.addi %mul3A_5, %add3A_297 : vector<16xi32>
    %broadcast_in_dim3A_299 = vector.shape_cast %add3A_298 : vector<16xi32> to vector<16x1xi32>
    %gather3A_300 = vector.shape_cast %broadcast_in_dim3A_299 : vector<16x1xi32> to vector<16xi32>
    %gather3A_301 = tpu.dynamic_gather %masked_cumsum3A_291[%gather3A_300] in [0] : vector<16xi32>, vector<16xi32> -> vector<16xi32>
    %add3A_302 = arith.addi %add3A_286, %gather3A_301 : vector<16xi32>
    %swap3A_303 = arith.constant 256 : index
    %swap3A_304 = tpu.vector_load %arg27[%swap3A_303] {strides = array<i32>} : memref<272xi32, #tpu.memory_space<vmem>>, vector<16xi32>,
    tpu.vector_store %arg27[%swap3A_303], %add3A_302 {strides = array<i32>} : memref<272xi32, #tpu.memory_space<vmem>>, vector<16xi32>,
    %get3A_305 = arith.constant 0 : index
    %get3A_306 = tpu.vector_load %arg27[%get3A_305] {strides = array<i32>} : memref<272xi32, #tpu.memory_space<vmem>>, vector<16xi32>,
    %swap3A_307 = arith.constant 0 : index
    %swap3A_308 = tpu.vector_load %arg28[%swap3A_307] {strides = array<i32>} : memref<272xi32, #tpu.memory_space<vmem>>, vector<16xi32>,
    tpu.vector_store %arg28[%swap3A_307], %get3A_306 {strides = array<i32>} : memref<272xi32, #tpu.memory_space<vmem>>, vector<16xi32>,
    %get3A_309 = arith.constant 16 : index
    %get3A_310 = tpu.vector_load %arg27[%get3A_309] {strides = array<i32>} : memref<272xi32, #tpu.memory_space<vmem>>, vector<16xi32>,
    %swap3A_311 = arith.constant 16 : index
    %swap3A_312 = tpu.vector_load %arg28[%swap3A_311] {strides = array<i32>} : memref<272xi32, #tpu.memory_space<vmem>>, vector<16xi32>,
    tpu.vector_store %arg28[%swap3A_311], %get3A_310 {strides = array<i32>} : memref<272xi32, #tpu.memory_space<vmem>>, vector<16xi32>,
    %get3A_313 = arith.constant 32 : index
    %get3A_314 = tpu.vector_load %arg27[%get3A_313] {strides = array<i32>} : memref<272xi32, #tpu.memory_space<vmem>>, vector<16xi32>,
    %swap3A_315 = arith.constant 32 : index
    %swap3A_316 = tpu.vector_load %arg28[%swap3A_315] {strides = array<i32>} : memref<272xi32, #tpu.memory_space<vmem>>, vector<16xi32>,
    tpu.vector_store %arg28[%swap3A_315], %get3A_314 {strides = array<i32>} : memref<272xi32, #tpu.memory_space<vmem>>, vector<16xi32>,
    %get3A_317 = arith.constant 48 : index
    %get3A_318 = tpu.vector_load %arg27[%get3A_317] {strides = array<i32>} : memref<272xi32, #tpu.memory_space<vmem>>, vector<16xi32>,
    %swap3A_319 = arith.constant 48 : index
    %swap3A_320 = tpu.vector_load %arg28[%swap3A_319] {strides = array<i32>} : memref<272xi32, #tpu.memory_space<vmem>>, vector<16xi32>,
    tpu.vector_store %arg28[%swap3A_319], %get3A_318 {strides = array<i32>} : memref<272xi32, #tpu.memory_space<vmem>>, vector<16xi32>,
    %get3A_321 = arith.constant 64 : index
    %get3A_322 = tpu.vector_load %arg27[%get3A_321] {strides = array<i32>} : memref<272xi32, #tpu.memory_space<vmem>>, vector<16xi32>,
    %swap3A_323 = arith.constant 64 : index
    %swap3A_324 = tpu.vector_load %arg28[%swap3A_323] {strides = array<i32>} : memref<272xi32, #tpu.memory_space<vmem>>, vector<16xi32>,
    tpu.vector_store %arg28[%swap3A_323], %get3A_322 {strides = array<i32>} : memref<272xi32, #tpu.memory_space<vmem>>, vector<16xi32>,
    %get3A_325 = arith.constant 80 : index
    %get3A_326 = tpu.vector_load %arg27[%get3A_325] {strides = array<i32>} : memref<272xi32, #tpu.memory_space<vmem>>, vector<16xi32>,
    %swap3A_327 = arith.constant 80 : index
    %swap3A_328 = tpu.vector_load %arg28[%swap3A_327] {strides = array<i32>} : memref<272xi32, #tpu.memory_space<vmem>>, vector<16xi32>,
    tpu.vector_store %arg28[%swap3A_327], %get3A_326 {strides = array<i32>} : memref<272xi32, #tpu.memory_space<vmem>>, vector<16xi32>,
    %get3A_329 = arith.constant 96 : index
    %get3A_330 = tpu.vector_load %arg27[%get3A_329] {strides = array<i32>} : memref<272xi32, #tpu.memory_space<vmem>>, vector<16xi32>,
    %swap3A_331 = arith.constant 96 : index
    %swap3A_332 = tpu.vector_load %arg28[%swap3A_331] {strides = array<i32>} : memref<272xi32, #tpu.memory_space<vmem>>, vector<16xi32>,
    tpu.vector_store %arg28[%swap3A_331], %get3A_330 {strides = array<i32>} : memref<272xi32, #tpu.memory_space<vmem>>, vector<16xi32>,
    %get3A_333 = arith.constant 112 : index
    %get3A_334 = tpu.vector_load %arg27[%get3A_333] {strides = array<i32>} : memref<272xi32, #tpu.memory_space<vmem>>, vector<16xi32>,
    %swap3A_335 = arith.constant 112 : index
    %swap3A_336 = tpu.vector_load %arg28[%swap3A_335] {strides = array<i32>} : memref<272xi32, #tpu.memory_space<vmem>>, vector<16xi32>,
    tpu.vector_store %arg28[%swap3A_335], %get3A_334 {strides = array<i32>} : memref<272xi32, #tpu.memory_space<vmem>>, vector<16xi32>,
    %get3A_337 = arith.constant 128 : index
    %get3A_338 = tpu.vector_load %arg27[%get3A_337] {strides = array<i32>} : memref<272xi32, #tpu.memory_space<vmem>>, vector<16xi32>,
    %swap3A_339 = arith.constant 128 : index
    %swap3A_340 = tpu.vector_load %arg28[%swap3A_339] {strides = array<i32>} : memref<272xi32, #tpu.memory_space<vmem>>, vector<16xi32>,
    tpu.vector_store %arg28[%swap3A_339], %get3A_338 {strides = array<i32>} : memref<272xi32, #tpu.memory_space<vmem>>, vector<16xi32>,
    %get3A_341 = arith.constant 144 : index
    %get3A_342 = tpu.vector_load %arg27[%get3A_341] {strides = array<i32>} : memref<272xi32, #tpu.memory_space<vmem>>, vector<16xi32>,
    %swap3A_343 = arith.constant 144 : index
    %swap3A_344 = tpu.vector_load %arg28[%swap3A_343] {strides = array<i32>} : memref<272xi32, #tpu.memory_space<vmem>>, vector<16xi32>,
    tpu.vector_store %arg28[%swap3A_343], %get3A_342 {strides = array<i32>} : memref<272xi32, #tpu.memory_space<vmem>>, vector<16xi32>,
    %get3A_345 = arith.constant 160 : index
    %get3A_346 = tpu.vector_load %arg27[%get3A_345] {strides = array<i32>} : memref<272xi32, #tpu.memory_space<vmem>>, vector<16xi32>,
    %swap3A_347 = arith.constant 160 : index
    %swap3A_348 = tpu.vector_load %arg28[%swap3A_347] {strides = array<i32>} : memref<272xi32, #tpu.memory_space<vmem>>, vector<16xi32>,
    tpu.vector_store %arg28[%swap3A_347], %get3A_346 {strides = array<i32>} : memref<272xi32, #tpu.memory_space<vmem>>, vector<16xi32>,
    %get3A_349 = arith.constant 176 : index
    %get3A_350 = tpu.vector_load %arg27[%get3A_349] {strides = array<i32>} : memref<272xi32, #tpu.memory_space<vmem>>, vector<16xi32>,
    %swap3A_351 = arith.constant 176 : index
    %swap3A_352 = tpu.vector_load %arg28[%swap3A_351] {strides = array<i32>} : memref<272xi32, #tpu.memory_space<vmem>>, vector<16xi32>,
    tpu.vector_store %arg28[%swap3A_351], %get3A_350 {strides = array<i32>} : memref<272xi32, #tpu.memory_space<vmem>>, vector<16xi32>,
    %get3A_353 = arith.constant 192 : index
    %get3A_354 = tpu.vector_load %arg27[%get3A_353] {strides = array<i32>} : memref<272xi32, #tpu.memory_space<vmem>>, vector<16xi32>,
    %swap3A_355 = arith.constant 192 : index
    %swap3A_356 = tpu.vector_load %arg28[%swap3A_355] {strides = array<i32>} : memref<272xi32, #tpu.memory_space<vmem>>, vector<16xi32>,
    tpu.vector_store %arg28[%swap3A_355], %get3A_354 {strides = array<i32>} : memref<272xi32, #tpu.memory_space<vmem>>, vector<16xi32>,
    %get3A_357 = arith.constant 208 : index
    %get3A_358 = tpu.vector_load %arg27[%get3A_357] {strides = array<i32>} : memref<272xi32, #tpu.memory_space<vmem>>, vector<16xi32>,
    %swap3A_359 = arith.constant 208 : index
    %swap3A_360 = tpu.vector_load %arg28[%swap3A_359] {strides = array<i32>} : memref<272xi32, #tpu.memory_space<vmem>>, vector<16xi32>,
    tpu.vector_store %arg28[%swap3A_359], %get3A_358 {strides = array<i32>} : memref<272xi32, #tpu.memory_space<vmem>>, vector<16xi32>,
    %get3A_361 = arith.constant 224 : index
    %get3A_362 = tpu.vector_load %arg27[%get3A_361] {strides = array<i32>} : memref<272xi32, #tpu.memory_space<vmem>>, vector<16xi32>,
    %swap3A_363 = arith.constant 224 : index
    %swap3A_364 = tpu.vector_load %arg28[%swap3A_363] {strides = array<i32>} : memref<272xi32, #tpu.memory_space<vmem>>, vector<16xi32>,
    tpu.vector_store %arg28[%swap3A_363], %get3A_362 {strides = array<i32>} : memref<272xi32, #tpu.memory_space<vmem>>, vector<16xi32>,
    %get3A_365 = arith.constant 240 : index
    %get3A_366 = tpu.vector_load %arg27[%get3A_365] {strides = array<i32>} : memref<272xi32, #tpu.memory_space<vmem>>, vector<16xi32>,
    %swap3A_367 = arith.constant 240 : index
    %swap3A_368 = tpu.vector_load %arg28[%swap3A_367] {strides = array<i32>} : memref<272xi32, #tpu.memory_space<vmem>>, vector<16xi32>,
    tpu.vector_store %arg28[%swap3A_367], %get3A_366 {strides = array<i32>} : memref<272xi32, #tpu.memory_space<vmem>>, vector<16xi32>,
    %get3A_369 = arith.constant 256 : index
    %get3A_370 = tpu.vector_load %arg27[%get3A_369] {strides = array<i32>} : memref<272xi32, #tpu.memory_space<vmem>>, vector<16xi32>,
    %swap3A_371 = arith.constant 256 : index
    %swap3A_372 = tpu.vector_load %arg28[%swap3A_371] {strides = array<i32>} : memref<272xi32, #tpu.memory_space<vmem>>, vector<16xi32>,
    tpu.vector_store %arg28[%swap3A_371], %get3A_370 {strides = array<i32>} : memref<272xi32, #tpu.memory_space<vmem>>, vector<16xi32>,
    %scan3A_373 = arith.constant 0 : i32
    %scan3A_374 = arith.constant 0 : i32
    %scan3A_375 = arith.constant 256 : i32
    %scan3A_376 = arith.addi %scan3A_374, %scan3A_375 : i32
    %scan3A_377 = arith.constant 1 : i32
    %scan3A_378 = scf.for %scan3A_409 = %scan3A_374 to %scan3A_376 step %scan3A_377 iter_args(%scan3A_410 = %scan3A_373) -> (i32)  : i32 {
      %mul3A_411 = arith.constant 16 : i32
      %mul3A_412 = arith.muli %scan3A_409, %mul3A_411 : i32
      %get3A_413 = arith.index_cast %mul3A_412 : i32 to index
      %get3A_414 = tpu.vector_load %arg26[%get3A_413] {strides = array<i32>} : memref<4096xi32, #tpu.memory_space<vmem>>, vector<16xi32>,
      %broadcast_in_dim3A_415 = arith.constant true
      %broadcast_in_dim3A_416 = vector.broadcast %broadcast_in_dim3A_415 : i1 to vector<16xi1>
      %unique3A, %unique3A_417 = tpu.scan_count mask(%broadcast_in_dim3A_416 : vector<16xi1>) value(%get3A_414 : vector<16xi32>) : vector<16xi1>, vector<16xi32>
      %gather3A_418 = tpu.vector_load_idx %arg28[%get3A_414] : memref<272xi32, #tpu.memory_space<vmem>>[vector<16xi32>], vector<16xi32>,
      %add3A_419 = arith.addi %gather3A_418, %unique3A_417 : vector<16xi32>
      %sub3A_420 = arith.constant 1 : i32
      %sub3A_421 = vector.broadcast %sub3A_420 : i32 to vector<16xi32>
      %sub3A_422 = arith.subi %add3A_419, %sub3A_421 : vector<16xi32>
      %add3A_423 = vector.broadcast %mul3A_412 : i32 to vector<16xi32>
      %add3A_424 = arith.addi %iota3A, %add3A_423 : vector<16xi32>
      tpu.vector_store_idx %arg25[%sub3A_422], %add3A_424 : memref<4096xi32, #tpu.memory_space<vmem>>[vector<16xi32>], vector<16xi32>,
      %get3A_425 = arith.index_cast %mul3A_412 : i32 to index
      %get3A_426 = tpu.vector_load %arg11[%get3A_425] {strides = array<i32>} : memref<4096xf32, #tpu.memory_space<vmem>>, vector<16xf32>,
      tpu.vector_store_idx %arg22[%sub3A_422], %get3A_426 : memref<4096xf32, #tpu.memory_space<vmem>>[vector<16xi32>], vector<16xf32>,
      %get3A_427 = arith.index_cast %mul3A_412 : i32 to index
      %get3A_428 = tpu.vector_load %arg12[%get3A_427] {strides = array<i32>} : memref<4096xf32, #tpu.memory_space<vmem>>, vector<16xf32>,
      tpu.vector_store_idx %arg23[%sub3A_422], %get3A_428 : memref<4096xf32, #tpu.memory_space<vmem>>[vector<16xi32>], vector<16xf32>,
      %get3A_429 = arith.index_cast %mul3A_412 : i32 to index
      %get3A_430 = tpu.vector_load %arg13[%get3A_429] {strides = array<i32>} : memref<4096xf32, #tpu.memory_space<vmem>>, vector<16xf32>,
      tpu.vector_store_idx %arg24[%sub3A_422], %get3A_430 : memref<4096xf32, #tpu.memory_space<vmem>>[vector<16xi32>], vector<16xf32>,
      tpu.vector_store_idx %arg28[%get3A_414], %unique3A_417 masked %unique3A {add = true} : memref<272xi32, #tpu.memory_space<vmem>>[vector<16xi32>], vector<16xi32>, vector<16xi1>
      %scan3A_431 = arith.constant 0 : i32
      scf.yield %scan3A_431 : i32
    }
    %scan3A_379 = arith.constant 256 : i32
    %scan3A_380 = arith.constant 0 : i32
    %scan3A_381 = arith.constant 0 : i32
    %scan3A_382 = arith.constant 64 : i32
    %scan3A_383 = arith.addi %scan3A_381, %scan3A_382 : i32
    %scan3A_384 = arith.constant 1 : i32
    scf.for %scan3A_409 = %scan3A_381 to %scan3A_383 step %scan3A_384  : i32 {
      %jit3A = arith.constant 16 : i32
      %div3A = arith.divsi %scan3A_409, %jit3A : i32
      %sign3A = arith.constant 0 : i32
      %sign3A_410 = arith.cmpi sgt, %scan3A_409, %sign3A : i32
      %sign3A_411 = arith.extui %sign3A_410 : i1 to i32
      %sign3A_412 = arith.constant 0 : i32
      %sign3A_413 = arith.cmpi slt, %scan3A_409, %sign3A_412 : i32
      %sign3A_414 = arith.extui %sign3A_413 : i1 to i32
      %sign3A_415 = arith.subi %sign3A_411, %sign3A_414 : i32
      %sign3A_416 = arith.constant 0 : i32
      %sign3A_417 = arith.cmpi sgt, %jit3A, %sign3A_416 : i32
      %sign3A_418 = arith.extui %sign3A_417 : i1 to i32
      %sign3A_419 = arith.constant 0 : i32
      %sign3A_420 = arith.cmpi slt, %jit3A, %sign3A_419 : i32
      %sign3A_421 = arith.extui %sign3A_420 : i1 to i32
      %sign3A_422 = arith.subi %sign3A_418, %sign3A_421 : i32
      %ne3A = arith.cmpi ne, %sign3A_415, %sign3A_422 : i32
      %rem3A = arith.remsi %scan3A_409, %jit3A : i32
      %ne3A_423 = arith.constant 0 : i32
      %ne3A_424 = arith.cmpi ne, %rem3A, %ne3A_423 : i32
      %and3A = arith.andi %ne3A, %ne3A_424 : i1
      %sub3A_425 = arith.constant 1 : i32
      %sub3A_426 = arith.subi %div3A, %sub3A_425 : i32
      %select_n3A = arith.select %and3A, %sub3A_426, %div3A : i32
      %mul3A_427 = arith.constant 16 : i32
      %mul3A_428 = arith.muli %select_n3A, %mul3A_427 : i32
      %get3A_429 = arith.index_cast %mul3A_428 : i32 to index
      %get3A_430 = tpu.vector_load %arg15[%get3A_429] {strides = array<i32>} : memref<64xf32, #tpu.memory_space<vmem>>, vector<16xf32>,
      %get3A_431 = arith.index_cast %mul3A_428 : i32 to index
      %get3A_432 = tpu.vector_load %arg16[%get3A_431] {strides = array<i32>} : memref<64xf32, #tpu.memory_space<vmem>>, vector<16xf32>,
      %get3A_433 = arith.index_cast %mul3A_428 : i32 to index
      %get3A_434 = tpu.vector_load %arg17[%get3A_433] {strides = array<i32>} : memref<64xf32, #tpu.memory_space<vmem>>, vector<16xf32>,
      %get3A_435 = arith.index_cast %mul3A_428 : i32 to index
      %get3A_436 = tpu.vector_load %arg18[%get3A_435] {strides = array<i32>} : memref<64xf32, #tpu.memory_space<vmem>>, vector<16xf32>,
      %sub3A_437 = arith.subi %scan3A_409, %mul3A_428 : i32
      %add3A_438 = vector.broadcast %sub3A_437 : i32 to vector<16xi32>
      %add3A_439 = arith.addi %mul3A_5, %add3A_438 : vector<16xi32>
      %broadcast_in_dim3A_440 = vector.shape_cast %add3A_439 : vector<16xi32> to vector<16x1xi32>
      %gather3A_441 = vector.shape_cast %broadcast_in_dim3A_440 : vector<16x1xi32> to vector<16xi32>
      %gather3A_442 = tpu.dynamic_gather %get3A_430[%gather3A_441] in [0] : vector<16xf32>, vector<16xi32> -> vector<16xf32>
      %sub3A_443 = arith.subi %scan3A_409, %mul3A_428 : i32
      %add3A_444 = vector.broadcast %sub3A_443 : i32 to vector<16xi32>
      %add3A_445 = arith.addi %mul3A_5, %add3A_444 : vector<16xi32>
      %broadcast_in_dim3A_446 = vector.shape_cast %add3A_445 : vector<16xi32> to vector<16x1xi32>
      %gather3A_447 = vector.shape_cast %broadcast_in_dim3A_446 : vector<16x1xi32> to vector<16xi32>
      %gather3A_448 = tpu.dynamic_gather %get3A_432[%gather3A_447] in [0] : vector<16xf32>, vector<16xi32> -> vector<16xf32>
      %sub3A_449 = arith.subi %scan3A_409, %mul3A_428 : i32
      %add3A_450 = vector.broadcast %sub3A_449 : i32 to vector<16xi32>
      %add3A_451 = arith.addi %mul3A_5, %add3A_450 : vector<16xi32>
      %broadcast_in_dim3A_452 = vector.shape_cast %add3A_451 : vector<16xi32> to vector<16x1xi32>
      %gather3A_453 = vector.shape_cast %broadcast_in_dim3A_452 : vector<16x1xi32> to vector<16xi32>
      %gather3A_454 = tpu.dynamic_gather %get3A_434[%gather3A_453] in [0] : vector<16xf32>, vector<16xi32> -> vector<16xf32>
      %sub3A_455 = arith.subi %scan3A_409, %mul3A_428 : i32
      %add3A_456 = vector.broadcast %sub3A_455 : i32 to vector<16xi32>
      %add3A_457 = arith.addi %mul3A_5, %add3A_456 : vector<16xi32>
      %broadcast_in_dim3A_458 = vector.shape_cast %add3A_457 : vector<16xi32> to vector<16x1xi32>
      %gather3A_459 = vector.shape_cast %broadcast_in_dim3A_458 : vector<16x1xi32> to vector<16xi32>
      %gather3A_460 = tpu.dynamic_gather %get3A_436[%gather3A_459] in [0] : vector<16xf32>, vector<16xi32> -> vector<16xf32>
      %mul3A_461 = arith.mulf %gather3A_460, %gather3A_460 : vector<16xf32>
      %div3A_462 = arith.constant 1.000000e+00 : f32
      %div3A_463 = vector.broadcast %div3A_462 : f32 to vector<16xf32>
      %div3A_464 = arith.divf %div3A_463, %gather3A_460 : vector<16xf32>
      %sub3A_465 = arith.subf %gather3A_448, %gather3A_460 : vector<16xf32>
      %mul3A_466 = arith.constant 1.600000e+01 : f32
      %mul3A_467 = vector.broadcast %mul3A_466 : f32 to vector<16xf32>
      %mul3A_468 = arith.mulf %sub3A_465, %mul3A_467 : vector<16xf32>
      %convert_element_type3A_469 = arith.fptosi %mul3A_468 : vector<16xf32> to vector<16xi32>
      %jit3A_470 = arith.constant 0 : i32
      %jit3A_471 = arith.constant 15 : i32
      %max3A = vector.broadcast %jit3A_470 : i32 to vector<16xi32>
      %max3A_472 = arith.maxsi %max3A, %convert_element_type3A_469 : vector<16xi32>
      %min3A = vector.broadcast %jit3A_471 : i32 to vector<16xi32>
      %min3A_473 = arith.minsi %min3A, %max3A_472 : vector<16xi32>
      %add3A_474 = arith.addf %gather3A_448, %gather3A_460 : vector<16xf32>
      %mul3A_475 = arith.constant 1.600000e+01 : f32
      %mul3A_476 = vector.broadcast %mul3A_475 : f32 to vector<16xf32>
      %mul3A_477 = arith.mulf %add3A_474, %mul3A_476 : vector<16xf32>
      %convert_element_type3A_478 = arith.fptosi %mul3A_477 : vector<16xf32> to vector<16xi32>
      %jit3A_479 = arith.constant 0 : i32
      %jit3A_480 = arith.constant 15 : i32
      %max3A_481 = vector.broadcast %jit3A_479 : i32 to vector<16xi32>
      %max3A_482 = arith.maxsi %max3A_481, %convert_element_type3A_478 : vector<16xi32>
      %min3A_483 = vector.broadcast %jit3A_480 : i32 to vector<16xi32>
      %min3A_484 = arith.minsi %min3A_483, %max3A_482 : vector<16xi32>
      %sub3A_485 = arith.subf %gather3A_454, %gather3A_460 : vector<16xf32>
      %mul3A_486 = arith.constant 1.600000e+01 : f32
      %mul3A_487 = vector.broadcast %mul3A_486 : f32 to vector<16xf32>
      %mul3A_488 = arith.mulf %sub3A_485, %mul3A_487 : vector<16xf32>
      %convert_element_type3A_489 = arith.fptosi %mul3A_488 : vector<16xf32> to vector<16xi32>
      %jit3A_490 = arith.constant 0 : i32
      %jit3A_491 = arith.constant 15 : i32
      %max3A_492 = vector.broadcast %jit3A_490 : i32 to vector<16xi32>
      %max3A_493 = arith.maxsi %max3A_492, %convert_element_type3A_489 : vector<16xi32>
      %min3A_494 = vector.broadcast %jit3A_491 : i32 to vector<16xi32>
      %min3A_495 = arith.minsi %min3A_494, %max3A_493 : vector<16xi32>
      %add3A_496 = arith.addf %gather3A_454, %gather3A_460 : vector<16xf32>
      %mul3A_497 = arith.constant 1.600000e+01 : f32
      %mul3A_498 = vector.broadcast %mul3A_497 : f32 to vector<16xf32>
      %mul3A_499 = arith.mulf %add3A_496, %mul3A_498 : vector<16xf32>
      %convert_element_type3A_500 = arith.fptosi %mul3A_499 : vector<16xf32> to vector<16xi32>
      %jit3A_501 = arith.constant 0 : i32
      %jit3A_502 = arith.constant 15 : i32
      %max3A_503 = vector.broadcast %jit3A_501 : i32 to vector<16xi32>
      %max3A_504 = arith.maxsi %max3A_503, %convert_element_type3A_500 : vector<16xi32>
      %min3A_505 = vector.broadcast %jit3A_502 : i32 to vector<16xi32>
      %min3A_506 = arith.minsi %min3A_505, %max3A_504 : vector<16xi32>
      %mul3A_507 = arith.constant 256 : i32
      %mul3A_508 = vector.broadcast %mul3A_507 : i32 to vector<16xi32>
      %mul3A_509 = arith.muli %min3A_495, %mul3A_508 : vector<16xi32>
      %add3A_510 = arith.addi %mul3A_509, %min3A_506 : vector<16xi32>
      %reduce_max3A = arith.constant true
      %reduce_max3A_511 = vector.broadcast %reduce_max3A : i1 to vector<16xi1>
      %reduce_max3A_512 = arith.constant -2147483648 : i32
      %reduce_max3A_513 = vector.broadcast %reduce_max3A_512 : i32 to vector<16xi32>
      %reduce_max3A_514 = arith.xori %add3A_510, %reduce_max3A_513 : vector<16xi32>
      %reduce_max3A_515 = tpu.scan <max>, %reduce_max3A_514 masked %reduce_max3A_511 : vector<16xi32>, vector<16xi1> -> vector<16xi32>
      %reduce_max3A_516 = arith.xori %reduce_max3A_515, %reduce_max3A_513 : vector<16xi32>
      %reduce_max3A_517 = vector.extract %reduce_max3A_516[15] : i32 from vector<16xi32>
      %shift_right_arithmetic3A = arith.constant 8 : i32
      %shift_right_arithmetic3A_518 = arith.shrsi %reduce_max3A_517, %shift_right_arithmetic3A : i32
      %and3A_519 = arith.constant 255 : i32
      %and3A_520 = arith.andi %reduce_max3A_517, %and3A_519 : i32
      %add3A_521 = arith.constant 1 : i32
      %add3A_522 = arith.addi %and3A_520, %add3A_521 : i32
      %while3A = arith.subi %add3A_522, %shift_right_arithmetic3A_518 : i32
      %while3A_523 = arith.addi %shift_right_arithmetic3A_518, %while3A : i32
      %while3A_524 = arith.constant 1 : i32
      %while3A_525 = arith.divsi %while3A, %while3A_524 : i32
      %while3A_526 = arith.muli %while3A_525, %while3A_524 : i32
      %while3A_527 = arith.addi %shift_right_arithmetic3A_518, %while3A_526 : i32
      %while3A_528 = arith.constant 1 : i32
      %while3A_529 = scf.for %while3A_724 = %shift_right_arithmetic3A_518 to %while3A_527 step %while3A_528 iter_args(%while3A_725 = %mul3A_5) -> (vector<16xi32>)  : i32 {
        %mul3A_726 = arith.constant 16 : i32
        %mul3A_727 = arith.muli %while3A_724, %mul3A_726 : i32
        %add3A_728 = vector.broadcast %mul3A_727 : i32 to vector<16xi32>
        %add3A_729 = arith.addi %mul3A_5, %add3A_728 : vector<16xi32>
        %add3A_730 = arith.addi %add3A_729, %min3A_473 : vector<16xi32>
        %gather3A_731 = tpu.vector_load_idx %arg27[%add3A_730] : memref<272xi32, #tpu.memory_space<vmem>>[vector<16xi32>], vector<16xi32>,
        %add3A_732 = arith.addi %add3A_729, %min3A_484 : vector<16xi32>
        %add3A_733 = arith.constant 1 : i32
        %add3A_734 = vector.broadcast %add3A_733 : i32 to vector<16xi32>
        %add3A_735 = arith.addi %add3A_732, %add3A_734 : vector<16xi32>
        %gather3A_736 = tpu.vector_load_idx %arg27[%add3A_735] : memref<272xi32, #tpu.memory_space<vmem>>[vector<16xi32>], vector<16xi32>,
        %sub3A_737 = arith.subi %gather3A_736, %gather3A_731 : vector<16xi32>
        %reduce_max3A_738 = arith.constant true
        %reduce_max3A_739 = vector.broadcast %reduce_max3A_738 : i1 to vector<16xi1>
        %reduce_max3A_740 = arith.constant -2147483648 : i32
        %reduce_max3A_741 = vector.broadcast %reduce_max3A_740 : i32 to vector<16xi32>
        %reduce_max3A_742 = arith.xori %sub3A_737, %reduce_max3A_741 : vector<16xi32>
        %reduce_max3A_743 = tpu.scan <max>, %reduce_max3A_742 masked %reduce_max3A_739 : vector<16xi32>, vector<16xi1> -> vector<16xi32>
        %reduce_max3A_744 = arith.xori %reduce_max3A_743, %reduce_max3A_741 : vector<16xi32>
        %reduce_max3A_745 = vector.extract %reduce_max3A_744[15] : i32 from vector<16xi32>
        %add3A_746 = arith.constant 16 : i32
        %add3A_747 = arith.addi %reduce_max3A_745, %add3A_746 : i32
        %sub3A_748 = arith.constant 1 : i32
        %sub3A_749 = arith.subi %add3A_747, %sub3A_748 : i32
        %jit3A_750 = arith.constant 16 : i32
        %div3A_751 = arith.divsi %sub3A_749, %jit3A_750 : i32
        %sign3A_752 = arith.constant 0 : i32
        %sign3A_753 = arith.cmpi sgt, %sub3A_749, %sign3A_752 : i32
        %sign3A_754 = arith.extui %sign3A_753 : i1 to i32
        %sign3A_755 = arith.constant 0 : i32
        %sign3A_756 = arith.cmpi slt, %sub3A_749, %sign3A_755 : i32
        %sign3A_757 = arith.extui %sign3A_756 : i1 to i32
        %sign3A_758 = arith.subi %sign3A_754, %sign3A_757 : i32
        %sign3A_759 = arith.constant 0 : i32
        %sign3A_760 = arith.cmpi sgt, %jit3A_750, %sign3A_759 : i32
        %sign3A_761 = arith.extui %sign3A_760 : i1 to i32
        %sign3A_762 = arith.constant 0 : i32
        %sign3A_763 = arith.cmpi slt, %jit3A_750, %sign3A_762 : i32
        %sign3A_764 = arith.extui %sign3A_763 : i1 to i32
        %sign3A_765 = arith.subi %sign3A_761, %sign3A_764 : i32
        %ne3A_766 = arith.cmpi ne, %sign3A_758, %sign3A_765 : i32
        %rem3A_767 = arith.remsi %sub3A_749, %jit3A_750 : i32
        %ne3A_768 = arith.constant 0 : i32
        %ne3A_769 = arith.cmpi ne, %rem3A_767, %ne3A_768 : i32
        %and3A_770 = arith.andi %ne3A_766, %ne3A_769 : i1
        %sub3A_771 = arith.constant 1 : i32
        %sub3A_772 = arith.subi %div3A_751, %sub3A_771 : i32
        %select_n3A_773 = arith.select %and3A_770, %sub3A_772, %div3A_751 : i32
        %parallel_loop3A_774 = arith.constant 0 : i32
        %parallel_loop3A_775 = arith.constant 1 : i32
        %parallel_loop3A_776 = scf.for %parallel_loop3A_777 = %parallel_loop3A_774 to %select_n3A_773 step %parallel_loop3A_775 iter_args(%parallel_loop3A_778 = %while3A_725) -> (vector<16xi32>)  : i32 {
          %parallel_loop3A_779 = arith.addi %gather3A_731, %iota3A : vector<16xi32>
          %parallel_loop3A_780 = arith.constant 16 : i32
          %parallel_loop3A_781 = arith.muli %parallel_loop3A_777, %parallel_loop3A_780 : i32
          %parallel_loop3A_782 = vector.broadcast %parallel_loop3A_781 : i32 to vector<16xi32>
          %parallel_loop3A_783 = arith.addi %parallel_loop3A_779, %parallel_loop3A_782 : vector<16xi32>
          %parallel_loop3A_784 = arith.cmpi slt, %parallel_loop3A_783, %gather3A_736 : vector<16xi32>
          %parallel_loop3A_785 = arith.constant 0 : i32
          %parallel_loop3A_786 = vector.broadcast %parallel_loop3A_785 : i32 to vector<16xi32>
          %parallel_loop3A_787 = arith.select %parallel_loop3A_784, %parallel_loop3A_783, %parallel_loop3A_786 : vector<16xi1>, vector<16xi32>
          %parallel_loop3A_788 = tpu.vector_load_idx %arg22[%parallel_loop3A_787] : memref<4096xf32, #tpu.memory_space<vmem>>[vector<16xi32>], vector<16xf32>,
          %parallel_loop3A_789 = tpu.vector_load_idx %arg23[%parallel_loop3A_787] : memref<4096xf32, #tpu.memory_space<vmem>>[vector<16xi32>], vector<16xf32>,
          %parallel_loop3A_790 = tpu.vector_load_idx %arg24[%parallel_loop3A_787] : memref<4096xf32, #tpu.memory_space<vmem>>[vector<16xi32>], vector<16xf32>,
          %parallel_loop3A_791 = tpu.vector_load_idx %arg25[%parallel_loop3A_787] : memref<4096xi32, #tpu.memory_space<vmem>>[vector<16xi32>], vector<16xi32>,
          %parallel_loop3A_792 = arith.subf %parallel_loop3A_788, %gather3A_442 : vector<16xf32>
          %parallel_loop3A_793 = arith.subf %parallel_loop3A_789, %gather3A_448 : vector<16xf32>
          %parallel_loop3A_794 = arith.subf %parallel_loop3A_790, %gather3A_454 : vector<16xf32>
          %parallel_loop3A_795 = arith.mulf %parallel_loop3A_792, %parallel_loop3A_792 : vector<16xf32>
          %parallel_loop3A_796 = arith.mulf %parallel_loop3A_793, %parallel_loop3A_793 : vector<16xf32>
          %parallel_loop3A_797 = arith.addf %parallel_loop3A_795, %parallel_loop3A_796 : vector<16xf32>
          %parallel_loop3A_798 = arith.mulf %parallel_loop3A_794, %parallel_loop3A_794 : vector<16xf32>
          %parallel_loop3A_799 = arith.addf %parallel_loop3A_797, %parallel_loop3A_798 : vector<16xf32>
          %parallel_loop3A_800 = arith.cmpf ole, %parallel_loop3A_799, %mul3A_461 : vector<16xf32>
          %parallel_loop3A_801 = arith.andi %parallel_loop3A_800, %parallel_loop3A_784 : vector<16xi1>
          %parallel_loop3A_802 = tpu.all_reduce %parallel_loop3A_801 {dim = 0 : i64, kind = #tpu.reduction_kind<sum>} : vector<16xi1> -> vector<16xi32>
          %parallel_loop3A_803 = arith.extui %parallel_loop3A_801 : vector<16xi1> to vector<16xi32>
          %parallel_loop3A_804 = arith.constant true
          %parallel_loop3A_805 = vector.broadcast %parallel_loop3A_804 : i1 to vector<16xi1>
          %parallel_loop3A_806 = tpu.scan <sum>, %parallel_loop3A_803 masked %parallel_loop3A_805 : vector<16xi32>, vector<16xi1> -> vector<16xi32>
          %parallel_loop3A_807 = arith.addi %parallel_loop3A_778, %parallel_loop3A_806 : vector<16xi32>
          %parallel_loop3A_808 = arith.constant 1 : i32
          %parallel_loop3A_809 = vector.broadcast %parallel_loop3A_808 : i32 to vector<16xi32>
          %parallel_loop3A_810 = arith.subi %parallel_loop3A_807, %parallel_loop3A_809 : vector<16xi32>
          tpu.vector_store_idx %arg19[%parallel_loop3A_810], %parallel_loop3A_791 masked %parallel_loop3A_801 : memref<4112xi32, #tpu.memory_space<vmem>>[vector<16xi32>], vector<16xi32>, vector<16xi1>
          %parallel_loop3A_811 = arith.addi %parallel_loop3A_778, %parallel_loop3A_802 : vector<16xi32>
          scf.yield %parallel_loop3A_811 : vector<16xi32>
        } {sc.loop_unroll_factor = 1 : i64, sc.parallel_access}
        scf.yield %parallel_loop3A_776 : vector<16xi32>
      }
      %while3A_530 = arith.constant 1 : i32
      %while3A_531 = scf.for %while3A_724 = %while3A_527 to %while3A_523 step %while3A_530 iter_args(%while3A_725 = %while3A_529) -> (vector<16xi32>)  : i32 {
        %mul3A_726 = arith.constant 16 : i32
        %mul3A_727 = arith.muli %while3A_724, %mul3A_726 : i32
        %add3A_728 = vector.broadcast %mul3A_727 : i32 to vector<16xi32>
        %add3A_729 = arith.addi %mul3A_5, %add3A_728 : vector<16xi32>
        %add3A_730 = arith.addi %add3A_729, %min3A_473 : vector<16xi32>
        %gather3A_731 = tpu.vector_load_idx %arg27[%add3A_730] : memref<272xi32, #tpu.memory_space<vmem>>[vector<16xi32>], vector<16xi32>,
        %add3A_732 = arith.addi %add3A_729, %min3A_484 : vector<16xi32>
        %add3A_733 = arith.constant 1 : i32
        %add3A_734 = vector.broadcast %add3A_733 : i32 to vector<16xi32>
        %add3A_735 = arith.addi %add3A_732, %add3A_734 : vector<16xi32>
        %gather3A_736 = tpu.vector_load_idx %arg27[%add3A_735] : memref<272xi32, #tpu.memory_space<vmem>>[vector<16xi32>], vector<16xi32>,
        %sub3A_737 = arith.subi %gather3A_736, %gather3A_731 : vector<16xi32>
        %reduce_max3A_738 = arith.constant true
        %reduce_max3A_739 = vector.broadcast %reduce_max3A_738 : i1 to vector<16xi1>
        %reduce_max3A_740 = arith.constant -2147483648 : i32
        %reduce_max3A_741 = vector.broadcast %reduce_max3A_740 : i32 to vector<16xi32>
        %reduce_max3A_742 = arith.xori %sub3A_737, %reduce_max3A_741 : vector<16xi32>
        %reduce_max3A_743 = tpu.scan <max>, %reduce_max3A_742 masked %reduce_max3A_739 : vector<16xi32>, vector<16xi1> -> vector<16xi32>
        %reduce_max3A_744 = arith.xori %reduce_max3A_743, %reduce_max3A_741 : vector<16xi32>
        %reduce_max3A_745 = vector.extract %reduce_max3A_744[15] : i32 from vector<16xi32>
        %add3A_746 = arith.constant 16 : i32
        %add3A_747 = arith.addi %reduce_max3A_745, %add3A_746 : i32
        %sub3A_748 = arith.constant 1 : i32
        %sub3A_749 = arith.subi %add3A_747, %sub3A_748 : i32
        %jit3A_750 = arith.constant 16 : i32
        %div3A_751 = arith.divsi %sub3A_749, %jit3A_750 : i32
        %sign3A_752 = arith.constant 0 : i32
        %sign3A_753 = arith.cmpi sgt, %sub3A_749, %sign3A_752 : i32
        %sign3A_754 = arith.extui %sign3A_753 : i1 to i32
        %sign3A_755 = arith.constant 0 : i32
        %sign3A_756 = arith.cmpi slt, %sub3A_749, %sign3A_755 : i32
        %sign3A_757 = arith.extui %sign3A_756 : i1 to i32
        %sign3A_758 = arith.subi %sign3A_754, %sign3A_757 : i32
        %sign3A_759 = arith.constant 0 : i32
        %sign3A_760 = arith.cmpi sgt, %jit3A_750, %sign3A_759 : i32
        %sign3A_761 = arith.extui %sign3A_760 : i1 to i32
        %sign3A_762 = arith.constant 0 : i32
        %sign3A_763 = arith.cmpi slt, %jit3A_750, %sign3A_762 : i32
        %sign3A_764 = arith.extui %sign3A_763 : i1 to i32
        %sign3A_765 = arith.subi %sign3A_761, %sign3A_764 : i32
        %ne3A_766 = arith.cmpi ne, %sign3A_758, %sign3A_765 : i32
        %rem3A_767 = arith.remsi %sub3A_749, %jit3A_750 : i32
        %ne3A_768 = arith.constant 0 : i32
        %ne3A_769 = arith.cmpi ne, %rem3A_767, %ne3A_768 : i32
        %and3A_770 = arith.andi %ne3A_766, %ne3A_769 : i1
        %sub3A_771 = arith.constant 1 : i32
        %sub3A_772 = arith.subi %div3A_751, %sub3A_771 : i32
        %select_n3A_773 = arith.select %and3A_770, %sub3A_772, %div3A_751 : i32
        %parallel_loop3A_774 = arith.constant 0 : i32
        %parallel_loop3A_775 = arith.constant 1 : i32
        %parallel_loop3A_776 = scf.for %parallel_loop3A_777 = %parallel_loop3A_774 to %select_n3A_773 step %parallel_loop3A_775 iter_args(%parallel_loop3A_778 = %while3A_725) -> (vector<16xi32>)  : i32 {
          %parallel_loop3A_779 = arith.addi %gather3A_731, %iota3A : vector<16xi32>
          %parallel_loop3A_780 = arith.constant 16 : i32
          %parallel_loop3A_781 = arith.muli %parallel_loop3A_777, %parallel_loop3A_780 : i32
          %parallel_loop3A_782 = vector.broadcast %parallel_loop3A_781 : i32 to vector<16xi32>
          %parallel_loop3A_783 = arith.addi %parallel_loop3A_779, %parallel_loop3A_782 : vector<16xi32>
          %parallel_loop3A_784 = arith.cmpi slt, %parallel_loop3A_783, %gather3A_736 : vector<16xi32>
          %parallel_loop3A_785 = arith.constant 0 : i32
          %parallel_loop3A_786 = vector.broadcast %parallel_loop3A_785 : i32 to vector<16xi32>
          %parallel_loop3A_787 = arith.select %parallel_loop3A_784, %parallel_loop3A_783, %parallel_loop3A_786 : vector<16xi1>, vector<16xi32>
          %parallel_loop3A_788 = tpu.vector_load_idx %arg22[%parallel_loop3A_787] : memref<4096xf32, #tpu.memory_space<vmem>>[vector<16xi32>], vector<16xf32>,
          %parallel_loop3A_789 = tpu.vector_load_idx %arg23[%parallel_loop3A_787] : memref<4096xf32, #tpu.memory_space<vmem>>[vector<16xi32>], vector<16xf32>,
          %parallel_loop3A_790 = tpu.vector_load_idx %arg24[%parallel_loop3A_787] : memref<4096xf32, #tpu.memory_space<vmem>>[vector<16xi32>], vector<16xf32>,
          %parallel_loop3A_791 = tpu.vector_load_idx %arg25[%parallel_loop3A_787] : memref<4096xi32, #tpu.memory_space<vmem>>[vector<16xi32>], vector<16xi32>,
          %parallel_loop3A_792 = arith.subf %parallel_loop3A_788, %gather3A_442 : vector<16xf32>
          %parallel_loop3A_793 = arith.subf %parallel_loop3A_789, %gather3A_448 : vector<16xf32>
          %parallel_loop3A_794 = arith.subf %parallel_loop3A_790, %gather3A_454 : vector<16xf32>
          %parallel_loop3A_795 = arith.mulf %parallel_loop3A_792, %parallel_loop3A_792 : vector<16xf32>
          %parallel_loop3A_796 = arith.mulf %parallel_loop3A_793, %parallel_loop3A_793 : vector<16xf32>
          %parallel_loop3A_797 = arith.addf %parallel_loop3A_795, %parallel_loop3A_796 : vector<16xf32>
          %parallel_loop3A_798 = arith.mulf %parallel_loop3A_794, %parallel_loop3A_794 : vector<16xf32>
          %parallel_loop3A_799 = arith.addf %parallel_loop3A_797, %parallel_loop3A_798 : vector<16xf32>
          %parallel_loop3A_800 = arith.cmpf ole, %parallel_loop3A_799, %mul3A_461 : vector<16xf32>
          %parallel_loop3A_801 = arith.andi %parallel_loop3A_800, %parallel_loop3A_784 : vector<16xi1>
          %parallel_loop3A_802 = tpu.all_reduce %parallel_loop3A_801 {dim = 0 : i64, kind = #tpu.reduction_kind<sum>} : vector<16xi1> -> vector<16xi32>
          %parallel_loop3A_803 = arith.extui %parallel_loop3A_801 : vector<16xi1> to vector<16xi32>
          %parallel_loop3A_804 = arith.constant true
          %parallel_loop3A_805 = vector.broadcast %parallel_loop3A_804 : i1 to vector<16xi1>
          %parallel_loop3A_806 = tpu.scan <sum>, %parallel_loop3A_803 masked %parallel_loop3A_805 : vector<16xi32>, vector<16xi1> -> vector<16xi32>
          %parallel_loop3A_807 = arith.addi %parallel_loop3A_778, %parallel_loop3A_806 : vector<16xi32>
          %parallel_loop3A_808 = arith.constant 1 : i32
          %parallel_loop3A_809 = vector.broadcast %parallel_loop3A_808 : i32 to vector<16xi32>
          %parallel_loop3A_810 = arith.subi %parallel_loop3A_807, %parallel_loop3A_809 : vector<16xi32>
          tpu.vector_store_idx %arg19[%parallel_loop3A_810], %parallel_loop3A_791 masked %parallel_loop3A_801 : memref<4112xi32, #tpu.memory_space<vmem>>[vector<16xi32>], vector<16xi32>, vector<16xi1>
          %parallel_loop3A_811 = arith.addi %parallel_loop3A_778, %parallel_loop3A_802 : vector<16xi32>
          scf.yield %parallel_loop3A_811 : vector<16xi32>
        } {sc.loop_unroll_factor = 1 : i64, sc.parallel_access}
        scf.yield %parallel_loop3A_776 : vector<16xi32>
      }
      %reduce_max3A_532 = arith.constant true
      %reduce_max3A_533 = vector.broadcast %reduce_max3A_532 : i1 to vector<16xi1>
      %reduce_max3A_534 = arith.constant -2147483648 : i32
      %reduce_max3A_535 = vector.broadcast %reduce_max3A_534 : i32 to vector<16xi32>
      %reduce_max3A_536 = arith.xori %while3A_531, %reduce_max3A_535 : vector<16xi32>
      %reduce_max3A_537 = tpu.scan <max>, %reduce_max3A_536 masked %reduce_max3A_533 : vector<16xi32>, vector<16xi1> -> vector<16xi32>
      %reduce_max3A_538 = arith.xori %reduce_max3A_537, %reduce_max3A_535 : vector<16xi32>
      %reduce_max3A_539 = vector.extract %reduce_max3A_538[15] : i32 from vector<16xi32>
      %add3A_540 = arith.addi %while3A_531, %iota3A : vector<16xi32>
      tpu.vector_store_idx %arg19[%add3A_540], %mul3A_5 : memref<4112xi32, #tpu.memory_space<vmem>>[vector<16xi32>], vector<16xi32>,
      %swap3A_541 = arith.constant 0 : index
      %swap3A_542 = tpu.vector_load %arg20[%swap3A_541] {strides = array<i32>} : memref<1280xf32, #tpu.memory_space<vmem>>, vector<16xf32>,
      tpu.vector_store %arg20[%swap3A_541], %convert_element_type3A {strides = array<i32>} : memref<1280xf32, #tpu.memory_space<vmem>>, vector<16xf32>,
      %swap3A_543 = arith.constant 16 : index
      %swap3A_544 = tpu.vector_load %arg20[%swap3A_543] {strides = array<i32>} : memref<1280xf32, #tpu.memory_space<vmem>>, vector<16xf32>,
      tpu.vector_store %arg20[%swap3A_543], %convert_element_type3A {strides = array<i32>} : memref<1280xf32, #tpu.memory_space<vmem>>, vector<16xf32>,
      %swap3A_545 = arith.constant 32 : index
      %swap3A_546 = tpu.vector_load %arg20[%swap3A_545] {strides = array<i32>} : memref<1280xf32, #tpu.memory_space<vmem>>, vector<16xf32>,
      tpu.vector_store %arg20[%swap3A_545], %convert_element_type3A {strides = array<i32>} : memref<1280xf32, #tpu.memory_space<vmem>>, vector<16xf32>,
      %swap3A_547 = arith.constant 48 : index
      %swap3A_548 = tpu.vector_load %arg20[%swap3A_547] {strides = array<i32>} : memref<1280xf32, #tpu.memory_space<vmem>>, vector<16xf32>,
      tpu.vector_store %arg20[%swap3A_547], %convert_element_type3A {strides = array<i32>} : memref<1280xf32, #tpu.memory_space<vmem>>, vector<16xf32>,
      %swap3A_549 = arith.constant 64 : index
      %swap3A_550 = tpu.vector_load %arg20[%swap3A_549] {strides = array<i32>} : memref<1280xf32, #tpu.memory_space<vmem>>, vector<16xf32>,
      tpu.vector_store %arg20[%swap3A_549], %convert_element_type3A {strides = array<i32>} : memref<1280xf32, #tpu.memory_space<vmem>>, vector<16xf32>,
      %swap3A_551 = arith.constant 80 : index
      %swap3A_552 = tpu.vector_load %arg20[%swap3A_551] {strides = array<i32>} : memref<1280xf32, #tpu.memory_space<vmem>>, vector<16xf32>,
      tpu.vector_store %arg20[%swap3A_551], %convert_element_type3A {strides = array<i32>} : memref<1280xf32, #tpu.memory_space<vmem>>, vector<16xf32>,
      %swap3A_553 = arith.constant 96 : index
      %swap3A_554 = tpu.vector_load %arg20[%swap3A_553] {strides = array<i32>} : memref<1280xf32, #tpu.memory_space<vmem>>, vector<16xf32>,
      tpu.vector_store %arg20[%swap3A_553], %convert_element_type3A {strides = array<i32>} : memref<1280xf32, #tpu.memory_space<vmem>>, vector<16xf32>,
      %swap3A_555 = arith.constant 112 : index
      %swap3A_556 = tpu.vector_load %arg20[%swap3A_555] {strides = array<i32>} : memref<1280xf32, #tpu.memory_space<vmem>>, vector<16xf32>,
      tpu.vector_store %arg20[%swap3A_555], %convert_element_type3A {strides = array<i32>} : memref<1280xf32, #tpu.memory_space<vmem>>, vector<16xf32>,
      %swap3A_557 = arith.constant 128 : index
      %swap3A_558 = tpu.vector_load %arg20[%swap3A_557] {strides = array<i32>} : memref<1280xf32, #tpu.memory_space<vmem>>, vector<16xf32>,
      tpu.vector_store %arg20[%swap3A_557], %convert_element_type3A {strides = array<i32>} : memref<1280xf32, #tpu.memory_space<vmem>>, vector<16xf32>,
      %swap3A_559 = arith.constant 144 : index
      %swap3A_560 = tpu.vector_load %arg20[%swap3A_559] {strides = array<i32>} : memref<1280xf32, #tpu.memory_space<vmem>>, vector<16xf32>,
      tpu.vector_store %arg20[%swap3A_559], %convert_element_type3A {strides = array<i32>} : memref<1280xf32, #tpu.memory_space<vmem>>, vector<16xf32>,
      %swap3A_561 = arith.constant 160 : index
      %swap3A_562 = tpu.vector_load %arg20[%swap3A_561] {strides = array<i32>} : memref<1280xf32, #tpu.memory_space<vmem>>, vector<16xf32>,
      tpu.vector_store %arg20[%swap3A_561], %convert_element_type3A {strides = array<i32>} : memref<1280xf32, #tpu.memory_space<vmem>>, vector<16xf32>,
      %swap3A_563 = arith.constant 176 : index
      %swap3A_564 = tpu.vector_load %arg20[%swap3A_563] {strides = array<i32>} : memref<1280xf32, #tpu.memory_space<vmem>>, vector<16xf32>,
      tpu.vector_store %arg20[%swap3A_563], %convert_element_type3A {strides = array<i32>} : memref<1280xf32, #tpu.memory_space<vmem>>, vector<16xf32>,
      %swap3A_565 = arith.constant 192 : index
      %swap3A_566 = tpu.vector_load %arg20[%swap3A_565] {strides = array<i32>} : memref<1280xf32, #tpu.memory_space<vmem>>, vector<16xf32>,
      tpu.vector_store %arg20[%swap3A_565], %convert_element_type3A {strides = array<i32>} : memref<1280xf32, #tpu.memory_space<vmem>>, vector<16xf32>,
      %swap3A_567 = arith.constant 208 : index
      %swap3A_568 = tpu.vector_load %arg20[%swap3A_567] {strides = array<i32>} : memref<1280xf32, #tpu.memory_space<vmem>>, vector<16xf32>,
      tpu.vector_store %arg20[%swap3A_567], %convert_element_type3A {strides = array<i32>} : memref<1280xf32, #tpu.memory_space<vmem>>, vector<16xf32>,
      %swap3A_569 = arith.constant 224 : index
      %swap3A_570 = tpu.vector_load %arg20[%swap3A_569] {strides = array<i32>} : memref<1280xf32, #tpu.memory_space<vmem>>, vector<16xf32>,
      tpu.vector_store %arg20[%swap3A_569], %convert_element_type3A {strides = array<i32>} : memref<1280xf32, #tpu.memory_space<vmem>>, vector<16xf32>,
      %swap3A_571 = arith.constant 240 : index
      %swap3A_572 = tpu.vector_load %arg20[%swap3A_571] {strides = array<i32>} : memref<1280xf32, #tpu.memory_space<vmem>>, vector<16xf32>,
      tpu.vector_store %arg20[%swap3A_571], %convert_element_type3A {strides = array<i32>} : memref<1280xf32, #tpu.memory_space<vmem>>, vector<16xf32>,
      %swap3A_573 = arith.constant 256 : index
      %swap3A_574 = tpu.vector_load %arg20[%swap3A_573] {strides = array<i32>} : memref<1280xf32, #tpu.memory_space<vmem>>, vector<16xf32>,
      tpu.vector_store %arg20[%swap3A_573], %convert_element_type3A {strides = array<i32>} : memref<1280xf32, #tpu.memory_space<vmem>>, vector<16xf32>,
      %swap3A_575 = arith.constant 272 : index
      %swap3A_576 = tpu.vector_load %arg20[%swap3A_575] {strides = array<i32>} : memref<1280xf32, #tpu.memory_space<vmem>>, vector<16xf32>,
      tpu.vector_store %arg20[%swap3A_575], %convert_element_type3A {strides = array<i32>} : memref<1280xf32, #tpu.memory_space<vmem>>, vector<16xf32>,
      %swap3A_577 = arith.constant 288 : index
      %swap3A_578 = tpu.vector_load %arg20[%swap3A_577] {strides = array<i32>} : memref<1280xf32, #tpu.memory_space<vmem>>, vector<16xf32>,
      tpu.vector_store %arg20[%swap3A_577], %convert_element_type3A {strides = array<i32>} : memref<1280xf32, #tpu.memory_space<vmem>>, vector<16xf32>,
      %swap3A_579 = arith.constant 304 : index
      %swap3A_580 = tpu.vector_load %arg20[%swap3A_579] {strides = array<i32>} : memref<1280xf32, #tpu.memory_space<vmem>>, vector<16xf32>,
      tpu.vector_store %arg20[%swap3A_579], %convert_element_type3A {strides = array<i32>} : memref<1280xf32, #tpu.memory_space<vmem>>, vector<16xf32>,
      %swap3A_581 = arith.constant 320 : index
      %swap3A_582 = tpu.vector_load %arg20[%swap3A_581] {strides = array<i32>} : memref<1280xf32, #tpu.memory_space<vmem>>, vector<16xf32>,
      tpu.vector_store %arg20[%swap3A_581], %convert_element_type3A {strides = array<i32>} : memref<1280xf32, #tpu.memory_space<vmem>>, vector<16xf32>,
      %swap3A_583 = arith.constant 336 : index
      %swap3A_584 = tpu.vector_load %arg20[%swap3A_583] {strides = array<i32>} : memref<1280xf32, #tpu.memory_space<vmem>>, vector<16xf32>,
      tpu.vector_store %arg20[%swap3A_583], %convert_element_type3A {strides = array<i32>} : memref<1280xf32, #tpu.memory_space<vmem>>, vector<16xf32>,
      %swap3A_585 = arith.constant 352 : index
      %swap3A_586 = tpu.vector_load %arg20[%swap3A_585] {strides = array<i32>} : memref<1280xf32, #tpu.memory_space<vmem>>, vector<16xf32>,
      tpu.vector_store %arg20[%swap3A_585], %convert_element_type3A {strides = array<i32>} : memref<1280xf32, #tpu.memory_space<vmem>>, vector<16xf32>,
      %swap3A_587 = arith.constant 368 : index
      %swap3A_588 = tpu.vector_load %arg20[%swap3A_587] {strides = array<i32>} : memref<1280xf32, #tpu.memory_space<vmem>>, vector<16xf32>,
      tpu.vector_store %arg20[%swap3A_587], %convert_element_type3A {strides = array<i32>} : memref<1280xf32, #tpu.memory_space<vmem>>, vector<16xf32>,
      %swap3A_589 = arith.constant 384 : index
      %swap3A_590 = tpu.vector_load %arg20[%swap3A_589] {strides = array<i32>} : memref<1280xf32, #tpu.memory_space<vmem>>, vector<16xf32>,
      tpu.vector_store %arg20[%swap3A_589], %convert_element_type3A {strides = array<i32>} : memref<1280xf32, #tpu.memory_space<vmem>>, vector<16xf32>,
      %swap3A_591 = arith.constant 400 : index
      %swap3A_592 = tpu.vector_load %arg20[%swap3A_591] {strides = array<i32>} : memref<1280xf32, #tpu.memory_space<vmem>>, vector<16xf32>,
      tpu.vector_store %arg20[%swap3A_591], %convert_element_type3A {strides = array<i32>} : memref<1280xf32, #tpu.memory_space<vmem>>, vector<16xf32>,
      %swap3A_593 = arith.constant 416 : index
      %swap3A_594 = tpu.vector_load %arg20[%swap3A_593] {strides = array<i32>} : memref<1280xf32, #tpu.memory_space<vmem>>, vector<16xf32>,
      tpu.vector_store %arg20[%swap3A_593], %convert_element_type3A {strides = array<i32>} : memref<1280xf32, #tpu.memory_space<vmem>>, vector<16xf32>,
      %swap3A_595 = arith.constant 432 : index
      %swap3A_596 = tpu.vector_load %arg20[%swap3A_595] {strides = array<i32>} : memref<1280xf32, #tpu.memory_space<vmem>>, vector<16xf32>,
      tpu.vector_store %arg20[%swap3A_595], %convert_element_type3A {strides = array<i32>} : memref<1280xf32, #tpu.memory_space<vmem>>, vector<16xf32>,
      %swap3A_597 = arith.constant 448 : index
      %swap3A_598 = tpu.vector_load %arg20[%swap3A_597] {strides = array<i32>} : memref<1280xf32, #tpu.memory_space<vmem>>, vector<16xf32>,
      tpu.vector_store %arg20[%swap3A_597], %convert_element_type3A {strides = array<i32>} : memref<1280xf32, #tpu.memory_space<vmem>>, vector<16xf32>,
      %swap3A_599 = arith.constant 464 : index
      %swap3A_600 = tpu.vector_load %arg20[%swap3A_599] {strides = array<i32>} : memref<1280xf32, #tpu.memory_space<vmem>>, vector<16xf32>,
      tpu.vector_store %arg20[%swap3A_599], %convert_element_type3A {strides = array<i32>} : memref<1280xf32, #tpu.memory_space<vmem>>, vector<16xf32>,
      %swap3A_601 = arith.constant 480 : index
      %swap3A_602 = tpu.vector_load %arg20[%swap3A_601] {strides = array<i32>} : memref<1280xf32, #tpu.memory_space<vmem>>, vector<16xf32>,
      tpu.vector_store %arg20[%swap3A_601], %convert_element_type3A {strides = array<i32>} : memref<1280xf32, #tpu.memory_space<vmem>>, vector<16xf32>,
      %swap3A_603 = arith.constant 496 : index
      %swap3A_604 = tpu.vector_load %arg20[%swap3A_603] {strides = array<i32>} : memref<1280xf32, #tpu.memory_space<vmem>>, vector<16xf32>,
      tpu.vector_store %arg20[%swap3A_603], %convert_element_type3A {strides = array<i32>} : memref<1280xf32, #tpu.memory_space<vmem>>, vector<16xf32>,
      %swap3A_605 = arith.constant 512 : index
      %swap3A_606 = tpu.vector_load %arg20[%swap3A_605] {strides = array<i32>} : memref<1280xf32, #tpu.memory_space<vmem>>, vector<16xf32>,
      tpu.vector_store %arg20[%swap3A_605], %convert_element_type3A {strides = array<i32>} : memref<1280xf32, #tpu.memory_space<vmem>>, vector<16xf32>,
      %swap3A_607 = arith.constant 528 : index
      %swap3A_608 = tpu.vector_load %arg20[%swap3A_607] {strides = array<i32>} : memref<1280xf32, #tpu.memory_space<vmem>>, vector<16xf32>,
      tpu.vector_store %arg20[%swap3A_607], %convert_element_type3A {strides = array<i32>} : memref<1280xf32, #tpu.memory_space<vmem>>, vector<16xf32>,
      %swap3A_609 = arith.constant 544 : index
      %swap3A_610 = tpu.vector_load %arg20[%swap3A_609] {strides = array<i32>} : memref<1280xf32, #tpu.memory_space<vmem>>, vector<16xf32>,
      tpu.vector_store %arg20[%swap3A_609], %convert_element_type3A {strides = array<i32>} : memref<1280xf32, #tpu.memory_space<vmem>>, vector<16xf32>,
      %swap3A_611 = arith.constant 560 : index
      %swap3A_612 = tpu.vector_load %arg20[%swap3A_611] {strides = array<i32>} : memref<1280xf32, #tpu.memory_space<vmem>>, vector<16xf32>,
      tpu.vector_store %arg20[%swap3A_611], %convert_element_type3A {strides = array<i32>} : memref<1280xf32, #tpu.memory_space<vmem>>, vector<16xf32>,
      %swap3A_613 = arith.constant 576 : index
      %swap3A_614 = tpu.vector_load %arg20[%swap3A_613] {strides = array<i32>} : memref<1280xf32, #tpu.memory_space<vmem>>, vector<16xf32>,
      tpu.vector_store %arg20[%swap3A_613], %convert_element_type3A {strides = array<i32>} : memref<1280xf32, #tpu.memory_space<vmem>>, vector<16xf32>,
      %swap3A_615 = arith.constant 592 : index
      %swap3A_616 = tpu.vector_load %arg20[%swap3A_615] {strides = array<i32>} : memref<1280xf32, #tpu.memory_space<vmem>>, vector<16xf32>,
      tpu.vector_store %arg20[%swap3A_615], %convert_element_type3A {strides = array<i32>} : memref<1280xf32, #tpu.memory_space<vmem>>, vector<16xf32>,
      %swap3A_617 = arith.constant 608 : index
      %swap3A_618 = tpu.vector_load %arg20[%swap3A_617] {strides = array<i32>} : memref<1280xf32, #tpu.memory_space<vmem>>, vector<16xf32>,
      tpu.vector_store %arg20[%swap3A_617], %convert_element_type3A {strides = array<i32>} : memref<1280xf32, #tpu.memory_space<vmem>>, vector<16xf32>,
      %swap3A_619 = arith.constant 624 : index
      %swap3A_620 = tpu.vector_load %arg20[%swap3A_619] {strides = array<i32>} : memref<1280xf32, #tpu.memory_space<vmem>>, vector<16xf32>,
      tpu.vector_store %arg20[%swap3A_619], %convert_element_type3A {strides = array<i32>} : memref<1280xf32, #tpu.memory_space<vmem>>, vector<16xf32>,
      %swap3A_621 = arith.constant 640 : index
      %swap3A_622 = tpu.vector_load %arg20[%swap3A_621] {strides = array<i32>} : memref<1280xf32, #tpu.memory_space<vmem>>, vector<16xf32>,
      tpu.vector_store %arg20[%swap3A_621], %convert_element_type3A {strides = array<i32>} : memref<1280xf32, #tpu.memory_space<vmem>>, vector<16xf32>,
      %swap3A_623 = arith.constant 656 : index
      %swap3A_624 = tpu.vector_load %arg20[%swap3A_623] {strides = array<i32>} : memref<1280xf32, #tpu.memory_space<vmem>>, vector<16xf32>,
      tpu.vector_store %arg20[%swap3A_623], %convert_element_type3A {strides = array<i32>} : memref<1280xf32, #tpu.memory_space<vmem>>, vector<16xf32>,
      %swap3A_625 = arith.constant 672 : index
      %swap3A_626 = tpu.vector_load %arg20[%swap3A_625] {strides = array<i32>} : memref<1280xf32, #tpu.memory_space<vmem>>, vector<16xf32>,
      tpu.vector_store %arg20[%swap3A_625], %convert_element_type3A {strides = array<i32>} : memref<1280xf32, #tpu.memory_space<vmem>>, vector<16xf32>,
      %swap3A_627 = arith.constant 688 : index
      %swap3A_628 = tpu.vector_load %arg20[%swap3A_627] {strides = array<i32>} : memref<1280xf32, #tpu.memory_space<vmem>>, vector<16xf32>,
      tpu.vector_store %arg20[%swap3A_627], %convert_element_type3A {strides = array<i32>} : memref<1280xf32, #tpu.memory_space<vmem>>, vector<16xf32>,
      %swap3A_629 = arith.constant 704 : index
      %swap3A_630 = tpu.vector_load %arg20[%swap3A_629] {strides = array<i32>} : memref<1280xf32, #tpu.memory_space<vmem>>, vector<16xf32>,
      tpu.vector_store %arg20[%swap3A_629], %convert_element_type3A {strides = array<i32>} : memref<1280xf32, #tpu.memory_space<vmem>>, vector<16xf32>,
      %swap3A_631 = arith.constant 720 : index
      %swap3A_632 = tpu.vector_load %arg20[%swap3A_631] {strides = array<i32>} : memref<1280xf32, #tpu.memory_space<vmem>>, vector<16xf32>,
      tpu.vector_store %arg20[%swap3A_631], %convert_element_type3A {strides = array<i32>} : memref<1280xf32, #tpu.memory_space<vmem>>, vector<16xf32>,
      %swap3A_633 = arith.constant 736 : index
      %swap3A_634 = tpu.vector_load %arg20[%swap3A_633] {strides = array<i32>} : memref<1280xf32, #tpu.memory_space<vmem>>, vector<16xf32>,
      tpu.vector_store %arg20[%swap3A_633], %convert_element_type3A {strides = array<i32>} : memref<1280xf32, #tpu.memory_space<vmem>>, vector<16xf32>,
      %swap3A_635 = arith.constant 752 : index
      %swap3A_636 = tpu.vector_load %arg20[%swap3A_635] {strides = array<i32>} : memref<1280xf32, #tpu.memory_space<vmem>>, vector<16xf32>,
      tpu.vector_store %arg20[%swap3A_635], %convert_element_type3A {strides = array<i32>} : memref<1280xf32, #tpu.memory_space<vmem>>, vector<16xf32>,
      %swap3A_637 = arith.constant 768 : index
      %swap3A_638 = tpu.vector_load %arg20[%swap3A_637] {strides = array<i32>} : memref<1280xf32, #tpu.memory_space<vmem>>, vector<16xf32>,
      tpu.vector_store %arg20[%swap3A_637], %convert_element_type3A {strides = array<i32>} : memref<1280xf32, #tpu.memory_space<vmem>>, vector<16xf32>,
      %swap3A_639 = arith.constant 784 : index
      %swap3A_640 = tpu.vector_load %arg20[%swap3A_639] {strides = array<i32>} : memref<1280xf32, #tpu.memory_space<vmem>>, vector<16xf32>,
      tpu.vector_store %arg20[%swap3A_639], %convert_element_type3A {strides = array<i32>} : memref<1280xf32, #tpu.memory_space<vmem>>, vector<16xf32>,
      %swap3A_641 = arith.constant 800 : index
      %swap3A_642 = tpu.vector_load %arg20[%swap3A_641] {strides = array<i32>} : memref<1280xf32, #tpu.memory_space<vmem>>, vector<16xf32>,
      tpu.vector_store %arg20[%swap3A_641], %convert_element_type3A {strides = array<i32>} : memref<1280xf32, #tpu.memory_space<vmem>>, vector<16xf32>,
      %swap3A_643 = arith.constant 816 : index
      %swap3A_644 = tpu.vector_load %arg20[%swap3A_643] {strides = array<i32>} : memref<1280xf32, #tpu.memory_space<vmem>>, vector<16xf32>,
      tpu.vector_store %arg20[%swap3A_643], %convert_element_type3A {strides = array<i32>} : memref<1280xf32, #tpu.memory_space<vmem>>, vector<16xf32>,
      %swap3A_645 = arith.constant 832 : index
      %swap3A_646 = tpu.vector_load %arg20[%swap3A_645] {strides = array<i32>} : memref<1280xf32, #tpu.memory_space<vmem>>, vector<16xf32>,
      tpu.vector_store %arg20[%swap3A_645], %convert_element_type3A {strides = array<i32>} : memref<1280xf32, #tpu.memory_space<vmem>>, vector<16xf32>,
      %swap3A_647 = arith.constant 848 : index
      %swap3A_648 = tpu.vector_load %arg20[%swap3A_647] {strides = array<i32>} : memref<1280xf32, #tpu.memory_space<vmem>>, vector<16xf32>,
      tpu.vector_store %arg20[%swap3A_647], %convert_element_type3A {strides = array<i32>} : memref<1280xf32, #tpu.memory_space<vmem>>, vector<16xf32>,
      %add3A_649 = arith.constant 16 : i32
      %add3A_650 = arith.addi %reduce_max3A_539, %add3A_649 : i32
      %sub3A_651 = arith.constant 1 : i32
      %sub3A_652 = arith.subi %add3A_650, %sub3A_651 : i32
      %jit3A_653 = arith.constant 16 : i32
      %div3A_654 = arith.divsi %sub3A_652, %jit3A_653 : i32
      %sign3A_655 = arith.constant 0 : i32
      %sign3A_656 = arith.cmpi sgt, %sub3A_652, %sign3A_655 : i32
      %sign3A_657 = arith.extui %sign3A_656 : i1 to i32
      %sign3A_658 = arith.constant 0 : i32
      %sign3A_659 = arith.cmpi slt, %sub3A_652, %sign3A_658 : i32
      %sign3A_660 = arith.extui %sign3A_659 : i1 to i32
      %sign3A_661 = arith.subi %sign3A_657, %sign3A_660 : i32
      %sign3A_662 = arith.constant 0 : i32
      %sign3A_663 = arith.cmpi sgt, %jit3A_653, %sign3A_662 : i32
      %sign3A_664 = arith.extui %sign3A_663 : i1 to i32
      %sign3A_665 = arith.constant 0 : i32
      %sign3A_666 = arith.cmpi slt, %jit3A_653, %sign3A_665 : i32
      %sign3A_667 = arith.extui %sign3A_666 : i1 to i32
      %sign3A_668 = arith.subi %sign3A_664, %sign3A_667 : i32
      %ne3A_669 = arith.cmpi ne, %sign3A_661, %sign3A_668 : i32
      %rem3A_670 = arith.remsi %sub3A_652, %jit3A_653 : i32
      %ne3A_671 = arith.constant 0 : i32
      %ne3A_672 = arith.cmpi ne, %rem3A_670, %ne3A_671 : i32
      %and3A_673 = arith.andi %ne3A_669, %ne3A_672 : i1
      %sub3A_674 = arith.constant 1 : i32
      %sub3A_675 = arith.subi %div3A_654, %sub3A_674 : i32
      %select_n3A_676 = arith.select %and3A_673, %sub3A_675, %div3A_654 : i32
      %parallel_loop3A = arith.constant 0 : i32
      %parallel_loop3A_677 = arith.constant 1 : i32
      scf.for %parallel_loop3A_724 = %parallel_loop3A to %select_n3A_676 step %parallel_loop3A_677  : i32 {
        %parallel_loop3A_725 = arith.constant 16 : i32
        %parallel_loop3A_726 = arith.muli %parallel_loop3A_724, %parallel_loop3A_725 : i32
        %parallel_loop3A_727 = arith.index_cast %parallel_loop3A_726 : i32 to index
        %parallel_loop3A_728 = tpu.vector_load %arg19[%parallel_loop3A_727] {strides = array<i32>} : memref<4112xi32, #tpu.memory_space<vmem>>, vector<16xi32>,
        %parallel_loop3A_729 = tpu.vector_load_idx %arg11[%parallel_loop3A_728] : memref<4096xf32, #tpu.memory_space<vmem>>[vector<16xi32>], vector<16xf32>,
        %parallel_loop3A_730 = tpu.vector_load_idx %arg12[%parallel_loop3A_728] : memref<4096xf32, #tpu.memory_space<vmem>>[vector<16xi32>], vector<16xf32>,
        %parallel_loop3A_731 = tpu.vector_load_idx %arg13[%parallel_loop3A_728] : memref<4096xf32, #tpu.memory_space<vmem>>[vector<16xi32>], vector<16xf32>,
        %parallel_loop3A_732 = arith.subf %parallel_loop3A_729, %gather3A_442 : vector<16xf32>
        %parallel_loop3A_733 = arith.subf %parallel_loop3A_730, %gather3A_448 : vector<16xf32>
        %parallel_loop3A_734 = arith.subf %parallel_loop3A_731, %gather3A_454 : vector<16xf32>
        %parallel_loop3A_735 = arith.mulf %parallel_loop3A_732, %parallel_loop3A_732 : vector<16xf32>
        %parallel_loop3A_736 = arith.mulf %parallel_loop3A_733, %parallel_loop3A_733 : vector<16xf32>
        %parallel_loop3A_737 = arith.addf %parallel_loop3A_735, %parallel_loop3A_736 : vector<16xf32>
        %parallel_loop3A_738 = arith.mulf %parallel_loop3A_734, %parallel_loop3A_734 : vector<16xf32>
        %parallel_loop3A_739 = arith.addf %parallel_loop3A_737, %parallel_loop3A_738 : vector<16xf32>
        %parallel_loop3A_740 = arith.constant 9.99999968E-21 : f32
        %parallel_loop3A_741 = vector.broadcast %parallel_loop3A_740 : f32 to vector<16xf32>
        %parallel_loop3A_742 = arith.maximumf %parallel_loop3A_739, %parallel_loop3A_741 : vector<16xf32>
        %parallel_loop3A_743 = vector.bitcast %parallel_loop3A_742 : vector<16xf32> to vector<16xi32>
        %parallel_loop3A_744 = arith.constant 1 : i32
        %parallel_loop3A_745 = vector.broadcast %parallel_loop3A_744 : i32 to vector<16xi32>
        %parallel_loop3A_746 = arith.shrsi %parallel_loop3A_743, %parallel_loop3A_745 : vector<16xi32>
        %parallel_loop3A_747 = arith.constant 1597463007 : i32
        %parallel_loop3A_748 = vector.broadcast %parallel_loop3A_747 : i32 to vector<16xi32>
        %parallel_loop3A_749 = arith.subi %parallel_loop3A_748, %parallel_loop3A_746 : vector<16xi32>
        %parallel_loop3A_750 = vector.bitcast %parallel_loop3A_749 : vector<16xi32> to vector<16xf32>
        %parallel_loop3A_751 = arith.constant 5.000000e-01 : f32
        %parallel_loop3A_752 = vector.broadcast %parallel_loop3A_751 : f32 to vector<16xf32>
        %parallel_loop3A_753 = arith.mulf %parallel_loop3A_752, %parallel_loop3A_742 : vector<16xf32>
        %parallel_loop3A_754 = arith.mulf %parallel_loop3A_753, %parallel_loop3A_750 : vector<16xf32>
        %parallel_loop3A_755 = arith.mulf %parallel_loop3A_754, %parallel_loop3A_750 : vector<16xf32>
        %parallel_loop3A_756 = arith.constant 1.500000e+00 : f32
        %parallel_loop3A_757 = vector.broadcast %parallel_loop3A_756 : f32 to vector<16xf32>
        %parallel_loop3A_758 = arith.subf %parallel_loop3A_757, %parallel_loop3A_755 : vector<16xf32>
        %parallel_loop3A_759 = arith.mulf %parallel_loop3A_750, %parallel_loop3A_758 : vector<16xf32>
        %parallel_loop3A_760 = arith.constant 5.000000e-01 : f32
        %parallel_loop3A_761 = vector.broadcast %parallel_loop3A_760 : f32 to vector<16xf32>
        %parallel_loop3A_762 = arith.mulf %parallel_loop3A_761, %parallel_loop3A_742 : vector<16xf32>
        %parallel_loop3A_763 = arith.mulf %parallel_loop3A_762, %parallel_loop3A_759 : vector<16xf32>
        %parallel_loop3A_764 = arith.mulf %parallel_loop3A_763, %parallel_loop3A_759 : vector<16xf32>
        %parallel_loop3A_765 = arith.constant 1.500000e+00 : f32
        %parallel_loop3A_766 = vector.broadcast %parallel_loop3A_765 : f32 to vector<16xf32>
        %parallel_loop3A_767 = arith.subf %parallel_loop3A_766, %parallel_loop3A_764 : vector<16xf32>
        %parallel_loop3A_768 = arith.mulf %parallel_loop3A_759, %parallel_loop3A_767 : vector<16xf32>
        %parallel_loop3A_769 = arith.mulf %parallel_loop3A_742, %parallel_loop3A_768 : vector<16xf32>
        %parallel_loop3A_770 = arith.mulf %parallel_loop3A_732, %div3A_464 : vector<16xf32>
        %parallel_loop3A_771 = arith.mulf %parallel_loop3A_733, %div3A_464 : vector<16xf32>
        %parallel_loop3A_772 = arith.mulf %parallel_loop3A_734, %div3A_464 : vector<16xf32>
        %parallel_loop3A_773 = arith.mulf %parallel_loop3A_769, %div3A_464 : vector<16xf32>
        %parallel_loop3A_774 = math.absf %parallel_loop3A_770 : vector<16xf32>
        %parallel_loop3A_775 = math.absf %parallel_loop3A_771 : vector<16xf32>
        %parallel_loop3A_776 = arith.maximumf %parallel_loop3A_774, %parallel_loop3A_775 : vector<16xf32>
        %parallel_loop3A_777 = math.absf %parallel_loop3A_772 : vector<16xf32>
        %parallel_loop3A_778 = arith.maximumf %parallel_loop3A_776, %parallel_loop3A_777 : vector<16xf32>
        %parallel_loop3A_779 = arith.constant 9.99999993E-9 : f32
        %parallel_loop3A_780 = vector.broadcast %parallel_loop3A_779 : f32 to vector<16xf32>
        %parallel_loop3A_781 = arith.cmpf ogt, %parallel_loop3A_778, %parallel_loop3A_780 : vector<16xf32>
        %parallel_loop3A_782 = arith.constant 9.99999993E-9 : f32
        %parallel_loop3A_783 = vector.broadcast %parallel_loop3A_782 : f32 to vector<16xf32>
        %parallel_loop3A_784 = arith.maximumf %parallel_loop3A_778, %parallel_loop3A_783 : vector<16xf32>
        %parallel_loop3A_785 = arith.divf %parallel_loop3A_773, %parallel_loop3A_784 : vector<16xf32>
        %parallel_loop3A_786 = arith.constant 0.000000e+00 : f32
        %parallel_loop3A_787 = vector.broadcast %parallel_loop3A_786 : f32 to vector<16xf32>
        %parallel_loop3A_788 = arith.select %parallel_loop3A_781, %parallel_loop3A_785, %parallel_loop3A_787 : vector<16xi1>, vector<16xf32>
        %parallel_loop3A_789 = arith.mulf %parallel_loop3A_770, %parallel_loop3A_788 : vector<16xf32>
        %parallel_loop3A_790 = arith.constant 1.000000e+00 : f32
        %parallel_loop3A_791 = vector.broadcast %parallel_loop3A_790 : f32 to vector<16xf32>
        %parallel_loop3A_792 = arith.addf %parallel_loop3A_789, %parallel_loop3A_791 : vector<16xf32>
        %parallel_loop3A_793 = arith.constant 0.000000e+00 : f32
        %parallel_loop3A_794 = arith.constant 2.000000e+00 : f32
        %parallel_loop3A_795 = vector.broadcast %parallel_loop3A_793 : f32 to vector<16xf32>
        %parallel_loop3A_796 = arith.maximumf %parallel_loop3A_795, %parallel_loop3A_792 : vector<16xf32>
        %parallel_loop3A_797 = vector.broadcast %parallel_loop3A_794 : f32 to vector<16xf32>
        %parallel_loop3A_798 = arith.minimumf %parallel_loop3A_797, %parallel_loop3A_796 : vector<16xf32>
        %parallel_loop3A_799 = arith.mulf %parallel_loop3A_771, %parallel_loop3A_788 : vector<16xf32>
        %parallel_loop3A_800 = arith.constant 1.000000e+00 : f32
        %parallel_loop3A_801 = vector.broadcast %parallel_loop3A_800 : f32 to vector<16xf32>
        %parallel_loop3A_802 = arith.addf %parallel_loop3A_799, %parallel_loop3A_801 : vector<16xf32>
        %parallel_loop3A_803 = arith.constant 0.000000e+00 : f32
        %parallel_loop3A_804 = arith.constant 2.000000e+00 : f32
        %parallel_loop3A_805 = vector.broadcast %parallel_loop3A_803 : f32 to vector<16xf32>
        %parallel_loop3A_806 = arith.maximumf %parallel_loop3A_805, %parallel_loop3A_802 : vector<16xf32>
        %parallel_loop3A_807 = vector.broadcast %parallel_loop3A_804 : f32 to vector<16xf32>
        %parallel_loop3A_808 = arith.minimumf %parallel_loop3A_807, %parallel_loop3A_806 : vector<16xf32>
        %parallel_loop3A_809 = arith.mulf %parallel_loop3A_772, %parallel_loop3A_788 : vector<16xf32>
        %parallel_loop3A_810 = arith.constant 1.000000e+00 : f32
        %parallel_loop3A_811 = vector.broadcast %parallel_loop3A_810 : f32 to vector<16xf32>
        %parallel_loop3A_812 = arith.addf %parallel_loop3A_809, %parallel_loop3A_811 : vector<16xf32>
        %parallel_loop3A_813 = arith.constant 0.000000e+00 : f32
        %parallel_loop3A_814 = arith.constant 2.000000e+00 : f32
        %parallel_loop3A_815 = vector.broadcast %parallel_loop3A_813 : f32 to vector<16xf32>
        %parallel_loop3A_816 = arith.maximumf %parallel_loop3A_815, %parallel_loop3A_812 : vector<16xf32>
        %parallel_loop3A_817 = vector.broadcast %parallel_loop3A_814 : f32 to vector<16xf32>
        %parallel_loop3A_818 = arith.minimumf %parallel_loop3A_817, %parallel_loop3A_816 : vector<16xf32>
        %parallel_loop3A_819 = arith.fptosi %parallel_loop3A_798 : vector<16xf32> to vector<16xi32>
        %parallel_loop3A_820 = arith.fptosi %parallel_loop3A_808 : vector<16xf32> to vector<16xi32>
        %parallel_loop3A_821 = arith.fptosi %parallel_loop3A_818 : vector<16xf32> to vector<16xi32>
        %parallel_loop3A_822 = arith.sitofp %parallel_loop3A_819 : vector<16xi32> to vector<16xf32>
        %parallel_loop3A_823 = arith.subf %parallel_loop3A_798, %parallel_loop3A_822 : vector<16xf32>
        %parallel_loop3A_824 = arith.sitofp %parallel_loop3A_820 : vector<16xi32> to vector<16xf32>
        %parallel_loop3A_825 = arith.subf %parallel_loop3A_808, %parallel_loop3A_824 : vector<16xf32>
        %parallel_loop3A_826 = arith.sitofp %parallel_loop3A_821 : vector<16xi32> to vector<16xf32>
        %parallel_loop3A_827 = arith.subf %parallel_loop3A_818, %parallel_loop3A_826 : vector<16xf32>
        %parallel_loop3A_828 = arith.constant 9 : i32
        %parallel_loop3A_829 = vector.broadcast %parallel_loop3A_828 : i32 to vector<16xi32>
        %parallel_loop3A_830 = arith.muli %parallel_loop3A_819, %parallel_loop3A_829 : vector<16xi32>
        %parallel_loop3A_831 = arith.constant 3 : i32
        %parallel_loop3A_832 = vector.broadcast %parallel_loop3A_831 : i32 to vector<16xi32>
        %parallel_loop3A_833 = arith.muli %parallel_loop3A_820, %parallel_loop3A_832 : vector<16xi32>
        %parallel_loop3A_834 = arith.addi %parallel_loop3A_830, %parallel_loop3A_833 : vector<16xi32>
        %parallel_loop3A_835 = arith.addi %parallel_loop3A_834, %parallel_loop3A_821 : vector<16xi32>
        %parallel_loop3A_836 = arith.constant 32 : i32
        %parallel_loop3A_837 = vector.broadcast %parallel_loop3A_836 : i32 to vector<16xi32>
        %parallel_loop3A_838 = arith.muli %parallel_loop3A_835, %parallel_loop3A_837 : vector<16xi32>
        %parallel_loop3A_839 = arith.constant 16 : i32
        %parallel_loop3A_840 = vector.broadcast %parallel_loop3A_839 : i32 to vector<16xi32>
        %parallel_loop3A_841 = arith.muli %parallel_loop3A_728, %parallel_loop3A_840 : vector<16xi32>
        %parallel_loop3A_842 = vector.broadcast %parallel_loop3A_726 : i32 to vector<16xi32>
        %parallel_loop3A_843 = arith.addi %iota3A, %parallel_loop3A_842 : vector<16xi32>
        %parallel_loop3A_844 = arith.cmpi slt, %parallel_loop3A_843, %while3A_531 : vector<16xi32>
        %parallel_loop3A_845 = arith.extui %parallel_loop3A_844 : vector<16xi1> to vector<16xi32>
        %parallel_loop3A_846 = arith.sitofp %parallel_loop3A_845 : vector<16xi32> to vector<16xf32>
        %parallel_loop3A_847 = arith.constant 0 : i32
        %parallel_loop3A_848 = vector.broadcast %parallel_loop3A_847 : i32 to vector<16xi32>
        %parallel_loop3A_849 = arith.addi %mul3A_5, %parallel_loop3A_848 : vector<16xi32>
        %parallel_loop3A_850 = vector.shape_cast %parallel_loop3A_849 : vector<16xi32> to vector<16x1xi32>
        %parallel_loop3A_851 = vector.shape_cast %parallel_loop3A_850 : vector<16x1xi32> to vector<16xi32>
        %parallel_loop3A_852 = tpu.dynamic_gather %parallel_loop3A_841[%parallel_loop3A_851] in [0] : vector<16xi32>, vector<16xi32> -> vector<16xi32>
        %parallel_loop3A_853 = arith.addi %parallel_loop3A_852, %iota3A : vector<16xi32>
        %parallel_loop3A_854 = tpu.vector_load_idx %arg14[%parallel_loop3A_853] : memref<65536xi32, #tpu.memory_space<vmem>>[vector<16xi32>], vector<16xi32>,
        %parallel_loop3A_855 = vector.bitcast %parallel_loop3A_854 : vector<16xi32> to vector<32xbf16>
        %parallel_loop3A_856 = tpu.unpack_subelements %parallel_loop3A_855, 0 {pack_format = #tpu.pack_format<interleaved>} : vector<32xbf16> -> vector<16xf32>
        %parallel_loop3A_857 = tpu.unpack_subelements %parallel_loop3A_855, 1 {pack_format = #tpu.pack_format<interleaved>} : vector<32xbf16> -> vector<16xf32>
        %parallel_loop3A_858 = vector.shape_cast %parallel_loop3A_849 : vector<16xi32> to vector<16x1xi32>
        %parallel_loop3A_859 = vector.shape_cast %parallel_loop3A_858 : vector<16x1xi32> to vector<16xi32>
        %parallel_loop3A_860 = tpu.dynamic_gather %parallel_loop3A_823[%parallel_loop3A_859] in [0] : vector<16xf32>, vector<16xi32> -> vector<16xf32>
        %parallel_loop3A_861 = vector.shape_cast %parallel_loop3A_849 : vector<16xi32> to vector<16x1xi32>
        %parallel_loop3A_862 = vector.shape_cast %parallel_loop3A_861 : vector<16x1xi32> to vector<16xi32>
        %parallel_loop3A_863 = tpu.dynamic_gather %parallel_loop3A_825[%parallel_loop3A_862] in [0] : vector<16xf32>, vector<16xi32> -> vector<16xf32>
        %parallel_loop3A_864 = vector.shape_cast %parallel_loop3A_849 : vector<16xi32> to vector<16x1xi32>
        %parallel_loop3A_865 = vector.shape_cast %parallel_loop3A_864 : vector<16x1xi32> to vector<16xi32>
        %parallel_loop3A_866 = tpu.dynamic_gather %parallel_loop3A_827[%parallel_loop3A_865] in [0] : vector<16xf32>, vector<16xi32> -> vector<16xf32>
        %parallel_loop3A_867 = vector.shape_cast %parallel_loop3A_849 : vector<16xi32> to vector<16x1xi32>
        %parallel_loop3A_868 = vector.shape_cast %parallel_loop3A_867 : vector<16x1xi32> to vector<16xi32>
        %parallel_loop3A_869 = tpu.dynamic_gather %parallel_loop3A_846[%parallel_loop3A_868] in [0] : vector<16xf32>, vector<16xi32> -> vector<16xf32>
        %parallel_loop3A_870 = vector.shape_cast %parallel_loop3A_849 : vector<16xi32> to vector<16x1xi32>
        %parallel_loop3A_871 = vector.shape_cast %parallel_loop3A_870 : vector<16x1xi32> to vector<16xi32>
        %parallel_loop3A_872 = tpu.dynamic_gather %parallel_loop3A_838[%parallel_loop3A_871] in [0] : vector<16xi32>, vector<16xi32> -> vector<16xi32>
        %parallel_loop3A_873 = arith.addi %parallel_loop3A_872, %iota3A : vector<16xi32>
        %parallel_loop3A_874 = arith.mulf %parallel_loop3A_860, %parallel_loop3A_869 : vector<16xf32>
        %parallel_loop3A_875 = arith.subf %parallel_loop3A_869, %parallel_loop3A_874 : vector<16xf32>
        %parallel_loop3A_876 = arith.mulf %parallel_loop3A_860, %parallel_loop3A_869 : vector<16xf32>
        %parallel_loop3A_877 = arith.constant 1.000000e+00 : f32
        %parallel_loop3A_878 = vector.broadcast %parallel_loop3A_877 : f32 to vector<16xf32>
        %parallel_loop3A_879 = arith.subf %parallel_loop3A_878, %parallel_loop3A_863 : vector<16xf32>
        %parallel_loop3A_880 = arith.constant 1.000000e+00 : f32
        %parallel_loop3A_881 = vector.broadcast %parallel_loop3A_880 : f32 to vector<16xf32>
        %parallel_loop3A_882 = arith.subf %parallel_loop3A_881, %parallel_loop3A_866 : vector<16xf32>
        %parallel_loop3A_883 = arith.mulf %parallel_loop3A_879, %parallel_loop3A_882 : vector<16xf32>
        %parallel_loop3A_884 = arith.mulf %parallel_loop3A_863, %parallel_loop3A_882 : vector<16xf32>
        %parallel_loop3A_885 = arith.mulf %parallel_loop3A_879, %parallel_loop3A_866 : vector<16xf32>
        %parallel_loop3A_886 = arith.mulf %parallel_loop3A_863, %parallel_loop3A_866 : vector<16xf32>
        %parallel_loop3A_887 = arith.mulf %parallel_loop3A_875, %parallel_loop3A_883 : vector<16xf32>
        %parallel_loop3A_888 = arith.constant 0 : i32
        %parallel_loop3A_889 = vector.broadcast %parallel_loop3A_888 : i32 to vector<16xi32>
        %parallel_loop3A_890 = arith.addi %parallel_loop3A_873, %parallel_loop3A_889 : vector<16xi32>
        %parallel_loop3A_891 = arith.mulf %parallel_loop3A_887, %parallel_loop3A_856 : vector<16xf32>
        tpu.vector_store_idx %arg20[%parallel_loop3A_890], %parallel_loop3A_891 {add = true} : memref<1280xf32, #tpu.memory_space<vmem>>[vector<16xi32>], vector<16xf32>,
        %parallel_loop3A_892 = arith.constant 16 : i32
        %parallel_loop3A_893 = vector.broadcast %parallel_loop3A_892 : i32 to vector<16xi32>
        %parallel_loop3A_894 = arith.addi %parallel_loop3A_873, %parallel_loop3A_893 : vector<16xi32>
        %parallel_loop3A_895 = arith.mulf %parallel_loop3A_887, %parallel_loop3A_857 : vector<16xf32>
        tpu.vector_store_idx %arg20[%parallel_loop3A_894], %parallel_loop3A_895 {add = true} : memref<1280xf32, #tpu.memory_space<vmem>>[vector<16xi32>], vector<16xf32>,
        %parallel_loop3A_896 = arith.mulf %parallel_loop3A_875, %parallel_loop3A_885 : vector<16xf32>
        %parallel_loop3A_897 = arith.constant 32 : i32
        %parallel_loop3A_898 = vector.broadcast %parallel_loop3A_897 : i32 to vector<16xi32>
        %parallel_loop3A_899 = arith.addi %parallel_loop3A_873, %parallel_loop3A_898 : vector<16xi32>
        %parallel_loop3A_900 = arith.mulf %parallel_loop3A_896, %parallel_loop3A_856 : vector<16xf32>
        tpu.vector_store_idx %arg20[%parallel_loop3A_899], %parallel_loop3A_900 {add = true} : memref<1280xf32, #tpu.memory_space<vmem>>[vector<16xi32>], vector<16xf32>,
        %parallel_loop3A_901 = arith.constant 48 : i32
        %parallel_loop3A_902 = vector.broadcast %parallel_loop3A_901 : i32 to vector<16xi32>
        %parallel_loop3A_903 = arith.addi %parallel_loop3A_873, %parallel_loop3A_902 : vector<16xi32>
        %parallel_loop3A_904 = arith.mulf %parallel_loop3A_896, %parallel_loop3A_857 : vector<16xf32>
        tpu.vector_store_idx %arg20[%parallel_loop3A_903], %parallel_loop3A_904 {add = true} : memref<1280xf32, #tpu.memory_space<vmem>>[vector<16xi32>], vector<16xf32>,
        %parallel_loop3A_905 = arith.mulf %parallel_loop3A_875, %parallel_loop3A_884 : vector<16xf32>
        %parallel_loop3A_906 = arith.constant 96 : i32
        %parallel_loop3A_907 = vector.broadcast %parallel_loop3A_906 : i32 to vector<16xi32>
        %parallel_loop3A_908 = arith.addi %parallel_loop3A_873, %parallel_loop3A_907 : vector<16xi32>
        %parallel_loop3A_909 = arith.mulf %parallel_loop3A_905, %parallel_loop3A_856 : vector<16xf32>
        tpu.vector_store_idx %arg20[%parallel_loop3A_908], %parallel_loop3A_909 {add = true} : memref<1280xf32, #tpu.memory_space<vmem>>[vector<16xi32>], vector<16xf32>,
        %parallel_loop3A_910 = arith.constant 112 : i32
        %parallel_loop3A_911 = vector.broadcast %parallel_loop3A_910 : i32 to vector<16xi32>
        %parallel_loop3A_912 = arith.addi %parallel_loop3A_873, %parallel_loop3A_911 : vector<16xi32>
        %parallel_loop3A_913 = arith.mulf %parallel_loop3A_905, %parallel_loop3A_857 : vector<16xf32>
        tpu.vector_store_idx %arg20[%parallel_loop3A_912], %parallel_loop3A_913 {add = true} : memref<1280xf32, #tpu.memory_space<vmem>>[vector<16xi32>], vector<16xf32>,
        %parallel_loop3A_914 = arith.mulf %parallel_loop3A_875, %parallel_loop3A_886 : vector<16xf32>
        %parallel_loop3A_915 = arith.constant 128 : i32
        %parallel_loop3A_916 = vector.broadcast %parallel_loop3A_915 : i32 to vector<16xi32>
        %parallel_loop3A_917 = arith.addi %parallel_loop3A_873, %parallel_loop3A_916 : vector<16xi32>
        %parallel_loop3A_918 = arith.mulf %parallel_loop3A_914, %parallel_loop3A_856 : vector<16xf32>
        tpu.vector_store_idx %arg20[%parallel_loop3A_917], %parallel_loop3A_918 {add = true} : memref<1280xf32, #tpu.memory_space<vmem>>[vector<16xi32>], vector<16xf32>,
        %parallel_loop3A_919 = arith.constant 144 : i32
        %parallel_loop3A_920 = vector.broadcast %parallel_loop3A_919 : i32 to vector<16xi32>
        %parallel_loop3A_921 = arith.addi %parallel_loop3A_873, %parallel_loop3A_920 : vector<16xi32>
        %parallel_loop3A_922 = arith.mulf %parallel_loop3A_914, %parallel_loop3A_857 : vector<16xf32>
        tpu.vector_store_idx %arg20[%parallel_loop3A_921], %parallel_loop3A_922 {add = true} : memref<1280xf32, #tpu.memory_space<vmem>>[vector<16xi32>], vector<16xf32>,
        %parallel_loop3A_923 = arith.mulf %parallel_loop3A_876, %parallel_loop3A_883 : vector<16xf32>
        %parallel_loop3A_924 = arith.constant 288 : i32
        %parallel_loop3A_925 = vector.broadcast %parallel_loop3A_924 : i32 to vector<16xi32>
        %parallel_loop3A_926 = arith.addi %parallel_loop3A_873, %parallel_loop3A_925 : vector<16xi32>
        %parallel_loop3A_927 = arith.mulf %parallel_loop3A_923, %parallel_loop3A_856 : vector<16xf32>
        tpu.vector_store_idx %arg20[%parallel_loop3A_926], %parallel_loop3A_927 {add = true} : memref<1280xf32, #tpu.memory_space<vmem>>[vector<16xi32>], vector<16xf32>,
        %parallel_loop3A_928 = arith.constant 304 : i32
        %parallel_loop3A_929 = vector.broadcast %parallel_loop3A_928 : i32 to vector<16xi32>
        %parallel_loop3A_930 = arith.addi %parallel_loop3A_873, %parallel_loop3A_929 : vector<16xi32>
        %parallel_loop3A_931 = arith.mulf %parallel_loop3A_923, %parallel_loop3A_857 : vector<16xf32>
        tpu.vector_store_idx %arg20[%parallel_loop3A_930], %parallel_loop3A_931 {add = true} : memref<1280xf32, #tpu.memory_space<vmem>>[vector<16xi32>], vector<16xf32>,
        %parallel_loop3A_932 = arith.mulf %parallel_loop3A_876, %parallel_loop3A_885 : vector<16xf32>
        %parallel_loop3A_933 = arith.constant 320 : i32
        %parallel_loop3A_934 = vector.broadcast %parallel_loop3A_933 : i32 to vector<16xi32>
        %parallel_loop3A_935 = arith.addi %parallel_loop3A_873, %parallel_loop3A_934 : vector<16xi32>
        %parallel_loop3A_936 = arith.mulf %parallel_loop3A_932, %parallel_loop3A_856 : vector<16xf32>
        tpu.vector_store_idx %arg20[%parallel_loop3A_935], %parallel_loop3A_936 {add = true} : memref<1280xf32, #tpu.memory_space<vmem>>[vector<16xi32>], vector<16xf32>,
        %parallel_loop3A_937 = arith.constant 336 : i32
        %parallel_loop3A_938 = vector.broadcast %parallel_loop3A_937 : i32 to vector<16xi32>
        %parallel_loop3A_939 = arith.addi %parallel_loop3A_873, %parallel_loop3A_938 : vector<16xi32>
        %parallel_loop3A_940 = arith.mulf %parallel_loop3A_932, %parallel_loop3A_857 : vector<16xf32>
        tpu.vector_store_idx %arg20[%parallel_loop3A_939], %parallel_loop3A_940 {add = true} : memref<1280xf32, #tpu.memory_space<vmem>>[vector<16xi32>], vector<16xf32>,
        %parallel_loop3A_941 = arith.mulf %parallel_loop3A_876, %parallel_loop3A_884 : vector<16xf32>
        %parallel_loop3A_942 = arith.constant 384 : i32
        %parallel_loop3A_943 = vector.broadcast %parallel_loop3A_942 : i32 to vector<16xi32>
        %parallel_loop3A_944 = arith.addi %parallel_loop3A_873, %parallel_loop3A_943 : vector<16xi32>
        %parallel_loop3A_945 = arith.mulf %parallel_loop3A_941, %parallel_loop3A_856 : vector<16xf32>
        tpu.vector_store_idx %arg20[%parallel_loop3A_944], %parallel_loop3A_945 {add = true} : memref<1280xf32, #tpu.memory_space<vmem>>[vector<16xi32>], vector<16xf32>,
        %parallel_loop3A_946 = arith.constant 400 : i32
        %parallel_loop3A_947 = vector.broadcast %parallel_loop3A_946 : i32 to vector<16xi32>
        %parallel_loop3A_948 = arith.addi %parallel_loop3A_873, %parallel_loop3A_947 : vector<16xi32>
        %parallel_loop3A_949 = arith.mulf %parallel_loop3A_941, %parallel_loop3A_857 : vector<16xf32>
        tpu.vector_store_idx %arg20[%parallel_loop3A_948], %parallel_loop3A_949 {add = true} : memref<1280xf32, #tpu.memory_space<vmem>>[vector<16xi32>], vector<16xf32>,
        %parallel_loop3A_950 = arith.mulf %parallel_loop3A_876, %parallel_loop3A_886 : vector<16xf32>
        %parallel_loop3A_951 = arith.constant 416 : i32
        %parallel_loop3A_952 = vector.broadcast %parallel_loop3A_951 : i32 to vector<16xi32>
        %parallel_loop3A_953 = arith.addi %parallel_loop3A_873, %parallel_loop3A_952 : vector<16xi32>
        %parallel_loop3A_954 = arith.mulf %parallel_loop3A_950, %parallel_loop3A_856 : vector<16xf32>
        tpu.vector_store_idx %arg20[%parallel_loop3A_953], %parallel_loop3A_954 {add = true} : memref<1280xf32, #tpu.memory_space<vmem>>[vector<16xi32>], vector<16xf32>,
        %parallel_loop3A_955 = arith.constant 432 : i32
        %parallel_loop3A_956 = vector.broadcast %parallel_loop3A_955 : i32 to vector<16xi32>
        %parallel_loop3A_957 = arith.addi %parallel_loop3A_873, %parallel_loop3A_956 : vector<16xi32>
        %parallel_loop3A_958 = arith.mulf %parallel_loop3A_950, %parallel_loop3A_857 : vector<16xf32>
        tpu.vector_store_idx %arg20[%parallel_loop3A_957], %parallel_loop3A_958 {add = true} : memref<1280xf32, #tpu.memory_space<vmem>>[vector<16xi32>], vector<16xf32>,
        %parallel_loop3A_959 = arith.constant 1 : i32
        %parallel_loop3A_960 = vector.broadcast %parallel_loop3A_959 : i32 to vector<16xi32>
        %parallel_loop3A_961 = arith.addi %mul3A_5, %parallel_loop3A_960 : vector<16xi32>
        %parallel_loop3A_962 = vector.shape_cast %parallel_loop3A_961 : vector<16xi32> to vector<16x1xi32>
        %parallel_loop3A_963 = vector.shape_cast %parallel_loop3A_962 : vector<16x1xi32> to vector<16xi32>
        %parallel_loop3A_964 = tpu.dynamic_gather %parallel_loop3A_841[%parallel_loop3A_963] in [0] : vector<16xi32>, vector<16xi32> -> vector<16xi32>
        %parallel_loop3A_965 = arith.addi %parallel_loop3A_964, %iota3A : vector<16xi32>
        %parallel_loop3A_966 = tpu.vector_load_idx %arg14[%parallel_loop3A_965] : memref<65536xi32, #tpu.memory_space<vmem>>[vector<16xi32>], vector<16xi32>,
        %parallel_loop3A_967 = vector.bitcast %parallel_loop3A_966 : vector<16xi32> to vector<32xbf16>
        %parallel_loop3A_968 = tpu.unpack_subelements %parallel_loop3A_967, 0 {pack_format = #tpu.pack_format<interleaved>} : vector<32xbf16> -> vector<16xf32>
        %parallel_loop3A_969 = tpu.unpack_subelements %parallel_loop3A_967, 1 {pack_format = #tpu.pack_format<interleaved>} : vector<32xbf16> -> vector<16xf32>
        %parallel_loop3A_970 = vector.shape_cast %parallel_loop3A_961 : vector<16xi32> to vector<16x1xi32>
        %parallel_loop3A_971 = vector.shape_cast %parallel_loop3A_970 : vector<16x1xi32> to vector<16xi32>
        %parallel_loop3A_972 = tpu.dynamic_gather %parallel_loop3A_823[%parallel_loop3A_971] in [0] : vector<16xf32>, vector<16xi32> -> vector<16xf32>
        %parallel_loop3A_973 = vector.shape_cast %parallel_loop3A_961 : vector<16xi32> to vector<16x1xi32>
        %parallel_loop3A_974 = vector.shape_cast %parallel_loop3A_973 : vector<16x1xi32> to vector<16xi32>
        %parallel_loop3A_975 = tpu.dynamic_gather %parallel_loop3A_825[%parallel_loop3A_974] in [0] : vector<16xf32>, vector<16xi32> -> vector<16xf32>
        %parallel_loop3A_976 = vector.shape_cast %parallel_loop3A_961 : vector<16xi32> to vector<16x1xi32>
        %parallel_loop3A_977 = vector.shape_cast %parallel_loop3A_976 : vector<16x1xi32> to vector<16xi32>
        %parallel_loop3A_978 = tpu.dynamic_gather %parallel_loop3A_827[%parallel_loop3A_977] in [0] : vector<16xf32>, vector<16xi32> -> vector<16xf32>
        %parallel_loop3A_979 = vector.shape_cast %parallel_loop3A_961 : vector<16xi32> to vector<16x1xi32>
        %parallel_loop3A_980 = vector.shape_cast %parallel_loop3A_979 : vector<16x1xi32> to vector<16xi32>
        %parallel_loop3A_981 = tpu.dynamic_gather %parallel_loop3A_846[%parallel_loop3A_980] in [0] : vector<16xf32>, vector<16xi32> -> vector<16xf32>
        %parallel_loop3A_982 = vector.shape_cast %parallel_loop3A_961 : vector<16xi32> to vector<16x1xi32>
        %parallel_loop3A_983 = vector.shape_cast %parallel_loop3A_982 : vector<16x1xi32> to vector<16xi32>
        %parallel_loop3A_984 = tpu.dynamic_gather %parallel_loop3A_838[%parallel_loop3A_983] in [0] : vector<16xi32>, vector<16xi32> -> vector<16xi32>
        %parallel_loop3A_985 = arith.addi %parallel_loop3A_984, %iota3A : vector<16xi32>
        %parallel_loop3A_986 = arith.mulf %parallel_loop3A_972, %parallel_loop3A_981 : vector<16xf32>
        %parallel_loop3A_987 = arith.subf %parallel_loop3A_981, %parallel_loop3A_986 : vector<16xf32>
        %parallel_loop3A_988 = arith.mulf %parallel_loop3A_972, %parallel_loop3A_981 : vector<16xf32>
        %parallel_loop3A_989 = arith.constant 1.000000e+00 : f32
        %parallel_loop3A_990 = vector.broadcast %parallel_loop3A_989 : f32 to vector<16xf32>
        %parallel_loop3A_991 = arith.subf %parallel_loop3A_990, %parallel_loop3A_975 : vector<16xf32>
        %parallel_loop3A_992 = arith.constant 1.000000e+00 : f32
        %parallel_loop3A_993 = vector.broadcast %parallel_loop3A_992 : f32 to vector<16xf32>
        %parallel_loop3A_994 = arith.subf %parallel_loop3A_993, %parallel_loop3A_978 : vector<16xf32>
        %parallel_loop3A_995 = arith.mulf %parallel_loop3A_991, %parallel_loop3A_994 : vector<16xf32>
        %parallel_loop3A_996 = arith.mulf %parallel_loop3A_975, %parallel_loop3A_994 : vector<16xf32>
        %parallel_loop3A_997 = arith.mulf %parallel_loop3A_991, %parallel_loop3A_978 : vector<16xf32>
        %parallel_loop3A_998 = arith.mulf %parallel_loop3A_975, %parallel_loop3A_978 : vector<16xf32>
        %parallel_loop3A_999 = arith.mulf %parallel_loop3A_987, %parallel_loop3A_995 : vector<16xf32>
        %parallel_loop3A_1000 = arith.constant 0 : i32
        %parallel_loop3A_1001 = vector.broadcast %parallel_loop3A_1000 : i32 to vector<16xi32>
        %parallel_loop3A_1002 = arith.addi %parallel_loop3A_985, %parallel_loop3A_1001 : vector<16xi32>
        %parallel_loop3A_1003 = arith.mulf %parallel_loop3A_999, %parallel_loop3A_968 : vector<16xf32>
        tpu.vector_store_idx %arg20[%parallel_loop3A_1002], %parallel_loop3A_1003 {add = true} : memref<1280xf32, #tpu.memory_space<vmem>>[vector<16xi32>], vector<16xf32>,
        %parallel_loop3A_1004 = arith.constant 16 : i32
        %parallel_loop3A_1005 = vector.broadcast %parallel_loop3A_1004 : i32 to vector<16xi32>
        %parallel_loop3A_1006 = arith.addi %parallel_loop3A_985, %parallel_loop3A_1005 : vector<16xi32>
        %parallel_loop3A_1007 = arith.mulf %parallel_loop3A_999, %parallel_loop3A_969 : vector<16xf32>
        tpu.vector_store_idx %arg20[%parallel_loop3A_1006], %parallel_loop3A_1007 {add = true} : memref<1280xf32, #tpu.memory_space<vmem>>[vector<16xi32>], vector<16xf32>,
        %parallel_loop3A_1008 = arith.mulf %parallel_loop3A_987, %parallel_loop3A_997 : vector<16xf32>
        %parallel_loop3A_1009 = arith.constant 32 : i32
        %parallel_loop3A_1010 = vector.broadcast %parallel_loop3A_1009 : i32 to vector<16xi32>
        %parallel_loop3A_1011 = arith.addi %parallel_loop3A_985, %parallel_loop3A_1010 : vector<16xi32>
        %parallel_loop3A_1012 = arith.mulf %parallel_loop3A_1008, %parallel_loop3A_968 : vector<16xf32>
        tpu.vector_store_idx %arg20[%parallel_loop3A_1011], %parallel_loop3A_1012 {add = true} : memref<1280xf32, #tpu.memory_space<vmem>>[vector<16xi32>], vector<16xf32>,
        %parallel_loop3A_1013 = arith.constant 48 : i32
        %parallel_loop3A_1014 = vector.broadcast %parallel_loop3A_1013 : i32 to vector<16xi32>
        %parallel_loop3A_1015 = arith.addi %parallel_loop3A_985, %parallel_loop3A_1014 : vector<16xi32>
        %parallel_loop3A_1016 = arith.mulf %parallel_loop3A_1008, %parallel_loop3A_969 : vector<16xf32>
        tpu.vector_store_idx %arg20[%parallel_loop3A_1015], %parallel_loop3A_1016 {add = true} : memref<1280xf32, #tpu.memory_space<vmem>>[vector<16xi32>], vector<16xf32>,
        %parallel_loop3A_1017 = arith.mulf %parallel_loop3A_987, %parallel_loop3A_996 : vector<16xf32>
        %parallel_loop3A_1018 = arith.constant 96 : i32
        %parallel_loop3A_1019 = vector.broadcast %parallel_loop3A_1018 : i32 to vector<16xi32>
        %parallel_loop3A_1020 = arith.addi %parallel_loop3A_985, %parallel_loop3A_1019 : vector<16xi32>
        %parallel_loop3A_1021 = arith.mulf %parallel_loop3A_1017, %parallel_loop3A_968 : vector<16xf32>
        tpu.vector_store_idx %arg20[%parallel_loop3A_1020], %parallel_loop3A_1021 {add = true} : memref<1280xf32, #tpu.memory_space<vmem>>[vector<16xi32>], vector<16xf32>,
        %parallel_loop3A_1022 = arith.constant 112 : i32
        %parallel_loop3A_1023 = vector.broadcast %parallel_loop3A_1022 : i32 to vector<16xi32>
        %parallel_loop3A_1024 = arith.addi %parallel_loop3A_985, %parallel_loop3A_1023 : vector<16xi32>
        %parallel_loop3A_1025 = arith.mulf %parallel_loop3A_1017, %parallel_loop3A_969 : vector<16xf32>
        tpu.vector_store_idx %arg20[%parallel_loop3A_1024], %parallel_loop3A_1025 {add = true} : memref<1280xf32, #tpu.memory_space<vmem>>[vector<16xi32>], vector<16xf32>,
        %parallel_loop3A_1026 = arith.mulf %parallel_loop3A_987, %parallel_loop3A_998 : vector<16xf32>
        %parallel_loop3A_1027 = arith.constant 128 : i32
        %parallel_loop3A_1028 = vector.broadcast %parallel_loop3A_1027 : i32 to vector<16xi32>
        %parallel_loop3A_1029 = arith.addi %parallel_loop3A_985, %parallel_loop3A_1028 : vector<16xi32>
        %parallel_loop3A_1030 = arith.mulf %parallel_loop3A_1026, %parallel_loop3A_968 : vector<16xf32>
        tpu.vector_store_idx %arg20[%parallel_loop3A_1029], %parallel_loop3A_1030 {add = true} : memref<1280xf32, #tpu.memory_space<vmem>>[vector<16xi32>], vector<16xf32>,
        %parallel_loop3A_1031 = arith.constant 144 : i32
        %parallel_loop3A_1032 = vector.broadcast %parallel_loop3A_1031 : i32 to vector<16xi32>
        %parallel_loop3A_1033 = arith.addi %parallel_loop3A_985, %parallel_loop3A_1032 : vector<16xi32>
        %parallel_loop3A_1034 = arith.mulf %parallel_loop3A_1026, %parallel_loop3A_969 : vector<16xf32>
        tpu.vector_store_idx %arg20[%parallel_loop3A_1033], %parallel_loop3A_1034 {add = true} : memref<1280xf32, #tpu.memory_space<vmem>>[vector<16xi32>], vector<16xf32>,
        %parallel_loop3A_1035 = arith.mulf %parallel_loop3A_988, %parallel_loop3A_995 : vector<16xf32>
        %parallel_loop3A_1036 = arith.constant 288 : i32
        %parallel_loop3A_1037 = vector.broadcast %parallel_loop3A_1036 : i32 to vector<16xi32>
        %parallel_loop3A_1038 = arith.addi %parallel_loop3A_985, %parallel_loop3A_1037 : vector<16xi32>
        %parallel_loop3A_1039 = arith.mulf %parallel_loop3A_1035, %parallel_loop3A_968 : vector<16xf32>
        tpu.vector_store_idx %arg20[%parallel_loop3A_1038], %parallel_loop3A_1039 {add = true} : memref<1280xf32, #tpu.memory_space<vmem>>[vector<16xi32>], vector<16xf32>,
        %parallel_loop3A_1040 = arith.constant 304 : i32
        %parallel_loop3A_1041 = vector.broadcast %parallel_loop3A_1040 : i32 to vector<16xi32>
        %parallel_loop3A_1042 = arith.addi %parallel_loop3A_985, %parallel_loop3A_1041 : vector<16xi32>
        %parallel_loop3A_1043 = arith.mulf %parallel_loop3A_1035, %parallel_loop3A_969 : vector<16xf32>
        tpu.vector_store_idx %arg20[%parallel_loop3A_1042], %parallel_loop3A_1043 {add = true} : memref<1280xf32, #tpu.memory_space<vmem>>[vector<16xi32>], vector<16xf32>,
        %parallel_loop3A_1044 = arith.mulf %parallel_loop3A_988, %parallel_loop3A_997 : vector<16xf32>
        %parallel_loop3A_1045 = arith.constant 320 : i32
        %parallel_loop3A_1046 = vector.broadcast %parallel_loop3A_1045 : i32 to vector<16xi32>
        %parallel_loop3A_1047 = arith.addi %parallel_loop3A_985, %parallel_loop3A_1046 : vector<16xi32>
        %parallel_loop3A_1048 = arith.mulf %parallel_loop3A_1044, %parallel_loop3A_968 : vector<16xf32>
        tpu.vector_store_idx %arg20[%parallel_loop3A_1047], %parallel_loop3A_1048 {add = true} : memref<1280xf32, #tpu.memory_space<vmem>>[vector<16xi32>], vector<16xf32>,
        %parallel_loop3A_1049 = arith.constant 336 : i32
        %parallel_loop3A_1050 = vector.broadcast %parallel_loop3A_1049 : i32 to vector<16xi32>
        %parallel_loop3A_1051 = arith.addi %parallel_loop3A_985, %parallel_loop3A_1050 : vector<16xi32>
        %parallel_loop3A_1052 = arith.mulf %parallel_loop3A_1044, %parallel_loop3A_969 : vector<16xf32>
        tpu.vector_store_idx %arg20[%parallel_loop3A_1051], %parallel_loop3A_1052 {add = true} : memref<1280xf32, #tpu.memory_space<vmem>>[vector<16xi32>], vector<16xf32>,
        %parallel_loop3A_1053 = arith.mulf %parallel_loop3A_988, %parallel_loop3A_996 : vector<16xf32>
        %parallel_loop3A_1054 = arith.constant 384 : i32
        %parallel_loop3A_1055 = vector.broadcast %parallel_loop3A_1054 : i32 to vector<16xi32>
        %parallel_loop3A_1056 = arith.addi %parallel_loop3A_985, %parallel_loop3A_1055 : vector<16xi32>
        %parallel_loop3A_1057 = arith.mulf %parallel_loop3A_1053, %parallel_loop3A_968 : vector<16xf32>
        tpu.vector_store_idx %arg20[%parallel_loop3A_1056], %parallel_loop3A_1057 {add = true} : memref<1280xf32, #tpu.memory_space<vmem>>[vector<16xi32>], vector<16xf32>,
        %parallel_loop3A_1058 = arith.constant 400 : i32
        %parallel_loop3A_1059 = vector.broadcast %parallel_loop3A_1058 : i32 to vector<16xi32>
        %parallel_loop3A_1060 = arith.addi %parallel_loop3A_985, %parallel_loop3A_1059 : vector<16xi32>
        %parallel_loop3A_1061 = arith.mulf %parallel_loop3A_1053, %parallel_loop3A_969 : vector<16xf32>
        tpu.vector_store_idx %arg20[%parallel_loop3A_1060], %parallel_loop3A_1061 {add = true} : memref<1280xf32, #tpu.memory_space<vmem>>[vector<16xi32>], vector<16xf32>,
        %parallel_loop3A_1062 = arith.mulf %parallel_loop3A_988, %parallel_loop3A_998 : vector<16xf32>
        %parallel_loop3A_1063 = arith.constant 416 : i32
        %parallel_loop3A_1064 = vector.broadcast %parallel_loop3A_1063 : i32 to vector<16xi32>
        %parallel_loop3A_1065 = arith.addi %parallel_loop3A_985, %parallel_loop3A_1064 : vector<16xi32>
        %parallel_loop3A_1066 = arith.mulf %parallel_loop3A_1062, %parallel_loop3A_968 : vector<16xf32>
        tpu.vector_store_idx %arg20[%parallel_loop3A_1065], %parallel_loop3A_1066 {add = true} : memref<1280xf32, #tpu.memory_space<vmem>>[vector<16xi32>], vector<16xf32>,
        %parallel_loop3A_1067 = arith.constant 432 : i32
        %parallel_loop3A_1068 = vector.broadcast %parallel_loop3A_1067 : i32 to vector<16xi32>
        %parallel_loop3A_1069 = arith.addi %parallel_loop3A_985, %parallel_loop3A_1068 : vector<16xi32>
        %parallel_loop3A_1070 = arith.mulf %parallel_loop3A_1062, %parallel_loop3A_969 : vector<16xf32>
        tpu.vector_store_idx %arg20[%parallel_loop3A_1069], %parallel_loop3A_1070 {add = true} : memref<1280xf32, #tpu.memory_space<vmem>>[vector<16xi32>], vector<16xf32>,
        %parallel_loop3A_1071 = arith.constant 2 : i32
        %parallel_loop3A_1072 = vector.broadcast %parallel_loop3A_1071 : i32 to vector<16xi32>
        %parallel_loop3A_1073 = arith.addi %mul3A_5, %parallel_loop3A_1072 : vector<16xi32>
        %parallel_loop3A_1074 = vector.shape_cast %parallel_loop3A_1073 : vector<16xi32> to vector<16x1xi32>
        %parallel_loop3A_1075 = vector.shape_cast %parallel_loop3A_1074 : vector<16x1xi32> to vector<16xi32>
        %parallel_loop3A_1076 = tpu.dynamic_gather %parallel_loop3A_841[%parallel_loop3A_1075] in [0] : vector<16xi32>, vector<16xi32> -> vector<16xi32>
        %parallel_loop3A_1077 = arith.addi %parallel_loop3A_1076, %iota3A : vector<16xi32>
        %parallel_loop3A_1078 = tpu.vector_load_idx %arg14[%parallel_loop3A_1077] : memref<65536xi32, #tpu.memory_space<vmem>>[vector<16xi32>], vector<16xi32>,
        %parallel_loop3A_1079 = vector.bitcast %parallel_loop3A_1078 : vector<16xi32> to vector<32xbf16>
        %parallel_loop3A_1080 = tpu.unpack_subelements %parallel_loop3A_1079, 0 {pack_format = #tpu.pack_format<interleaved>} : vector<32xbf16> -> vector<16xf32>
        %parallel_loop3A_1081 = tpu.unpack_subelements %parallel_loop3A_1079, 1 {pack_format = #tpu.pack_format<interleaved>} : vector<32xbf16> -> vector<16xf32>
        %parallel_loop3A_1082 = vector.shape_cast %parallel_loop3A_1073 : vector<16xi32> to vector<16x1xi32>
        %parallel_loop3A_1083 = vector.shape_cast %parallel_loop3A_1082 : vector<16x1xi32> to vector<16xi32>
        %parallel_loop3A_1084 = tpu.dynamic_gather %parallel_loop3A_823[%parallel_loop3A_1083] in [0] : vector<16xf32>, vector<16xi32> -> vector<16xf32>
        %parallel_loop3A_1085 = vector.shape_cast %parallel_loop3A_1073 : vector<16xi32> to vector<16x1xi32>
        %parallel_loop3A_1086 = vector.shape_cast %parallel_loop3A_1085 : vector<16x1xi32> to vector<16xi32>
        %parallel_loop3A_1087 = tpu.dynamic_gather %parallel_loop3A_825[%parallel_loop3A_1086] in [0] : vector<16xf32>, vector<16xi32> -> vector<16xf32>
        %parallel_loop3A_1088 = vector.shape_cast %parallel_loop3A_1073 : vector<16xi32> to vector<16x1xi32>
        %parallel_loop3A_1089 = vector.shape_cast %parallel_loop3A_1088 : vector<16x1xi32> to vector<16xi32>
        %parallel_loop3A_1090 = tpu.dynamic_gather %parallel_loop3A_827[%parallel_loop3A_1089] in [0] : vector<16xf32>, vector<16xi32> -> vector<16xf32>
        %parallel_loop3A_1091 = vector.shape_cast %parallel_loop3A_1073 : vector<16xi32> to vector<16x1xi32>
        %parallel_loop3A_1092 = vector.shape_cast %parallel_loop3A_1091 : vector<16x1xi32> to vector<16xi32>
        %parallel_loop3A_1093 = tpu.dynamic_gather %parallel_loop3A_846[%parallel_loop3A_1092] in [0] : vector<16xf32>, vector<16xi32> -> vector<16xf32>
        %parallel_loop3A_1094 = vector.shape_cast %parallel_loop3A_1073 : vector<16xi32> to vector<16x1xi32>
        %parallel_loop3A_1095 = vector.shape_cast %parallel_loop3A_1094 : vector<16x1xi32> to vector<16xi32>
        %parallel_loop3A_1096 = tpu.dynamic_gather %parallel_loop3A_838[%parallel_loop3A_1095] in [0] : vector<16xi32>, vector<16xi32> -> vector<16xi32>
        %parallel_loop3A_1097 = arith.addi %parallel_loop3A_1096, %iota3A : vector<16xi32>
        %parallel_loop3A_1098 = arith.mulf %parallel_loop3A_1084, %parallel_loop3A_1093 : vector<16xf32>
        %parallel_loop3A_1099 = arith.subf %parallel_loop3A_1093, %parallel_loop3A_1098 : vector<16xf32>
        %parallel_loop3A_1100 = arith.mulf %parallel_loop3A_1084, %parallel_loop3A_1093 : vector<16xf32>
        %parallel_loop3A_1101 = arith.constant 1.000000e+00 : f32
        %parallel_loop3A_1102 = vector.broadcast %parallel_loop3A_1101 : f32 to vector<16xf32>
        %parallel_loop3A_1103 = arith.subf %parallel_loop3A_1102, %parallel_loop3A_1087 : vector<16xf32>
        %parallel_loop3A_1104 = arith.constant 1.000000e+00 : f32
        %parallel_loop3A_1105 = vector.broadcast %parallel_loop3A_1104 : f32 to vector<16xf32>
        %parallel_loop3A_1106 = arith.subf %parallel_loop3A_1105, %parallel_loop3A_1090 : vector<16xf32>
        %parallel_loop3A_1107 = arith.mulf %parallel_loop3A_1103, %parallel_loop3A_1106 : vector<16xf32>
        %parallel_loop3A_1108 = arith.mulf %parallel_loop3A_1087, %parallel_loop3A_1106 : vector<16xf32>
        %parallel_loop3A_1109 = arith.mulf %parallel_loop3A_1103, %parallel_loop3A_1090 : vector<16xf32>
        %parallel_loop3A_1110 = arith.mulf %parallel_loop3A_1087, %parallel_loop3A_1090 : vector<16xf32>
        %parallel_loop3A_1111 = arith.mulf %parallel_loop3A_1099, %parallel_loop3A_1107 : vector<16xf32>
        %parallel_loop3A_1112 = arith.constant 0 : i32
        %parallel_loop3A_1113 = vector.broadcast %parallel_loop3A_1112 : i32 to vector<16xi32>
        %parallel_loop3A_1114 = arith.addi %parallel_loop3A_1097, %parallel_loop3A_1113 : vector<16xi32>
        %parallel_loop3A_1115 = arith.mulf %parallel_loop3A_1111, %parallel_loop3A_1080 : vector<16xf32>
        tpu.vector_store_idx %arg20[%parallel_loop3A_1114], %parallel_loop3A_1115 {add = true} : memref<1280xf32, #tpu.memory_space<vmem>>[vector<16xi32>], vector<16xf32>,
        %parallel_loop3A_1116 = arith.constant 16 : i32
        %parallel_loop3A_1117 = vector.broadcast %parallel_loop3A_1116 : i32 to vector<16xi32>
        %parallel_loop3A_1118 = arith.addi %parallel_loop3A_1097, %parallel_loop3A_1117 : vector<16xi32>
        %parallel_loop3A_1119 = arith.mulf %parallel_loop3A_1111, %parallel_loop3A_1081 : vector<16xf32>
        tpu.vector_store_idx %arg20[%parallel_loop3A_1118], %parallel_loop3A_1119 {add = true} : memref<1280xf32, #tpu.memory_space<vmem>>[vector<16xi32>], vector<16xf32>,
        %parallel_loop3A_1120 = arith.mulf %parallel_loop3A_1099, %parallel_loop3A_1109 : vector<16xf32>
        %parallel_loop3A_1121 = arith.constant 32 : i32
        %parallel_loop3A_1122 = vector.broadcast %parallel_loop3A_1121 : i32 to vector<16xi32>
        %parallel_loop3A_1123 = arith.addi %parallel_loop3A_1097, %parallel_loop3A_1122 : vector<16xi32>
        %parallel_loop3A_1124 = arith.mulf %parallel_loop3A_1120, %parallel_loop3A_1080 : vector<16xf32>
        tpu.vector_store_idx %arg20[%parallel_loop3A_1123], %parallel_loop3A_1124 {add = true} : memref<1280xf32, #tpu.memory_space<vmem>>[vector<16xi32>], vector<16xf32>,
        %parallel_loop3A_1125 = arith.constant 48 : i32
        %parallel_loop3A_1126 = vector.broadcast %parallel_loop3A_1125 : i32 to vector<16xi32>
        %parallel_loop3A_1127 = arith.addi %parallel_loop3A_1097, %parallel_loop3A_1126 : vector<16xi32>
        %parallel_loop3A_1128 = arith.mulf %parallel_loop3A_1120, %parallel_loop3A_1081 : vector<16xf32>
        tpu.vector_store_idx %arg20[%parallel_loop3A_1127], %parallel_loop3A_1128 {add = true} : memref<1280xf32, #tpu.memory_space<vmem>>[vector<16xi32>], vector<16xf32>,
        %parallel_loop3A_1129 = arith.mulf %parallel_loop3A_1099, %parallel_loop3A_1108 : vector<16xf32>
        %parallel_loop3A_1130 = arith.constant 96 : i32
        %parallel_loop3A_1131 = vector.broadcast %parallel_loop3A_1130 : i32 to vector<16xi32>
        %parallel_loop3A_1132 = arith.addi %parallel_loop3A_1097, %parallel_loop3A_1131 : vector<16xi32>
        %parallel_loop3A_1133 = arith.mulf %parallel_loop3A_1129, %parallel_loop3A_1080 : vector<16xf32>
        tpu.vector_store_idx %arg20[%parallel_loop3A_1132], %parallel_loop3A_1133 {add = true} : memref<1280xf32, #tpu.memory_space<vmem>>[vector<16xi32>], vector<16xf32>,
        %parallel_loop3A_1134 = arith.constant 112 : i32
        %parallel_loop3A_1135 = vector.broadcast %parallel_loop3A_1134 : i32 to vector<16xi32>
        %parallel_loop3A_1136 = arith.addi %parallel_loop3A_1097, %parallel_loop3A_1135 : vector<16xi32>
        %parallel_loop3A_1137 = arith.mulf %parallel_loop3A_1129, %parallel_loop3A_1081 : vector<16xf32>
        tpu.vector_store_idx %arg20[%parallel_loop3A_1136], %parallel_loop3A_1137 {add = true} : memref<1280xf32, #tpu.memory_space<vmem>>[vector<16xi32>], vector<16xf32>,
        %parallel_loop3A_1138 = arith.mulf %parallel_loop3A_1099, %parallel_loop3A_1110 : vector<16xf32>
        %parallel_loop3A_1139 = arith.constant 128 : i32
        %parallel_loop3A_1140 = vector.broadcast %parallel_loop3A_1139 : i32 to vector<16xi32>
        %parallel_loop3A_1141 = arith.addi %parallel_loop3A_1097, %parallel_loop3A_1140 : vector<16xi32>
        %parallel_loop3A_1142 = arith.mulf %parallel_loop3A_1138, %parallel_loop3A_1080 : vector<16xf32>
        tpu.vector_store_idx %arg20[%parallel_loop3A_1141], %parallel_loop3A_1142 {add = true} : memref<1280xf32, #tpu.memory_space<vmem>>[vector<16xi32>], vector<16xf32>,
        %parallel_loop3A_1143 = arith.constant 144 : i32
        %parallel_loop3A_1144 = vector.broadcast %parallel_loop3A_1143 : i32 to vector<16xi32>
        %parallel_loop3A_1145 = arith.addi %parallel_loop3A_1097, %parallel_loop3A_1144 : vector<16xi32>
        %parallel_loop3A_1146 = arith.mulf %parallel_loop3A_1138, %parallel_loop3A_1081 : vector<16xf32>
        tpu.vector_store_idx %arg20[%parallel_loop3A_1145], %parallel_loop3A_1146 {add = true} : memref<1280xf32, #tpu.memory_space<vmem>>[vector<16xi32>], vector<16xf32>,
        %parallel_loop3A_1147 = arith.mulf %parallel_loop3A_1100, %parallel_loop3A_1107 : vector<16xf32>
        %parallel_loop3A_1148 = arith.constant 288 : i32
        %parallel_loop3A_1149 = vector.broadcast %parallel_loop3A_1148 : i32 to vector<16xi32>
        %parallel_loop3A_1150 = arith.addi %parallel_loop3A_1097, %parallel_loop3A_1149 : vector<16xi32>
        %parallel_loop3A_1151 = arith.mulf %parallel_loop3A_1147, %parallel_loop3A_1080 : vector<16xf32>
        tpu.vector_store_idx %arg20[%parallel_loop3A_1150], %parallel_loop3A_1151 {add = true} : memref<1280xf32, #tpu.memory_space<vmem>>[vector<16xi32>], vector<16xf32>,
        %parallel_loop3A_1152 = arith.constant 304 : i32
        %parallel_loop3A_1153 = vector.broadcast %parallel_loop3A_1152 : i32 to vector<16xi32>
        %parallel_loop3A_1154 = arith.addi %parallel_loop3A_1097, %parallel_loop3A_1153 : vector<16xi32>
        %parallel_loop3A_1155 = arith.mulf %parallel_loop3A_1147, %parallel_loop3A_1081 : vector<16xf32>
        tpu.vector_store_idx %arg20[%parallel_loop3A_1154], %parallel_loop3A_1155 {add = true} : memref<1280xf32, #tpu.memory_space<vmem>>[vector<16xi32>], vector<16xf32>,
        %parallel_loop3A_1156 = arith.mulf %parallel_loop3A_1100, %parallel_loop3A_1109 : vector<16xf32>
        %parallel_loop3A_1157 = arith.constant 320 : i32
        %parallel_loop3A_1158 = vector.broadcast %parallel_loop3A_1157 : i32 to vector<16xi32>
        %parallel_loop3A_1159 = arith.addi %parallel_loop3A_1097, %parallel_loop3A_1158 : vector<16xi32>
        %parallel_loop3A_1160 = arith.mulf %parallel_loop3A_1156, %parallel_loop3A_1080 : vector<16xf32>
        tpu.vector_store_idx %arg20[%parallel_loop3A_1159], %parallel_loop3A_1160 {add = true} : memref<1280xf32, #tpu.memory_space<vmem>>[vector<16xi32>], vector<16xf32>,
        %parallel_loop3A_1161 = arith.constant 336 : i32
        %parallel_loop3A_1162 = vector.broadcast %parallel_loop3A_1161 : i32 to vector<16xi32>
        %parallel_loop3A_1163 = arith.addi %parallel_loop3A_1097, %parallel_loop3A_1162 : vector<16xi32>
        %parallel_loop3A_1164 = arith.mulf %parallel_loop3A_1156, %parallel_loop3A_1081 : vector<16xf32>
        tpu.vector_store_idx %arg20[%parallel_loop3A_1163], %parallel_loop3A_1164 {add = true} : memref<1280xf32, #tpu.memory_space<vmem>>[vector<16xi32>], vector<16xf32>,
        %parallel_loop3A_1165 = arith.mulf %parallel_loop3A_1100, %parallel_loop3A_1108 : vector<16xf32>
        %parallel_loop3A_1166 = arith.constant 384 : i32
        %parallel_loop3A_1167 = vector.broadcast %parallel_loop3A_1166 : i32 to vector<16xi32>
        %parallel_loop3A_1168 = arith.addi %parallel_loop3A_1097, %parallel_loop3A_1167 : vector<16xi32>
        %parallel_loop3A_1169 = arith.mulf %parallel_loop3A_1165, %parallel_loop3A_1080 : vector<16xf32>
        tpu.vector_store_idx %arg20[%parallel_loop3A_1168], %parallel_loop3A_1169 {add = true} : memref<1280xf32, #tpu.memory_space<vmem>>[vector<16xi32>], vector<16xf32>,
        %parallel_loop3A_1170 = arith.constant 400 : i32
        %parallel_loop3A_1171 = vector.broadcast %parallel_loop3A_1170 : i32 to vector<16xi32>
        %parallel_loop3A_1172 = arith.addi %parallel_loop3A_1097, %parallel_loop3A_1171 : vector<16xi32>
        %parallel_loop3A_1173 = arith.mulf %parallel_loop3A_1165, %parallel_loop3A_1081 : vector<16xf32>
        tpu.vector_store_idx %arg20[%parallel_loop3A_1172], %parallel_loop3A_1173 {add = true} : memref<1280xf32, #tpu.memory_space<vmem>>[vector<16xi32>], vector<16xf32>,
        %parallel_loop3A_1174 = arith.mulf %parallel_loop3A_1100, %parallel_loop3A_1110 : vector<16xf32>
        %parallel_loop3A_1175 = arith.constant 416 : i32
        %parallel_loop3A_1176 = vector.broadcast %parallel_loop3A_1175 : i32 to vector<16xi32>
        %parallel_loop3A_1177 = arith.addi %parallel_loop3A_1097, %parallel_loop3A_1176 : vector<16xi32>
        %parallel_loop3A_1178 = arith.mulf %parallel_loop3A_1174, %parallel_loop3A_1080 : vector<16xf32>
        tpu.vector_store_idx %arg20[%parallel_loop3A_1177], %parallel_loop3A_1178 {add = true} : memref<1280xf32, #tpu.memory_space<vmem>>[vector<16xi32>], vector<16xf32>,
        %parallel_loop3A_1179 = arith.constant 432 : i32
        %parallel_loop3A_1180 = vector.broadcast %parallel_loop3A_1179 : i32 to vector<16xi32>
        %parallel_loop3A_1181 = arith.addi %parallel_loop3A_1097, %parallel_loop3A_1180 : vector<16xi32>
        %parallel_loop3A_1182 = arith.mulf %parallel_loop3A_1174, %parallel_loop3A_1081 : vector<16xf32>
        tpu.vector_store_idx %arg20[%parallel_loop3A_1181], %parallel_loop3A_1182 {add = true} : memref<1280xf32, #tpu.memory_space<vmem>>[vector<16xi32>], vector<16xf32>,
        %parallel_loop3A_1183 = arith.constant 3 : i32
        %parallel_loop3A_1184 = vector.broadcast %parallel_loop3A_1183 : i32 to vector<16xi32>
        %parallel_loop3A_1185 = arith.addi %mul3A_5, %parallel_loop3A_1184 : vector<16xi32>
        %parallel_loop3A_1186 = vector.shape_cast %parallel_loop3A_1185 : vector<16xi32> to vector<16x1xi32>
        %parallel_loop3A_1187 = vector.shape_cast %parallel_loop3A_1186 : vector<16x1xi32> to vector<16xi32>
        %parallel_loop3A_1188 = tpu.dynamic_gather %parallel_loop3A_841[%parallel_loop3A_1187] in [0] : vector<16xi32>, vector<16xi32> -> vector<16xi32>
        %parallel_loop3A_1189 = arith.addi %parallel_loop3A_1188, %iota3A : vector<16xi32>
        %parallel_loop3A_1190 = tpu.vector_load_idx %arg14[%parallel_loop3A_1189] : memref<65536xi32, #tpu.memory_space<vmem>>[vector<16xi32>], vector<16xi32>,
        %parallel_loop3A_1191 = vector.bitcast %parallel_loop3A_1190 : vector<16xi32> to vector<32xbf16>
        %parallel_loop3A_1192 = tpu.unpack_subelements %parallel_loop3A_1191, 0 {pack_format = #tpu.pack_format<interleaved>} : vector<32xbf16> -> vector<16xf32>
        %parallel_loop3A_1193 = tpu.unpack_subelements %parallel_loop3A_1191, 1 {pack_format = #tpu.pack_format<interleaved>} : vector<32xbf16> -> vector<16xf32>
        %parallel_loop3A_1194 = vector.shape_cast %parallel_loop3A_1185 : vector<16xi32> to vector<16x1xi32>
        %parallel_loop3A_1195 = vector.shape_cast %parallel_loop3A_1194 : vector<16x1xi32> to vector<16xi32>
        %parallel_loop3A_1196 = tpu.dynamic_gather %parallel_loop3A_823[%parallel_loop3A_1195] in [0] : vector<16xf32>, vector<16xi32> -> vector<16xf32>
        %parallel_loop3A_1197 = vector.shape_cast %parallel_loop3A_1185 : vector<16xi32> to vector<16x1xi32>
        %parallel_loop3A_1198 = vector.shape_cast %parallel_loop3A_1197 : vector<16x1xi32> to vector<16xi32>
        %parallel_loop3A_1199 = tpu.dynamic_gather %parallel_loop3A_825[%parallel_loop3A_1198] in [0] : vector<16xf32>, vector<16xi32> -> vector<16xf32>
        %parallel_loop3A_1200 = vector.shape_cast %parallel_loop3A_1185 : vector<16xi32> to vector<16x1xi32>
        %parallel_loop3A_1201 = vector.shape_cast %parallel_loop3A_1200 : vector<16x1xi32> to vector<16xi32>
        %parallel_loop3A_1202 = tpu.dynamic_gather %parallel_loop3A_827[%parallel_loop3A_1201] in [0] : vector<16xf32>, vector<16xi32> -> vector<16xf32>
        %parallel_loop3A_1203 = vector.shape_cast %parallel_loop3A_1185 : vector<16xi32> to vector<16x1xi32>
        %parallel_loop3A_1204 = vector.shape_cast %parallel_loop3A_1203 : vector<16x1xi32> to vector<16xi32>
        %parallel_loop3A_1205 = tpu.dynamic_gather %parallel_loop3A_846[%parallel_loop3A_1204] in [0] : vector<16xf32>, vector<16xi32> -> vector<16xf32>
        %parallel_loop3A_1206 = vector.shape_cast %parallel_loop3A_1185 : vector<16xi32> to vector<16x1xi32>
        %parallel_loop3A_1207 = vector.shape_cast %parallel_loop3A_1206 : vector<16x1xi32> to vector<16xi32>
        %parallel_loop3A_1208 = tpu.dynamic_gather %parallel_loop3A_838[%parallel_loop3A_1207] in [0] : vector<16xi32>, vector<16xi32> -> vector<16xi32>
        %parallel_loop3A_1209 = arith.addi %parallel_loop3A_1208, %iota3A : vector<16xi32>
        %parallel_loop3A_1210 = arith.mulf %parallel_loop3A_1196, %parallel_loop3A_1205 : vector<16xf32>
        %parallel_loop3A_1211 = arith.subf %parallel_loop3A_1205, %parallel_loop3A_1210 : vector<16xf32>
        %parallel_loop3A_1212 = arith.mulf %parallel_loop3A_1196, %parallel_loop3A_1205 : vector<16xf32>
        %parallel_loop3A_1213 = arith.constant 1.000000e+00 : f32
        %parallel_loop3A_1214 = vector.broadcast %parallel_loop3A_1213 : f32 to vector<16xf32>
        %parallel_loop3A_1215 = arith.subf %parallel_loop3A_1214, %parallel_loop3A_1199 : vector<16xf32>
        %parallel_loop3A_1216 = arith.constant 1.000000e+00 : f32
        %parallel_loop3A_1217 = vector.broadcast %parallel_loop3A_1216 : f32 to vector<16xf32>
        %parallel_loop3A_1218 = arith.subf %parallel_loop3A_1217, %parallel_loop3A_1202 : vector<16xf32>
        %parallel_loop3A_1219 = arith.mulf %parallel_loop3A_1215, %parallel_loop3A_1218 : vector<16xf32>
        %parallel_loop3A_1220 = arith.mulf %parallel_loop3A_1199, %parallel_loop3A_1218 : vector<16xf32>
        %parallel_loop3A_1221 = arith.mulf %parallel_loop3A_1215, %parallel_loop3A_1202 : vector<16xf32>
        %parallel_loop3A_1222 = arith.mulf %parallel_loop3A_1199, %parallel_loop3A_1202 : vector<16xf32>
        %parallel_loop3A_1223 = arith.mulf %parallel_loop3A_1211, %parallel_loop3A_1219 : vector<16xf32>
        %parallel_loop3A_1224 = arith.constant 0 : i32
        %parallel_loop3A_1225 = vector.broadcast %parallel_loop3A_1224 : i32 to vector<16xi32>
        %parallel_loop3A_1226 = arith.addi %parallel_loop3A_1209, %parallel_loop3A_1225 : vector<16xi32>
        %parallel_loop3A_1227 = arith.mulf %parallel_loop3A_1223, %parallel_loop3A_1192 : vector<16xf32>
        tpu.vector_store_idx %arg20[%parallel_loop3A_1226], %parallel_loop3A_1227 {add = true} : memref<1280xf32, #tpu.memory_space<vmem>>[vector<16xi32>], vector<16xf32>,
        %parallel_loop3A_1228 = arith.constant 16 : i32
        %parallel_loop3A_1229 = vector.broadcast %parallel_loop3A_1228 : i32 to vector<16xi32>
        %parallel_loop3A_1230 = arith.addi %parallel_loop3A_1209, %parallel_loop3A_1229 : vector<16xi32>
        %parallel_loop3A_1231 = arith.mulf %parallel_loop3A_1223, %parallel_loop3A_1193 : vector<16xf32>
        tpu.vector_store_idx %arg20[%parallel_loop3A_1230], %parallel_loop3A_1231 {add = true} : memref<1280xf32, #tpu.memory_space<vmem>>[vector<16xi32>], vector<16xf32>,
        %parallel_loop3A_1232 = arith.mulf %parallel_loop3A_1211, %parallel_loop3A_1221 : vector<16xf32>
        %parallel_loop3A_1233 = arith.constant 32 : i32
        %parallel_loop3A_1234 = vector.broadcast %parallel_loop3A_1233 : i32 to vector<16xi32>
        %parallel_loop3A_1235 = arith.addi %parallel_loop3A_1209, %parallel_loop3A_1234 : vector<16xi32>
        %parallel_loop3A_1236 = arith.mulf %parallel_loop3A_1232, %parallel_loop3A_1192 : vector<16xf32>
        tpu.vector_store_idx %arg20[%parallel_loop3A_1235], %parallel_loop3A_1236 {add = true} : memref<1280xf32, #tpu.memory_space<vmem>>[vector<16xi32>], vector<16xf32>,
        %parallel_loop3A_1237 = arith.constant 48 : i32
        %parallel_loop3A_1238 = vector.broadcast %parallel_loop3A_1237 : i32 to vector<16xi32>
        %parallel_loop3A_1239 = arith.addi %parallel_loop3A_1209, %parallel_loop3A_1238 : vector<16xi32>
        %parallel_loop3A_1240 = arith.mulf %parallel_loop3A_1232, %parallel_loop3A_1193 : vector<16xf32>
        tpu.vector_store_idx %arg20[%parallel_loop3A_1239], %parallel_loop3A_1240 {add = true} : memref<1280xf32, #tpu.memory_space<vmem>>[vector<16xi32>], vector<16xf32>,
        %parallel_loop3A_1241 = arith.mulf %parallel_loop3A_1211, %parallel_loop3A_1220 : vector<16xf32>
        %parallel_loop3A_1242 = arith.constant 96 : i32
        %parallel_loop3A_1243 = vector.broadcast %parallel_loop3A_1242 : i32 to vector<16xi32>
        %parallel_loop3A_1244 = arith.addi %parallel_loop3A_1209, %parallel_loop3A_1243 : vector<16xi32>
        %parallel_loop3A_1245 = arith.mulf %parallel_loop3A_1241, %parallel_loop3A_1192 : vector<16xf32>
        tpu.vector_store_idx %arg20[%parallel_loop3A_1244], %parallel_loop3A_1245 {add = true} : memref<1280xf32, #tpu.memory_space<vmem>>[vector<16xi32>], vector<16xf32>,
        %parallel_loop3A_1246 = arith.constant 112 : i32
        %parallel_loop3A_1247 = vector.broadcast %parallel_loop3A_1246 : i32 to vector<16xi32>
        %parallel_loop3A_1248 = arith.addi %parallel_loop3A_1209, %parallel_loop3A_1247 : vector<16xi32>
        %parallel_loop3A_1249 = arith.mulf %parallel_loop3A_1241, %parallel_loop3A_1193 : vector<16xf32>
        tpu.vector_store_idx %arg20[%parallel_loop3A_1248], %parallel_loop3A_1249 {add = true} : memref<1280xf32, #tpu.memory_space<vmem>>[vector<16xi32>], vector<16xf32>,
        %parallel_loop3A_1250 = arith.mulf %parallel_loop3A_1211, %parallel_loop3A_1222 : vector<16xf32>
        %parallel_loop3A_1251 = arith.constant 128 : i32
        %parallel_loop3A_1252 = vector.broadcast %parallel_loop3A_1251 : i32 to vector<16xi32>
        %parallel_loop3A_1253 = arith.addi %parallel_loop3A_1209, %parallel_loop3A_1252 : vector<16xi32>
        %parallel_loop3A_1254 = arith.mulf %parallel_loop3A_1250, %parallel_loop3A_1192 : vector<16xf32>
        tpu.vector_store_idx %arg20[%parallel_loop3A_1253], %parallel_loop3A_1254 {add = true} : memref<1280xf32, #tpu.memory_space<vmem>>[vector<16xi32>], vector<16xf32>,
        %parallel_loop3A_1255 = arith.constant 144 : i32
        %parallel_loop3A_1256 = vector.broadcast %parallel_loop3A_1255 : i32 to vector<16xi32>
        %parallel_loop3A_1257 = arith.addi %parallel_loop3A_1209, %parallel_loop3A_1256 : vector<16xi32>
        %parallel_loop3A_1258 = arith.mulf %parallel_loop3A_1250, %parallel_loop3A_1193 : vector<16xf32>
        tpu.vector_store_idx %arg20[%parallel_loop3A_1257], %parallel_loop3A_1258 {add = true} : memref<1280xf32, #tpu.memory_space<vmem>>[vector<16xi32>], vector<16xf32>,
        %parallel_loop3A_1259 = arith.mulf %parallel_loop3A_1212, %parallel_loop3A_1219 : vector<16xf32>
        %parallel_loop3A_1260 = arith.constant 288 : i32
        %parallel_loop3A_1261 = vector.broadcast %parallel_loop3A_1260 : i32 to vector<16xi32>
        %parallel_loop3A_1262 = arith.addi %parallel_loop3A_1209, %parallel_loop3A_1261 : vector<16xi32>
        %parallel_loop3A_1263 = arith.mulf %parallel_loop3A_1259, %parallel_loop3A_1192 : vector<16xf32>
        tpu.vector_store_idx %arg20[%parallel_loop3A_1262], %parallel_loop3A_1263 {add = true} : memref<1280xf32, #tpu.memory_space<vmem>>[vector<16xi32>], vector<16xf32>,
        %parallel_loop3A_1264 = arith.constant 304 : i32
        %parallel_loop3A_1265 = vector.broadcast %parallel_loop3A_1264 : i32 to vector<16xi32>
        %parallel_loop3A_1266 = arith.addi %parallel_loop3A_1209, %parallel_loop3A_1265 : vector<16xi32>
        %parallel_loop3A_1267 = arith.mulf %parallel_loop3A_1259, %parallel_loop3A_1193 : vector<16xf32>
        tpu.vector_store_idx %arg20[%parallel_loop3A_1266], %parallel_loop3A_1267 {add = true} : memref<1280xf32, #tpu.memory_space<vmem>>[vector<16xi32>], vector<16xf32>,
        %parallel_loop3A_1268 = arith.mulf %parallel_loop3A_1212, %parallel_loop3A_1221 : vector<16xf32>
        %parallel_loop3A_1269 = arith.constant 320 : i32
        %parallel_loop3A_1270 = vector.broadcast %parallel_loop3A_1269 : i32 to vector<16xi32>
        %parallel_loop3A_1271 = arith.addi %parallel_loop3A_1209, %parallel_loop3A_1270 : vector<16xi32>
        %parallel_loop3A_1272 = arith.mulf %parallel_loop3A_1268, %parallel_loop3A_1192 : vector<16xf32>
        tpu.vector_store_idx %arg20[%parallel_loop3A_1271], %parallel_loop3A_1272 {add = true} : memref<1280xf32, #tpu.memory_space<vmem>>[vector<16xi32>], vector<16xf32>,
        %parallel_loop3A_1273 = arith.constant 336 : i32
        %parallel_loop3A_1274 = vector.broadcast %parallel_loop3A_1273 : i32 to vector<16xi32>
        %parallel_loop3A_1275 = arith.addi %parallel_loop3A_1209, %parallel_loop3A_1274 : vector<16xi32>
        %parallel_loop3A_1276 = arith.mulf %parallel_loop3A_1268, %parallel_loop3A_1193 : vector<16xf32>
        tpu.vector_store_idx %arg20[%parallel_loop3A_1275], %parallel_loop3A_1276 {add = true} : memref<1280xf32, #tpu.memory_space<vmem>>[vector<16xi32>], vector<16xf32>,
        %parallel_loop3A_1277 = arith.mulf %parallel_loop3A_1212, %parallel_loop3A_1220 : vector<16xf32>
        %parallel_loop3A_1278 = arith.constant 384 : i32
        %parallel_loop3A_1279 = vector.broadcast %parallel_loop3A_1278 : i32 to vector<16xi32>
        %parallel_loop3A_1280 = arith.addi %parallel_loop3A_1209, %parallel_loop3A_1279 : vector<16xi32>
        %parallel_loop3A_1281 = arith.mulf %parallel_loop3A_1277, %parallel_loop3A_1192 : vector<16xf32>
        tpu.vector_store_idx %arg20[%parallel_loop3A_1280], %parallel_loop3A_1281 {add = true} : memref<1280xf32, #tpu.memory_space<vmem>>[vector<16xi32>], vector<16xf32>,
        %parallel_loop3A_1282 = arith.constant 400 : i32
        %parallel_loop3A_1283 = vector.broadcast %parallel_loop3A_1282 : i32 to vector<16xi32>
        %parallel_loop3A_1284 = arith.addi %parallel_loop3A_1209, %parallel_loop3A_1283 : vector<16xi32>
        %parallel_loop3A_1285 = arith.mulf %parallel_loop3A_1277, %parallel_loop3A_1193 : vector<16xf32>
        tpu.vector_store_idx %arg20[%parallel_loop3A_1284], %parallel_loop3A_1285 {add = true} : memref<1280xf32, #tpu.memory_space<vmem>>[vector<16xi32>], vector<16xf32>,
        %parallel_loop3A_1286 = arith.mulf %parallel_loop3A_1212, %parallel_loop3A_1222 : vector<16xf32>
        %parallel_loop3A_1287 = arith.constant 416 : i32
        %parallel_loop3A_1288 = vector.broadcast %parallel_loop3A_1287 : i32 to vector<16xi32>
        %parallel_loop3A_1289 = arith.addi %parallel_loop3A_1209, %parallel_loop3A_1288 : vector<16xi32>
        %parallel_loop3A_1290 = arith.mulf %parallel_loop3A_1286, %parallel_loop3A_1192 : vector<16xf32>
        tpu.vector_store_idx %arg20[%parallel_loop3A_1289], %parallel_loop3A_1290 {add = true} : memref<1280xf32, #tpu.memory_space<vmem>>[vector<16xi32>], vector<16xf32>,
        %parallel_loop3A_1291 = arith.constant 432 : i32
        %parallel_loop3A_1292 = vector.broadcast %parallel_loop3A_1291 : i32 to vector<16xi32>
        %parallel_loop3A_1293 = arith.addi %parallel_loop3A_1209, %parallel_loop3A_1292 : vector<16xi32>
        %parallel_loop3A_1294 = arith.mulf %parallel_loop3A_1286, %parallel_loop3A_1193 : vector<16xf32>
        tpu.vector_store_idx %arg20[%parallel_loop3A_1293], %parallel_loop3A_1294 {add = true} : memref<1280xf32, #tpu.memory_space<vmem>>[vector<16xi32>], vector<16xf32>,
        %parallel_loop3A_1295 = arith.constant 4 : i32
        %parallel_loop3A_1296 = vector.broadcast %parallel_loop3A_1295 : i32 to vector<16xi32>
        %parallel_loop3A_1297 = arith.addi %mul3A_5, %parallel_loop3A_1296 : vector<16xi32>
        %parallel_loop3A_1298 = vector.shape_cast %parallel_loop3A_1297 : vector<16xi32> to vector<16x1xi32>
        %parallel_loop3A_1299 = vector.shape_cast %parallel_loop3A_1298 : vector<16x1xi32> to vector<16xi32>
        %parallel_loop3A_1300 = tpu.dynamic_gather %parallel_loop3A_841[%parallel_loop3A_1299] in [0] : vector<16xi32>, vector<16xi32> -> vector<16xi32>
        %parallel_loop3A_1301 = arith.addi %parallel_loop3A_1300, %iota3A : vector<16xi32>
        %parallel_loop3A_1302 = tpu.vector_load_idx %arg14[%parallel_loop3A_1301] : memref<65536xi32, #tpu.memory_space<vmem>>[vector<16xi32>], vector<16xi32>,
        %parallel_loop3A_1303 = vector.bitcast %parallel_loop3A_1302 : vector<16xi32> to vector<32xbf16>
        %parallel_loop3A_1304 = tpu.unpack_subelements %parallel_loop3A_1303, 0 {pack_format = #tpu.pack_format<interleaved>} : vector<32xbf16> -> vector<16xf32>
        %parallel_loop3A_1305 = tpu.unpack_subelements %parallel_loop3A_1303, 1 {pack_format = #tpu.pack_format<interleaved>} : vector<32xbf16> -> vector<16xf32>
        %parallel_loop3A_1306 = vector.shape_cast %parallel_loop3A_1297 : vector<16xi32> to vector<16x1xi32>
        %parallel_loop3A_1307 = vector.shape_cast %parallel_loop3A_1306 : vector<16x1xi32> to vector<16xi32>
        %parallel_loop3A_1308 = tpu.dynamic_gather %parallel_loop3A_823[%parallel_loop3A_1307] in [0] : vector<16xf32>, vector<16xi32> -> vector<16xf32>
        %parallel_loop3A_1309 = vector.shape_cast %parallel_loop3A_1297 : vector<16xi32> to vector<16x1xi32>
        %parallel_loop3A_1310 = vector.shape_cast %parallel_loop3A_1309 : vector<16x1xi32> to vector<16xi32>
        %parallel_loop3A_1311 = tpu.dynamic_gather %parallel_loop3A_825[%parallel_loop3A_1310] in [0] : vector<16xf32>, vector<16xi32> -> vector<16xf32>
        %parallel_loop3A_1312 = vector.shape_cast %parallel_loop3A_1297 : vector<16xi32> to vector<16x1xi32>
        %parallel_loop3A_1313 = vector.shape_cast %parallel_loop3A_1312 : vector<16x1xi32> to vector<16xi32>
        %parallel_loop3A_1314 = tpu.dynamic_gather %parallel_loop3A_827[%parallel_loop3A_1313] in [0] : vector<16xf32>, vector<16xi32> -> vector<16xf32>
        %parallel_loop3A_1315 = vector.shape_cast %parallel_loop3A_1297 : vector<16xi32> to vector<16x1xi32>
        %parallel_loop3A_1316 = vector.shape_cast %parallel_loop3A_1315 : vector<16x1xi32> to vector<16xi32>
        %parallel_loop3A_1317 = tpu.dynamic_gather %parallel_loop3A_846[%parallel_loop3A_1316] in [0] : vector<16xf32>, vector<16xi32> -> vector<16xf32>
        %parallel_loop3A_1318 = vector.shape_cast %parallel_loop3A_1297 : vector<16xi32> to vector<16x1xi32>
        %parallel_loop3A_1319 = vector.shape_cast %parallel_loop3A_1318 : vector<16x1xi32> to vector<16xi32>
        %parallel_loop3A_1320 = tpu.dynamic_gather %parallel_loop3A_838[%parallel_loop3A_1319] in [0] : vector<16xi32>, vector<16xi32> -> vector<16xi32>
        %parallel_loop3A_1321 = arith.addi %parallel_loop3A_1320, %iota3A : vector<16xi32>
        %parallel_loop3A_1322 = arith.mulf %parallel_loop3A_1308, %parallel_loop3A_1317 : vector<16xf32>
        %parallel_loop3A_1323 = arith.subf %parallel_loop3A_1317, %parallel_loop3A_1322 : vector<16xf32>
        %parallel_loop3A_1324 = arith.mulf %parallel_loop3A_1308, %parallel_loop3A_1317 : vector<16xf32>
        %parallel_loop3A_1325 = arith.constant 1.000000e+00 : f32
        %parallel_loop3A_1326 = vector.broadcast %parallel_loop3A_1325 : f32 to vector<16xf32>
        %parallel_loop3A_1327 = arith.subf %parallel_loop3A_1326, %parallel_loop3A_1311 : vector<16xf32>
        %parallel_loop3A_1328 = arith.constant 1.000000e+00 : f32
        %parallel_loop3A_1329 = vector.broadcast %parallel_loop3A_1328 : f32 to vector<16xf32>
        %parallel_loop3A_1330 = arith.subf %parallel_loop3A_1329, %parallel_loop3A_1314 : vector<16xf32>
        %parallel_loop3A_1331 = arith.mulf %parallel_loop3A_1327, %parallel_loop3A_1330 : vector<16xf32>
        %parallel_loop3A_1332 = arith.mulf %parallel_loop3A_1311, %parallel_loop3A_1330 : vector<16xf32>
        %parallel_loop3A_1333 = arith.mulf %parallel_loop3A_1327, %parallel_loop3A_1314 : vector<16xf32>
        %parallel_loop3A_1334 = arith.mulf %parallel_loop3A_1311, %parallel_loop3A_1314 : vector<16xf32>
        %parallel_loop3A_1335 = arith.mulf %parallel_loop3A_1323, %parallel_loop3A_1331 : vector<16xf32>
        %parallel_loop3A_1336 = arith.constant 0 : i32
        %parallel_loop3A_1337 = vector.broadcast %parallel_loop3A_1336 : i32 to vector<16xi32>
        %parallel_loop3A_1338 = arith.addi %parallel_loop3A_1321, %parallel_loop3A_1337 : vector<16xi32>
        %parallel_loop3A_1339 = arith.mulf %parallel_loop3A_1335, %parallel_loop3A_1304 : vector<16xf32>
        tpu.vector_store_idx %arg20[%parallel_loop3A_1338], %parallel_loop3A_1339 {add = true} : memref<1280xf32, #tpu.memory_space<vmem>>[vector<16xi32>], vector<16xf32>,
        %parallel_loop3A_1340 = arith.constant 16 : i32
        %parallel_loop3A_1341 = vector.broadcast %parallel_loop3A_1340 : i32 to vector<16xi32>
        %parallel_loop3A_1342 = arith.addi %parallel_loop3A_1321, %parallel_loop3A_1341 : vector<16xi32>
        %parallel_loop3A_1343 = arith.mulf %parallel_loop3A_1335, %parallel_loop3A_1305 : vector<16xf32>
        tpu.vector_store_idx %arg20[%parallel_loop3A_1342], %parallel_loop3A_1343 {add = true} : memref<1280xf32, #tpu.memory_space<vmem>>[vector<16xi32>], vector<16xf32>,
        %parallel_loop3A_1344 = arith.mulf %parallel_loop3A_1323, %parallel_loop3A_1333 : vector<16xf32>
        %parallel_loop3A_1345 = arith.constant 32 : i32
        %parallel_loop3A_1346 = vector.broadcast %parallel_loop3A_1345 : i32 to vector<16xi32>
        %parallel_loop3A_1347 = arith.addi %parallel_loop3A_1321, %parallel_loop3A_1346 : vector<16xi32>
        %parallel_loop3A_1348 = arith.mulf %parallel_loop3A_1344, %parallel_loop3A_1304 : vector<16xf32>
        tpu.vector_store_idx %arg20[%parallel_loop3A_1347], %parallel_loop3A_1348 {add = true} : memref<1280xf32, #tpu.memory_space<vmem>>[vector<16xi32>], vector<16xf32>,
        %parallel_loop3A_1349 = arith.constant 48 : i32
        %parallel_loop3A_1350 = vector.broadcast %parallel_loop3A_1349 : i32 to vector<16xi32>
        %parallel_loop3A_1351 = arith.addi %parallel_loop3A_1321, %parallel_loop3A_1350 : vector<16xi32>
        %parallel_loop3A_1352 = arith.mulf %parallel_loop3A_1344, %parallel_loop3A_1305 : vector<16xf32>
        tpu.vector_store_idx %arg20[%parallel_loop3A_1351], %parallel_loop3A_1352 {add = true} : memref<1280xf32, #tpu.memory_space<vmem>>[vector<16xi32>], vector<16xf32>,
        %parallel_loop3A_1353 = arith.mulf %parallel_loop3A_1323, %parallel_loop3A_1332 : vector<16xf32>
        %parallel_loop3A_1354 = arith.constant 96 : i32
        %parallel_loop3A_1355 = vector.broadcast %parallel_loop3A_1354 : i32 to vector<16xi32>
        %parallel_loop3A_1356 = arith.addi %parallel_loop3A_1321, %parallel_loop3A_1355 : vector<16xi32>
        %parallel_loop3A_1357 = arith.mulf %parallel_loop3A_1353, %parallel_loop3A_1304 : vector<16xf32>
        tpu.vector_store_idx %arg20[%parallel_loop3A_1356], %parallel_loop3A_1357 {add = true} : memref<1280xf32, #tpu.memory_space<vmem>>[vector<16xi32>], vector<16xf32>,
        %parallel_loop3A_1358 = arith.constant 112 : i32
        %parallel_loop3A_1359 = vector.broadcast %parallel_loop3A_1358 : i32 to vector<16xi32>
        %parallel_loop3A_1360 = arith.addi %parallel_loop3A_1321, %parallel_loop3A_1359 : vector<16xi32>
        %parallel_loop3A_1361 = arith.mulf %parallel_loop3A_1353, %parallel_loop3A_1305 : vector<16xf32>
        tpu.vector_store_idx %arg20[%parallel_loop3A_1360], %parallel_loop3A_1361 {add = true} : memref<1280xf32, #tpu.memory_space<vmem>>[vector<16xi32>], vector<16xf32>,
        %parallel_loop3A_1362 = arith.mulf %parallel_loop3A_1323, %parallel_loop3A_1334 : vector<16xf32>
        %parallel_loop3A_1363 = arith.constant 128 : i32
        %parallel_loop3A_1364 = vector.broadcast %parallel_loop3A_1363 : i32 to vector<16xi32>
        %parallel_loop3A_1365 = arith.addi %parallel_loop3A_1321, %parallel_loop3A_1364 : vector<16xi32>
        %parallel_loop3A_1366 = arith.mulf %parallel_loop3A_1362, %parallel_loop3A_1304 : vector<16xf32>
        tpu.vector_store_idx %arg20[%parallel_loop3A_1365], %parallel_loop3A_1366 {add = true} : memref<1280xf32, #tpu.memory_space<vmem>>[vector<16xi32>], vector<16xf32>,
        %parallel_loop3A_1367 = arith.constant 144 : i32
        %parallel_loop3A_1368 = vector.broadcast %parallel_loop3A_1367 : i32 to vector<16xi32>
        %parallel_loop3A_1369 = arith.addi %parallel_loop3A_1321, %parallel_loop3A_1368 : vector<16xi32>
        %parallel_loop3A_1370 = arith.mulf %parallel_loop3A_1362, %parallel_loop3A_1305 : vector<16xf32>
        tpu.vector_store_idx %arg20[%parallel_loop3A_1369], %parallel_loop3A_1370 {add = true} : memref<1280xf32, #tpu.memory_space<vmem>>[vector<16xi32>], vector<16xf32>,
        %parallel_loop3A_1371 = arith.mulf %parallel_loop3A_1324, %parallel_loop3A_1331 : vector<16xf32>
        %parallel_loop3A_1372 = arith.constant 288 : i32
        %parallel_loop3A_1373 = vector.broadcast %parallel_loop3A_1372 : i32 to vector<16xi32>
        %parallel_loop3A_1374 = arith.addi %parallel_loop3A_1321, %parallel_loop3A_1373 : vector<16xi32>
        %parallel_loop3A_1375 = arith.mulf %parallel_loop3A_1371, %parallel_loop3A_1304 : vector<16xf32>
        tpu.vector_store_idx %arg20[%parallel_loop3A_1374], %parallel_loop3A_1375 {add = true} : memref<1280xf32, #tpu.memory_space<vmem>>[vector<16xi32>], vector<16xf32>,
        %parallel_loop3A_1376 = arith.constant 304 : i32
        %parallel_loop3A_1377 = vector.broadcast %parallel_loop3A_1376 : i32 to vector<16xi32>
        %parallel_loop3A_1378 = arith.addi %parallel_loop3A_1321, %parallel_loop3A_1377 : vector<16xi32>
        %parallel_loop3A_1379 = arith.mulf %parallel_loop3A_1371, %parallel_loop3A_1305 : vector<16xf32>
        tpu.vector_store_idx %arg20[%parallel_loop3A_1378], %parallel_loop3A_1379 {add = true} : memref<1280xf32, #tpu.memory_space<vmem>>[vector<16xi32>], vector<16xf32>,
        %parallel_loop3A_1380 = arith.mulf %parallel_loop3A_1324, %parallel_loop3A_1333 : vector<16xf32>
        %parallel_loop3A_1381 = arith.constant 320 : i32
        %parallel_loop3A_1382 = vector.broadcast %parallel_loop3A_1381 : i32 to vector<16xi32>
        %parallel_loop3A_1383 = arith.addi %parallel_loop3A_1321, %parallel_loop3A_1382 : vector<16xi32>
        %parallel_loop3A_1384 = arith.mulf %parallel_loop3A_1380, %parallel_loop3A_1304 : vector<16xf32>
        tpu.vector_store_idx %arg20[%parallel_loop3A_1383], %parallel_loop3A_1384 {add = true} : memref<1280xf32, #tpu.memory_space<vmem>>[vector<16xi32>], vector<16xf32>,
        %parallel_loop3A_1385 = arith.constant 336 : i32
        %parallel_loop3A_1386 = vector.broadcast %parallel_loop3A_1385 : i32 to vector<16xi32>
        %parallel_loop3A_1387 = arith.addi %parallel_loop3A_1321, %parallel_loop3A_1386 : vector<16xi32>
        %parallel_loop3A_1388 = arith.mulf %parallel_loop3A_1380, %parallel_loop3A_1305 : vector<16xf32>
        tpu.vector_store_idx %arg20[%parallel_loop3A_1387], %parallel_loop3A_1388 {add = true} : memref<1280xf32, #tpu.memory_space<vmem>>[vector<16xi32>], vector<16xf32>,
        %parallel_loop3A_1389 = arith.mulf %parallel_loop3A_1324, %parallel_loop3A_1332 : vector<16xf32>
        %parallel_loop3A_1390 = arith.constant 384 : i32
        %parallel_loop3A_1391 = vector.broadcast %parallel_loop3A_1390 : i32 to vector<16xi32>
        %parallel_loop3A_1392 = arith.addi %parallel_loop3A_1321, %parallel_loop3A_1391 : vector<16xi32>
        %parallel_loop3A_1393 = arith.mulf %parallel_loop3A_1389, %parallel_loop3A_1304 : vector<16xf32>
        tpu.vector_store_idx %arg20[%parallel_loop3A_1392], %parallel_loop3A_1393 {add = true} : memref<1280xf32, #tpu.memory_space<vmem>>[vector<16xi32>], vector<16xf32>,
        %parallel_loop3A_1394 = arith.constant 400 : i32
        %parallel_loop3A_1395 = vector.broadcast %parallel_loop3A_1394 : i32 to vector<16xi32>
        %parallel_loop3A_1396 = arith.addi %parallel_loop3A_1321, %parallel_loop3A_1395 : vector<16xi32>
        %parallel_loop3A_1397 = arith.mulf %parallel_loop3A_1389, %parallel_loop3A_1305 : vector<16xf32>
        tpu.vector_store_idx %arg20[%parallel_loop3A_1396], %parallel_loop3A_1397 {add = true} : memref<1280xf32, #tpu.memory_space<vmem>>[vector<16xi32>], vector<16xf32>,
        %parallel_loop3A_1398 = arith.mulf %parallel_loop3A_1324, %parallel_loop3A_1334 : vector<16xf32>
        %parallel_loop3A_1399 = arith.constant 416 : i32
        %parallel_loop3A_1400 = vector.broadcast %parallel_loop3A_1399 : i32 to vector<16xi32>
        %parallel_loop3A_1401 = arith.addi %parallel_loop3A_1321, %parallel_loop3A_1400 : vector<16xi32>
        %parallel_loop3A_1402 = arith.mulf %parallel_loop3A_1398, %parallel_loop3A_1304 : vector<16xf32>
        tpu.vector_store_idx %arg20[%parallel_loop3A_1401], %parallel_loop3A_1402 {add = true} : memref<1280xf32, #tpu.memory_space<vmem>>[vector<16xi32>], vector<16xf32>,
        %parallel_loop3A_1403 = arith.constant 432 : i32
        %parallel_loop3A_1404 = vector.broadcast %parallel_loop3A_1403 : i32 to vector<16xi32>
        %parallel_loop3A_1405 = arith.addi %parallel_loop3A_1321, %parallel_loop3A_1404 : vector<16xi32>
        %parallel_loop3A_1406 = arith.mulf %parallel_loop3A_1398, %parallel_loop3A_1305 : vector<16xf32>
        tpu.vector_store_idx %arg20[%parallel_loop3A_1405], %parallel_loop3A_1406 {add = true} : memref<1280xf32, #tpu.memory_space<vmem>>[vector<16xi32>], vector<16xf32>,
        %parallel_loop3A_1407 = arith.constant 5 : i32
        %parallel_loop3A_1408 = vector.broadcast %parallel_loop3A_1407 : i32 to vector<16xi32>
        %parallel_loop3A_1409 = arith.addi %mul3A_5, %parallel_loop3A_1408 : vector<16xi32>
        %parallel_loop3A_1410 = vector.shape_cast %parallel_loop3A_1409 : vector<16xi32> to vector<16x1xi32>
        %parallel_loop3A_1411 = vector.shape_cast %parallel_loop3A_1410 : vector<16x1xi32> to vector<16xi32>
        %parallel_loop3A_1412 = tpu.dynamic_gather %parallel_loop3A_841[%parallel_loop3A_1411] in [0] : vector<16xi32>, vector<16xi32> -> vector<16xi32>
        %parallel_loop3A_1413 = arith.addi %parallel_loop3A_1412, %iota3A : vector<16xi32>
        %parallel_loop3A_1414 = tpu.vector_load_idx %arg14[%parallel_loop3A_1413] : memref<65536xi32, #tpu.memory_space<vmem>>[vector<16xi32>], vector<16xi32>,
        %parallel_loop3A_1415 = vector.bitcast %parallel_loop3A_1414 : vector<16xi32> to vector<32xbf16>
        %parallel_loop3A_1416 = tpu.unpack_subelements %parallel_loop3A_1415, 0 {pack_format = #tpu.pack_format<interleaved>} : vector<32xbf16> -> vector<16xf32>
        %parallel_loop3A_1417 = tpu.unpack_subelements %parallel_loop3A_1415, 1 {pack_format = #tpu.pack_format<interleaved>} : vector<32xbf16> -> vector<16xf32>
        %parallel_loop3A_1418 = vector.shape_cast %parallel_loop3A_1409 : vector<16xi32> to vector<16x1xi32>
        %parallel_loop3A_1419 = vector.shape_cast %parallel_loop3A_1418 : vector<16x1xi32> to vector<16xi32>
        %parallel_loop3A_1420 = tpu.dynamic_gather %parallel_loop3A_823[%parallel_loop3A_1419] in [0] : vector<16xf32>, vector<16xi32> -> vector<16xf32>
        %parallel_loop3A_1421 = vector.shape_cast %parallel_loop3A_1409 : vector<16xi32> to vector<16x1xi32>
        %parallel_loop3A_1422 = vector.shape_cast %parallel_loop3A_1421 : vector<16x1xi32> to vector<16xi32>
        %parallel_loop3A_1423 = tpu.dynamic_gather %parallel_loop3A_825[%parallel_loop3A_1422] in [0] : vector<16xf32>, vector<16xi32> -> vector<16xf32>
        %parallel_loop3A_1424 = vector.shape_cast %parallel_loop3A_1409 : vector<16xi32> to vector<16x1xi32>
        %parallel_loop3A_1425 = vector.shape_cast %parallel_loop3A_1424 : vector<16x1xi32> to vector<16xi32>
        %parallel_loop3A_1426 = tpu.dynamic_gather %parallel_loop3A_827[%parallel_loop3A_1425] in [0] : vector<16xf32>, vector<16xi32> -> vector<16xf32>
        %parallel_loop3A_1427 = vector.shape_cast %parallel_loop3A_1409 : vector<16xi32> to vector<16x1xi32>
        %parallel_loop3A_1428 = vector.shape_cast %parallel_loop3A_1427 : vector<16x1xi32> to vector<16xi32>
        %parallel_loop3A_1429 = tpu.dynamic_gather %parallel_loop3A_846[%parallel_loop3A_1428] in [0] : vector<16xf32>, vector<16xi32> -> vector<16xf32>
        %parallel_loop3A_1430 = vector.shape_cast %parallel_loop3A_1409 : vector<16xi32> to vector<16x1xi32>
        %parallel_loop3A_1431 = vector.shape_cast %parallel_loop3A_1430 : vector<16x1xi32> to vector<16xi32>
        %parallel_loop3A_1432 = tpu.dynamic_gather %parallel_loop3A_838[%parallel_loop3A_1431] in [0] : vector<16xi32>, vector<16xi32> -> vector<16xi32>
        %parallel_loop3A_1433 = arith.addi %parallel_loop3A_1432, %iota3A : vector<16xi32>
        %parallel_loop3A_1434 = arith.mulf %parallel_loop3A_1420, %parallel_loop3A_1429 : vector<16xf32>
        %parallel_loop3A_1435 = arith.subf %parallel_loop3A_1429, %parallel_loop3A_1434 : vector<16xf32>
        %parallel_loop3A_1436 = arith.mulf %parallel_loop3A_1420, %parallel_loop3A_1429 : vector<16xf32>
        %parallel_loop3A_1437 = arith.constant 1.000000e+00 : f32
        %parallel_loop3A_1438 = vector.broadcast %parallel_loop3A_1437 : f32 to vector<16xf32>
        %parallel_loop3A_1439 = arith.subf %parallel_loop3A_1438, %parallel_loop3A_1423 : vector<16xf32>
        %parallel_loop3A_1440 = arith.constant 1.000000e+00 : f32
        %parallel_loop3A_1441 = vector.broadcast %parallel_loop3A_1440 : f32 to vector<16xf32>
        %parallel_loop3A_1442 = arith.subf %parallel_loop3A_1441, %parallel_loop3A_1426 : vector<16xf32>
        %parallel_loop3A_1443 = arith.mulf %parallel_loop3A_1439, %parallel_loop3A_1442 : vector<16xf32>
        %parallel_loop3A_1444 = arith.mulf %parallel_loop3A_1423, %parallel_loop3A_1442 : vector<16xf32>
        %parallel_loop3A_1445 = arith.mulf %parallel_loop3A_1439, %parallel_loop3A_1426 : vector<16xf32>
        %parallel_loop3A_1446 = arith.mulf %parallel_loop3A_1423, %parallel_loop3A_1426 : vector<16xf32>
        %parallel_loop3A_1447 = arith.mulf %parallel_loop3A_1435, %parallel_loop3A_1443 : vector<16xf32>
        %parallel_loop3A_1448 = arith.constant 0 : i32
        %parallel_loop3A_1449 = vector.broadcast %parallel_loop3A_1448 : i32 to vector<16xi32>
        %parallel_loop3A_1450 = arith.addi %parallel_loop3A_1433, %parallel_loop3A_1449 : vector<16xi32>
        %parallel_loop3A_1451 = arith.mulf %parallel_loop3A_1447, %parallel_loop3A_1416 : vector<16xf32>
        tpu.vector_store_idx %arg20[%parallel_loop3A_1450], %parallel_loop3A_1451 {add = true} : memref<1280xf32, #tpu.memory_space<vmem>>[vector<16xi32>], vector<16xf32>,
        %parallel_loop3A_1452 = arith.constant 16 : i32
        %parallel_loop3A_1453 = vector.broadcast %parallel_loop3A_1452 : i32 to vector<16xi32>
        %parallel_loop3A_1454 = arith.addi %parallel_loop3A_1433, %parallel_loop3A_1453 : vector<16xi32>
        %parallel_loop3A_1455 = arith.mulf %parallel_loop3A_1447, %parallel_loop3A_1417 : vector<16xf32>
        tpu.vector_store_idx %arg20[%parallel_loop3A_1454], %parallel_loop3A_1455 {add = true} : memref<1280xf32, #tpu.memory_space<vmem>>[vector<16xi32>], vector<16xf32>,
        %parallel_loop3A_1456 = arith.mulf %parallel_loop3A_1435, %parallel_loop3A_1445 : vector<16xf32>
        %parallel_loop3A_1457 = arith.constant 32 : i32
        %parallel_loop3A_1458 = vector.broadcast %parallel_loop3A_1457 : i32 to vector<16xi32>
        %parallel_loop3A_1459 = arith.addi %parallel_loop3A_1433, %parallel_loop3A_1458 : vector<16xi32>
        %parallel_loop3A_1460 = arith.mulf %parallel_loop3A_1456, %parallel_loop3A_1416 : vector<16xf32>
        tpu.vector_store_idx %arg20[%parallel_loop3A_1459], %parallel_loop3A_1460 {add = true} : memref<1280xf32, #tpu.memory_space<vmem>>[vector<16xi32>], vector<16xf32>,
        %parallel_loop3A_1461 = arith.constant 48 : i32
        %parallel_loop3A_1462 = vector.broadcast %parallel_loop3A_1461 : i32 to vector<16xi32>
        %parallel_loop3A_1463 = arith.addi %parallel_loop3A_1433, %parallel_loop3A_1462 : vector<16xi32>
        %parallel_loop3A_1464 = arith.mulf %parallel_loop3A_1456, %parallel_loop3A_1417 : vector<16xf32>
        tpu.vector_store_idx %arg20[%parallel_loop3A_1463], %parallel_loop3A_1464 {add = true} : memref<1280xf32, #tpu.memory_space<vmem>>[vector<16xi32>], vector<16xf32>,
        %parallel_loop3A_1465 = arith.mulf %parallel_loop3A_1435, %parallel_loop3A_1444 : vector<16xf32>
        %parallel_loop3A_1466 = arith.constant 96 : i32
        %parallel_loop3A_1467 = vector.broadcast %parallel_loop3A_1466 : i32 to vector<16xi32>
        %parallel_loop3A_1468 = arith.addi %parallel_loop3A_1433, %parallel_loop3A_1467 : vector<16xi32>
        %parallel_loop3A_1469 = arith.mulf %parallel_loop3A_1465, %parallel_loop3A_1416 : vector<16xf32>
        tpu.vector_store_idx %arg20[%parallel_loop3A_1468], %parallel_loop3A_1469 {add = true} : memref<1280xf32, #tpu.memory_space<vmem>>[vector<16xi32>], vector<16xf32>,
        %parallel_loop3A_1470 = arith.constant 112 : i32
        %parallel_loop3A_1471 = vector.broadcast %parallel_loop3A_1470 : i32 to vector<16xi32>
        %parallel_loop3A_1472 = arith.addi %parallel_loop3A_1433, %parallel_loop3A_1471 : vector<16xi32>
        %parallel_loop3A_1473 = arith.mulf %parallel_loop3A_1465, %parallel_loop3A_1417 : vector<16xf32>
        tpu.vector_store_idx %arg20[%parallel_loop3A_1472], %parallel_loop3A_1473 {add = true} : memref<1280xf32, #tpu.memory_space<vmem>>[vector<16xi32>], vector<16xf32>,
        %parallel_loop3A_1474 = arith.mulf %parallel_loop3A_1435, %parallel_loop3A_1446 : vector<16xf32>
        %parallel_loop3A_1475 = arith.constant 128 : i32
        %parallel_loop3A_1476 = vector.broadcast %parallel_loop3A_1475 : i32 to vector<16xi32>
        %parallel_loop3A_1477 = arith.addi %parallel_loop3A_1433, %parallel_loop3A_1476 : vector<16xi32>
        %parallel_loop3A_1478 = arith.mulf %parallel_loop3A_1474, %parallel_loop3A_1416 : vector<16xf32>
        tpu.vector_store_idx %arg20[%parallel_loop3A_1477], %parallel_loop3A_1478 {add = true} : memref<1280xf32, #tpu.memory_space<vmem>>[vector<16xi32>], vector<16xf32>,
        %parallel_loop3A_1479 = arith.constant 144 : i32
        %parallel_loop3A_1480 = vector.broadcast %parallel_loop3A_1479 : i32 to vector<16xi32>
        %parallel_loop3A_1481 = arith.addi %parallel_loop3A_1433, %parallel_loop3A_1480 : vector<16xi32>
        %parallel_loop3A_1482 = arith.mulf %parallel_loop3A_1474, %parallel_loop3A_1417 : vector<16xf32>
        tpu.vector_store_idx %arg20[%parallel_loop3A_1481], %parallel_loop3A_1482 {add = true} : memref<1280xf32, #tpu.memory_space<vmem>>[vector<16xi32>], vector<16xf32>,
        %parallel_loop3A_1483 = arith.mulf %parallel_loop3A_1436, %parallel_loop3A_1443 : vector<16xf32>
        %parallel_loop3A_1484 = arith.constant 288 : i32
        %parallel_loop3A_1485 = vector.broadcast %parallel_loop3A_1484 : i32 to vector<16xi32>
        %parallel_loop3A_1486 = arith.addi %parallel_loop3A_1433, %parallel_loop3A_1485 : vector<16xi32>
        %parallel_loop3A_1487 = arith.mulf %parallel_loop3A_1483, %parallel_loop3A_1416 : vector<16xf32>
        tpu.vector_store_idx %arg20[%parallel_loop3A_1486], %parallel_loop3A_1487 {add = true} : memref<1280xf32, #tpu.memory_space<vmem>>[vector<16xi32>], vector<16xf32>,
        %parallel_loop3A_1488 = arith.constant 304 : i32
        %parallel_loop3A_1489 = vector.broadcast %parallel_loop3A_1488 : i32 to vector<16xi32>
        %parallel_loop3A_1490 = arith.addi %parallel_loop3A_1433, %parallel_loop3A_1489 : vector<16xi32>
        %parallel_loop3A_1491 = arith.mulf %parallel_loop3A_1483, %parallel_loop3A_1417 : vector<16xf32>
        tpu.vector_store_idx %arg20[%parallel_loop3A_1490], %parallel_loop3A_1491 {add = true} : memref<1280xf32, #tpu.memory_space<vmem>>[vector<16xi32>], vector<16xf32>,
        %parallel_loop3A_1492 = arith.mulf %parallel_loop3A_1436, %parallel_loop3A_1445 : vector<16xf32>
        %parallel_loop3A_1493 = arith.constant 320 : i32
        %parallel_loop3A_1494 = vector.broadcast %parallel_loop3A_1493 : i32 to vector<16xi32>
        %parallel_loop3A_1495 = arith.addi %parallel_loop3A_1433, %parallel_loop3A_1494 : vector<16xi32>
        %parallel_loop3A_1496 = arith.mulf %parallel_loop3A_1492, %parallel_loop3A_1416 : vector<16xf32>
        tpu.vector_store_idx %arg20[%parallel_loop3A_1495], %parallel_loop3A_1496 {add = true} : memref<1280xf32, #tpu.memory_space<vmem>>[vector<16xi32>], vector<16xf32>,
        %parallel_loop3A_1497 = arith.constant 336 : i32
        %parallel_loop3A_1498 = vector.broadcast %parallel_loop3A_1497 : i32 to vector<16xi32>
        %parallel_loop3A_1499 = arith.addi %parallel_loop3A_1433, %parallel_loop3A_1498 : vector<16xi32>
        %parallel_loop3A_1500 = arith.mulf %parallel_loop3A_1492, %parallel_loop3A_1417 : vector<16xf32>
        tpu.vector_store_idx %arg20[%parallel_loop3A_1499], %parallel_loop3A_1500 {add = true} : memref<1280xf32, #tpu.memory_space<vmem>>[vector<16xi32>], vector<16xf32>,
        %parallel_loop3A_1501 = arith.mulf %parallel_loop3A_1436, %parallel_loop3A_1444 : vector<16xf32>
        %parallel_loop3A_1502 = arith.constant 384 : i32
        %parallel_loop3A_1503 = vector.broadcast %parallel_loop3A_1502 : i32 to vector<16xi32>
        %parallel_loop3A_1504 = arith.addi %parallel_loop3A_1433, %parallel_loop3A_1503 : vector<16xi32>
        %parallel_loop3A_1505 = arith.mulf %parallel_loop3A_1501, %parallel_loop3A_1416 : vector<16xf32>
        tpu.vector_store_idx %arg20[%parallel_loop3A_1504], %parallel_loop3A_1505 {add = true} : memref<1280xf32, #tpu.memory_space<vmem>>[vector<16xi32>], vector<16xf32>,
        %parallel_loop3A_1506 = arith.constant 400 : i32
        %parallel_loop3A_1507 = vector.broadcast %parallel_loop3A_1506 : i32 to vector<16xi32>
        %parallel_loop3A_1508 = arith.addi %parallel_loop3A_1433, %parallel_loop3A_1507 : vector<16xi32>
        %parallel_loop3A_1509 = arith.mulf %parallel_loop3A_1501, %parallel_loop3A_1417 : vector<16xf32>
        tpu.vector_store_idx %arg20[%parallel_loop3A_1508], %parallel_loop3A_1509 {add = true} : memref<1280xf32, #tpu.memory_space<vmem>>[vector<16xi32>], vector<16xf32>,
        %parallel_loop3A_1510 = arith.mulf %parallel_loop3A_1436, %parallel_loop3A_1446 : vector<16xf32>
        %parallel_loop3A_1511 = arith.constant 416 : i32
        %parallel_loop3A_1512 = vector.broadcast %parallel_loop3A_1511 : i32 to vector<16xi32>
        %parallel_loop3A_1513 = arith.addi %parallel_loop3A_1433, %parallel_loop3A_1512 : vector<16xi32>
        %parallel_loop3A_1514 = arith.mulf %parallel_loop3A_1510, %parallel_loop3A_1416 : vector<16xf32>
        tpu.vector_store_idx %arg20[%parallel_loop3A_1513], %parallel_loop3A_1514 {add = true} : memref<1280xf32, #tpu.memory_space<vmem>>[vector<16xi32>], vector<16xf32>,
        %parallel_loop3A_1515 = arith.constant 432 : i32
        %parallel_loop3A_1516 = vector.broadcast %parallel_loop3A_1515 : i32 to vector<16xi32>
        %parallel_loop3A_1517 = arith.addi %parallel_loop3A_1433, %parallel_loop3A_1516 : vector<16xi32>
        %parallel_loop3A_1518 = arith.mulf %parallel_loop3A_1510, %parallel_loop3A_1417 : vector<16xf32>
        tpu.vector_store_idx %arg20[%parallel_loop3A_1517], %parallel_loop3A_1518 {add = true} : memref<1280xf32, #tpu.memory_space<vmem>>[vector<16xi32>], vector<16xf32>,
        %parallel_loop3A_1519 = arith.constant 6 : i32
        %parallel_loop3A_1520 = vector.broadcast %parallel_loop3A_1519 : i32 to vector<16xi32>
        %parallel_loop3A_1521 = arith.addi %mul3A_5, %parallel_loop3A_1520 : vector<16xi32>
        %parallel_loop3A_1522 = vector.shape_cast %parallel_loop3A_1521 : vector<16xi32> to vector<16x1xi32>
        %parallel_loop3A_1523 = vector.shape_cast %parallel_loop3A_1522 : vector<16x1xi32> to vector<16xi32>
        %parallel_loop3A_1524 = tpu.dynamic_gather %parallel_loop3A_841[%parallel_loop3A_1523] in [0] : vector<16xi32>, vector<16xi32> -> vector<16xi32>
        %parallel_loop3A_1525 = arith.addi %parallel_loop3A_1524, %iota3A : vector<16xi32>
        %parallel_loop3A_1526 = tpu.vector_load_idx %arg14[%parallel_loop3A_1525] : memref<65536xi32, #tpu.memory_space<vmem>>[vector<16xi32>], vector<16xi32>,
        %parallel_loop3A_1527 = vector.bitcast %parallel_loop3A_1526 : vector<16xi32> to vector<32xbf16>
        %parallel_loop3A_1528 = tpu.unpack_subelements %parallel_loop3A_1527, 0 {pack_format = #tpu.pack_format<interleaved>} : vector<32xbf16> -> vector<16xf32>
        %parallel_loop3A_1529 = tpu.unpack_subelements %parallel_loop3A_1527, 1 {pack_format = #tpu.pack_format<interleaved>} : vector<32xbf16> -> vector<16xf32>
        %parallel_loop3A_1530 = vector.shape_cast %parallel_loop3A_1521 : vector<16xi32> to vector<16x1xi32>
        %parallel_loop3A_1531 = vector.shape_cast %parallel_loop3A_1530 : vector<16x1xi32> to vector<16xi32>
        %parallel_loop3A_1532 = tpu.dynamic_gather %parallel_loop3A_823[%parallel_loop3A_1531] in [0] : vector<16xf32>, vector<16xi32> -> vector<16xf32>
        %parallel_loop3A_1533 = vector.shape_cast %parallel_loop3A_1521 : vector<16xi32> to vector<16x1xi32>
        %parallel_loop3A_1534 = vector.shape_cast %parallel_loop3A_1533 : vector<16x1xi32> to vector<16xi32>
        %parallel_loop3A_1535 = tpu.dynamic_gather %parallel_loop3A_825[%parallel_loop3A_1534] in [0] : vector<16xf32>, vector<16xi32> -> vector<16xf32>
        %parallel_loop3A_1536 = vector.shape_cast %parallel_loop3A_1521 : vector<16xi32> to vector<16x1xi32>
        %parallel_loop3A_1537 = vector.shape_cast %parallel_loop3A_1536 : vector<16x1xi32> to vector<16xi32>
        %parallel_loop3A_1538 = tpu.dynamic_gather %parallel_loop3A_827[%parallel_loop3A_1537] in [0] : vector<16xf32>, vector<16xi32> -> vector<16xf32>
        %parallel_loop3A_1539 = vector.shape_cast %parallel_loop3A_1521 : vector<16xi32> to vector<16x1xi32>
        %parallel_loop3A_1540 = vector.shape_cast %parallel_loop3A_1539 : vector<16x1xi32> to vector<16xi32>
        %parallel_loop3A_1541 = tpu.dynamic_gather %parallel_loop3A_846[%parallel_loop3A_1540] in [0] : vector<16xf32>, vector<16xi32> -> vector<16xf32>
        %parallel_loop3A_1542 = vector.shape_cast %parallel_loop3A_1521 : vector<16xi32> to vector<16x1xi32>
        %parallel_loop3A_1543 = vector.shape_cast %parallel_loop3A_1542 : vector<16x1xi32> to vector<16xi32>
        %parallel_loop3A_1544 = tpu.dynamic_gather %parallel_loop3A_838[%parallel_loop3A_1543] in [0] : vector<16xi32>, vector<16xi32> -> vector<16xi32>
        %parallel_loop3A_1545 = arith.addi %parallel_loop3A_1544, %iota3A : vector<16xi32>
        %parallel_loop3A_1546 = arith.mulf %parallel_loop3A_1532, %parallel_loop3A_1541 : vector<16xf32>
        %parallel_loop3A_1547 = arith.subf %parallel_loop3A_1541, %parallel_loop3A_1546 : vector<16xf32>
        %parallel_loop3A_1548 = arith.mulf %parallel_loop3A_1532, %parallel_loop3A_1541 : vector<16xf32>
        %parallel_loop3A_1549 = arith.constant 1.000000e+00 : f32
        %parallel_loop3A_1550 = vector.broadcast %parallel_loop3A_1549 : f32 to vector<16xf32>
        %parallel_loop3A_1551 = arith.subf %parallel_loop3A_1550, %parallel_loop3A_1535 : vector<16xf32>
        %parallel_loop3A_1552 = arith.constant 1.000000e+00 : f32
        %parallel_loop3A_1553 = vector.broadcast %parallel_loop3A_1552 : f32 to vector<16xf32>
        %parallel_loop3A_1554 = arith.subf %parallel_loop3A_1553, %parallel_loop3A_1538 : vector<16xf32>
        %parallel_loop3A_1555 = arith.mulf %parallel_loop3A_1551, %parallel_loop3A_1554 : vector<16xf32>
        %parallel_loop3A_1556 = arith.mulf %parallel_loop3A_1535, %parallel_loop3A_1554 : vector<16xf32>
        %parallel_loop3A_1557 = arith.mulf %parallel_loop3A_1551, %parallel_loop3A_1538 : vector<16xf32>
        %parallel_loop3A_1558 = arith.mulf %parallel_loop3A_1535, %parallel_loop3A_1538 : vector<16xf32>
        %parallel_loop3A_1559 = arith.mulf %parallel_loop3A_1547, %parallel_loop3A_1555 : vector<16xf32>
        %parallel_loop3A_1560 = arith.constant 0 : i32
        %parallel_loop3A_1561 = vector.broadcast %parallel_loop3A_1560 : i32 to vector<16xi32>
        %parallel_loop3A_1562 = arith.addi %parallel_loop3A_1545, %parallel_loop3A_1561 : vector<16xi32>
        %parallel_loop3A_1563 = arith.mulf %parallel_loop3A_1559, %parallel_loop3A_1528 : vector<16xf32>
        tpu.vector_store_idx %arg20[%parallel_loop3A_1562], %parallel_loop3A_1563 {add = true} : memref<1280xf32, #tpu.memory_space<vmem>>[vector<16xi32>], vector<16xf32>,
        %parallel_loop3A_1564 = arith.constant 16 : i32
        %parallel_loop3A_1565 = vector.broadcast %parallel_loop3A_1564 : i32 to vector<16xi32>
        %parallel_loop3A_1566 = arith.addi %parallel_loop3A_1545, %parallel_loop3A_1565 : vector<16xi32>
        %parallel_loop3A_1567 = arith.mulf %parallel_loop3A_1559, %parallel_loop3A_1529 : vector<16xf32>
        tpu.vector_store_idx %arg20[%parallel_loop3A_1566], %parallel_loop3A_1567 {add = true} : memref<1280xf32, #tpu.memory_space<vmem>>[vector<16xi32>], vector<16xf32>,
        %parallel_loop3A_1568 = arith.mulf %parallel_loop3A_1547, %parallel_loop3A_1557 : vector<16xf32>
        %parallel_loop3A_1569 = arith.constant 32 : i32
        %parallel_loop3A_1570 = vector.broadcast %parallel_loop3A_1569 : i32 to vector<16xi32>
        %parallel_loop3A_1571 = arith.addi %parallel_loop3A_1545, %parallel_loop3A_1570 : vector<16xi32>
        %parallel_loop3A_1572 = arith.mulf %parallel_loop3A_1568, %parallel_loop3A_1528 : vector<16xf32>
        tpu.vector_store_idx %arg20[%parallel_loop3A_1571], %parallel_loop3A_1572 {add = true} : memref<1280xf32, #tpu.memory_space<vmem>>[vector<16xi32>], vector<16xf32>,
        %parallel_loop3A_1573 = arith.constant 48 : i32
        %parallel_loop3A_1574 = vector.broadcast %parallel_loop3A_1573 : i32 to vector<16xi32>
        %parallel_loop3A_1575 = arith.addi %parallel_loop3A_1545, %parallel_loop3A_1574 : vector<16xi32>
        %parallel_loop3A_1576 = arith.mulf %parallel_loop3A_1568, %parallel_loop3A_1529 : vector<16xf32>
        tpu.vector_store_idx %arg20[%parallel_loop3A_1575], %parallel_loop3A_1576 {add = true} : memref<1280xf32, #tpu.memory_space<vmem>>[vector<16xi32>], vector<16xf32>,
        %parallel_loop3A_1577 = arith.mulf %parallel_loop3A_1547, %parallel_loop3A_1556 : vector<16xf32>
        %parallel_loop3A_1578 = arith.constant 96 : i32
        %parallel_loop3A_1579 = vector.broadcast %parallel_loop3A_1578 : i32 to vector<16xi32>
        %parallel_loop3A_1580 = arith.addi %parallel_loop3A_1545, %parallel_loop3A_1579 : vector<16xi32>
        %parallel_loop3A_1581 = arith.mulf %parallel_loop3A_1577, %parallel_loop3A_1528 : vector<16xf32>
        tpu.vector_store_idx %arg20[%parallel_loop3A_1580], %parallel_loop3A_1581 {add = true} : memref<1280xf32, #tpu.memory_space<vmem>>[vector<16xi32>], vector<16xf32>,
        %parallel_loop3A_1582 = arith.constant 112 : i32
        %parallel_loop3A_1583 = vector.broadcast %parallel_loop3A_1582 : i32 to vector<16xi32>
        %parallel_loop3A_1584 = arith.addi %parallel_loop3A_1545, %parallel_loop3A_1583 : vector<16xi32>
        %parallel_loop3A_1585 = arith.mulf %parallel_loop3A_1577, %parallel_loop3A_1529 : vector<16xf32>
        tpu.vector_store_idx %arg20[%parallel_loop3A_1584], %parallel_loop3A_1585 {add = true} : memref<1280xf32, #tpu.memory_space<vmem>>[vector<16xi32>], vector<16xf32>,
        %parallel_loop3A_1586 = arith.mulf %parallel_loop3A_1547, %parallel_loop3A_1558 : vector<16xf32>
        %parallel_loop3A_1587 = arith.constant 128 : i32
        %parallel_loop3A_1588 = vector.broadcast %parallel_loop3A_1587 : i32 to vector<16xi32>
        %parallel_loop3A_1589 = arith.addi %parallel_loop3A_1545, %parallel_loop3A_1588 : vector<16xi32>
        %parallel_loop3A_1590 = arith.mulf %parallel_loop3A_1586, %parallel_loop3A_1528 : vector<16xf32>
        tpu.vector_store_idx %arg20[%parallel_loop3A_1589], %parallel_loop3A_1590 {add = true} : memref<1280xf32, #tpu.memory_space<vmem>>[vector<16xi32>], vector<16xf32>,
        %parallel_loop3A_1591 = arith.constant 144 : i32
        %parallel_loop3A_1592 = vector.broadcast %parallel_loop3A_1591 : i32 to vector<16xi32>
        %parallel_loop3A_1593 = arith.addi %parallel_loop3A_1545, %parallel_loop3A_1592 : vector<16xi32>
        %parallel_loop3A_1594 = arith.mulf %parallel_loop3A_1586, %parallel_loop3A_1529 : vector<16xf32>
        tpu.vector_store_idx %arg20[%parallel_loop3A_1593], %parallel_loop3A_1594 {add = true} : memref<1280xf32, #tpu.memory_space<vmem>>[vector<16xi32>], vector<16xf32>,
        %parallel_loop3A_1595 = arith.mulf %parallel_loop3A_1548, %parallel_loop3A_1555 : vector<16xf32>
        %parallel_loop3A_1596 = arith.constant 288 : i32
        %parallel_loop3A_1597 = vector.broadcast %parallel_loop3A_1596 : i32 to vector<16xi32>
        %parallel_loop3A_1598 = arith.addi %parallel_loop3A_1545, %parallel_loop3A_1597 : vector<16xi32>
        %parallel_loop3A_1599 = arith.mulf %parallel_loop3A_1595, %parallel_loop3A_1528 : vector<16xf32>
        tpu.vector_store_idx %arg20[%parallel_loop3A_1598], %parallel_loop3A_1599 {add = true} : memref<1280xf32, #tpu.memory_space<vmem>>[vector<16xi32>], vector<16xf32>,
        %parallel_loop3A_1600 = arith.constant 304 : i32
        %parallel_loop3A_1601 = vector.broadcast %parallel_loop3A_1600 : i32 to vector<16xi32>
        %parallel_loop3A_1602 = arith.addi %parallel_loop3A_1545, %parallel_loop3A_1601 : vector<16xi32>
        %parallel_loop3A_1603 = arith.mulf %parallel_loop3A_1595, %parallel_loop3A_1529 : vector<16xf32>
        tpu.vector_store_idx %arg20[%parallel_loop3A_1602], %parallel_loop3A_1603 {add = true} : memref<1280xf32, #tpu.memory_space<vmem>>[vector<16xi32>], vector<16xf32>,
        %parallel_loop3A_1604 = arith.mulf %parallel_loop3A_1548, %parallel_loop3A_1557 : vector<16xf32>
        %parallel_loop3A_1605 = arith.constant 320 : i32
        %parallel_loop3A_1606 = vector.broadcast %parallel_loop3A_1605 : i32 to vector<16xi32>
        %parallel_loop3A_1607 = arith.addi %parallel_loop3A_1545, %parallel_loop3A_1606 : vector<16xi32>
        %parallel_loop3A_1608 = arith.mulf %parallel_loop3A_1604, %parallel_loop3A_1528 : vector<16xf32>
        tpu.vector_store_idx %arg20[%parallel_loop3A_1607], %parallel_loop3A_1608 {add = true} : memref<1280xf32, #tpu.memory_space<vmem>>[vector<16xi32>], vector<16xf32>,
        %parallel_loop3A_1609 = arith.constant 336 : i32
        %parallel_loop3A_1610 = vector.broadcast %parallel_loop3A_1609 : i32 to vector<16xi32>
        %parallel_loop3A_1611 = arith.addi %parallel_loop3A_1545, %parallel_loop3A_1610 : vector<16xi32>
        %parallel_loop3A_1612 = arith.mulf %parallel_loop3A_1604, %parallel_loop3A_1529 : vector<16xf32>
        tpu.vector_store_idx %arg20[%parallel_loop3A_1611], %parallel_loop3A_1612 {add = true} : memref<1280xf32, #tpu.memory_space<vmem>>[vector<16xi32>], vector<16xf32>,
        %parallel_loop3A_1613 = arith.mulf %parallel_loop3A_1548, %parallel_loop3A_1556 : vector<16xf32>
        %parallel_loop3A_1614 = arith.constant 384 : i32
        %parallel_loop3A_1615 = vector.broadcast %parallel_loop3A_1614 : i32 to vector<16xi32>
        %parallel_loop3A_1616 = arith.addi %parallel_loop3A_1545, %parallel_loop3A_1615 : vector<16xi32>
        %parallel_loop3A_1617 = arith.mulf %parallel_loop3A_1613, %parallel_loop3A_1528 : vector<16xf32>
        tpu.vector_store_idx %arg20[%parallel_loop3A_1616], %parallel_loop3A_1617 {add = true} : memref<1280xf32, #tpu.memory_space<vmem>>[vector<16xi32>], vector<16xf32>,
        %parallel_loop3A_1618 = arith.constant 400 : i32
        %parallel_loop3A_1619 = vector.broadcast %parallel_loop3A_1618 : i32 to vector<16xi32>
        %parallel_loop3A_1620 = arith.addi %parallel_loop3A_1545, %parallel_loop3A_1619 : vector<16xi32>
        %parallel_loop3A_1621 = arith.mulf %parallel_loop3A_1613, %parallel_loop3A_1529 : vector<16xf32>
        tpu.vector_store_idx %arg20[%parallel_loop3A_1620], %parallel_loop3A_1621 {add = true} : memref<1280xf32, #tpu.memory_space<vmem>>[vector<16xi32>], vector<16xf32>,
        %parallel_loop3A_1622 = arith.mulf %parallel_loop3A_1548, %parallel_loop3A_1558 : vector<16xf32>
        %parallel_loop3A_1623 = arith.constant 416 : i32
        %parallel_loop3A_1624 = vector.broadcast %parallel_loop3A_1623 : i32 to vector<16xi32>
        %parallel_loop3A_1625 = arith.addi %parallel_loop3A_1545, %parallel_loop3A_1624 : vector<16xi32>
        %parallel_loop3A_1626 = arith.mulf %parallel_loop3A_1622, %parallel_loop3A_1528 : vector<16xf32>
        tpu.vector_store_idx %arg20[%parallel_loop3A_1625], %parallel_loop3A_1626 {add = true} : memref<1280xf32, #tpu.memory_space<vmem>>[vector<16xi32>], vector<16xf32>,
        %parallel_loop3A_1627 = arith.constant 432 : i32
        %parallel_loop3A_1628 = vector.broadcast %parallel_loop3A_1627 : i32 to vector<16xi32>
        %parallel_loop3A_1629 = arith.addi %parallel_loop3A_1545, %parallel_loop3A_1628 : vector<16xi32>
        %parallel_loop3A_1630 = arith.mulf %parallel_loop3A_1622, %parallel_loop3A_1529 : vector<16xf32>
        tpu.vector_store_idx %arg20[%parallel_loop3A_1629], %parallel_loop3A_1630 {add = true} : memref<1280xf32, #tpu.memory_space<vmem>>[vector<16xi32>], vector<16xf32>,
        %parallel_loop3A_1631 = arith.constant 7 : i32
        %parallel_loop3A_1632 = vector.broadcast %parallel_loop3A_1631 : i32 to vector<16xi32>
        %parallel_loop3A_1633 = arith.addi %mul3A_5, %parallel_loop3A_1632 : vector<16xi32>
        %parallel_loop3A_1634 = vector.shape_cast %parallel_loop3A_1633 : vector<16xi32> to vector<16x1xi32>
        %parallel_loop3A_1635 = vector.shape_cast %parallel_loop3A_1634 : vector<16x1xi32> to vector<16xi32>
        %parallel_loop3A_1636 = tpu.dynamic_gather %parallel_loop3A_841[%parallel_loop3A_1635] in [0] : vector<16xi32>, vector<16xi32> -> vector<16xi32>
        %parallel_loop3A_1637 = arith.addi %parallel_loop3A_1636, %iota3A : vector<16xi32>
        %parallel_loop3A_1638 = tpu.vector_load_idx %arg14[%parallel_loop3A_1637] : memref<65536xi32, #tpu.memory_space<vmem>>[vector<16xi32>], vector<16xi32>,
        %parallel_loop3A_1639 = vector.bitcast %parallel_loop3A_1638 : vector<16xi32> to vector<32xbf16>
        %parallel_loop3A_1640 = tpu.unpack_subelements %parallel_loop3A_1639, 0 {pack_format = #tpu.pack_format<interleaved>} : vector<32xbf16> -> vector<16xf32>
        %parallel_loop3A_1641 = tpu.unpack_subelements %parallel_loop3A_1639, 1 {pack_format = #tpu.pack_format<interleaved>} : vector<32xbf16> -> vector<16xf32>
        %parallel_loop3A_1642 = vector.shape_cast %parallel_loop3A_1633 : vector<16xi32> to vector<16x1xi32>
        %parallel_loop3A_1643 = vector.shape_cast %parallel_loop3A_1642 : vector<16x1xi32> to vector<16xi32>
        %parallel_loop3A_1644 = tpu.dynamic_gather %parallel_loop3A_823[%parallel_loop3A_1643] in [0] : vector<16xf32>, vector<16xi32> -> vector<16xf32>
        %parallel_loop3A_1645 = vector.shape_cast %parallel_loop3A_1633 : vector<16xi32> to vector<16x1xi32>
        %parallel_loop3A_1646 = vector.shape_cast %parallel_loop3A_1645 : vector<16x1xi32> to vector<16xi32>
        %parallel_loop3A_1647 = tpu.dynamic_gather %parallel_loop3A_825[%parallel_loop3A_1646] in [0] : vector<16xf32>, vector<16xi32> -> vector<16xf32>
        %parallel_loop3A_1648 = vector.shape_cast %parallel_loop3A_1633 : vector<16xi32> to vector<16x1xi32>
        %parallel_loop3A_1649 = vector.shape_cast %parallel_loop3A_1648 : vector<16x1xi32> to vector<16xi32>
        %parallel_loop3A_1650 = tpu.dynamic_gather %parallel_loop3A_827[%parallel_loop3A_1649] in [0] : vector<16xf32>, vector<16xi32> -> vector<16xf32>
        %parallel_loop3A_1651 = vector.shape_cast %parallel_loop3A_1633 : vector<16xi32> to vector<16x1xi32>
        %parallel_loop3A_1652 = vector.shape_cast %parallel_loop3A_1651 : vector<16x1xi32> to vector<16xi32>
        %parallel_loop3A_1653 = tpu.dynamic_gather %parallel_loop3A_846[%parallel_loop3A_1652] in [0] : vector<16xf32>, vector<16xi32> -> vector<16xf32>
        %parallel_loop3A_1654 = vector.shape_cast %parallel_loop3A_1633 : vector<16xi32> to vector<16x1xi32>
        %parallel_loop3A_1655 = vector.shape_cast %parallel_loop3A_1654 : vector<16x1xi32> to vector<16xi32>
        %parallel_loop3A_1656 = tpu.dynamic_gather %parallel_loop3A_838[%parallel_loop3A_1655] in [0] : vector<16xi32>, vector<16xi32> -> vector<16xi32>
        %parallel_loop3A_1657 = arith.addi %parallel_loop3A_1656, %iota3A : vector<16xi32>
        %parallel_loop3A_1658 = arith.mulf %parallel_loop3A_1644, %parallel_loop3A_1653 : vector<16xf32>
        %parallel_loop3A_1659 = arith.subf %parallel_loop3A_1653, %parallel_loop3A_1658 : vector<16xf32>
        %parallel_loop3A_1660 = arith.mulf %parallel_loop3A_1644, %parallel_loop3A_1653 : vector<16xf32>
        %parallel_loop3A_1661 = arith.constant 1.000000e+00 : f32
        %parallel_loop3A_1662 = vector.broadcast %parallel_loop3A_1661 : f32 to vector<16xf32>
        %parallel_loop3A_1663 = arith.subf %parallel_loop3A_1662, %parallel_loop3A_1647 : vector<16xf32>
        %parallel_loop3A_1664 = arith.constant 1.000000e+00 : f32
        %parallel_loop3A_1665 = vector.broadcast %parallel_loop3A_1664 : f32 to vector<16xf32>
        %parallel_loop3A_1666 = arith.subf %parallel_loop3A_1665, %parallel_loop3A_1650 : vector<16xf32>
        %parallel_loop3A_1667 = arith.mulf %parallel_loop3A_1663, %parallel_loop3A_1666 : vector<16xf32>
        %parallel_loop3A_1668 = arith.mulf %parallel_loop3A_1647, %parallel_loop3A_1666 : vector<16xf32>
        %parallel_loop3A_1669 = arith.mulf %parallel_loop3A_1663, %parallel_loop3A_1650 : vector<16xf32>
        %parallel_loop3A_1670 = arith.mulf %parallel_loop3A_1647, %parallel_loop3A_1650 : vector<16xf32>
        %parallel_loop3A_1671 = arith.mulf %parallel_loop3A_1659, %parallel_loop3A_1667 : vector<16xf32>
        %parallel_loop3A_1672 = arith.constant 0 : i32
        %parallel_loop3A_1673 = vector.broadcast %parallel_loop3A_1672 : i32 to vector<16xi32>
        %parallel_loop3A_1674 = arith.addi %parallel_loop3A_1657, %parallel_loop3A_1673 : vector<16xi32>
        %parallel_loop3A_1675 = arith.mulf %parallel_loop3A_1671, %parallel_loop3A_1640 : vector<16xf32>
        tpu.vector_store_idx %arg20[%parallel_loop3A_1674], %parallel_loop3A_1675 {add = true} : memref<1280xf32, #tpu.memory_space<vmem>>[vector<16xi32>], vector<16xf32>,
        %parallel_loop3A_1676 = arith.constant 16 : i32
        %parallel_loop3A_1677 = vector.broadcast %parallel_loop3A_1676 : i32 to vector<16xi32>
        %parallel_loop3A_1678 = arith.addi %parallel_loop3A_1657, %parallel_loop3A_1677 : vector<16xi32>
        %parallel_loop3A_1679 = arith.mulf %parallel_loop3A_1671, %parallel_loop3A_1641 : vector<16xf32>
        tpu.vector_store_idx %arg20[%parallel_loop3A_1678], %parallel_loop3A_1679 {add = true} : memref<1280xf32, #tpu.memory_space<vmem>>[vector<16xi32>], vector<16xf32>,
        %parallel_loop3A_1680 = arith.mulf %parallel_loop3A_1659, %parallel_loop3A_1669 : vector<16xf32>
        %parallel_loop3A_1681 = arith.constant 32 : i32
        %parallel_loop3A_1682 = vector.broadcast %parallel_loop3A_1681 : i32 to vector<16xi32>
        %parallel_loop3A_1683 = arith.addi %parallel_loop3A_1657, %parallel_loop3A_1682 : vector<16xi32>
        %parallel_loop3A_1684 = arith.mulf %parallel_loop3A_1680, %parallel_loop3A_1640 : vector<16xf32>
        tpu.vector_store_idx %arg20[%parallel_loop3A_1683], %parallel_loop3A_1684 {add = true} : memref<1280xf32, #tpu.memory_space<vmem>>[vector<16xi32>], vector<16xf32>,
        %parallel_loop3A_1685 = arith.constant 48 : i32
        %parallel_loop3A_1686 = vector.broadcast %parallel_loop3A_1685 : i32 to vector<16xi32>
        %parallel_loop3A_1687 = arith.addi %parallel_loop3A_1657, %parallel_loop3A_1686 : vector<16xi32>
        %parallel_loop3A_1688 = arith.mulf %parallel_loop3A_1680, %parallel_loop3A_1641 : vector<16xf32>
        tpu.vector_store_idx %arg20[%parallel_loop3A_1687], %parallel_loop3A_1688 {add = true} : memref<1280xf32, #tpu.memory_space<vmem>>[vector<16xi32>], vector<16xf32>,
        %parallel_loop3A_1689 = arith.mulf %parallel_loop3A_1659, %parallel_loop3A_1668 : vector<16xf32>
        %parallel_loop3A_1690 = arith.constant 96 : i32
        %parallel_loop3A_1691 = vector.broadcast %parallel_loop3A_1690 : i32 to vector<16xi32>
        %parallel_loop3A_1692 = arith.addi %parallel_loop3A_1657, %parallel_loop3A_1691 : vector<16xi32>
        %parallel_loop3A_1693 = arith.mulf %parallel_loop3A_1689, %parallel_loop3A_1640 : vector<16xf32>
        tpu.vector_store_idx %arg20[%parallel_loop3A_1692], %parallel_loop3A_1693 {add = true} : memref<1280xf32, #tpu.memory_space<vmem>>[vector<16xi32>], vector<16xf32>,
        %parallel_loop3A_1694 = arith.constant 112 : i32
        %parallel_loop3A_1695 = vector.broadcast %parallel_loop3A_1694 : i32 to vector<16xi32>
        %parallel_loop3A_1696 = arith.addi %parallel_loop3A_1657, %parallel_loop3A_1695 : vector<16xi32>
        %parallel_loop3A_1697 = arith.mulf %parallel_loop3A_1689, %parallel_loop3A_1641 : vector<16xf32>
        tpu.vector_store_idx %arg20[%parallel_loop3A_1696], %parallel_loop3A_1697 {add = true} : memref<1280xf32, #tpu.memory_space<vmem>>[vector<16xi32>], vector<16xf32>,
        %parallel_loop3A_1698 = arith.mulf %parallel_loop3A_1659, %parallel_loop3A_1670 : vector<16xf32>
        %parallel_loop3A_1699 = arith.constant 128 : i32
        %parallel_loop3A_1700 = vector.broadcast %parallel_loop3A_1699 : i32 to vector<16xi32>
        %parallel_loop3A_1701 = arith.addi %parallel_loop3A_1657, %parallel_loop3A_1700 : vector<16xi32>
        %parallel_loop3A_1702 = arith.mulf %parallel_loop3A_1698, %parallel_loop3A_1640 : vector<16xf32>
        tpu.vector_store_idx %arg20[%parallel_loop3A_1701], %parallel_loop3A_1702 {add = true} : memref<1280xf32, #tpu.memory_space<vmem>>[vector<16xi32>], vector<16xf32>,
        %parallel_loop3A_1703 = arith.constant 144 : i32
        %parallel_loop3A_1704 = vector.broadcast %parallel_loop3A_1703 : i32 to vector<16xi32>
        %parallel_loop3A_1705 = arith.addi %parallel_loop3A_1657, %parallel_loop3A_1704 : vector<16xi32>
        %parallel_loop3A_1706 = arith.mulf %parallel_loop3A_1698, %parallel_loop3A_1641 : vector<16xf32>
        tpu.vector_store_idx %arg20[%parallel_loop3A_1705], %parallel_loop3A_1706 {add = true} : memref<1280xf32, #tpu.memory_space<vmem>>[vector<16xi32>], vector<16xf32>,
        %parallel_loop3A_1707 = arith.mulf %parallel_loop3A_1660, %parallel_loop3A_1667 : vector<16xf32>
        %parallel_loop3A_1708 = arith.constant 288 : i32
        %parallel_loop3A_1709 = vector.broadcast %parallel_loop3A_1708 : i32 to vector<16xi32>
        %parallel_loop3A_1710 = arith.addi %parallel_loop3A_1657, %parallel_loop3A_1709 : vector<16xi32>
        %parallel_loop3A_1711 = arith.mulf %parallel_loop3A_1707, %parallel_loop3A_1640 : vector<16xf32>
        tpu.vector_store_idx %arg20[%parallel_loop3A_1710], %parallel_loop3A_1711 {add = true} : memref<1280xf32, #tpu.memory_space<vmem>>[vector<16xi32>], vector<16xf32>,
        %parallel_loop3A_1712 = arith.constant 304 : i32
        %parallel_loop3A_1713 = vector.broadcast %parallel_loop3A_1712 : i32 to vector<16xi32>
        %parallel_loop3A_1714 = arith.addi %parallel_loop3A_1657, %parallel_loop3A_1713 : vector<16xi32>
        %parallel_loop3A_1715 = arith.mulf %parallel_loop3A_1707, %parallel_loop3A_1641 : vector<16xf32>
        tpu.vector_store_idx %arg20[%parallel_loop3A_1714], %parallel_loop3A_1715 {add = true} : memref<1280xf32, #tpu.memory_space<vmem>>[vector<16xi32>], vector<16xf32>,
        %parallel_loop3A_1716 = arith.mulf %parallel_loop3A_1660, %parallel_loop3A_1669 : vector<16xf32>
        %parallel_loop3A_1717 = arith.constant 320 : i32
        %parallel_loop3A_1718 = vector.broadcast %parallel_loop3A_1717 : i32 to vector<16xi32>
        %parallel_loop3A_1719 = arith.addi %parallel_loop3A_1657, %parallel_loop3A_1718 : vector<16xi32>
        %parallel_loop3A_1720 = arith.mulf %parallel_loop3A_1716, %parallel_loop3A_1640 : vector<16xf32>
        tpu.vector_store_idx %arg20[%parallel_loop3A_1719], %parallel_loop3A_1720 {add = true} : memref<1280xf32, #tpu.memory_space<vmem>>[vector<16xi32>], vector<16xf32>,
        %parallel_loop3A_1721 = arith.constant 336 : i32
        %parallel_loop3A_1722 = vector.broadcast %parallel_loop3A_1721 : i32 to vector<16xi32>
        %parallel_loop3A_1723 = arith.addi %parallel_loop3A_1657, %parallel_loop3A_1722 : vector<16xi32>
        %parallel_loop3A_1724 = arith.mulf %parallel_loop3A_1716, %parallel_loop3A_1641 : vector<16xf32>
        tpu.vector_store_idx %arg20[%parallel_loop3A_1723], %parallel_loop3A_1724 {add = true} : memref<1280xf32, #tpu.memory_space<vmem>>[vector<16xi32>], vector<16xf32>,
        %parallel_loop3A_1725 = arith.mulf %parallel_loop3A_1660, %parallel_loop3A_1668 : vector<16xf32>
        %parallel_loop3A_1726 = arith.constant 384 : i32
        %parallel_loop3A_1727 = vector.broadcast %parallel_loop3A_1726 : i32 to vector<16xi32>
        %parallel_loop3A_1728 = arith.addi %parallel_loop3A_1657, %parallel_loop3A_1727 : vector<16xi32>
        %parallel_loop3A_1729 = arith.mulf %parallel_loop3A_1725, %parallel_loop3A_1640 : vector<16xf32>
        tpu.vector_store_idx %arg20[%parallel_loop3A_1728], %parallel_loop3A_1729 {add = true} : memref<1280xf32, #tpu.memory_space<vmem>>[vector<16xi32>], vector<16xf32>,
        %parallel_loop3A_1730 = arith.constant 400 : i32
        %parallel_loop3A_1731 = vector.broadcast %parallel_loop3A_1730 : i32 to vector<16xi32>
        %parallel_loop3A_1732 = arith.addi %parallel_loop3A_1657, %parallel_loop3A_1731 : vector<16xi32>
        %parallel_loop3A_1733 = arith.mulf %parallel_loop3A_1725, %parallel_loop3A_1641 : vector<16xf32>
        tpu.vector_store_idx %arg20[%parallel_loop3A_1732], %parallel_loop3A_1733 {add = true} : memref<1280xf32, #tpu.memory_space<vmem>>[vector<16xi32>], vector<16xf32>,
        %parallel_loop3A_1734 = arith.mulf %parallel_loop3A_1660, %parallel_loop3A_1670 : vector<16xf32>
        %parallel_loop3A_1735 = arith.constant 416 : i32
        %parallel_loop3A_1736 = vector.broadcast %parallel_loop3A_1735 : i32 to vector<16xi32>
        %parallel_loop3A_1737 = arith.addi %parallel_loop3A_1657, %parallel_loop3A_1736 : vector<16xi32>
        %parallel_loop3A_1738 = arith.mulf %parallel_loop3A_1734, %parallel_loop3A_1640 : vector<16xf32>
        tpu.vector_store_idx %arg20[%parallel_loop3A_1737], %parallel_loop3A_1738 {add = true} : memref<1280xf32, #tpu.memory_space<vmem>>[vector<16xi32>], vector<16xf32>,
        %parallel_loop3A_1739 = arith.constant 432 : i32
        %parallel_loop3A_1740 = vector.broadcast %parallel_loop3A_1739 : i32 to vector<16xi32>
        %parallel_loop3A_1741 = arith.addi %parallel_loop3A_1657, %parallel_loop3A_1740 : vector<16xi32>
        %parallel_loop3A_1742 = arith.mulf %parallel_loop3A_1734, %parallel_loop3A_1641 : vector<16xf32>
        tpu.vector_store_idx %arg20[%parallel_loop3A_1741], %parallel_loop3A_1742 {add = true} : memref<1280xf32, #tpu.memory_space<vmem>>[vector<16xi32>], vector<16xf32>,
        %parallel_loop3A_1743 = arith.constant 8 : i32
        %parallel_loop3A_1744 = vector.broadcast %parallel_loop3A_1743 : i32 to vector<16xi32>
        %parallel_loop3A_1745 = arith.addi %mul3A_5, %parallel_loop3A_1744 : vector<16xi32>
        %parallel_loop3A_1746 = vector.shape_cast %parallel_loop3A_1745 : vector<16xi32> to vector<16x1xi32>
        %parallel_loop3A_1747 = vector.shape_cast %parallel_loop3A_1746 : vector<16x1xi32> to vector<16xi32>
        %parallel_loop3A_1748 = tpu.dynamic_gather %parallel_loop3A_841[%parallel_loop3A_1747] in [0] : vector<16xi32>, vector<16xi32> -> vector<16xi32>
        %parallel_loop3A_1749 = arith.addi %parallel_loop3A_1748, %iota3A : vector<16xi32>
        %parallel_loop3A_1750 = tpu.vector_load_idx %arg14[%parallel_loop3A_1749] : memref<65536xi32, #tpu.memory_space<vmem>>[vector<16xi32>], vector<16xi32>,
        %parallel_loop3A_1751 = vector.bitcast %parallel_loop3A_1750 : vector<16xi32> to vector<32xbf16>
        %parallel_loop3A_1752 = tpu.unpack_subelements %parallel_loop3A_1751, 0 {pack_format = #tpu.pack_format<interleaved>} : vector<32xbf16> -> vector<16xf32>
        %parallel_loop3A_1753 = tpu.unpack_subelements %parallel_loop3A_1751, 1 {pack_format = #tpu.pack_format<interleaved>} : vector<32xbf16> -> vector<16xf32>
        %parallel_loop3A_1754 = vector.shape_cast %parallel_loop3A_1745 : vector<16xi32> to vector<16x1xi32>
        %parallel_loop3A_1755 = vector.shape_cast %parallel_loop3A_1754 : vector<16x1xi32> to vector<16xi32>
        %parallel_loop3A_1756 = tpu.dynamic_gather %parallel_loop3A_823[%parallel_loop3A_1755] in [0] : vector<16xf32>, vector<16xi32> -> vector<16xf32>
        %parallel_loop3A_1757 = vector.shape_cast %parallel_loop3A_1745 : vector<16xi32> to vector<16x1xi32>
        %parallel_loop3A_1758 = vector.shape_cast %parallel_loop3A_1757 : vector<16x1xi32> to vector<16xi32>
        %parallel_loop3A_1759 = tpu.dynamic_gather %parallel_loop3A_825[%parallel_loop3A_1758] in [0] : vector<16xf32>, vector<16xi32> -> vector<16xf32>
        %parallel_loop3A_1760 = vector.shape_cast %parallel_loop3A_1745 : vector<16xi32> to vector<16x1xi32>
        %parallel_loop3A_1761 = vector.shape_cast %parallel_loop3A_1760 : vector<16x1xi32> to vector<16xi32>
        %parallel_loop3A_1762 = tpu.dynamic_gather %parallel_loop3A_827[%parallel_loop3A_1761] in [0] : vector<16xf32>, vector<16xi32> -> vector<16xf32>
        %parallel_loop3A_1763 = vector.shape_cast %parallel_loop3A_1745 : vector<16xi32> to vector<16x1xi32>
        %parallel_loop3A_1764 = vector.shape_cast %parallel_loop3A_1763 : vector<16x1xi32> to vector<16xi32>
        %parallel_loop3A_1765 = tpu.dynamic_gather %parallel_loop3A_846[%parallel_loop3A_1764] in [0] : vector<16xf32>, vector<16xi32> -> vector<16xf32>
        %parallel_loop3A_1766 = vector.shape_cast %parallel_loop3A_1745 : vector<16xi32> to vector<16x1xi32>
        %parallel_loop3A_1767 = vector.shape_cast %parallel_loop3A_1766 : vector<16x1xi32> to vector<16xi32>
        %parallel_loop3A_1768 = tpu.dynamic_gather %parallel_loop3A_838[%parallel_loop3A_1767] in [0] : vector<16xi32>, vector<16xi32> -> vector<16xi32>
        %parallel_loop3A_1769 = arith.addi %parallel_loop3A_1768, %iota3A : vector<16xi32>
        %parallel_loop3A_1770 = arith.mulf %parallel_loop3A_1756, %parallel_loop3A_1765 : vector<16xf32>
        %parallel_loop3A_1771 = arith.subf %parallel_loop3A_1765, %parallel_loop3A_1770 : vector<16xf32>
        %parallel_loop3A_1772 = arith.mulf %parallel_loop3A_1756, %parallel_loop3A_1765 : vector<16xf32>
        %parallel_loop3A_1773 = arith.constant 1.000000e+00 : f32
        %parallel_loop3A_1774 = vector.broadcast %parallel_loop3A_1773 : f32 to vector<16xf32>
        %parallel_loop3A_1775 = arith.subf %parallel_loop3A_1774, %parallel_loop3A_1759 : vector<16xf32>
        %parallel_loop3A_1776 = arith.constant 1.000000e+00 : f32
        %parallel_loop3A_1777 = vector.broadcast %parallel_loop3A_1776 : f32 to vector<16xf32>
        %parallel_loop3A_1778 = arith.subf %parallel_loop3A_1777, %parallel_loop3A_1762 : vector<16xf32>
        %parallel_loop3A_1779 = arith.mulf %parallel_loop3A_1775, %parallel_loop3A_1778 : vector<16xf32>
        %parallel_loop3A_1780 = arith.mulf %parallel_loop3A_1759, %parallel_loop3A_1778 : vector<16xf32>
        %parallel_loop3A_1781 = arith.mulf %parallel_loop3A_1775, %parallel_loop3A_1762 : vector<16xf32>
        %parallel_loop3A_1782 = arith.mulf %parallel_loop3A_1759, %parallel_loop3A_1762 : vector<16xf32>
        %parallel_loop3A_1783 = arith.mulf %parallel_loop3A_1771, %parallel_loop3A_1779 : vector<16xf32>
        %parallel_loop3A_1784 = arith.constant 0 : i32
        %parallel_loop3A_1785 = vector.broadcast %parallel_loop3A_1784 : i32 to vector<16xi32>
        %parallel_loop3A_1786 = arith.addi %parallel_loop3A_1769, %parallel_loop3A_1785 : vector<16xi32>
        %parallel_loop3A_1787 = arith.mulf %parallel_loop3A_1783, %parallel_loop3A_1752 : vector<16xf32>
        tpu.vector_store_idx %arg20[%parallel_loop3A_1786], %parallel_loop3A_1787 {add = true} : memref<1280xf32, #tpu.memory_space<vmem>>[vector<16xi32>], vector<16xf32>,
        %parallel_loop3A_1788 = arith.constant 16 : i32
        %parallel_loop3A_1789 = vector.broadcast %parallel_loop3A_1788 : i32 to vector<16xi32>
        %parallel_loop3A_1790 = arith.addi %parallel_loop3A_1769, %parallel_loop3A_1789 : vector<16xi32>
        %parallel_loop3A_1791 = arith.mulf %parallel_loop3A_1783, %parallel_loop3A_1753 : vector<16xf32>
        tpu.vector_store_idx %arg20[%parallel_loop3A_1790], %parallel_loop3A_1791 {add = true} : memref<1280xf32, #tpu.memory_space<vmem>>[vector<16xi32>], vector<16xf32>,
        %parallel_loop3A_1792 = arith.mulf %parallel_loop3A_1771, %parallel_loop3A_1781 : vector<16xf32>
        %parallel_loop3A_1793 = arith.constant 32 : i32
        %parallel_loop3A_1794 = vector.broadcast %parallel_loop3A_1793 : i32 to vector<16xi32>
        %parallel_loop3A_1795 = arith.addi %parallel_loop3A_1769, %parallel_loop3A_1794 : vector<16xi32>
        %parallel_loop3A_1796 = arith.mulf %parallel_loop3A_1792, %parallel_loop3A_1752 : vector<16xf32>
        tpu.vector_store_idx %arg20[%parallel_loop3A_1795], %parallel_loop3A_1796 {add = true} : memref<1280xf32, #tpu.memory_space<vmem>>[vector<16xi32>], vector<16xf32>,
        %parallel_loop3A_1797 = arith.constant 48 : i32
        %parallel_loop3A_1798 = vector.broadcast %parallel_loop3A_1797 : i32 to vector<16xi32>
        %parallel_loop3A_1799 = arith.addi %parallel_loop3A_1769, %parallel_loop3A_1798 : vector<16xi32>
        %parallel_loop3A_1800 = arith.mulf %parallel_loop3A_1792, %parallel_loop3A_1753 : vector<16xf32>
        tpu.vector_store_idx %arg20[%parallel_loop3A_1799], %parallel_loop3A_1800 {add = true} : memref<1280xf32, #tpu.memory_space<vmem>>[vector<16xi32>], vector<16xf32>,
        %parallel_loop3A_1801 = arith.mulf %parallel_loop3A_1771, %parallel_loop3A_1780 : vector<16xf32>
        %parallel_loop3A_1802 = arith.constant 96 : i32
        %parallel_loop3A_1803 = vector.broadcast %parallel_loop3A_1802 : i32 to vector<16xi32>
        %parallel_loop3A_1804 = arith.addi %parallel_loop3A_1769, %parallel_loop3A_1803 : vector<16xi32>
        %parallel_loop3A_1805 = arith.mulf %parallel_loop3A_1801, %parallel_loop3A_1752 : vector<16xf32>
        tpu.vector_store_idx %arg20[%parallel_loop3A_1804], %parallel_loop3A_1805 {add = true} : memref<1280xf32, #tpu.memory_space<vmem>>[vector<16xi32>], vector<16xf32>,
        %parallel_loop3A_1806 = arith.constant 112 : i32
        %parallel_loop3A_1807 = vector.broadcast %parallel_loop3A_1806 : i32 to vector<16xi32>
        %parallel_loop3A_1808 = arith.addi %parallel_loop3A_1769, %parallel_loop3A_1807 : vector<16xi32>
        %parallel_loop3A_1809 = arith.mulf %parallel_loop3A_1801, %parallel_loop3A_1753 : vector<16xf32>
        tpu.vector_store_idx %arg20[%parallel_loop3A_1808], %parallel_loop3A_1809 {add = true} : memref<1280xf32, #tpu.memory_space<vmem>>[vector<16xi32>], vector<16xf32>,
        %parallel_loop3A_1810 = arith.mulf %parallel_loop3A_1771, %parallel_loop3A_1782 : vector<16xf32>
        %parallel_loop3A_1811 = arith.constant 128 : i32
        %parallel_loop3A_1812 = vector.broadcast %parallel_loop3A_1811 : i32 to vector<16xi32>
        %parallel_loop3A_1813 = arith.addi %parallel_loop3A_1769, %parallel_loop3A_1812 : vector<16xi32>
        %parallel_loop3A_1814 = arith.mulf %parallel_loop3A_1810, %parallel_loop3A_1752 : vector<16xf32>
        tpu.vector_store_idx %arg20[%parallel_loop3A_1813], %parallel_loop3A_1814 {add = true} : memref<1280xf32, #tpu.memory_space<vmem>>[vector<16xi32>], vector<16xf32>,
        %parallel_loop3A_1815 = arith.constant 144 : i32
        %parallel_loop3A_1816 = vector.broadcast %parallel_loop3A_1815 : i32 to vector<16xi32>
        %parallel_loop3A_1817 = arith.addi %parallel_loop3A_1769, %parallel_loop3A_1816 : vector<16xi32>
        %parallel_loop3A_1818 = arith.mulf %parallel_loop3A_1810, %parallel_loop3A_1753 : vector<16xf32>
        tpu.vector_store_idx %arg20[%parallel_loop3A_1817], %parallel_loop3A_1818 {add = true} : memref<1280xf32, #tpu.memory_space<vmem>>[vector<16xi32>], vector<16xf32>,
        %parallel_loop3A_1819 = arith.mulf %parallel_loop3A_1772, %parallel_loop3A_1779 : vector<16xf32>
        %parallel_loop3A_1820 = arith.constant 288 : i32
        %parallel_loop3A_1821 = vector.broadcast %parallel_loop3A_1820 : i32 to vector<16xi32>
        %parallel_loop3A_1822 = arith.addi %parallel_loop3A_1769, %parallel_loop3A_1821 : vector<16xi32>
        %parallel_loop3A_1823 = arith.mulf %parallel_loop3A_1819, %parallel_loop3A_1752 : vector<16xf32>
        tpu.vector_store_idx %arg20[%parallel_loop3A_1822], %parallel_loop3A_1823 {add = true} : memref<1280xf32, #tpu.memory_space<vmem>>[vector<16xi32>], vector<16xf32>,
        %parallel_loop3A_1824 = arith.constant 304 : i32
        %parallel_loop3A_1825 = vector.broadcast %parallel_loop3A_1824 : i32 to vector<16xi32>
        %parallel_loop3A_1826 = arith.addi %parallel_loop3A_1769, %parallel_loop3A_1825 : vector<16xi32>
        %parallel_loop3A_1827 = arith.mulf %parallel_loop3A_1819, %parallel_loop3A_1753 : vector<16xf32>
        tpu.vector_store_idx %arg20[%parallel_loop3A_1826], %parallel_loop3A_1827 {add = true} : memref<1280xf32, #tpu.memory_space<vmem>>[vector<16xi32>], vector<16xf32>,
        %parallel_loop3A_1828 = arith.mulf %parallel_loop3A_1772, %parallel_loop3A_1781 : vector<16xf32>
        %parallel_loop3A_1829 = arith.constant 320 : i32
        %parallel_loop3A_1830 = vector.broadcast %parallel_loop3A_1829 : i32 to vector<16xi32>
        %parallel_loop3A_1831 = arith.addi %parallel_loop3A_1769, %parallel_loop3A_1830 : vector<16xi32>
        %parallel_loop3A_1832 = arith.mulf %parallel_loop3A_1828, %parallel_loop3A_1752 : vector<16xf32>
        tpu.vector_store_idx %arg20[%parallel_loop3A_1831], %parallel_loop3A_1832 {add = true} : memref<1280xf32, #tpu.memory_space<vmem>>[vector<16xi32>], vector<16xf32>,
        %parallel_loop3A_1833 = arith.constant 336 : i32
        %parallel_loop3A_1834 = vector.broadcast %parallel_loop3A_1833 : i32 to vector<16xi32>
        %parallel_loop3A_1835 = arith.addi %parallel_loop3A_1769, %parallel_loop3A_1834 : vector<16xi32>
        %parallel_loop3A_1836 = arith.mulf %parallel_loop3A_1828, %parallel_loop3A_1753 : vector<16xf32>
        tpu.vector_store_idx %arg20[%parallel_loop3A_1835], %parallel_loop3A_1836 {add = true} : memref<1280xf32, #tpu.memory_space<vmem>>[vector<16xi32>], vector<16xf32>,
        %parallel_loop3A_1837 = arith.mulf %parallel_loop3A_1772, %parallel_loop3A_1780 : vector<16xf32>
        %parallel_loop3A_1838 = arith.constant 384 : i32
        %parallel_loop3A_1839 = vector.broadcast %parallel_loop3A_1838 : i32 to vector<16xi32>
        %parallel_loop3A_1840 = arith.addi %parallel_loop3A_1769, %parallel_loop3A_1839 : vector<16xi32>
        %parallel_loop3A_1841 = arith.mulf %parallel_loop3A_1837, %parallel_loop3A_1752 : vector<16xf32>
        tpu.vector_store_idx %arg20[%parallel_loop3A_1840], %parallel_loop3A_1841 {add = true} : memref<1280xf32, #tpu.memory_space<vmem>>[vector<16xi32>], vector<16xf32>,
        %parallel_loop3A_1842 = arith.constant 400 : i32
        %parallel_loop3A_1843 = vector.broadcast %parallel_loop3A_1842 : i32 to vector<16xi32>
        %parallel_loop3A_1844 = arith.addi %parallel_loop3A_1769, %parallel_loop3A_1843 : vector<16xi32>
        %parallel_loop3A_1845 = arith.mulf %parallel_loop3A_1837, %parallel_loop3A_1753 : vector<16xf32>
        tpu.vector_store_idx %arg20[%parallel_loop3A_1844], %parallel_loop3A_1845 {add = true} : memref<1280xf32, #tpu.memory_space<vmem>>[vector<16xi32>], vector<16xf32>,
        %parallel_loop3A_1846 = arith.mulf %parallel_loop3A_1772, %parallel_loop3A_1782 : vector<16xf32>
        %parallel_loop3A_1847 = arith.constant 416 : i32
        %parallel_loop3A_1848 = vector.broadcast %parallel_loop3A_1847 : i32 to vector<16xi32>
        %parallel_loop3A_1849 = arith.addi %parallel_loop3A_1769, %parallel_loop3A_1848 : vector<16xi32>
        %parallel_loop3A_1850 = arith.mulf %parallel_loop3A_1846, %parallel_loop3A_1752 : vector<16xf32>
        tpu.vector_store_idx %arg20[%parallel_loop3A_1849], %parallel_loop3A_1850 {add = true} : memref<1280xf32, #tpu.memory_space<vmem>>[vector<16xi32>], vector<16xf32>,
        %parallel_loop3A_1851 = arith.constant 432 : i32
        %parallel_loop3A_1852 = vector.broadcast %parallel_loop3A_1851 : i32 to vector<16xi32>
        %parallel_loop3A_1853 = arith.addi %parallel_loop3A_1769, %parallel_loop3A_1852 : vector<16xi32>
        %parallel_loop3A_1854 = arith.mulf %parallel_loop3A_1846, %parallel_loop3A_1753 : vector<16xf32>
        tpu.vector_store_idx %arg20[%parallel_loop3A_1853], %parallel_loop3A_1854 {add = true} : memref<1280xf32, #tpu.memory_space<vmem>>[vector<16xi32>], vector<16xf32>,
        %parallel_loop3A_1855 = arith.constant 9 : i32
        %parallel_loop3A_1856 = vector.broadcast %parallel_loop3A_1855 : i32 to vector<16xi32>
        %parallel_loop3A_1857 = arith.addi %mul3A_5, %parallel_loop3A_1856 : vector<16xi32>
        %parallel_loop3A_1858 = vector.shape_cast %parallel_loop3A_1857 : vector<16xi32> to vector<16x1xi32>
        %parallel_loop3A_1859 = vector.shape_cast %parallel_loop3A_1858 : vector<16x1xi32> to vector<16xi32>
        %parallel_loop3A_1860 = tpu.dynamic_gather %parallel_loop3A_841[%parallel_loop3A_1859] in [0] : vector<16xi32>, vector<16xi32> -> vector<16xi32>
        %parallel_loop3A_1861 = arith.addi %parallel_loop3A_1860, %iota3A : vector<16xi32>
        %parallel_loop3A_1862 = tpu.vector_load_idx %arg14[%parallel_loop3A_1861] : memref<65536xi32, #tpu.memory_space<vmem>>[vector<16xi32>], vector<16xi32>,
        %parallel_loop3A_1863 = vector.bitcast %parallel_loop3A_1862 : vector<16xi32> to vector<32xbf16>
        %parallel_loop3A_1864 = tpu.unpack_subelements %parallel_loop3A_1863, 0 {pack_format = #tpu.pack_format<interleaved>} : vector<32xbf16> -> vector<16xf32>
        %parallel_loop3A_1865 = tpu.unpack_subelements %parallel_loop3A_1863, 1 {pack_format = #tpu.pack_format<interleaved>} : vector<32xbf16> -> vector<16xf32>
        %parallel_loop3A_1866 = vector.shape_cast %parallel_loop3A_1857 : vector<16xi32> to vector<16x1xi32>
        %parallel_loop3A_1867 = vector.shape_cast %parallel_loop3A_1866 : vector<16x1xi32> to vector<16xi32>
        %parallel_loop3A_1868 = tpu.dynamic_gather %parallel_loop3A_823[%parallel_loop3A_1867] in [0] : vector<16xf32>, vector<16xi32> -> vector<16xf32>
        %parallel_loop3A_1869 = vector.shape_cast %parallel_loop3A_1857 : vector<16xi32> to vector<16x1xi32>
        %parallel_loop3A_1870 = vector.shape_cast %parallel_loop3A_1869 : vector<16x1xi32> to vector<16xi32>
        %parallel_loop3A_1871 = tpu.dynamic_gather %parallel_loop3A_825[%parallel_loop3A_1870] in [0] : vector<16xf32>, vector<16xi32> -> vector<16xf32>
        %parallel_loop3A_1872 = vector.shape_cast %parallel_loop3A_1857 : vector<16xi32> to vector<16x1xi32>
        %parallel_loop3A_1873 = vector.shape_cast %parallel_loop3A_1872 : vector<16x1xi32> to vector<16xi32>
        %parallel_loop3A_1874 = tpu.dynamic_gather %parallel_loop3A_827[%parallel_loop3A_1873] in [0] : vector<16xf32>, vector<16xi32> -> vector<16xf32>
        %parallel_loop3A_1875 = vector.shape_cast %parallel_loop3A_1857 : vector<16xi32> to vector<16x1xi32>
        %parallel_loop3A_1876 = vector.shape_cast %parallel_loop3A_1875 : vector<16x1xi32> to vector<16xi32>
        %parallel_loop3A_1877 = tpu.dynamic_gather %parallel_loop3A_846[%parallel_loop3A_1876] in [0] : vector<16xf32>, vector<16xi32> -> vector<16xf32>
        %parallel_loop3A_1878 = vector.shape_cast %parallel_loop3A_1857 : vector<16xi32> to vector<16x1xi32>
        %parallel_loop3A_1879 = vector.shape_cast %parallel_loop3A_1878 : vector<16x1xi32> to vector<16xi32>
        %parallel_loop3A_1880 = tpu.dynamic_gather %parallel_loop3A_838[%parallel_loop3A_1879] in [0] : vector<16xi32>, vector<16xi32> -> vector<16xi32>
        %parallel_loop3A_1881 = arith.addi %parallel_loop3A_1880, %iota3A : vector<16xi32>
        %parallel_loop3A_1882 = arith.mulf %parallel_loop3A_1868, %parallel_loop3A_1877 : vector<16xf32>
        %parallel_loop3A_1883 = arith.subf %parallel_loop3A_1877, %parallel_loop3A_1882 : vector<16xf32>
        %parallel_loop3A_1884 = arith.mulf %parallel_loop3A_1868, %parallel_loop3A_1877 : vector<16xf32>
        %parallel_loop3A_1885 = arith.constant 1.000000e+00 : f32
        %parallel_loop3A_1886 = vector.broadcast %parallel_loop3A_1885 : f32 to vector<16xf32>
        %parallel_loop3A_1887 = arith.subf %parallel_loop3A_1886, %parallel_loop3A_1871 : vector<16xf32>
        %parallel_loop3A_1888 = arith.constant 1.000000e+00 : f32
        %parallel_loop3A_1889 = vector.broadcast %parallel_loop3A_1888 : f32 to vector<16xf32>
        %parallel_loop3A_1890 = arith.subf %parallel_loop3A_1889, %parallel_loop3A_1874 : vector<16xf32>
        %parallel_loop3A_1891 = arith.mulf %parallel_loop3A_1887, %parallel_loop3A_1890 : vector<16xf32>
        %parallel_loop3A_1892 = arith.mulf %parallel_loop3A_1871, %parallel_loop3A_1890 : vector<16xf32>
        %parallel_loop3A_1893 = arith.mulf %parallel_loop3A_1887, %parallel_loop3A_1874 : vector<16xf32>
        %parallel_loop3A_1894 = arith.mulf %parallel_loop3A_1871, %parallel_loop3A_1874 : vector<16xf32>
        %parallel_loop3A_1895 = arith.mulf %parallel_loop3A_1883, %parallel_loop3A_1891 : vector<16xf32>
        %parallel_loop3A_1896 = arith.constant 0 : i32
        %parallel_loop3A_1897 = vector.broadcast %parallel_loop3A_1896 : i32 to vector<16xi32>
        %parallel_loop3A_1898 = arith.addi %parallel_loop3A_1881, %parallel_loop3A_1897 : vector<16xi32>
        %parallel_loop3A_1899 = arith.mulf %parallel_loop3A_1895, %parallel_loop3A_1864 : vector<16xf32>
        tpu.vector_store_idx %arg20[%parallel_loop3A_1898], %parallel_loop3A_1899 {add = true} : memref<1280xf32, #tpu.memory_space<vmem>>[vector<16xi32>], vector<16xf32>,
        %parallel_loop3A_1900 = arith.constant 16 : i32
        %parallel_loop3A_1901 = vector.broadcast %parallel_loop3A_1900 : i32 to vector<16xi32>
        %parallel_loop3A_1902 = arith.addi %parallel_loop3A_1881, %parallel_loop3A_1901 : vector<16xi32>
        %parallel_loop3A_1903 = arith.mulf %parallel_loop3A_1895, %parallel_loop3A_1865 : vector<16xf32>
        tpu.vector_store_idx %arg20[%parallel_loop3A_1902], %parallel_loop3A_1903 {add = true} : memref<1280xf32, #tpu.memory_space<vmem>>[vector<16xi32>], vector<16xf32>,
        %parallel_loop3A_1904 = arith.mulf %parallel_loop3A_1883, %parallel_loop3A_1893 : vector<16xf32>
        %parallel_loop3A_1905 = arith.constant 32 : i32
        %parallel_loop3A_1906 = vector.broadcast %parallel_loop3A_1905 : i32 to vector<16xi32>
        %parallel_loop3A_1907 = arith.addi %parallel_loop3A_1881, %parallel_loop3A_1906 : vector<16xi32>
        %parallel_loop3A_1908 = arith.mulf %parallel_loop3A_1904, %parallel_loop3A_1864 : vector<16xf32>
        tpu.vector_store_idx %arg20[%parallel_loop3A_1907], %parallel_loop3A_1908 {add = true} : memref<1280xf32, #tpu.memory_space<vmem>>[vector<16xi32>], vector<16xf32>,
        %parallel_loop3A_1909 = arith.constant 48 : i32
        %parallel_loop3A_1910 = vector.broadcast %parallel_loop3A_1909 : i32 to vector<16xi32>
        %parallel_loop3A_1911 = arith.addi %parallel_loop3A_1881, %parallel_loop3A_1910 : vector<16xi32>
        %parallel_loop3A_1912 = arith.mulf %parallel_loop3A_1904, %parallel_loop3A_1865 : vector<16xf32>
        tpu.vector_store_idx %arg20[%parallel_loop3A_1911], %parallel_loop3A_1912 {add = true} : memref<1280xf32, #tpu.memory_space<vmem>>[vector<16xi32>], vector<16xf32>,
        %parallel_loop3A_1913 = arith.mulf %parallel_loop3A_1883, %parallel_loop3A_1892 : vector<16xf32>
        %parallel_loop3A_1914 = arith.constant 96 : i32
        %parallel_loop3A_1915 = vector.broadcast %parallel_loop3A_1914 : i32 to vector<16xi32>
        %parallel_loop3A_1916 = arith.addi %parallel_loop3A_1881, %parallel_loop3A_1915 : vector<16xi32>
        %parallel_loop3A_1917 = arith.mulf %parallel_loop3A_1913, %parallel_loop3A_1864 : vector<16xf32>
        tpu.vector_store_idx %arg20[%parallel_loop3A_1916], %parallel_loop3A_1917 {add = true} : memref<1280xf32, #tpu.memory_space<vmem>>[vector<16xi32>], vector<16xf32>,
        %parallel_loop3A_1918 = arith.constant 112 : i32
        %parallel_loop3A_1919 = vector.broadcast %parallel_loop3A_1918 : i32 to vector<16xi32>
        %parallel_loop3A_1920 = arith.addi %parallel_loop3A_1881, %parallel_loop3A_1919 : vector<16xi32>
        %parallel_loop3A_1921 = arith.mulf %parallel_loop3A_1913, %parallel_loop3A_1865 : vector<16xf32>
        tpu.vector_store_idx %arg20[%parallel_loop3A_1920], %parallel_loop3A_1921 {add = true} : memref<1280xf32, #tpu.memory_space<vmem>>[vector<16xi32>], vector<16xf32>,
        %parallel_loop3A_1922 = arith.mulf %parallel_loop3A_1883, %parallel_loop3A_1894 : vector<16xf32>
        %parallel_loop3A_1923 = arith.constant 128 : i32
        %parallel_loop3A_1924 = vector.broadcast %parallel_loop3A_1923 : i32 to vector<16xi32>
        %parallel_loop3A_1925 = arith.addi %parallel_loop3A_1881, %parallel_loop3A_1924 : vector<16xi32>
        %parallel_loop3A_1926 = arith.mulf %parallel_loop3A_1922, %parallel_loop3A_1864 : vector<16xf32>
        tpu.vector_store_idx %arg20[%parallel_loop3A_1925], %parallel_loop3A_1926 {add = true} : memref<1280xf32, #tpu.memory_space<vmem>>[vector<16xi32>], vector<16xf32>,
        %parallel_loop3A_1927 = arith.constant 144 : i32
        %parallel_loop3A_1928 = vector.broadcast %parallel_loop3A_1927 : i32 to vector<16xi32>
        %parallel_loop3A_1929 = arith.addi %parallel_loop3A_1881, %parallel_loop3A_1928 : vector<16xi32>
        %parallel_loop3A_1930 = arith.mulf %parallel_loop3A_1922, %parallel_loop3A_1865 : vector<16xf32>
        tpu.vector_store_idx %arg20[%parallel_loop3A_1929], %parallel_loop3A_1930 {add = true} : memref<1280xf32, #tpu.memory_space<vmem>>[vector<16xi32>], vector<16xf32>,
        %parallel_loop3A_1931 = arith.mulf %parallel_loop3A_1884, %parallel_loop3A_1891 : vector<16xf32>
        %parallel_loop3A_1932 = arith.constant 288 : i32
        %parallel_loop3A_1933 = vector.broadcast %parallel_loop3A_1932 : i32 to vector<16xi32>
        %parallel_loop3A_1934 = arith.addi %parallel_loop3A_1881, %parallel_loop3A_1933 : vector<16xi32>
        %parallel_loop3A_1935 = arith.mulf %parallel_loop3A_1931, %parallel_loop3A_1864 : vector<16xf32>
        tpu.vector_store_idx %arg20[%parallel_loop3A_1934], %parallel_loop3A_1935 {add = true} : memref<1280xf32, #tpu.memory_space<vmem>>[vector<16xi32>], vector<16xf32>,
        %parallel_loop3A_1936 = arith.constant 304 : i32
        %parallel_loop3A_1937 = vector.broadcast %parallel_loop3A_1936 : i32 to vector<16xi32>
        %parallel_loop3A_1938 = arith.addi %parallel_loop3A_1881, %parallel_loop3A_1937 : vector<16xi32>
        %parallel_loop3A_1939 = arith.mulf %parallel_loop3A_1931, %parallel_loop3A_1865 : vector<16xf32>
        tpu.vector_store_idx %arg20[%parallel_loop3A_1938], %parallel_loop3A_1939 {add = true} : memref<1280xf32, #tpu.memory_space<vmem>>[vector<16xi32>], vector<16xf32>,
        %parallel_loop3A_1940 = arith.mulf %parallel_loop3A_1884, %parallel_loop3A_1893 : vector<16xf32>
        %parallel_loop3A_1941 = arith.constant 320 : i32
        %parallel_loop3A_1942 = vector.broadcast %parallel_loop3A_1941 : i32 to vector<16xi32>
        %parallel_loop3A_1943 = arith.addi %parallel_loop3A_1881, %parallel_loop3A_1942 : vector<16xi32>
        %parallel_loop3A_1944 = arith.mulf %parallel_loop3A_1940, %parallel_loop3A_1864 : vector<16xf32>
        tpu.vector_store_idx %arg20[%parallel_loop3A_1943], %parallel_loop3A_1944 {add = true} : memref<1280xf32, #tpu.memory_space<vmem>>[vector<16xi32>], vector<16xf32>,
        %parallel_loop3A_1945 = arith.constant 336 : i32
        %parallel_loop3A_1946 = vector.broadcast %parallel_loop3A_1945 : i32 to vector<16xi32>
        %parallel_loop3A_1947 = arith.addi %parallel_loop3A_1881, %parallel_loop3A_1946 : vector<16xi32>
        %parallel_loop3A_1948 = arith.mulf %parallel_loop3A_1940, %parallel_loop3A_1865 : vector<16xf32>
        tpu.vector_store_idx %arg20[%parallel_loop3A_1947], %parallel_loop3A_1948 {add = true} : memref<1280xf32, #tpu.memory_space<vmem>>[vector<16xi32>], vector<16xf32>,
        %parallel_loop3A_1949 = arith.mulf %parallel_loop3A_1884, %parallel_loop3A_1892 : vector<16xf32>
        %parallel_loop3A_1950 = arith.constant 384 : i32
        %parallel_loop3A_1951 = vector.broadcast %parallel_loop3A_1950 : i32 to vector<16xi32>
        %parallel_loop3A_1952 = arith.addi %parallel_loop3A_1881, %parallel_loop3A_1951 : vector<16xi32>
        %parallel_loop3A_1953 = arith.mulf %parallel_loop3A_1949, %parallel_loop3A_1864 : vector<16xf32>
        tpu.vector_store_idx %arg20[%parallel_loop3A_1952], %parallel_loop3A_1953 {add = true} : memref<1280xf32, #tpu.memory_space<vmem>>[vector<16xi32>], vector<16xf32>,
        %parallel_loop3A_1954 = arith.constant 400 : i32
        %parallel_loop3A_1955 = vector.broadcast %parallel_loop3A_1954 : i32 to vector<16xi32>
        %parallel_loop3A_1956 = arith.addi %parallel_loop3A_1881, %parallel_loop3A_1955 : vector<16xi32>
        %parallel_loop3A_1957 = arith.mulf %parallel_loop3A_1949, %parallel_loop3A_1865 : vector<16xf32>
        tpu.vector_store_idx %arg20[%parallel_loop3A_1956], %parallel_loop3A_1957 {add = true} : memref<1280xf32, #tpu.memory_space<vmem>>[vector<16xi32>], vector<16xf32>,
        %parallel_loop3A_1958 = arith.mulf %parallel_loop3A_1884, %parallel_loop3A_1894 : vector<16xf32>
        %parallel_loop3A_1959 = arith.constant 416 : i32
        %parallel_loop3A_1960 = vector.broadcast %parallel_loop3A_1959 : i32 to vector<16xi32>
        %parallel_loop3A_1961 = arith.addi %parallel_loop3A_1881, %parallel_loop3A_1960 : vector<16xi32>
        %parallel_loop3A_1962 = arith.mulf %parallel_loop3A_1958, %parallel_loop3A_1864 : vector<16xf32>
        tpu.vector_store_idx %arg20[%parallel_loop3A_1961], %parallel_loop3A_1962 {add = true} : memref<1280xf32, #tpu.memory_space<vmem>>[vector<16xi32>], vector<16xf32>,
        %parallel_loop3A_1963 = arith.constant 432 : i32
        %parallel_loop3A_1964 = vector.broadcast %parallel_loop3A_1963 : i32 to vector<16xi32>
        %parallel_loop3A_1965 = arith.addi %parallel_loop3A_1881, %parallel_loop3A_1964 : vector<16xi32>
        %parallel_loop3A_1966 = arith.mulf %parallel_loop3A_1958, %parallel_loop3A_1865 : vector<16xf32>
        tpu.vector_store_idx %arg20[%parallel_loop3A_1965], %parallel_loop3A_1966 {add = true} : memref<1280xf32, #tpu.memory_space<vmem>>[vector<16xi32>], vector<16xf32>,
        %parallel_loop3A_1967 = arith.constant 10 : i32
        %parallel_loop3A_1968 = vector.broadcast %parallel_loop3A_1967 : i32 to vector<16xi32>
        %parallel_loop3A_1969 = arith.addi %mul3A_5, %parallel_loop3A_1968 : vector<16xi32>
        %parallel_loop3A_1970 = vector.shape_cast %parallel_loop3A_1969 : vector<16xi32> to vector<16x1xi32>
        %parallel_loop3A_1971 = vector.shape_cast %parallel_loop3A_1970 : vector<16x1xi32> to vector<16xi32>
        %parallel_loop3A_1972 = tpu.dynamic_gather %parallel_loop3A_841[%parallel_loop3A_1971] in [0] : vector<16xi32>, vector<16xi32> -> vector<16xi32>
        %parallel_loop3A_1973 = arith.addi %parallel_loop3A_1972, %iota3A : vector<16xi32>
        %parallel_loop3A_1974 = tpu.vector_load_idx %arg14[%parallel_loop3A_1973] : memref<65536xi32, #tpu.memory_space<vmem>>[vector<16xi32>], vector<16xi32>,
        %parallel_loop3A_1975 = vector.bitcast %parallel_loop3A_1974 : vector<16xi32> to vector<32xbf16>
        %parallel_loop3A_1976 = tpu.unpack_subelements %parallel_loop3A_1975, 0 {pack_format = #tpu.pack_format<interleaved>} : vector<32xbf16> -> vector<16xf32>
        %parallel_loop3A_1977 = tpu.unpack_subelements %parallel_loop3A_1975, 1 {pack_format = #tpu.pack_format<interleaved>} : vector<32xbf16> -> vector<16xf32>
        %parallel_loop3A_1978 = vector.shape_cast %parallel_loop3A_1969 : vector<16xi32> to vector<16x1xi32>
        %parallel_loop3A_1979 = vector.shape_cast %parallel_loop3A_1978 : vector<16x1xi32> to vector<16xi32>
        %parallel_loop3A_1980 = tpu.dynamic_gather %parallel_loop3A_823[%parallel_loop3A_1979] in [0] : vector<16xf32>, vector<16xi32> -> vector<16xf32>
        %parallel_loop3A_1981 = vector.shape_cast %parallel_loop3A_1969 : vector<16xi32> to vector<16x1xi32>
        %parallel_loop3A_1982 = vector.shape_cast %parallel_loop3A_1981 : vector<16x1xi32> to vector<16xi32>
        %parallel_loop3A_1983 = tpu.dynamic_gather %parallel_loop3A_825[%parallel_loop3A_1982] in [0] : vector<16xf32>, vector<16xi32> -> vector<16xf32>
        %parallel_loop3A_1984 = vector.shape_cast %parallel_loop3A_1969 : vector<16xi32> to vector<16x1xi32>
        %parallel_loop3A_1985 = vector.shape_cast %parallel_loop3A_1984 : vector<16x1xi32> to vector<16xi32>
        %parallel_loop3A_1986 = tpu.dynamic_gather %parallel_loop3A_827[%parallel_loop3A_1985] in [0] : vector<16xf32>, vector<16xi32> -> vector<16xf32>
        %parallel_loop3A_1987 = vector.shape_cast %parallel_loop3A_1969 : vector<16xi32> to vector<16x1xi32>
        %parallel_loop3A_1988 = vector.shape_cast %parallel_loop3A_1987 : vector<16x1xi32> to vector<16xi32>
        %parallel_loop3A_1989 = tpu.dynamic_gather %parallel_loop3A_846[%parallel_loop3A_1988] in [0] : vector<16xf32>, vector<16xi32> -> vector<16xf32>
        %parallel_loop3A_1990 = vector.shape_cast %parallel_loop3A_1969 : vector<16xi32> to vector<16x1xi32>
        %parallel_loop3A_1991 = vector.shape_cast %parallel_loop3A_1990 : vector<16x1xi32> to vector<16xi32>
        %parallel_loop3A_1992 = tpu.dynamic_gather %parallel_loop3A_838[%parallel_loop3A_1991] in [0] : vector<16xi32>, vector<16xi32> -> vector<16xi32>
        %parallel_loop3A_1993 = arith.addi %parallel_loop3A_1992, %iota3A : vector<16xi32>
        %parallel_loop3A_1994 = arith.mulf %parallel_loop3A_1980, %parallel_loop3A_1989 : vector<16xf32>
        %parallel_loop3A_1995 = arith.subf %parallel_loop3A_1989, %parallel_loop3A_1994 : vector<16xf32>
        %parallel_loop3A_1996 = arith.mulf %parallel_loop3A_1980, %parallel_loop3A_1989 : vector<16xf32>
        %parallel_loop3A_1997 = arith.constant 1.000000e+00 : f32
        %parallel_loop3A_1998 = vector.broadcast %parallel_loop3A_1997 : f32 to vector<16xf32>
        %parallel_loop3A_1999 = arith.subf %parallel_loop3A_1998, %parallel_loop3A_1983 : vector<16xf32>
        %parallel_loop3A_2000 = arith.constant 1.000000e+00 : f32
        %parallel_loop3A_2001 = vector.broadcast %parallel_loop3A_2000 : f32 to vector<16xf32>
        %parallel_loop3A_2002 = arith.subf %parallel_loop3A_2001, %parallel_loop3A_1986 : vector<16xf32>
        %parallel_loop3A_2003 = arith.mulf %parallel_loop3A_1999, %parallel_loop3A_2002 : vector<16xf32>
        %parallel_loop3A_2004 = arith.mulf %parallel_loop3A_1983, %parallel_loop3A_2002 : vector<16xf32>
        %parallel_loop3A_2005 = arith.mulf %parallel_loop3A_1999, %parallel_loop3A_1986 : vector<16xf32>
        %parallel_loop3A_2006 = arith.mulf %parallel_loop3A_1983, %parallel_loop3A_1986 : vector<16xf32>
        %parallel_loop3A_2007 = arith.mulf %parallel_loop3A_1995, %parallel_loop3A_2003 : vector<16xf32>
        %parallel_loop3A_2008 = arith.constant 0 : i32
        %parallel_loop3A_2009 = vector.broadcast %parallel_loop3A_2008 : i32 to vector<16xi32>
        %parallel_loop3A_2010 = arith.addi %parallel_loop3A_1993, %parallel_loop3A_2009 : vector<16xi32>
        %parallel_loop3A_2011 = arith.mulf %parallel_loop3A_2007, %parallel_loop3A_1976 : vector<16xf32>
        tpu.vector_store_idx %arg20[%parallel_loop3A_2010], %parallel_loop3A_2011 {add = true} : memref<1280xf32, #tpu.memory_space<vmem>>[vector<16xi32>], vector<16xf32>,
        %parallel_loop3A_2012 = arith.constant 16 : i32
        %parallel_loop3A_2013 = vector.broadcast %parallel_loop3A_2012 : i32 to vector<16xi32>
        %parallel_loop3A_2014 = arith.addi %parallel_loop3A_1993, %parallel_loop3A_2013 : vector<16xi32>
        %parallel_loop3A_2015 = arith.mulf %parallel_loop3A_2007, %parallel_loop3A_1977 : vector<16xf32>
        tpu.vector_store_idx %arg20[%parallel_loop3A_2014], %parallel_loop3A_2015 {add = true} : memref<1280xf32, #tpu.memory_space<vmem>>[vector<16xi32>], vector<16xf32>,
        %parallel_loop3A_2016 = arith.mulf %parallel_loop3A_1995, %parallel_loop3A_2005 : vector<16xf32>
        %parallel_loop3A_2017 = arith.constant 32 : i32
        %parallel_loop3A_2018 = vector.broadcast %parallel_loop3A_2017 : i32 to vector<16xi32>
        %parallel_loop3A_2019 = arith.addi %parallel_loop3A_1993, %parallel_loop3A_2018 : vector<16xi32>
        %parallel_loop3A_2020 = arith.mulf %parallel_loop3A_2016, %parallel_loop3A_1976 : vector<16xf32>
        tpu.vector_store_idx %arg20[%parallel_loop3A_2019], %parallel_loop3A_2020 {add = true} : memref<1280xf32, #tpu.memory_space<vmem>>[vector<16xi32>], vector<16xf32>,
        %parallel_loop3A_2021 = arith.constant 48 : i32
        %parallel_loop3A_2022 = vector.broadcast %parallel_loop3A_2021 : i32 to vector<16xi32>
        %parallel_loop3A_2023 = arith.addi %parallel_loop3A_1993, %parallel_loop3A_2022 : vector<16xi32>
        %parallel_loop3A_2024 = arith.mulf %parallel_loop3A_2016, %parallel_loop3A_1977 : vector<16xf32>
        tpu.vector_store_idx %arg20[%parallel_loop3A_2023], %parallel_loop3A_2024 {add = true} : memref<1280xf32, #tpu.memory_space<vmem>>[vector<16xi32>], vector<16xf32>,
        %parallel_loop3A_2025 = arith.mulf %parallel_loop3A_1995, %parallel_loop3A_2004 : vector<16xf32>
        %parallel_loop3A_2026 = arith.constant 96 : i32
        %parallel_loop3A_2027 = vector.broadcast %parallel_loop3A_2026 : i32 to vector<16xi32>
        %parallel_loop3A_2028 = arith.addi %parallel_loop3A_1993, %parallel_loop3A_2027 : vector<16xi32>
        %parallel_loop3A_2029 = arith.mulf %parallel_loop3A_2025, %parallel_loop3A_1976 : vector<16xf32>
        tpu.vector_store_idx %arg20[%parallel_loop3A_2028], %parallel_loop3A_2029 {add = true} : memref<1280xf32, #tpu.memory_space<vmem>>[vector<16xi32>], vector<16xf32>,
        %parallel_loop3A_2030 = arith.constant 112 : i32
        %parallel_loop3A_2031 = vector.broadcast %parallel_loop3A_2030 : i32 to vector<16xi32>
        %parallel_loop3A_2032 = arith.addi %parallel_loop3A_1993, %parallel_loop3A_2031 : vector<16xi32>
        %parallel_loop3A_2033 = arith.mulf %parallel_loop3A_2025, %parallel_loop3A_1977 : vector<16xf32>
        tpu.vector_store_idx %arg20[%parallel_loop3A_2032], %parallel_loop3A_2033 {add = true} : memref<1280xf32, #tpu.memory_space<vmem>>[vector<16xi32>], vector<16xf32>,
        %parallel_loop3A_2034 = arith.mulf %parallel_loop3A_1995, %parallel_loop3A_2006 : vector<16xf32>
        %parallel_loop3A_2035 = arith.constant 128 : i32
        %parallel_loop3A_2036 = vector.broadcast %parallel_loop3A_2035 : i32 to vector<16xi32>
        %parallel_loop3A_2037 = arith.addi %parallel_loop3A_1993, %parallel_loop3A_2036 : vector<16xi32>
        %parallel_loop3A_2038 = arith.mulf %parallel_loop3A_2034, %parallel_loop3A_1976 : vector<16xf32>
        tpu.vector_store_idx %arg20[%parallel_loop3A_2037], %parallel_loop3A_2038 {add = true} : memref<1280xf32, #tpu.memory_space<vmem>>[vector<16xi32>], vector<16xf32>,
        %parallel_loop3A_2039 = arith.constant 144 : i32
        %parallel_loop3A_2040 = vector.broadcast %parallel_loop3A_2039 : i32 to vector<16xi32>
        %parallel_loop3A_2041 = arith.addi %parallel_loop3A_1993, %parallel_loop3A_2040 : vector<16xi32>
        %parallel_loop3A_2042 = arith.mulf %parallel_loop3A_2034, %parallel_loop3A_1977 : vector<16xf32>
        tpu.vector_store_idx %arg20[%parallel_loop3A_2041], %parallel_loop3A_2042 {add = true} : memref<1280xf32, #tpu.memory_space<vmem>>[vector<16xi32>], vector<16xf32>,
        %parallel_loop3A_2043 = arith.mulf %parallel_loop3A_1996, %parallel_loop3A_2003 : vector<16xf32>
        %parallel_loop3A_2044 = arith.constant 288 : i32
        %parallel_loop3A_2045 = vector.broadcast %parallel_loop3A_2044 : i32 to vector<16xi32>
        %parallel_loop3A_2046 = arith.addi %parallel_loop3A_1993, %parallel_loop3A_2045 : vector<16xi32>
        %parallel_loop3A_2047 = arith.mulf %parallel_loop3A_2043, %parallel_loop3A_1976 : vector<16xf32>
        tpu.vector_store_idx %arg20[%parallel_loop3A_2046], %parallel_loop3A_2047 {add = true} : memref<1280xf32, #tpu.memory_space<vmem>>[vector<16xi32>], vector<16xf32>,
        %parallel_loop3A_2048 = arith.constant 304 : i32
        %parallel_loop3A_2049 = vector.broadcast %parallel_loop3A_2048 : i32 to vector<16xi32>
        %parallel_loop3A_2050 = arith.addi %parallel_loop3A_1993, %parallel_loop3A_2049 : vector<16xi32>
        %parallel_loop3A_2051 = arith.mulf %parallel_loop3A_2043, %parallel_loop3A_1977 : vector<16xf32>
        tpu.vector_store_idx %arg20[%parallel_loop3A_2050], %parallel_loop3A_2051 {add = true} : memref<1280xf32, #tpu.memory_space<vmem>>[vector<16xi32>], vector<16xf32>,
        %parallel_loop3A_2052 = arith.mulf %parallel_loop3A_1996, %parallel_loop3A_2005 : vector<16xf32>
        %parallel_loop3A_2053 = arith.constant 320 : i32
        %parallel_loop3A_2054 = vector.broadcast %parallel_loop3A_2053 : i32 to vector<16xi32>
        %parallel_loop3A_2055 = arith.addi %parallel_loop3A_1993, %parallel_loop3A_2054 : vector<16xi32>
        %parallel_loop3A_2056 = arith.mulf %parallel_loop3A_2052, %parallel_loop3A_1976 : vector<16xf32>
        tpu.vector_store_idx %arg20[%parallel_loop3A_2055], %parallel_loop3A_2056 {add = true} : memref<1280xf32, #tpu.memory_space<vmem>>[vector<16xi32>], vector<16xf32>,
        %parallel_loop3A_2057 = arith.constant 336 : i32
        %parallel_loop3A_2058 = vector.broadcast %parallel_loop3A_2057 : i32 to vector<16xi32>
        %parallel_loop3A_2059 = arith.addi %parallel_loop3A_1993, %parallel_loop3A_2058 : vector<16xi32>
        %parallel_loop3A_2060 = arith.mulf %parallel_loop3A_2052, %parallel_loop3A_1977 : vector<16xf32>
        tpu.vector_store_idx %arg20[%parallel_loop3A_2059], %parallel_loop3A_2060 {add = true} : memref<1280xf32, #tpu.memory_space<vmem>>[vector<16xi32>], vector<16xf32>,
        %parallel_loop3A_2061 = arith.mulf %parallel_loop3A_1996, %parallel_loop3A_2004 : vector<16xf32>
        %parallel_loop3A_2062 = arith.constant 384 : i32
        %parallel_loop3A_2063 = vector.broadcast %parallel_loop3A_2062 : i32 to vector<16xi32>
        %parallel_loop3A_2064 = arith.addi %parallel_loop3A_1993, %parallel_loop3A_2063 : vector<16xi32>
        %parallel_loop3A_2065 = arith.mulf %parallel_loop3A_2061, %parallel_loop3A_1976 : vector<16xf32>
        tpu.vector_store_idx %arg20[%parallel_loop3A_2064], %parallel_loop3A_2065 {add = true} : memref<1280xf32, #tpu.memory_space<vmem>>[vector<16xi32>], vector<16xf32>,
        %parallel_loop3A_2066 = arith.constant 400 : i32
        %parallel_loop3A_2067 = vector.broadcast %parallel_loop3A_2066 : i32 to vector<16xi32>
        %parallel_loop3A_2068 = arith.addi %parallel_loop3A_1993, %parallel_loop3A_2067 : vector<16xi32>
        %parallel_loop3A_2069 = arith.mulf %parallel_loop3A_2061, %parallel_loop3A_1977 : vector<16xf32>
        tpu.vector_store_idx %arg20[%parallel_loop3A_2068], %parallel_loop3A_2069 {add = true} : memref<1280xf32, #tpu.memory_space<vmem>>[vector<16xi32>], vector<16xf32>,
        %parallel_loop3A_2070 = arith.mulf %parallel_loop3A_1996, %parallel_loop3A_2006 : vector<16xf32>
        %parallel_loop3A_2071 = arith.constant 416 : i32
        %parallel_loop3A_2072 = vector.broadcast %parallel_loop3A_2071 : i32 to vector<16xi32>
        %parallel_loop3A_2073 = arith.addi %parallel_loop3A_1993, %parallel_loop3A_2072 : vector<16xi32>
        %parallel_loop3A_2074 = arith.mulf %parallel_loop3A_2070, %parallel_loop3A_1976 : vector<16xf32>
        tpu.vector_store_idx %arg20[%parallel_loop3A_2073], %parallel_loop3A_2074 {add = true} : memref<1280xf32, #tpu.memory_space<vmem>>[vector<16xi32>], vector<16xf32>,
        %parallel_loop3A_2075 = arith.constant 432 : i32
        %parallel_loop3A_2076 = vector.broadcast %parallel_loop3A_2075 : i32 to vector<16xi32>
        %parallel_loop3A_2077 = arith.addi %parallel_loop3A_1993, %parallel_loop3A_2076 : vector<16xi32>
        %parallel_loop3A_2078 = arith.mulf %parallel_loop3A_2070, %parallel_loop3A_1977 : vector<16xf32>
        tpu.vector_store_idx %arg20[%parallel_loop3A_2077], %parallel_loop3A_2078 {add = true} : memref<1280xf32, #tpu.memory_space<vmem>>[vector<16xi32>], vector<16xf32>,
        %parallel_loop3A_2079 = arith.constant 11 : i32
        %parallel_loop3A_2080 = vector.broadcast %parallel_loop3A_2079 : i32 to vector<16xi32>
        %parallel_loop3A_2081 = arith.addi %mul3A_5, %parallel_loop3A_2080 : vector<16xi32>
        %parallel_loop3A_2082 = vector.shape_cast %parallel_loop3A_2081 : vector<16xi32> to vector<16x1xi32>
        %parallel_loop3A_2083 = vector.shape_cast %parallel_loop3A_2082 : vector<16x1xi32> to vector<16xi32>
        %parallel_loop3A_2084 = tpu.dynamic_gather %parallel_loop3A_841[%parallel_loop3A_2083] in [0] : vector<16xi32>, vector<16xi32> -> vector<16xi32>
        %parallel_loop3A_2085 = arith.addi %parallel_loop3A_2084, %iota3A : vector<16xi32>
        %parallel_loop3A_2086 = tpu.vector_load_idx %arg14[%parallel_loop3A_2085] : memref<65536xi32, #tpu.memory_space<vmem>>[vector<16xi32>], vector<16xi32>,
        %parallel_loop3A_2087 = vector.bitcast %parallel_loop3A_2086 : vector<16xi32> to vector<32xbf16>
        %parallel_loop3A_2088 = tpu.unpack_subelements %parallel_loop3A_2087, 0 {pack_format = #tpu.pack_format<interleaved>} : vector<32xbf16> -> vector<16xf32>
        %parallel_loop3A_2089 = tpu.unpack_subelements %parallel_loop3A_2087, 1 {pack_format = #tpu.pack_format<interleaved>} : vector<32xbf16> -> vector<16xf32>
        %parallel_loop3A_2090 = vector.shape_cast %parallel_loop3A_2081 : vector<16xi32> to vector<16x1xi32>
        %parallel_loop3A_2091 = vector.shape_cast %parallel_loop3A_2090 : vector<16x1xi32> to vector<16xi32>
        %parallel_loop3A_2092 = tpu.dynamic_gather %parallel_loop3A_823[%parallel_loop3A_2091] in [0] : vector<16xf32>, vector<16xi32> -> vector<16xf32>
        %parallel_loop3A_2093 = vector.shape_cast %parallel_loop3A_2081 : vector<16xi32> to vector<16x1xi32>
        %parallel_loop3A_2094 = vector.shape_cast %parallel_loop3A_2093 : vector<16x1xi32> to vector<16xi32>
        %parallel_loop3A_2095 = tpu.dynamic_gather %parallel_loop3A_825[%parallel_loop3A_2094] in [0] : vector<16xf32>, vector<16xi32> -> vector<16xf32>
        %parallel_loop3A_2096 = vector.shape_cast %parallel_loop3A_2081 : vector<16xi32> to vector<16x1xi32>
        %parallel_loop3A_2097 = vector.shape_cast %parallel_loop3A_2096 : vector<16x1xi32> to vector<16xi32>
        %parallel_loop3A_2098 = tpu.dynamic_gather %parallel_loop3A_827[%parallel_loop3A_2097] in [0] : vector<16xf32>, vector<16xi32> -> vector<16xf32>
        %parallel_loop3A_2099 = vector.shape_cast %parallel_loop3A_2081 : vector<16xi32> to vector<16x1xi32>
        %parallel_loop3A_2100 = vector.shape_cast %parallel_loop3A_2099 : vector<16x1xi32> to vector<16xi32>
        %parallel_loop3A_2101 = tpu.dynamic_gather %parallel_loop3A_846[%parallel_loop3A_2100] in [0] : vector<16xf32>, vector<16xi32> -> vector<16xf32>
        %parallel_loop3A_2102 = vector.shape_cast %parallel_loop3A_2081 : vector<16xi32> to vector<16x1xi32>
        %parallel_loop3A_2103 = vector.shape_cast %parallel_loop3A_2102 : vector<16x1xi32> to vector<16xi32>
        %parallel_loop3A_2104 = tpu.dynamic_gather %parallel_loop3A_838[%parallel_loop3A_2103] in [0] : vector<16xi32>, vector<16xi32> -> vector<16xi32>
        %parallel_loop3A_2105 = arith.addi %parallel_loop3A_2104, %iota3A : vector<16xi32>
        %parallel_loop3A_2106 = arith.mulf %parallel_loop3A_2092, %parallel_loop3A_2101 : vector<16xf32>
        %parallel_loop3A_2107 = arith.subf %parallel_loop3A_2101, %parallel_loop3A_2106 : vector<16xf32>
        %parallel_loop3A_2108 = arith.mulf %parallel_loop3A_2092, %parallel_loop3A_2101 : vector<16xf32>
        %parallel_loop3A_2109 = arith.constant 1.000000e+00 : f32
        %parallel_loop3A_2110 = vector.broadcast %parallel_loop3A_2109 : f32 to vector<16xf32>
        %parallel_loop3A_2111 = arith.subf %parallel_loop3A_2110, %parallel_loop3A_2095 : vector<16xf32>
        %parallel_loop3A_2112 = arith.constant 1.000000e+00 : f32
        %parallel_loop3A_2113 = vector.broadcast %parallel_loop3A_2112 : f32 to vector<16xf32>
        %parallel_loop3A_2114 = arith.subf %parallel_loop3A_2113, %parallel_loop3A_2098 : vector<16xf32>
        %parallel_loop3A_2115 = arith.mulf %parallel_loop3A_2111, %parallel_loop3A_2114 : vector<16xf32>
        %parallel_loop3A_2116 = arith.mulf %parallel_loop3A_2095, %parallel_loop3A_2114 : vector<16xf32>
        %parallel_loop3A_2117 = arith.mulf %parallel_loop3A_2111, %parallel_loop3A_2098 : vector<16xf32>
        %parallel_loop3A_2118 = arith.mulf %parallel_loop3A_2095, %parallel_loop3A_2098 : vector<16xf32>
        %parallel_loop3A_2119 = arith.mulf %parallel_loop3A_2107, %parallel_loop3A_2115 : vector<16xf32>
        %parallel_loop3A_2120 = arith.constant 0 : i32
        %parallel_loop3A_2121 = vector.broadcast %parallel_loop3A_2120 : i32 to vector<16xi32>
        %parallel_loop3A_2122 = arith.addi %parallel_loop3A_2105, %parallel_loop3A_2121 : vector<16xi32>
        %parallel_loop3A_2123 = arith.mulf %parallel_loop3A_2119, %parallel_loop3A_2088 : vector<16xf32>
        tpu.vector_store_idx %arg20[%parallel_loop3A_2122], %parallel_loop3A_2123 {add = true} : memref<1280xf32, #tpu.memory_space<vmem>>[vector<16xi32>], vector<16xf32>,
        %parallel_loop3A_2124 = arith.constant 16 : i32
        %parallel_loop3A_2125 = vector.broadcast %parallel_loop3A_2124 : i32 to vector<16xi32>
        %parallel_loop3A_2126 = arith.addi %parallel_loop3A_2105, %parallel_loop3A_2125 : vector<16xi32>
        %parallel_loop3A_2127 = arith.mulf %parallel_loop3A_2119, %parallel_loop3A_2089 : vector<16xf32>
        tpu.vector_store_idx %arg20[%parallel_loop3A_2126], %parallel_loop3A_2127 {add = true} : memref<1280xf32, #tpu.memory_space<vmem>>[vector<16xi32>], vector<16xf32>,
        %parallel_loop3A_2128 = arith.mulf %parallel_loop3A_2107, %parallel_loop3A_2117 : vector<16xf32>
        %parallel_loop3A_2129 = arith.constant 32 : i32
        %parallel_loop3A_2130 = vector.broadcast %parallel_loop3A_2129 : i32 to vector<16xi32>
        %parallel_loop3A_2131 = arith.addi %parallel_loop3A_2105, %parallel_loop3A_2130 : vector<16xi32>
        %parallel_loop3A_2132 = arith.mulf %parallel_loop3A_2128, %parallel_loop3A_2088 : vector<16xf32>
        tpu.vector_store_idx %arg20[%parallel_loop3A_2131], %parallel_loop3A_2132 {add = true} : memref<1280xf32, #tpu.memory_space<vmem>>[vector<16xi32>], vector<16xf32>,
        %parallel_loop3A_2133 = arith.constant 48 : i32
        %parallel_loop3A_2134 = vector.broadcast %parallel_loop3A_2133 : i32 to vector<16xi32>
        %parallel_loop3A_2135 = arith.addi %parallel_loop3A_2105, %parallel_loop3A_2134 : vector<16xi32>
        %parallel_loop3A_2136 = arith.mulf %parallel_loop3A_2128, %parallel_loop3A_2089 : vector<16xf32>
        tpu.vector_store_idx %arg20[%parallel_loop3A_2135], %parallel_loop3A_2136 {add = true} : memref<1280xf32, #tpu.memory_space<vmem>>[vector<16xi32>], vector<16xf32>,
        %parallel_loop3A_2137 = arith.mulf %parallel_loop3A_2107, %parallel_loop3A_2116 : vector<16xf32>
        %parallel_loop3A_2138 = arith.constant 96 : i32
        %parallel_loop3A_2139 = vector.broadcast %parallel_loop3A_2138 : i32 to vector<16xi32>
        %parallel_loop3A_2140 = arith.addi %parallel_loop3A_2105, %parallel_loop3A_2139 : vector<16xi32>
        %parallel_loop3A_2141 = arith.mulf %parallel_loop3A_2137, %parallel_loop3A_2088 : vector<16xf32>
        tpu.vector_store_idx %arg20[%parallel_loop3A_2140], %parallel_loop3A_2141 {add = true} : memref<1280xf32, #tpu.memory_space<vmem>>[vector<16xi32>], vector<16xf32>,
        %parallel_loop3A_2142 = arith.constant 112 : i32
        %parallel_loop3A_2143 = vector.broadcast %parallel_loop3A_2142 : i32 to vector<16xi32>
        %parallel_loop3A_2144 = arith.addi %parallel_loop3A_2105, %parallel_loop3A_2143 : vector<16xi32>
        %parallel_loop3A_2145 = arith.mulf %parallel_loop3A_2137, %parallel_loop3A_2089 : vector<16xf32>
        tpu.vector_store_idx %arg20[%parallel_loop3A_2144], %parallel_loop3A_2145 {add = true} : memref<1280xf32, #tpu.memory_space<vmem>>[vector<16xi32>], vector<16xf32>,
        %parallel_loop3A_2146 = arith.mulf %parallel_loop3A_2107, %parallel_loop3A_2118 : vector<16xf32>
        %parallel_loop3A_2147 = arith.constant 128 : i32
        %parallel_loop3A_2148 = vector.broadcast %parallel_loop3A_2147 : i32 to vector<16xi32>
        %parallel_loop3A_2149 = arith.addi %parallel_loop3A_2105, %parallel_loop3A_2148 : vector<16xi32>
        %parallel_loop3A_2150 = arith.mulf %parallel_loop3A_2146, %parallel_loop3A_2088 : vector<16xf32>
        tpu.vector_store_idx %arg20[%parallel_loop3A_2149], %parallel_loop3A_2150 {add = true} : memref<1280xf32, #tpu.memory_space<vmem>>[vector<16xi32>], vector<16xf32>,
        %parallel_loop3A_2151 = arith.constant 144 : i32
        %parallel_loop3A_2152 = vector.broadcast %parallel_loop3A_2151 : i32 to vector<16xi32>
        %parallel_loop3A_2153 = arith.addi %parallel_loop3A_2105, %parallel_loop3A_2152 : vector<16xi32>
        %parallel_loop3A_2154 = arith.mulf %parallel_loop3A_2146, %parallel_loop3A_2089 : vector<16xf32>
        tpu.vector_store_idx %arg20[%parallel_loop3A_2153], %parallel_loop3A_2154 {add = true} : memref<1280xf32, #tpu.memory_space<vmem>>[vector<16xi32>], vector<16xf32>,
        %parallel_loop3A_2155 = arith.mulf %parallel_loop3A_2108, %parallel_loop3A_2115 : vector<16xf32>
        %parallel_loop3A_2156 = arith.constant 288 : i32
        %parallel_loop3A_2157 = vector.broadcast %parallel_loop3A_2156 : i32 to vector<16xi32>
        %parallel_loop3A_2158 = arith.addi %parallel_loop3A_2105, %parallel_loop3A_2157 : vector<16xi32>
        %parallel_loop3A_2159 = arith.mulf %parallel_loop3A_2155, %parallel_loop3A_2088 : vector<16xf32>
        tpu.vector_store_idx %arg20[%parallel_loop3A_2158], %parallel_loop3A_2159 {add = true} : memref<1280xf32, #tpu.memory_space<vmem>>[vector<16xi32>], vector<16xf32>,
        %parallel_loop3A_2160 = arith.constant 304 : i32
        %parallel_loop3A_2161 = vector.broadcast %parallel_loop3A_2160 : i32 to vector<16xi32>
        %parallel_loop3A_2162 = arith.addi %parallel_loop3A_2105, %parallel_loop3A_2161 : vector<16xi32>
        %parallel_loop3A_2163 = arith.mulf %parallel_loop3A_2155, %parallel_loop3A_2089 : vector<16xf32>
        tpu.vector_store_idx %arg20[%parallel_loop3A_2162], %parallel_loop3A_2163 {add = true} : memref<1280xf32, #tpu.memory_space<vmem>>[vector<16xi32>], vector<16xf32>,
        %parallel_loop3A_2164 = arith.mulf %parallel_loop3A_2108, %parallel_loop3A_2117 : vector<16xf32>
        %parallel_loop3A_2165 = arith.constant 320 : i32
        %parallel_loop3A_2166 = vector.broadcast %parallel_loop3A_2165 : i32 to vector<16xi32>
        %parallel_loop3A_2167 = arith.addi %parallel_loop3A_2105, %parallel_loop3A_2166 : vector<16xi32>
        %parallel_loop3A_2168 = arith.mulf %parallel_loop3A_2164, %parallel_loop3A_2088 : vector<16xf32>
        tpu.vector_store_idx %arg20[%parallel_loop3A_2167], %parallel_loop3A_2168 {add = true} : memref<1280xf32, #tpu.memory_space<vmem>>[vector<16xi32>], vector<16xf32>,
        %parallel_loop3A_2169 = arith.constant 336 : i32
        %parallel_loop3A_2170 = vector.broadcast %parallel_loop3A_2169 : i32 to vector<16xi32>
        %parallel_loop3A_2171 = arith.addi %parallel_loop3A_2105, %parallel_loop3A_2170 : vector<16xi32>
        %parallel_loop3A_2172 = arith.mulf %parallel_loop3A_2164, %parallel_loop3A_2089 : vector<16xf32>
        tpu.vector_store_idx %arg20[%parallel_loop3A_2171], %parallel_loop3A_2172 {add = true} : memref<1280xf32, #tpu.memory_space<vmem>>[vector<16xi32>], vector<16xf32>,
        %parallel_loop3A_2173 = arith.mulf %parallel_loop3A_2108, %parallel_loop3A_2116 : vector<16xf32>
        %parallel_loop3A_2174 = arith.constant 384 : i32
        %parallel_loop3A_2175 = vector.broadcast %parallel_loop3A_2174 : i32 to vector<16xi32>
        %parallel_loop3A_2176 = arith.addi %parallel_loop3A_2105, %parallel_loop3A_2175 : vector<16xi32>
        %parallel_loop3A_2177 = arith.mulf %parallel_loop3A_2173, %parallel_loop3A_2088 : vector<16xf32>
        tpu.vector_store_idx %arg20[%parallel_loop3A_2176], %parallel_loop3A_2177 {add = true} : memref<1280xf32, #tpu.memory_space<vmem>>[vector<16xi32>], vector<16xf32>,
        %parallel_loop3A_2178 = arith.constant 400 : i32
        %parallel_loop3A_2179 = vector.broadcast %parallel_loop3A_2178 : i32 to vector<16xi32>
        %parallel_loop3A_2180 = arith.addi %parallel_loop3A_2105, %parallel_loop3A_2179 : vector<16xi32>
        %parallel_loop3A_2181 = arith.mulf %parallel_loop3A_2173, %parallel_loop3A_2089 : vector<16xf32>
        tpu.vector_store_idx %arg20[%parallel_loop3A_2180], %parallel_loop3A_2181 {add = true} : memref<1280xf32, #tpu.memory_space<vmem>>[vector<16xi32>], vector<16xf32>,
        %parallel_loop3A_2182 = arith.mulf %parallel_loop3A_2108, %parallel_loop3A_2118 : vector<16xf32>
        %parallel_loop3A_2183 = arith.constant 416 : i32
        %parallel_loop3A_2184 = vector.broadcast %parallel_loop3A_2183 : i32 to vector<16xi32>
        %parallel_loop3A_2185 = arith.addi %parallel_loop3A_2105, %parallel_loop3A_2184 : vector<16xi32>
        %parallel_loop3A_2186 = arith.mulf %parallel_loop3A_2182, %parallel_loop3A_2088 : vector<16xf32>
        tpu.vector_store_idx %arg20[%parallel_loop3A_2185], %parallel_loop3A_2186 {add = true} : memref<1280xf32, #tpu.memory_space<vmem>>[vector<16xi32>], vector<16xf32>,
        %parallel_loop3A_2187 = arith.constant 432 : i32
        %parallel_loop3A_2188 = vector.broadcast %parallel_loop3A_2187 : i32 to vector<16xi32>
        %parallel_loop3A_2189 = arith.addi %parallel_loop3A_2105, %parallel_loop3A_2188 : vector<16xi32>
        %parallel_loop3A_2190 = arith.mulf %parallel_loop3A_2182, %parallel_loop3A_2089 : vector<16xf32>
        tpu.vector_store_idx %arg20[%parallel_loop3A_2189], %parallel_loop3A_2190 {add = true} : memref<1280xf32, #tpu.memory_space<vmem>>[vector<16xi32>], vector<16xf32>,
        %parallel_loop3A_2191 = arith.constant 12 : i32
        %parallel_loop3A_2192 = vector.broadcast %parallel_loop3A_2191 : i32 to vector<16xi32>
        %parallel_loop3A_2193 = arith.addi %mul3A_5, %parallel_loop3A_2192 : vector<16xi32>
        %parallel_loop3A_2194 = vector.shape_cast %parallel_loop3A_2193 : vector<16xi32> to vector<16x1xi32>
        %parallel_loop3A_2195 = vector.shape_cast %parallel_loop3A_2194 : vector<16x1xi32> to vector<16xi32>
        %parallel_loop3A_2196 = tpu.dynamic_gather %parallel_loop3A_841[%parallel_loop3A_2195] in [0] : vector<16xi32>, vector<16xi32> -> vector<16xi32>
        %parallel_loop3A_2197 = arith.addi %parallel_loop3A_2196, %iota3A : vector<16xi32>
        %parallel_loop3A_2198 = tpu.vector_load_idx %arg14[%parallel_loop3A_2197] : memref<65536xi32, #tpu.memory_space<vmem>>[vector<16xi32>], vector<16xi32>,
        %parallel_loop3A_2199 = vector.bitcast %parallel_loop3A_2198 : vector<16xi32> to vector<32xbf16>
        %parallel_loop3A_2200 = tpu.unpack_subelements %parallel_loop3A_2199, 0 {pack_format = #tpu.pack_format<interleaved>} : vector<32xbf16> -> vector<16xf32>
        %parallel_loop3A_2201 = tpu.unpack_subelements %parallel_loop3A_2199, 1 {pack_format = #tpu.pack_format<interleaved>} : vector<32xbf16> -> vector<16xf32>
        %parallel_loop3A_2202 = vector.shape_cast %parallel_loop3A_2193 : vector<16xi32> to vector<16x1xi32>
        %parallel_loop3A_2203 = vector.shape_cast %parallel_loop3A_2202 : vector<16x1xi32> to vector<16xi32>
        %parallel_loop3A_2204 = tpu.dynamic_gather %parallel_loop3A_823[%parallel_loop3A_2203] in [0] : vector<16xf32>, vector<16xi32> -> vector<16xf32>
        %parallel_loop3A_2205 = vector.shape_cast %parallel_loop3A_2193 : vector<16xi32> to vector<16x1xi32>
        %parallel_loop3A_2206 = vector.shape_cast %parallel_loop3A_2205 : vector<16x1xi32> to vector<16xi32>
        %parallel_loop3A_2207 = tpu.dynamic_gather %parallel_loop3A_825[%parallel_loop3A_2206] in [0] : vector<16xf32>, vector<16xi32> -> vector<16xf32>
        %parallel_loop3A_2208 = vector.shape_cast %parallel_loop3A_2193 : vector<16xi32> to vector<16x1xi32>
        %parallel_loop3A_2209 = vector.shape_cast %parallel_loop3A_2208 : vector<16x1xi32> to vector<16xi32>
        %parallel_loop3A_2210 = tpu.dynamic_gather %parallel_loop3A_827[%parallel_loop3A_2209] in [0] : vector<16xf32>, vector<16xi32> -> vector<16xf32>
        %parallel_loop3A_2211 = vector.shape_cast %parallel_loop3A_2193 : vector<16xi32> to vector<16x1xi32>
        %parallel_loop3A_2212 = vector.shape_cast %parallel_loop3A_2211 : vector<16x1xi32> to vector<16xi32>
        %parallel_loop3A_2213 = tpu.dynamic_gather %parallel_loop3A_846[%parallel_loop3A_2212] in [0] : vector<16xf32>, vector<16xi32> -> vector<16xf32>
        %parallel_loop3A_2214 = vector.shape_cast %parallel_loop3A_2193 : vector<16xi32> to vector<16x1xi32>
        %parallel_loop3A_2215 = vector.shape_cast %parallel_loop3A_2214 : vector<16x1xi32> to vector<16xi32>
        %parallel_loop3A_2216 = tpu.dynamic_gather %parallel_loop3A_838[%parallel_loop3A_2215] in [0] : vector<16xi32>, vector<16xi32> -> vector<16xi32>
        %parallel_loop3A_2217 = arith.addi %parallel_loop3A_2216, %iota3A : vector<16xi32>
        %parallel_loop3A_2218 = arith.mulf %parallel_loop3A_2204, %parallel_loop3A_2213 : vector<16xf32>
        %parallel_loop3A_2219 = arith.subf %parallel_loop3A_2213, %parallel_loop3A_2218 : vector<16xf32>
        %parallel_loop3A_2220 = arith.mulf %parallel_loop3A_2204, %parallel_loop3A_2213 : vector<16xf32>
        %parallel_loop3A_2221 = arith.constant 1.000000e+00 : f32
        %parallel_loop3A_2222 = vector.broadcast %parallel_loop3A_2221 : f32 to vector<16xf32>
        %parallel_loop3A_2223 = arith.subf %parallel_loop3A_2222, %parallel_loop3A_2207 : vector<16xf32>
        %parallel_loop3A_2224 = arith.constant 1.000000e+00 : f32
        %parallel_loop3A_2225 = vector.broadcast %parallel_loop3A_2224 : f32 to vector<16xf32>
        %parallel_loop3A_2226 = arith.subf %parallel_loop3A_2225, %parallel_loop3A_2210 : vector<16xf32>
        %parallel_loop3A_2227 = arith.mulf %parallel_loop3A_2223, %parallel_loop3A_2226 : vector<16xf32>
        %parallel_loop3A_2228 = arith.mulf %parallel_loop3A_2207, %parallel_loop3A_2226 : vector<16xf32>
        %parallel_loop3A_2229 = arith.mulf %parallel_loop3A_2223, %parallel_loop3A_2210 : vector<16xf32>
        %parallel_loop3A_2230 = arith.mulf %parallel_loop3A_2207, %parallel_loop3A_2210 : vector<16xf32>
        %parallel_loop3A_2231 = arith.mulf %parallel_loop3A_2219, %parallel_loop3A_2227 : vector<16xf32>
        %parallel_loop3A_2232 = arith.constant 0 : i32
        %parallel_loop3A_2233 = vector.broadcast %parallel_loop3A_2232 : i32 to vector<16xi32>
        %parallel_loop3A_2234 = arith.addi %parallel_loop3A_2217, %parallel_loop3A_2233 : vector<16xi32>
        %parallel_loop3A_2235 = arith.mulf %parallel_loop3A_2231, %parallel_loop3A_2200 : vector<16xf32>
        tpu.vector_store_idx %arg20[%parallel_loop3A_2234], %parallel_loop3A_2235 {add = true} : memref<1280xf32, #tpu.memory_space<vmem>>[vector<16xi32>], vector<16xf32>,
        %parallel_loop3A_2236 = arith.constant 16 : i32
        %parallel_loop3A_2237 = vector.broadcast %parallel_loop3A_2236 : i32 to vector<16xi32>
        %parallel_loop3A_2238 = arith.addi %parallel_loop3A_2217, %parallel_loop3A_2237 : vector<16xi32>
        %parallel_loop3A_2239 = arith.mulf %parallel_loop3A_2231, %parallel_loop3A_2201 : vector<16xf32>
        tpu.vector_store_idx %arg20[%parallel_loop3A_2238], %parallel_loop3A_2239 {add = true} : memref<1280xf32, #tpu.memory_space<vmem>>[vector<16xi32>], vector<16xf32>,
        %parallel_loop3A_2240 = arith.mulf %parallel_loop3A_2219, %parallel_loop3A_2229 : vector<16xf32>
        %parallel_loop3A_2241 = arith.constant 32 : i32
        %parallel_loop3A_2242 = vector.broadcast %parallel_loop3A_2241 : i32 to vector<16xi32>
        %parallel_loop3A_2243 = arith.addi %parallel_loop3A_2217, %parallel_loop3A_2242 : vector<16xi32>
        %parallel_loop3A_2244 = arith.mulf %parallel_loop3A_2240, %parallel_loop3A_2200 : vector<16xf32>
        tpu.vector_store_idx %arg20[%parallel_loop3A_2243], %parallel_loop3A_2244 {add = true} : memref<1280xf32, #tpu.memory_space<vmem>>[vector<16xi32>], vector<16xf32>,
        %parallel_loop3A_2245 = arith.constant 48 : i32
        %parallel_loop3A_2246 = vector.broadcast %parallel_loop3A_2245 : i32 to vector<16xi32>
        %parallel_loop3A_2247 = arith.addi %parallel_loop3A_2217, %parallel_loop3A_2246 : vector<16xi32>
        %parallel_loop3A_2248 = arith.mulf %parallel_loop3A_2240, %parallel_loop3A_2201 : vector<16xf32>
        tpu.vector_store_idx %arg20[%parallel_loop3A_2247], %parallel_loop3A_2248 {add = true} : memref<1280xf32, #tpu.memory_space<vmem>>[vector<16xi32>], vector<16xf32>,
        %parallel_loop3A_2249 = arith.mulf %parallel_loop3A_2219, %parallel_loop3A_2228 : vector<16xf32>
        %parallel_loop3A_2250 = arith.constant 96 : i32
        %parallel_loop3A_2251 = vector.broadcast %parallel_loop3A_2250 : i32 to vector<16xi32>
        %parallel_loop3A_2252 = arith.addi %parallel_loop3A_2217, %parallel_loop3A_2251 : vector<16xi32>
        %parallel_loop3A_2253 = arith.mulf %parallel_loop3A_2249, %parallel_loop3A_2200 : vector<16xf32>
        tpu.vector_store_idx %arg20[%parallel_loop3A_2252], %parallel_loop3A_2253 {add = true} : memref<1280xf32, #tpu.memory_space<vmem>>[vector<16xi32>], vector<16xf32>,
        %parallel_loop3A_2254 = arith.constant 112 : i32
        %parallel_loop3A_2255 = vector.broadcast %parallel_loop3A_2254 : i32 to vector<16xi32>
        %parallel_loop3A_2256 = arith.addi %parallel_loop3A_2217, %parallel_loop3A_2255 : vector<16xi32>
        %parallel_loop3A_2257 = arith.mulf %parallel_loop3A_2249, %parallel_loop3A_2201 : vector<16xf32>
        tpu.vector_store_idx %arg20[%parallel_loop3A_2256], %parallel_loop3A_2257 {add = true} : memref<1280xf32, #tpu.memory_space<vmem>>[vector<16xi32>], vector<16xf32>,
        %parallel_loop3A_2258 = arith.mulf %parallel_loop3A_2219, %parallel_loop3A_2230 : vector<16xf32>
        %parallel_loop3A_2259 = arith.constant 128 : i32
        %parallel_loop3A_2260 = vector.broadcast %parallel_loop3A_2259 : i32 to vector<16xi32>
        %parallel_loop3A_2261 = arith.addi %parallel_loop3A_2217, %parallel_loop3A_2260 : vector<16xi32>
        %parallel_loop3A_2262 = arith.mulf %parallel_loop3A_2258, %parallel_loop3A_2200 : vector<16xf32>
        tpu.vector_store_idx %arg20[%parallel_loop3A_2261], %parallel_loop3A_2262 {add = true} : memref<1280xf32, #tpu.memory_space<vmem>>[vector<16xi32>], vector<16xf32>,
        %parallel_loop3A_2263 = arith.constant 144 : i32
        %parallel_loop3A_2264 = vector.broadcast %parallel_loop3A_2263 : i32 to vector<16xi32>
        %parallel_loop3A_2265 = arith.addi %parallel_loop3A_2217, %parallel_loop3A_2264 : vector<16xi32>
        %parallel_loop3A_2266 = arith.mulf %parallel_loop3A_2258, %parallel_loop3A_2201 : vector<16xf32>
        tpu.vector_store_idx %arg20[%parallel_loop3A_2265], %parallel_loop3A_2266 {add = true} : memref<1280xf32, #tpu.memory_space<vmem>>[vector<16xi32>], vector<16xf32>,
        %parallel_loop3A_2267 = arith.mulf %parallel_loop3A_2220, %parallel_loop3A_2227 : vector<16xf32>
        %parallel_loop3A_2268 = arith.constant 288 : i32
        %parallel_loop3A_2269 = vector.broadcast %parallel_loop3A_2268 : i32 to vector<16xi32>
        %parallel_loop3A_2270 = arith.addi %parallel_loop3A_2217, %parallel_loop3A_2269 : vector<16xi32>
        %parallel_loop3A_2271 = arith.mulf %parallel_loop3A_2267, %parallel_loop3A_2200 : vector<16xf32>
        tpu.vector_store_idx %arg20[%parallel_loop3A_2270], %parallel_loop3A_2271 {add = true} : memref<1280xf32, #tpu.memory_space<vmem>>[vector<16xi32>], vector<16xf32>,
        %parallel_loop3A_2272 = arith.constant 304 : i32
        %parallel_loop3A_2273 = vector.broadcast %parallel_loop3A_2272 : i32 to vector<16xi32>
        %parallel_loop3A_2274 = arith.addi %parallel_loop3A_2217, %parallel_loop3A_2273 : vector<16xi32>
        %parallel_loop3A_2275 = arith.mulf %parallel_loop3A_2267, %parallel_loop3A_2201 : vector<16xf32>
        tpu.vector_store_idx %arg20[%parallel_loop3A_2274], %parallel_loop3A_2275 {add = true} : memref<1280xf32, #tpu.memory_space<vmem>>[vector<16xi32>], vector<16xf32>,
        %parallel_loop3A_2276 = arith.mulf %parallel_loop3A_2220, %parallel_loop3A_2229 : vector<16xf32>
        %parallel_loop3A_2277 = arith.constant 320 : i32
        %parallel_loop3A_2278 = vector.broadcast %parallel_loop3A_2277 : i32 to vector<16xi32>
        %parallel_loop3A_2279 = arith.addi %parallel_loop3A_2217, %parallel_loop3A_2278 : vector<16xi32>
        %parallel_loop3A_2280 = arith.mulf %parallel_loop3A_2276, %parallel_loop3A_2200 : vector<16xf32>
        tpu.vector_store_idx %arg20[%parallel_loop3A_2279], %parallel_loop3A_2280 {add = true} : memref<1280xf32, #tpu.memory_space<vmem>>[vector<16xi32>], vector<16xf32>,
        %parallel_loop3A_2281 = arith.constant 336 : i32
        %parallel_loop3A_2282 = vector.broadcast %parallel_loop3A_2281 : i32 to vector<16xi32>
        %parallel_loop3A_2283 = arith.addi %parallel_loop3A_2217, %parallel_loop3A_2282 : vector<16xi32>
        %parallel_loop3A_2284 = arith.mulf %parallel_loop3A_2276, %parallel_loop3A_2201 : vector<16xf32>
        tpu.vector_store_idx %arg20[%parallel_loop3A_2283], %parallel_loop3A_2284 {add = true} : memref<1280xf32, #tpu.memory_space<vmem>>[vector<16xi32>], vector<16xf32>,
        %parallel_loop3A_2285 = arith.mulf %parallel_loop3A_2220, %parallel_loop3A_2228 : vector<16xf32>
        %parallel_loop3A_2286 = arith.constant 384 : i32
        %parallel_loop3A_2287 = vector.broadcast %parallel_loop3A_2286 : i32 to vector<16xi32>
        %parallel_loop3A_2288 = arith.addi %parallel_loop3A_2217, %parallel_loop3A_2287 : vector<16xi32>
        %parallel_loop3A_2289 = arith.mulf %parallel_loop3A_2285, %parallel_loop3A_2200 : vector<16xf32>
        tpu.vector_store_idx %arg20[%parallel_loop3A_2288], %parallel_loop3A_2289 {add = true} : memref<1280xf32, #tpu.memory_space<vmem>>[vector<16xi32>], vector<16xf32>,
        %parallel_loop3A_2290 = arith.constant 400 : i32
        %parallel_loop3A_2291 = vector.broadcast %parallel_loop3A_2290 : i32 to vector<16xi32>
        %parallel_loop3A_2292 = arith.addi %parallel_loop3A_2217, %parallel_loop3A_2291 : vector<16xi32>
        %parallel_loop3A_2293 = arith.mulf %parallel_loop3A_2285, %parallel_loop3A_2201 : vector<16xf32>
        tpu.vector_store_idx %arg20[%parallel_loop3A_2292], %parallel_loop3A_2293 {add = true} : memref<1280xf32, #tpu.memory_space<vmem>>[vector<16xi32>], vector<16xf32>,
        %parallel_loop3A_2294 = arith.mulf %parallel_loop3A_2220, %parallel_loop3A_2230 : vector<16xf32>
        %parallel_loop3A_2295 = arith.constant 416 : i32
        %parallel_loop3A_2296 = vector.broadcast %parallel_loop3A_2295 : i32 to vector<16xi32>
        %parallel_loop3A_2297 = arith.addi %parallel_loop3A_2217, %parallel_loop3A_2296 : vector<16xi32>
        %parallel_loop3A_2298 = arith.mulf %parallel_loop3A_2294, %parallel_loop3A_2200 : vector<16xf32>
        tpu.vector_store_idx %arg20[%parallel_loop3A_2297], %parallel_loop3A_2298 {add = true} : memref<1280xf32, #tpu.memory_space<vmem>>[vector<16xi32>], vector<16xf32>,
        %parallel_loop3A_2299 = arith.constant 432 : i32
        %parallel_loop3A_2300 = vector.broadcast %parallel_loop3A_2299 : i32 to vector<16xi32>
        %parallel_loop3A_2301 = arith.addi %parallel_loop3A_2217, %parallel_loop3A_2300 : vector<16xi32>
        %parallel_loop3A_2302 = arith.mulf %parallel_loop3A_2294, %parallel_loop3A_2201 : vector<16xf32>
        tpu.vector_store_idx %arg20[%parallel_loop3A_2301], %parallel_loop3A_2302 {add = true} : memref<1280xf32, #tpu.memory_space<vmem>>[vector<16xi32>], vector<16xf32>,
        %parallel_loop3A_2303 = arith.constant 13 : i32
        %parallel_loop3A_2304 = vector.broadcast %parallel_loop3A_2303 : i32 to vector<16xi32>
        %parallel_loop3A_2305 = arith.addi %mul3A_5, %parallel_loop3A_2304 : vector<16xi32>
        %parallel_loop3A_2306 = vector.shape_cast %parallel_loop3A_2305 : vector<16xi32> to vector<16x1xi32>
        %parallel_loop3A_2307 = vector.shape_cast %parallel_loop3A_2306 : vector<16x1xi32> to vector<16xi32>
        %parallel_loop3A_2308 = tpu.dynamic_gather %parallel_loop3A_841[%parallel_loop3A_2307] in [0] : vector<16xi32>, vector<16xi32> -> vector<16xi32>
        %parallel_loop3A_2309 = arith.addi %parallel_loop3A_2308, %iota3A : vector<16xi32>
        %parallel_loop3A_2310 = tpu.vector_load_idx %arg14[%parallel_loop3A_2309] : memref<65536xi32, #tpu.memory_space<vmem>>[vector<16xi32>], vector<16xi32>,
        %parallel_loop3A_2311 = vector.bitcast %parallel_loop3A_2310 : vector<16xi32> to vector<32xbf16>
        %parallel_loop3A_2312 = tpu.unpack_subelements %parallel_loop3A_2311, 0 {pack_format = #tpu.pack_format<interleaved>} : vector<32xbf16> -> vector<16xf32>
        %parallel_loop3A_2313 = tpu.unpack_subelements %parallel_loop3A_2311, 1 {pack_format = #tpu.pack_format<interleaved>} : vector<32xbf16> -> vector<16xf32>
        %parallel_loop3A_2314 = vector.shape_cast %parallel_loop3A_2305 : vector<16xi32> to vector<16x1xi32>
        %parallel_loop3A_2315 = vector.shape_cast %parallel_loop3A_2314 : vector<16x1xi32> to vector<16xi32>
        %parallel_loop3A_2316 = tpu.dynamic_gather %parallel_loop3A_823[%parallel_loop3A_2315] in [0] : vector<16xf32>, vector<16xi32> -> vector<16xf32>
        %parallel_loop3A_2317 = vector.shape_cast %parallel_loop3A_2305 : vector<16xi32> to vector<16x1xi32>
        %parallel_loop3A_2318 = vector.shape_cast %parallel_loop3A_2317 : vector<16x1xi32> to vector<16xi32>
        %parallel_loop3A_2319 = tpu.dynamic_gather %parallel_loop3A_825[%parallel_loop3A_2318] in [0] : vector<16xf32>, vector<16xi32> -> vector<16xf32>
        %parallel_loop3A_2320 = vector.shape_cast %parallel_loop3A_2305 : vector<16xi32> to vector<16x1xi32>
        %parallel_loop3A_2321 = vector.shape_cast %parallel_loop3A_2320 : vector<16x1xi32> to vector<16xi32>
        %parallel_loop3A_2322 = tpu.dynamic_gather %parallel_loop3A_827[%parallel_loop3A_2321] in [0] : vector<16xf32>, vector<16xi32> -> vector<16xf32>
        %parallel_loop3A_2323 = vector.shape_cast %parallel_loop3A_2305 : vector<16xi32> to vector<16x1xi32>
        %parallel_loop3A_2324 = vector.shape_cast %parallel_loop3A_2323 : vector<16x1xi32> to vector<16xi32>
        %parallel_loop3A_2325 = tpu.dynamic_gather %parallel_loop3A_846[%parallel_loop3A_2324] in [0] : vector<16xf32>, vector<16xi32> -> vector<16xf32>
        %parallel_loop3A_2326 = vector.shape_cast %parallel_loop3A_2305 : vector<16xi32> to vector<16x1xi32>
        %parallel_loop3A_2327 = vector.shape_cast %parallel_loop3A_2326 : vector<16x1xi32> to vector<16xi32>
        %parallel_loop3A_2328 = tpu.dynamic_gather %parallel_loop3A_838[%parallel_loop3A_2327] in [0] : vector<16xi32>, vector<16xi32> -> vector<16xi32>
        %parallel_loop3A_2329 = arith.addi %parallel_loop3A_2328, %iota3A : vector<16xi32>
        %parallel_loop3A_2330 = arith.mulf %parallel_loop3A_2316, %parallel_loop3A_2325 : vector<16xf32>
        %parallel_loop3A_2331 = arith.subf %parallel_loop3A_2325, %parallel_loop3A_2330 : vector<16xf32>
        %parallel_loop3A_2332 = arith.mulf %parallel_loop3A_2316, %parallel_loop3A_2325 : vector<16xf32>
        %parallel_loop3A_2333 = arith.constant 1.000000e+00 : f32
        %parallel_loop3A_2334 = vector.broadcast %parallel_loop3A_2333 : f32 to vector<16xf32>
        %parallel_loop3A_2335 = arith.subf %parallel_loop3A_2334, %parallel_loop3A_2319 : vector<16xf32>
        %parallel_loop3A_2336 = arith.constant 1.000000e+00 : f32
        %parallel_loop3A_2337 = vector.broadcast %parallel_loop3A_2336 : f32 to vector<16xf32>
        %parallel_loop3A_2338 = arith.subf %parallel_loop3A_2337, %parallel_loop3A_2322 : vector<16xf32>
        %parallel_loop3A_2339 = arith.mulf %parallel_loop3A_2335, %parallel_loop3A_2338 : vector<16xf32>
        %parallel_loop3A_2340 = arith.mulf %parallel_loop3A_2319, %parallel_loop3A_2338 : vector<16xf32>
        %parallel_loop3A_2341 = arith.mulf %parallel_loop3A_2335, %parallel_loop3A_2322 : vector<16xf32>
        %parallel_loop3A_2342 = arith.mulf %parallel_loop3A_2319, %parallel_loop3A_2322 : vector<16xf32>
        %parallel_loop3A_2343 = arith.mulf %parallel_loop3A_2331, %parallel_loop3A_2339 : vector<16xf32>
        %parallel_loop3A_2344 = arith.constant 0 : i32
        %parallel_loop3A_2345 = vector.broadcast %parallel_loop3A_2344 : i32 to vector<16xi32>
        %parallel_loop3A_2346 = arith.addi %parallel_loop3A_2329, %parallel_loop3A_2345 : vector<16xi32>
        %parallel_loop3A_2347 = arith.mulf %parallel_loop3A_2343, %parallel_loop3A_2312 : vector<16xf32>
        tpu.vector_store_idx %arg20[%parallel_loop3A_2346], %parallel_loop3A_2347 {add = true} : memref<1280xf32, #tpu.memory_space<vmem>>[vector<16xi32>], vector<16xf32>,
        %parallel_loop3A_2348 = arith.constant 16 : i32
        %parallel_loop3A_2349 = vector.broadcast %parallel_loop3A_2348 : i32 to vector<16xi32>
        %parallel_loop3A_2350 = arith.addi %parallel_loop3A_2329, %parallel_loop3A_2349 : vector<16xi32>
        %parallel_loop3A_2351 = arith.mulf %parallel_loop3A_2343, %parallel_loop3A_2313 : vector<16xf32>
        tpu.vector_store_idx %arg20[%parallel_loop3A_2350], %parallel_loop3A_2351 {add = true} : memref<1280xf32, #tpu.memory_space<vmem>>[vector<16xi32>], vector<16xf32>,
        %parallel_loop3A_2352 = arith.mulf %parallel_loop3A_2331, %parallel_loop3A_2341 : vector<16xf32>
        %parallel_loop3A_2353 = arith.constant 32 : i32
        %parallel_loop3A_2354 = vector.broadcast %parallel_loop3A_2353 : i32 to vector<16xi32>
        %parallel_loop3A_2355 = arith.addi %parallel_loop3A_2329, %parallel_loop3A_2354 : vector<16xi32>
        %parallel_loop3A_2356 = arith.mulf %parallel_loop3A_2352, %parallel_loop3A_2312 : vector<16xf32>
        tpu.vector_store_idx %arg20[%parallel_loop3A_2355], %parallel_loop3A_2356 {add = true} : memref<1280xf32, #tpu.memory_space<vmem>>[vector<16xi32>], vector<16xf32>,
        %parallel_loop3A_2357 = arith.constant 48 : i32
        %parallel_loop3A_2358 = vector.broadcast %parallel_loop3A_2357 : i32 to vector<16xi32>
        %parallel_loop3A_2359 = arith.addi %parallel_loop3A_2329, %parallel_loop3A_2358 : vector<16xi32>
        %parallel_loop3A_2360 = arith.mulf %parallel_loop3A_2352, %parallel_loop3A_2313 : vector<16xf32>
        tpu.vector_store_idx %arg20[%parallel_loop3A_2359], %parallel_loop3A_2360 {add = true} : memref<1280xf32, #tpu.memory_space<vmem>>[vector<16xi32>], vector<16xf32>,
        %parallel_loop3A_2361 = arith.mulf %parallel_loop3A_2331, %parallel_loop3A_2340 : vector<16xf32>
        %parallel_loop3A_2362 = arith.constant 96 : i32
        %parallel_loop3A_2363 = vector.broadcast %parallel_loop3A_2362 : i32 to vector<16xi32>
        %parallel_loop3A_2364 = arith.addi %parallel_loop3A_2329, %parallel_loop3A_2363 : vector<16xi32>
        %parallel_loop3A_2365 = arith.mulf %parallel_loop3A_2361, %parallel_loop3A_2312 : vector<16xf32>
        tpu.vector_store_idx %arg20[%parallel_loop3A_2364], %parallel_loop3A_2365 {add = true} : memref<1280xf32, #tpu.memory_space<vmem>>[vector<16xi32>], vector<16xf32>,
        %parallel_loop3A_2366 = arith.constant 112 : i32
        %parallel_loop3A_2367 = vector.broadcast %parallel_loop3A_2366 : i32 to vector<16xi32>
        %parallel_loop3A_2368 = arith.addi %parallel_loop3A_2329, %parallel_loop3A_2367 : vector<16xi32>
        %parallel_loop3A_2369 = arith.mulf %parallel_loop3A_2361, %parallel_loop3A_2313 : vector<16xf32>
        tpu.vector_store_idx %arg20[%parallel_loop3A_2368], %parallel_loop3A_2369 {add = true} : memref<1280xf32, #tpu.memory_space<vmem>>[vector<16xi32>], vector<16xf32>,
        %parallel_loop3A_2370 = arith.mulf %parallel_loop3A_2331, %parallel_loop3A_2342 : vector<16xf32>
        %parallel_loop3A_2371 = arith.constant 128 : i32
        %parallel_loop3A_2372 = vector.broadcast %parallel_loop3A_2371 : i32 to vector<16xi32>
        %parallel_loop3A_2373 = arith.addi %parallel_loop3A_2329, %parallel_loop3A_2372 : vector<16xi32>
        %parallel_loop3A_2374 = arith.mulf %parallel_loop3A_2370, %parallel_loop3A_2312 : vector<16xf32>
        tpu.vector_store_idx %arg20[%parallel_loop3A_2373], %parallel_loop3A_2374 {add = true} : memref<1280xf32, #tpu.memory_space<vmem>>[vector<16xi32>], vector<16xf32>,
        %parallel_loop3A_2375 = arith.constant 144 : i32
        %parallel_loop3A_2376 = vector.broadcast %parallel_loop3A_2375 : i32 to vector<16xi32>
        %parallel_loop3A_2377 = arith.addi %parallel_loop3A_2329, %parallel_loop3A_2376 : vector<16xi32>
        %parallel_loop3A_2378 = arith.mulf %parallel_loop3A_2370, %parallel_loop3A_2313 : vector<16xf32>
        tpu.vector_store_idx %arg20[%parallel_loop3A_2377], %parallel_loop3A_2378 {add = true} : memref<1280xf32, #tpu.memory_space<vmem>>[vector<16xi32>], vector<16xf32>,
        %parallel_loop3A_2379 = arith.mulf %parallel_loop3A_2332, %parallel_loop3A_2339 : vector<16xf32>
        %parallel_loop3A_2380 = arith.constant 288 : i32
        %parallel_loop3A_2381 = vector.broadcast %parallel_loop3A_2380 : i32 to vector<16xi32>
        %parallel_loop3A_2382 = arith.addi %parallel_loop3A_2329, %parallel_loop3A_2381 : vector<16xi32>
        %parallel_loop3A_2383 = arith.mulf %parallel_loop3A_2379, %parallel_loop3A_2312 : vector<16xf32>
        tpu.vector_store_idx %arg20[%parallel_loop3A_2382], %parallel_loop3A_2383 {add = true} : memref<1280xf32, #tpu.memory_space<vmem>>[vector<16xi32>], vector<16xf32>,
        %parallel_loop3A_2384 = arith.constant 304 : i32
        %parallel_loop3A_2385 = vector.broadcast %parallel_loop3A_2384 : i32 to vector<16xi32>
        %parallel_loop3A_2386 = arith.addi %parallel_loop3A_2329, %parallel_loop3A_2385 : vector<16xi32>
        %parallel_loop3A_2387 = arith.mulf %parallel_loop3A_2379, %parallel_loop3A_2313 : vector<16xf32>
        tpu.vector_store_idx %arg20[%parallel_loop3A_2386], %parallel_loop3A_2387 {add = true} : memref<1280xf32, #tpu.memory_space<vmem>>[vector<16xi32>], vector<16xf32>,
        %parallel_loop3A_2388 = arith.mulf %parallel_loop3A_2332, %parallel_loop3A_2341 : vector<16xf32>
        %parallel_loop3A_2389 = arith.constant 320 : i32
        %parallel_loop3A_2390 = vector.broadcast %parallel_loop3A_2389 : i32 to vector<16xi32>
        %parallel_loop3A_2391 = arith.addi %parallel_loop3A_2329, %parallel_loop3A_2390 : vector<16xi32>
        %parallel_loop3A_2392 = arith.mulf %parallel_loop3A_2388, %parallel_loop3A_2312 : vector<16xf32>
        tpu.vector_store_idx %arg20[%parallel_loop3A_2391], %parallel_loop3A_2392 {add = true} : memref<1280xf32, #tpu.memory_space<vmem>>[vector<16xi32>], vector<16xf32>,
        %parallel_loop3A_2393 = arith.constant 336 : i32
        %parallel_loop3A_2394 = vector.broadcast %parallel_loop3A_2393 : i32 to vector<16xi32>
        %parallel_loop3A_2395 = arith.addi %parallel_loop3A_2329, %parallel_loop3A_2394 : vector<16xi32>
        %parallel_loop3A_2396 = arith.mulf %parallel_loop3A_2388, %parallel_loop3A_2313 : vector<16xf32>
        tpu.vector_store_idx %arg20[%parallel_loop3A_2395], %parallel_loop3A_2396 {add = true} : memref<1280xf32, #tpu.memory_space<vmem>>[vector<16xi32>], vector<16xf32>,
        %parallel_loop3A_2397 = arith.mulf %parallel_loop3A_2332, %parallel_loop3A_2340 : vector<16xf32>
        %parallel_loop3A_2398 = arith.constant 384 : i32
        %parallel_loop3A_2399 = vector.broadcast %parallel_loop3A_2398 : i32 to vector<16xi32>
        %parallel_loop3A_2400 = arith.addi %parallel_loop3A_2329, %parallel_loop3A_2399 : vector<16xi32>
        %parallel_loop3A_2401 = arith.mulf %parallel_loop3A_2397, %parallel_loop3A_2312 : vector<16xf32>
        tpu.vector_store_idx %arg20[%parallel_loop3A_2400], %parallel_loop3A_2401 {add = true} : memref<1280xf32, #tpu.memory_space<vmem>>[vector<16xi32>], vector<16xf32>,
        %parallel_loop3A_2402 = arith.constant 400 : i32
        %parallel_loop3A_2403 = vector.broadcast %parallel_loop3A_2402 : i32 to vector<16xi32>
        %parallel_loop3A_2404 = arith.addi %parallel_loop3A_2329, %parallel_loop3A_2403 : vector<16xi32>
        %parallel_loop3A_2405 = arith.mulf %parallel_loop3A_2397, %parallel_loop3A_2313 : vector<16xf32>
        tpu.vector_store_idx %arg20[%parallel_loop3A_2404], %parallel_loop3A_2405 {add = true} : memref<1280xf32, #tpu.memory_space<vmem>>[vector<16xi32>], vector<16xf32>,
        %parallel_loop3A_2406 = arith.mulf %parallel_loop3A_2332, %parallel_loop3A_2342 : vector<16xf32>
        %parallel_loop3A_2407 = arith.constant 416 : i32
        %parallel_loop3A_2408 = vector.broadcast %parallel_loop3A_2407 : i32 to vector<16xi32>
        %parallel_loop3A_2409 = arith.addi %parallel_loop3A_2329, %parallel_loop3A_2408 : vector<16xi32>
        %parallel_loop3A_2410 = arith.mulf %parallel_loop3A_2406, %parallel_loop3A_2312 : vector<16xf32>
        tpu.vector_store_idx %arg20[%parallel_loop3A_2409], %parallel_loop3A_2410 {add = true} : memref<1280xf32, #tpu.memory_space<vmem>>[vector<16xi32>], vector<16xf32>,
        %parallel_loop3A_2411 = arith.constant 432 : i32
        %parallel_loop3A_2412 = vector.broadcast %parallel_loop3A_2411 : i32 to vector<16xi32>
        %parallel_loop3A_2413 = arith.addi %parallel_loop3A_2329, %parallel_loop3A_2412 : vector<16xi32>
        %parallel_loop3A_2414 = arith.mulf %parallel_loop3A_2406, %parallel_loop3A_2313 : vector<16xf32>
        tpu.vector_store_idx %arg20[%parallel_loop3A_2413], %parallel_loop3A_2414 {add = true} : memref<1280xf32, #tpu.memory_space<vmem>>[vector<16xi32>], vector<16xf32>,
        %parallel_loop3A_2415 = arith.constant 14 : i32
        %parallel_loop3A_2416 = vector.broadcast %parallel_loop3A_2415 : i32 to vector<16xi32>
        %parallel_loop3A_2417 = arith.addi %mul3A_5, %parallel_loop3A_2416 : vector<16xi32>
        %parallel_loop3A_2418 = vector.shape_cast %parallel_loop3A_2417 : vector<16xi32> to vector<16x1xi32>
        %parallel_loop3A_2419 = vector.shape_cast %parallel_loop3A_2418 : vector<16x1xi32> to vector<16xi32>
        %parallel_loop3A_2420 = tpu.dynamic_gather %parallel_loop3A_841[%parallel_loop3A_2419] in [0] : vector<16xi32>, vector<16xi32> -> vector<16xi32>
        %parallel_loop3A_2421 = arith.addi %parallel_loop3A_2420, %iota3A : vector<16xi32>
        %parallel_loop3A_2422 = tpu.vector_load_idx %arg14[%parallel_loop3A_2421] : memref<65536xi32, #tpu.memory_space<vmem>>[vector<16xi32>], vector<16xi32>,
        %parallel_loop3A_2423 = vector.bitcast %parallel_loop3A_2422 : vector<16xi32> to vector<32xbf16>
        %parallel_loop3A_2424 = tpu.unpack_subelements %parallel_loop3A_2423, 0 {pack_format = #tpu.pack_format<interleaved>} : vector<32xbf16> -> vector<16xf32>
        %parallel_loop3A_2425 = tpu.unpack_subelements %parallel_loop3A_2423, 1 {pack_format = #tpu.pack_format<interleaved>} : vector<32xbf16> -> vector<16xf32>
        %parallel_loop3A_2426 = vector.shape_cast %parallel_loop3A_2417 : vector<16xi32> to vector<16x1xi32>
        %parallel_loop3A_2427 = vector.shape_cast %parallel_loop3A_2426 : vector<16x1xi32> to vector<16xi32>
        %parallel_loop3A_2428 = tpu.dynamic_gather %parallel_loop3A_823[%parallel_loop3A_2427] in [0] : vector<16xf32>, vector<16xi32> -> vector<16xf32>
        %parallel_loop3A_2429 = vector.shape_cast %parallel_loop3A_2417 : vector<16xi32> to vector<16x1xi32>
        %parallel_loop3A_2430 = vector.shape_cast %parallel_loop3A_2429 : vector<16x1xi32> to vector<16xi32>
        %parallel_loop3A_2431 = tpu.dynamic_gather %parallel_loop3A_825[%parallel_loop3A_2430] in [0] : vector<16xf32>, vector<16xi32> -> vector<16xf32>
        %parallel_loop3A_2432 = vector.shape_cast %parallel_loop3A_2417 : vector<16xi32> to vector<16x1xi32>
        %parallel_loop3A_2433 = vector.shape_cast %parallel_loop3A_2432 : vector<16x1xi32> to vector<16xi32>
        %parallel_loop3A_2434 = tpu.dynamic_gather %parallel_loop3A_827[%parallel_loop3A_2433] in [0] : vector<16xf32>, vector<16xi32> -> vector<16xf32>
        %parallel_loop3A_2435 = vector.shape_cast %parallel_loop3A_2417 : vector<16xi32> to vector<16x1xi32>
        %parallel_loop3A_2436 = vector.shape_cast %parallel_loop3A_2435 : vector<16x1xi32> to vector<16xi32>
        %parallel_loop3A_2437 = tpu.dynamic_gather %parallel_loop3A_846[%parallel_loop3A_2436] in [0] : vector<16xf32>, vector<16xi32> -> vector<16xf32>
        %parallel_loop3A_2438 = vector.shape_cast %parallel_loop3A_2417 : vector<16xi32> to vector<16x1xi32>
        %parallel_loop3A_2439 = vector.shape_cast %parallel_loop3A_2438 : vector<16x1xi32> to vector<16xi32>
        %parallel_loop3A_2440 = tpu.dynamic_gather %parallel_loop3A_838[%parallel_loop3A_2439] in [0] : vector<16xi32>, vector<16xi32> -> vector<16xi32>
        %parallel_loop3A_2441 = arith.addi %parallel_loop3A_2440, %iota3A : vector<16xi32>
        %parallel_loop3A_2442 = arith.mulf %parallel_loop3A_2428, %parallel_loop3A_2437 : vector<16xf32>
        %parallel_loop3A_2443 = arith.subf %parallel_loop3A_2437, %parallel_loop3A_2442 : vector<16xf32>
        %parallel_loop3A_2444 = arith.mulf %parallel_loop3A_2428, %parallel_loop3A_2437 : vector<16xf32>
        %parallel_loop3A_2445 = arith.constant 1.000000e+00 : f32
        %parallel_loop3A_2446 = vector.broadcast %parallel_loop3A_2445 : f32 to vector<16xf32>
        %parallel_loop3A_2447 = arith.subf %parallel_loop3A_2446, %parallel_loop3A_2431 : vector<16xf32>
        %parallel_loop3A_2448 = arith.constant 1.000000e+00 : f32
        %parallel_loop3A_2449 = vector.broadcast %parallel_loop3A_2448 : f32 to vector<16xf32>
        %parallel_loop3A_2450 = arith.subf %parallel_loop3A_2449, %parallel_loop3A_2434 : vector<16xf32>
        %parallel_loop3A_2451 = arith.mulf %parallel_loop3A_2447, %parallel_loop3A_2450 : vector<16xf32>
        %parallel_loop3A_2452 = arith.mulf %parallel_loop3A_2431, %parallel_loop3A_2450 : vector<16xf32>
        %parallel_loop3A_2453 = arith.mulf %parallel_loop3A_2447, %parallel_loop3A_2434 : vector<16xf32>
        %parallel_loop3A_2454 = arith.mulf %parallel_loop3A_2431, %parallel_loop3A_2434 : vector<16xf32>
        %parallel_loop3A_2455 = arith.mulf %parallel_loop3A_2443, %parallel_loop3A_2451 : vector<16xf32>
        %parallel_loop3A_2456 = arith.constant 0 : i32
        %parallel_loop3A_2457 = vector.broadcast %parallel_loop3A_2456 : i32 to vector<16xi32>
        %parallel_loop3A_2458 = arith.addi %parallel_loop3A_2441, %parallel_loop3A_2457 : vector<16xi32>
        %parallel_loop3A_2459 = arith.mulf %parallel_loop3A_2455, %parallel_loop3A_2424 : vector<16xf32>
        tpu.vector_store_idx %arg20[%parallel_loop3A_2458], %parallel_loop3A_2459 {add = true} : memref<1280xf32, #tpu.memory_space<vmem>>[vector<16xi32>], vector<16xf32>,
        %parallel_loop3A_2460 = arith.constant 16 : i32
        %parallel_loop3A_2461 = vector.broadcast %parallel_loop3A_2460 : i32 to vector<16xi32>
        %parallel_loop3A_2462 = arith.addi %parallel_loop3A_2441, %parallel_loop3A_2461 : vector<16xi32>
        %parallel_loop3A_2463 = arith.mulf %parallel_loop3A_2455, %parallel_loop3A_2425 : vector<16xf32>
        tpu.vector_store_idx %arg20[%parallel_loop3A_2462], %parallel_loop3A_2463 {add = true} : memref<1280xf32, #tpu.memory_space<vmem>>[vector<16xi32>], vector<16xf32>,
        %parallel_loop3A_2464 = arith.mulf %parallel_loop3A_2443, %parallel_loop3A_2453 : vector<16xf32>
        %parallel_loop3A_2465 = arith.constant 32 : i32
        %parallel_loop3A_2466 = vector.broadcast %parallel_loop3A_2465 : i32 to vector<16xi32>
        %parallel_loop3A_2467 = arith.addi %parallel_loop3A_2441, %parallel_loop3A_2466 : vector<16xi32>
        %parallel_loop3A_2468 = arith.mulf %parallel_loop3A_2464, %parallel_loop3A_2424 : vector<16xf32>
        tpu.vector_store_idx %arg20[%parallel_loop3A_2467], %parallel_loop3A_2468 {add = true} : memref<1280xf32, #tpu.memory_space<vmem>>[vector<16xi32>], vector<16xf32>,
        %parallel_loop3A_2469 = arith.constant 48 : i32
        %parallel_loop3A_2470 = vector.broadcast %parallel_loop3A_2469 : i32 to vector<16xi32>
        %parallel_loop3A_2471 = arith.addi %parallel_loop3A_2441, %parallel_loop3A_2470 : vector<16xi32>
        %parallel_loop3A_2472 = arith.mulf %parallel_loop3A_2464, %parallel_loop3A_2425 : vector<16xf32>
        tpu.vector_store_idx %arg20[%parallel_loop3A_2471], %parallel_loop3A_2472 {add = true} : memref<1280xf32, #tpu.memory_space<vmem>>[vector<16xi32>], vector<16xf32>,
        %parallel_loop3A_2473 = arith.mulf %parallel_loop3A_2443, %parallel_loop3A_2452 : vector<16xf32>
        %parallel_loop3A_2474 = arith.constant 96 : i32
        %parallel_loop3A_2475 = vector.broadcast %parallel_loop3A_2474 : i32 to vector<16xi32>
        %parallel_loop3A_2476 = arith.addi %parallel_loop3A_2441, %parallel_loop3A_2475 : vector<16xi32>
        %parallel_loop3A_2477 = arith.mulf %parallel_loop3A_2473, %parallel_loop3A_2424 : vector<16xf32>
        tpu.vector_store_idx %arg20[%parallel_loop3A_2476], %parallel_loop3A_2477 {add = true} : memref<1280xf32, #tpu.memory_space<vmem>>[vector<16xi32>], vector<16xf32>,
        %parallel_loop3A_2478 = arith.constant 112 : i32
        %parallel_loop3A_2479 = vector.broadcast %parallel_loop3A_2478 : i32 to vector<16xi32>
        %parallel_loop3A_2480 = arith.addi %parallel_loop3A_2441, %parallel_loop3A_2479 : vector<16xi32>
        %parallel_loop3A_2481 = arith.mulf %parallel_loop3A_2473, %parallel_loop3A_2425 : vector<16xf32>
        tpu.vector_store_idx %arg20[%parallel_loop3A_2480], %parallel_loop3A_2481 {add = true} : memref<1280xf32, #tpu.memory_space<vmem>>[vector<16xi32>], vector<16xf32>,
        %parallel_loop3A_2482 = arith.mulf %parallel_loop3A_2443, %parallel_loop3A_2454 : vector<16xf32>
        %parallel_loop3A_2483 = arith.constant 128 : i32
        %parallel_loop3A_2484 = vector.broadcast %parallel_loop3A_2483 : i32 to vector<16xi32>
        %parallel_loop3A_2485 = arith.addi %parallel_loop3A_2441, %parallel_loop3A_2484 : vector<16xi32>
        %parallel_loop3A_2486 = arith.mulf %parallel_loop3A_2482, %parallel_loop3A_2424 : vector<16xf32>
        tpu.vector_store_idx %arg20[%parallel_loop3A_2485], %parallel_loop3A_2486 {add = true} : memref<1280xf32, #tpu.memory_space<vmem>>[vector<16xi32>], vector<16xf32>,
        %parallel_loop3A_2487 = arith.constant 144 : i32
        %parallel_loop3A_2488 = vector.broadcast %parallel_loop3A_2487 : i32 to vector<16xi32>
        %parallel_loop3A_2489 = arith.addi %parallel_loop3A_2441, %parallel_loop3A_2488 : vector<16xi32>
        %parallel_loop3A_2490 = arith.mulf %parallel_loop3A_2482, %parallel_loop3A_2425 : vector<16xf32>
        tpu.vector_store_idx %arg20[%parallel_loop3A_2489], %parallel_loop3A_2490 {add = true} : memref<1280xf32, #tpu.memory_space<vmem>>[vector<16xi32>], vector<16xf32>,
        %parallel_loop3A_2491 = arith.mulf %parallel_loop3A_2444, %parallel_loop3A_2451 : vector<16xf32>
        %parallel_loop3A_2492 = arith.constant 288 : i32
        %parallel_loop3A_2493 = vector.broadcast %parallel_loop3A_2492 : i32 to vector<16xi32>
        %parallel_loop3A_2494 = arith.addi %parallel_loop3A_2441, %parallel_loop3A_2493 : vector<16xi32>
        %parallel_loop3A_2495 = arith.mulf %parallel_loop3A_2491, %parallel_loop3A_2424 : vector<16xf32>
        tpu.vector_store_idx %arg20[%parallel_loop3A_2494], %parallel_loop3A_2495 {add = true} : memref<1280xf32, #tpu.memory_space<vmem>>[vector<16xi32>], vector<16xf32>,
        %parallel_loop3A_2496 = arith.constant 304 : i32
        %parallel_loop3A_2497 = vector.broadcast %parallel_loop3A_2496 : i32 to vector<16xi32>
        %parallel_loop3A_2498 = arith.addi %parallel_loop3A_2441, %parallel_loop3A_2497 : vector<16xi32>
        %parallel_loop3A_2499 = arith.mulf %parallel_loop3A_2491, %parallel_loop3A_2425 : vector<16xf32>
        tpu.vector_store_idx %arg20[%parallel_loop3A_2498], %parallel_loop3A_2499 {add = true} : memref<1280xf32, #tpu.memory_space<vmem>>[vector<16xi32>], vector<16xf32>,
        %parallel_loop3A_2500 = arith.mulf %parallel_loop3A_2444, %parallel_loop3A_2453 : vector<16xf32>
        %parallel_loop3A_2501 = arith.constant 320 : i32
        %parallel_loop3A_2502 = vector.broadcast %parallel_loop3A_2501 : i32 to vector<16xi32>
        %parallel_loop3A_2503 = arith.addi %parallel_loop3A_2441, %parallel_loop3A_2502 : vector<16xi32>
        %parallel_loop3A_2504 = arith.mulf %parallel_loop3A_2500, %parallel_loop3A_2424 : vector<16xf32>
        tpu.vector_store_idx %arg20[%parallel_loop3A_2503], %parallel_loop3A_2504 {add = true} : memref<1280xf32, #tpu.memory_space<vmem>>[vector<16xi32>], vector<16xf32>,
        %parallel_loop3A_2505 = arith.constant 336 : i32
        %parallel_loop3A_2506 = vector.broadcast %parallel_loop3A_2505 : i32 to vector<16xi32>
        %parallel_loop3A_2507 = arith.addi %parallel_loop3A_2441, %parallel_loop3A_2506 : vector<16xi32>
        %parallel_loop3A_2508 = arith.mulf %parallel_loop3A_2500, %parallel_loop3A_2425 : vector<16xf32>
        tpu.vector_store_idx %arg20[%parallel_loop3A_2507], %parallel_loop3A_2508 {add = true} : memref<1280xf32, #tpu.memory_space<vmem>>[vector<16xi32>], vector<16xf32>,
        %parallel_loop3A_2509 = arith.mulf %parallel_loop3A_2444, %parallel_loop3A_2452 : vector<16xf32>
        %parallel_loop3A_2510 = arith.constant 384 : i32
        %parallel_loop3A_2511 = vector.broadcast %parallel_loop3A_2510 : i32 to vector<16xi32>
        %parallel_loop3A_2512 = arith.addi %parallel_loop3A_2441, %parallel_loop3A_2511 : vector<16xi32>
        %parallel_loop3A_2513 = arith.mulf %parallel_loop3A_2509, %parallel_loop3A_2424 : vector<16xf32>
        tpu.vector_store_idx %arg20[%parallel_loop3A_2512], %parallel_loop3A_2513 {add = true} : memref<1280xf32, #tpu.memory_space<vmem>>[vector<16xi32>], vector<16xf32>,
        %parallel_loop3A_2514 = arith.constant 400 : i32
        %parallel_loop3A_2515 = vector.broadcast %parallel_loop3A_2514 : i32 to vector<16xi32>
        %parallel_loop3A_2516 = arith.addi %parallel_loop3A_2441, %parallel_loop3A_2515 : vector<16xi32>
        %parallel_loop3A_2517 = arith.mulf %parallel_loop3A_2509, %parallel_loop3A_2425 : vector<16xf32>
        tpu.vector_store_idx %arg20[%parallel_loop3A_2516], %parallel_loop3A_2517 {add = true} : memref<1280xf32, #tpu.memory_space<vmem>>[vector<16xi32>], vector<16xf32>,
        %parallel_loop3A_2518 = arith.mulf %parallel_loop3A_2444, %parallel_loop3A_2454 : vector<16xf32>
        %parallel_loop3A_2519 = arith.constant 416 : i32
        %parallel_loop3A_2520 = vector.broadcast %parallel_loop3A_2519 : i32 to vector<16xi32>
        %parallel_loop3A_2521 = arith.addi %parallel_loop3A_2441, %parallel_loop3A_2520 : vector<16xi32>
        %parallel_loop3A_2522 = arith.mulf %parallel_loop3A_2518, %parallel_loop3A_2424 : vector<16xf32>
        tpu.vector_store_idx %arg20[%parallel_loop3A_2521], %parallel_loop3A_2522 {add = true} : memref<1280xf32, #tpu.memory_space<vmem>>[vector<16xi32>], vector<16xf32>,
        %parallel_loop3A_2523 = arith.constant 432 : i32
        %parallel_loop3A_2524 = vector.broadcast %parallel_loop3A_2523 : i32 to vector<16xi32>
        %parallel_loop3A_2525 = arith.addi %parallel_loop3A_2441, %parallel_loop3A_2524 : vector<16xi32>
        %parallel_loop3A_2526 = arith.mulf %parallel_loop3A_2518, %parallel_loop3A_2425 : vector<16xf32>
        tpu.vector_store_idx %arg20[%parallel_loop3A_2525], %parallel_loop3A_2526 {add = true} : memref<1280xf32, #tpu.memory_space<vmem>>[vector<16xi32>], vector<16xf32>,
        %parallel_loop3A_2527 = arith.constant 15 : i32
        %parallel_loop3A_2528 = vector.broadcast %parallel_loop3A_2527 : i32 to vector<16xi32>
        %parallel_loop3A_2529 = arith.addi %mul3A_5, %parallel_loop3A_2528 : vector<16xi32>
        %parallel_loop3A_2530 = vector.shape_cast %parallel_loop3A_2529 : vector<16xi32> to vector<16x1xi32>
        %parallel_loop3A_2531 = vector.shape_cast %parallel_loop3A_2530 : vector<16x1xi32> to vector<16xi32>
        %parallel_loop3A_2532 = tpu.dynamic_gather %parallel_loop3A_841[%parallel_loop3A_2531] in [0] : vector<16xi32>, vector<16xi32> -> vector<16xi32>
        %parallel_loop3A_2533 = arith.addi %parallel_loop3A_2532, %iota3A : vector<16xi32>
        %parallel_loop3A_2534 = tpu.vector_load_idx %arg14[%parallel_loop3A_2533] : memref<65536xi32, #tpu.memory_space<vmem>>[vector<16xi32>], vector<16xi32>,
        %parallel_loop3A_2535 = vector.bitcast %parallel_loop3A_2534 : vector<16xi32> to vector<32xbf16>
        %parallel_loop3A_2536 = tpu.unpack_subelements %parallel_loop3A_2535, 0 {pack_format = #tpu.pack_format<interleaved>} : vector<32xbf16> -> vector<16xf32>
        %parallel_loop3A_2537 = tpu.unpack_subelements %parallel_loop3A_2535, 1 {pack_format = #tpu.pack_format<interleaved>} : vector<32xbf16> -> vector<16xf32>
        %parallel_loop3A_2538 = vector.shape_cast %parallel_loop3A_2529 : vector<16xi32> to vector<16x1xi32>
        %parallel_loop3A_2539 = vector.shape_cast %parallel_loop3A_2538 : vector<16x1xi32> to vector<16xi32>
        %parallel_loop3A_2540 = tpu.dynamic_gather %parallel_loop3A_823[%parallel_loop3A_2539] in [0] : vector<16xf32>, vector<16xi32> -> vector<16xf32>
        %parallel_loop3A_2541 = vector.shape_cast %parallel_loop3A_2529 : vector<16xi32> to vector<16x1xi32>
        %parallel_loop3A_2542 = vector.shape_cast %parallel_loop3A_2541 : vector<16x1xi32> to vector<16xi32>
        %parallel_loop3A_2543 = tpu.dynamic_gather %parallel_loop3A_825[%parallel_loop3A_2542] in [0] : vector<16xf32>, vector<16xi32> -> vector<16xf32>
        %parallel_loop3A_2544 = vector.shape_cast %parallel_loop3A_2529 : vector<16xi32> to vector<16x1xi32>
        %parallel_loop3A_2545 = vector.shape_cast %parallel_loop3A_2544 : vector<16x1xi32> to vector<16xi32>
        %parallel_loop3A_2546 = tpu.dynamic_gather %parallel_loop3A_827[%parallel_loop3A_2545] in [0] : vector<16xf32>, vector<16xi32> -> vector<16xf32>
        %parallel_loop3A_2547 = vector.shape_cast %parallel_loop3A_2529 : vector<16xi32> to vector<16x1xi32>
        %parallel_loop3A_2548 = vector.shape_cast %parallel_loop3A_2547 : vector<16x1xi32> to vector<16xi32>
        %parallel_loop3A_2549 = tpu.dynamic_gather %parallel_loop3A_846[%parallel_loop3A_2548] in [0] : vector<16xf32>, vector<16xi32> -> vector<16xf32>
        %parallel_loop3A_2550 = vector.shape_cast %parallel_loop3A_2529 : vector<16xi32> to vector<16x1xi32>
        %parallel_loop3A_2551 = vector.shape_cast %parallel_loop3A_2550 : vector<16x1xi32> to vector<16xi32>
        %parallel_loop3A_2552 = tpu.dynamic_gather %parallel_loop3A_838[%parallel_loop3A_2551] in [0] : vector<16xi32>, vector<16xi32> -> vector<16xi32>
        %parallel_loop3A_2553 = arith.addi %parallel_loop3A_2552, %iota3A : vector<16xi32>
        %parallel_loop3A_2554 = arith.mulf %parallel_loop3A_2540, %parallel_loop3A_2549 : vector<16xf32>
        %parallel_loop3A_2555 = arith.subf %parallel_loop3A_2549, %parallel_loop3A_2554 : vector<16xf32>
        %parallel_loop3A_2556 = arith.mulf %parallel_loop3A_2540, %parallel_loop3A_2549 : vector<16xf32>
        %parallel_loop3A_2557 = arith.constant 1.000000e+00 : f32
        %parallel_loop3A_2558 = vector.broadcast %parallel_loop3A_2557 : f32 to vector<16xf32>
        %parallel_loop3A_2559 = arith.subf %parallel_loop3A_2558, %parallel_loop3A_2543 : vector<16xf32>
        %parallel_loop3A_2560 = arith.constant 1.000000e+00 : f32
        %parallel_loop3A_2561 = vector.broadcast %parallel_loop3A_2560 : f32 to vector<16xf32>
        %parallel_loop3A_2562 = arith.subf %parallel_loop3A_2561, %parallel_loop3A_2546 : vector<16xf32>
        %parallel_loop3A_2563 = arith.mulf %parallel_loop3A_2559, %parallel_loop3A_2562 : vector<16xf32>
        %parallel_loop3A_2564 = arith.mulf %parallel_loop3A_2543, %parallel_loop3A_2562 : vector<16xf32>
        %parallel_loop3A_2565 = arith.mulf %parallel_loop3A_2559, %parallel_loop3A_2546 : vector<16xf32>
        %parallel_loop3A_2566 = arith.mulf %parallel_loop3A_2543, %parallel_loop3A_2546 : vector<16xf32>
        %parallel_loop3A_2567 = arith.mulf %parallel_loop3A_2555, %parallel_loop3A_2563 : vector<16xf32>
        %parallel_loop3A_2568 = arith.constant 0 : i32
        %parallel_loop3A_2569 = vector.broadcast %parallel_loop3A_2568 : i32 to vector<16xi32>
        %parallel_loop3A_2570 = arith.addi %parallel_loop3A_2553, %parallel_loop3A_2569 : vector<16xi32>
        %parallel_loop3A_2571 = arith.mulf %parallel_loop3A_2567, %parallel_loop3A_2536 : vector<16xf32>
        tpu.vector_store_idx %arg20[%parallel_loop3A_2570], %parallel_loop3A_2571 {add = true} : memref<1280xf32, #tpu.memory_space<vmem>>[vector<16xi32>], vector<16xf32>,
        %parallel_loop3A_2572 = arith.constant 16 : i32
        %parallel_loop3A_2573 = vector.broadcast %parallel_loop3A_2572 : i32 to vector<16xi32>
        %parallel_loop3A_2574 = arith.addi %parallel_loop3A_2553, %parallel_loop3A_2573 : vector<16xi32>
        %parallel_loop3A_2575 = arith.mulf %parallel_loop3A_2567, %parallel_loop3A_2537 : vector<16xf32>
        tpu.vector_store_idx %arg20[%parallel_loop3A_2574], %parallel_loop3A_2575 {add = true} : memref<1280xf32, #tpu.memory_space<vmem>>[vector<16xi32>], vector<16xf32>,
        %parallel_loop3A_2576 = arith.mulf %parallel_loop3A_2555, %parallel_loop3A_2565 : vector<16xf32>
        %parallel_loop3A_2577 = arith.constant 32 : i32
        %parallel_loop3A_2578 = vector.broadcast %parallel_loop3A_2577 : i32 to vector<16xi32>
        %parallel_loop3A_2579 = arith.addi %parallel_loop3A_2553, %parallel_loop3A_2578 : vector<16xi32>
        %parallel_loop3A_2580 = arith.mulf %parallel_loop3A_2576, %parallel_loop3A_2536 : vector<16xf32>
        tpu.vector_store_idx %arg20[%parallel_loop3A_2579], %parallel_loop3A_2580 {add = true} : memref<1280xf32, #tpu.memory_space<vmem>>[vector<16xi32>], vector<16xf32>,
        %parallel_loop3A_2581 = arith.constant 48 : i32
        %parallel_loop3A_2582 = vector.broadcast %parallel_loop3A_2581 : i32 to vector<16xi32>
        %parallel_loop3A_2583 = arith.addi %parallel_loop3A_2553, %parallel_loop3A_2582 : vector<16xi32>
        %parallel_loop3A_2584 = arith.mulf %parallel_loop3A_2576, %parallel_loop3A_2537 : vector<16xf32>
        tpu.vector_store_idx %arg20[%parallel_loop3A_2583], %parallel_loop3A_2584 {add = true} : memref<1280xf32, #tpu.memory_space<vmem>>[vector<16xi32>], vector<16xf32>,
        %parallel_loop3A_2585 = arith.mulf %parallel_loop3A_2555, %parallel_loop3A_2564 : vector<16xf32>
        %parallel_loop3A_2586 = arith.constant 96 : i32
        %parallel_loop3A_2587 = vector.broadcast %parallel_loop3A_2586 : i32 to vector<16xi32>
        %parallel_loop3A_2588 = arith.addi %parallel_loop3A_2553, %parallel_loop3A_2587 : vector<16xi32>
        %parallel_loop3A_2589 = arith.mulf %parallel_loop3A_2585, %parallel_loop3A_2536 : vector<16xf32>
        tpu.vector_store_idx %arg20[%parallel_loop3A_2588], %parallel_loop3A_2589 {add = true} : memref<1280xf32, #tpu.memory_space<vmem>>[vector<16xi32>], vector<16xf32>,
        %parallel_loop3A_2590 = arith.constant 112 : i32
        %parallel_loop3A_2591 = vector.broadcast %parallel_loop3A_2590 : i32 to vector<16xi32>
        %parallel_loop3A_2592 = arith.addi %parallel_loop3A_2553, %parallel_loop3A_2591 : vector<16xi32>
        %parallel_loop3A_2593 = arith.mulf %parallel_loop3A_2585, %parallel_loop3A_2537 : vector<16xf32>
        tpu.vector_store_idx %arg20[%parallel_loop3A_2592], %parallel_loop3A_2593 {add = true} : memref<1280xf32, #tpu.memory_space<vmem>>[vector<16xi32>], vector<16xf32>,
        %parallel_loop3A_2594 = arith.mulf %parallel_loop3A_2555, %parallel_loop3A_2566 : vector<16xf32>
        %parallel_loop3A_2595 = arith.constant 128 : i32
        %parallel_loop3A_2596 = vector.broadcast %parallel_loop3A_2595 : i32 to vector<16xi32>
        %parallel_loop3A_2597 = arith.addi %parallel_loop3A_2553, %parallel_loop3A_2596 : vector<16xi32>
        %parallel_loop3A_2598 = arith.mulf %parallel_loop3A_2594, %parallel_loop3A_2536 : vector<16xf32>
        tpu.vector_store_idx %arg20[%parallel_loop3A_2597], %parallel_loop3A_2598 {add = true} : memref<1280xf32, #tpu.memory_space<vmem>>[vector<16xi32>], vector<16xf32>,
        %parallel_loop3A_2599 = arith.constant 144 : i32
        %parallel_loop3A_2600 = vector.broadcast %parallel_loop3A_2599 : i32 to vector<16xi32>
        %parallel_loop3A_2601 = arith.addi %parallel_loop3A_2553, %parallel_loop3A_2600 : vector<16xi32>
        %parallel_loop3A_2602 = arith.mulf %parallel_loop3A_2594, %parallel_loop3A_2537 : vector<16xf32>
        tpu.vector_store_idx %arg20[%parallel_loop3A_2601], %parallel_loop3A_2602 {add = true} : memref<1280xf32, #tpu.memory_space<vmem>>[vector<16xi32>], vector<16xf32>,
        %parallel_loop3A_2603 = arith.mulf %parallel_loop3A_2556, %parallel_loop3A_2563 : vector<16xf32>
        %parallel_loop3A_2604 = arith.constant 288 : i32
        %parallel_loop3A_2605 = vector.broadcast %parallel_loop3A_2604 : i32 to vector<16xi32>
        %parallel_loop3A_2606 = arith.addi %parallel_loop3A_2553, %parallel_loop3A_2605 : vector<16xi32>
        %parallel_loop3A_2607 = arith.mulf %parallel_loop3A_2603, %parallel_loop3A_2536 : vector<16xf32>
        tpu.vector_store_idx %arg20[%parallel_loop3A_2606], %parallel_loop3A_2607 {add = true} : memref<1280xf32, #tpu.memory_space<vmem>>[vector<16xi32>], vector<16xf32>,
        %parallel_loop3A_2608 = arith.constant 304 : i32
        %parallel_loop3A_2609 = vector.broadcast %parallel_loop3A_2608 : i32 to vector<16xi32>
        %parallel_loop3A_2610 = arith.addi %parallel_loop3A_2553, %parallel_loop3A_2609 : vector<16xi32>
        %parallel_loop3A_2611 = arith.mulf %parallel_loop3A_2603, %parallel_loop3A_2537 : vector<16xf32>
        tpu.vector_store_idx %arg20[%parallel_loop3A_2610], %parallel_loop3A_2611 {add = true} : memref<1280xf32, #tpu.memory_space<vmem>>[vector<16xi32>], vector<16xf32>,
        %parallel_loop3A_2612 = arith.mulf %parallel_loop3A_2556, %parallel_loop3A_2565 : vector<16xf32>
        %parallel_loop3A_2613 = arith.constant 320 : i32
        %parallel_loop3A_2614 = vector.broadcast %parallel_loop3A_2613 : i32 to vector<16xi32>
        %parallel_loop3A_2615 = arith.addi %parallel_loop3A_2553, %parallel_loop3A_2614 : vector<16xi32>
        %parallel_loop3A_2616 = arith.mulf %parallel_loop3A_2612, %parallel_loop3A_2536 : vector<16xf32>
        tpu.vector_store_idx %arg20[%parallel_loop3A_2615], %parallel_loop3A_2616 {add = true} : memref<1280xf32, #tpu.memory_space<vmem>>[vector<16xi32>], vector<16xf32>,
        %parallel_loop3A_2617 = arith.constant 336 : i32
        %parallel_loop3A_2618 = vector.broadcast %parallel_loop3A_2617 : i32 to vector<16xi32>
        %parallel_loop3A_2619 = arith.addi %parallel_loop3A_2553, %parallel_loop3A_2618 : vector<16xi32>
        %parallel_loop3A_2620 = arith.mulf %parallel_loop3A_2612, %parallel_loop3A_2537 : vector<16xf32>
        tpu.vector_store_idx %arg20[%parallel_loop3A_2619], %parallel_loop3A_2620 {add = true} : memref<1280xf32, #tpu.memory_space<vmem>>[vector<16xi32>], vector<16xf32>,
        %parallel_loop3A_2621 = arith.mulf %parallel_loop3A_2556, %parallel_loop3A_2564 : vector<16xf32>
        %parallel_loop3A_2622 = arith.constant 384 : i32
        %parallel_loop3A_2623 = vector.broadcast %parallel_loop3A_2622 : i32 to vector<16xi32>
        %parallel_loop3A_2624 = arith.addi %parallel_loop3A_2553, %parallel_loop3A_2623 : vector<16xi32>
        %parallel_loop3A_2625 = arith.mulf %parallel_loop3A_2621, %parallel_loop3A_2536 : vector<16xf32>
        tpu.vector_store_idx %arg20[%parallel_loop3A_2624], %parallel_loop3A_2625 {add = true} : memref<1280xf32, #tpu.memory_space<vmem>>[vector<16xi32>], vector<16xf32>,
        %parallel_loop3A_2626 = arith.constant 400 : i32
        %parallel_loop3A_2627 = vector.broadcast %parallel_loop3A_2626 : i32 to vector<16xi32>
        %parallel_loop3A_2628 = arith.addi %parallel_loop3A_2553, %parallel_loop3A_2627 : vector<16xi32>
        %parallel_loop3A_2629 = arith.mulf %parallel_loop3A_2621, %parallel_loop3A_2537 : vector<16xf32>
        tpu.vector_store_idx %arg20[%parallel_loop3A_2628], %parallel_loop3A_2629 {add = true} : memref<1280xf32, #tpu.memory_space<vmem>>[vector<16xi32>], vector<16xf32>,
        %parallel_loop3A_2630 = arith.mulf %parallel_loop3A_2556, %parallel_loop3A_2566 : vector<16xf32>
        %parallel_loop3A_2631 = arith.constant 416 : i32
        %parallel_loop3A_2632 = vector.broadcast %parallel_loop3A_2631 : i32 to vector<16xi32>
        %parallel_loop3A_2633 = arith.addi %parallel_loop3A_2553, %parallel_loop3A_2632 : vector<16xi32>
        %parallel_loop3A_2634 = arith.mulf %parallel_loop3A_2630, %parallel_loop3A_2536 : vector<16xf32>
        tpu.vector_store_idx %arg20[%parallel_loop3A_2633], %parallel_loop3A_2634 {add = true} : memref<1280xf32, #tpu.memory_space<vmem>>[vector<16xi32>], vector<16xf32>,
        %parallel_loop3A_2635 = arith.constant 432 : i32
        %parallel_loop3A_2636 = vector.broadcast %parallel_loop3A_2635 : i32 to vector<16xi32>
        %parallel_loop3A_2637 = arith.addi %parallel_loop3A_2553, %parallel_loop3A_2636 : vector<16xi32>
        %parallel_loop3A_2638 = arith.mulf %parallel_loop3A_2630, %parallel_loop3A_2537 : vector<16xf32>
        tpu.vector_store_idx %arg20[%parallel_loop3A_2637], %parallel_loop3A_2638 {add = true} : memref<1280xf32, #tpu.memory_space<vmem>>[vector<16xi32>], vector<16xf32>,
      } {sc.loop_unroll_factor = 1 : i64, sc.parallel_access}
      %convert_element_type3A_678 = arith.sitofp %while3A_531 : vector<16xi32> to vector<16xf32>
      %max3A_679 = arith.constant 1.000000e+00 : f32
      %max3A_680 = vector.broadcast %max3A_679 : f32 to vector<16xf32>
      %max3A_681 = arith.maximumf %convert_element_type3A_678, %max3A_680 : vector<16xf32>
      %div3A_682 = arith.constant 1.000000e+00 : f32
      %div3A_683 = vector.broadcast %div3A_682 : f32 to vector<16xf32>
      %div3A_684 = arith.divf %div3A_683, %max3A_681 : vector<16xf32>
      %jit3A_685 = arith.constant 2 : i32
      %eq3A = arith.constant 0 : i32
      %eq3A_686 = arith.cmpi eq, %jit3A_685, %eq3A : i32
      %jit3A_687 = arith.constant 1 : i32
      %select_n3A_688 = arith.select %eq3A_686, %jit3A_687, %jit3A_685 : i32
      %rem3A_689 = arith.remsi %scan3A_409, %select_n3A_688 : i32
      %ne3A_690 = arith.constant 0 : i32
      %ne3A_691 = arith.cmpi ne, %rem3A_689, %ne3A_690 : i32
      %lt3A = arith.constant 0 : i32
      %lt3A_692 = arith.cmpi slt, %rem3A_689, %lt3A : i32
      %lt3A_693 = arith.constant 0 : i32
      %lt3A_694 = arith.cmpi slt, %select_n3A_688, %lt3A_693 : i32
      %ne3A_695 = arith.xori %lt3A_692, %lt3A_694 : i1
      %and3A_696 = arith.andi %ne3A_695, %ne3A_691 : i1
      %add3A_697 = arith.addi %rem3A_689, %select_n3A_688 : i32
      %select_n3A_698 = arith.select %and3A_696, %add3A_697, %rem3A_689 : i32
      %eq3A_699 = arith.constant 0 : i32
      %eq3A_700 = arith.cmpi eq, %select_n3A_698, %eq3A_699 : i32
      %convert_element_type3A_701 = arith.extui %eq3A_700 : i1 to i32
      %cond3A = arith.constant 0 : i32
      %cond3A_702 = arith.cmpi ne, %convert_element_type3A_701, %cond3A : i32
      scf.if %cond3A_702 {
        %gt3A = arith.constant 1 : i32
        %gt3A_724 = arith.cmpi sgt, %scan3A_409, %gt3A : i32
        %convert_element_type3A_725 = arith.extui %gt3A_724 : i1 to i32
        %cond3A_726 = arith.constant 0 : i32
        %cond3A_727 = arith.cmpi ne, %convert_element_type3A_725, %cond3A_726 : i32
        scf.if %cond3A_727 {
          %add3A_1114 = arith.addi %mul3A_2, %scan3A_409 : i32
          %sub3A_1115 = arith.constant 2 : i32
          %sub3A_1116 = arith.subi %add3A_1114, %sub3A_1115 : i32
          %mul3A_1117 = arith.constant 864 : i32
          %mul3A_1118 = arith.muli %sub3A_1116, %mul3A_1117 : i32
          %dma_wait3A_1119 = arith.constant 0 : i32
          %dma_wait3A_1120 = tpu.memref_slice %arg21[%dma_wait3A_1119] : memref<1728xf32, #tpu.memory_space<vmem>> -> memref<864xf32, #tpu.memory_space<vmem>>
          %dma_wait3A_1121 = tpu.memref_slice %arg10[%mul3A_1118] : memref<1769472xf32, #tpu.memory_space<hbm>> -> memref<864xf32, #tpu.memory_space<hbm>>
          %dma_wait3A_1122 = tpu.memref_slice %arg10[%mul3A_1118] : memref<1769472xf32, #tpu.memory_space<hbm>> -> memref<864xf32, #tpu.memory_space<hbm>>
          %dma_wait3A_1123 = arith.constant 0 : i32
          %dma_wait3A_1124 = tpu.memref_slice %arg21[%dma_wait3A_1123] : memref<1728xf32, #tpu.memory_space<vmem>> -> memref<864xf32, #tpu.memory_space<vmem>>
          tpu.wait_dma2 semaphore(%arg29 : memref<!tpu.dma_semaphore, #tpu.memory_space<semaphore_mem>>) src(%dma_wait3A_1124 : memref<864xf32, #tpu.memory_space<vmem>>) dst(%dma_wait3A_1122 : memref<864xf32, #tpu.memory_space<hbm>>)
        } else {
        }
        %get3A_728 = arith.constant 0 : index
        %get3A_729 = tpu.vector_load %arg20[%get3A_728] {strides = array<i32>} : memref<1280xf32, #tpu.memory_space<vmem>>, vector<16xf32>,
        %mul3A_730 = arith.mulf %get3A_729, %div3A_684 : vector<16xf32>
        %swap3A_731 = arith.constant 0 : i32
        %swap3A_732 = tpu.memref_slice %arg21[%swap3A_731] : memref<1728xf32, #tpu.memory_space<vmem>> -> memref<864xf32, #tpu.memory_space<vmem>>
        %swap3A_733 = arith.constant 0 : index
        %swap3A_734 = tpu.vector_load %swap3A_732[%swap3A_733] {strides = array<i32>} : memref<864xf32, #tpu.memory_space<vmem>>, vector<16xf32>,
        tpu.vector_store %swap3A_732[%swap3A_733], %mul3A_730 {strides = array<i32>} : memref<864xf32, #tpu.memory_space<vmem>>, vector<16xf32>,
        %get3A_735 = arith.constant 16 : index
        %get3A_736 = tpu.vector_load %arg20[%get3A_735] {strides = array<i32>} : memref<1280xf32, #tpu.memory_space<vmem>>, vector<16xf32>,
        %mul3A_737 = arith.mulf %get3A_736, %div3A_684 : vector<16xf32>
        %swap3A_738 = arith.constant 0 : i32
        %swap3A_739 = tpu.memref_slice %arg21[%swap3A_738] : memref<1728xf32, #tpu.memory_space<vmem>> -> memref<864xf32, #tpu.memory_space<vmem>>
        %swap3A_740 = arith.constant 16 : index
        %swap3A_741 = tpu.vector_load %swap3A_739[%swap3A_740] {strides = array<i32>} : memref<864xf32, #tpu.memory_space<vmem>>, vector<16xf32>,
        tpu.vector_store %swap3A_739[%swap3A_740], %mul3A_737 {strides = array<i32>} : memref<864xf32, #tpu.memory_space<vmem>>, vector<16xf32>,
        %get3A_742 = arith.constant 32 : index
        %get3A_743 = tpu.vector_load %arg20[%get3A_742] {strides = array<i32>} : memref<1280xf32, #tpu.memory_space<vmem>>, vector<16xf32>,
        %mul3A_744 = arith.mulf %get3A_743, %div3A_684 : vector<16xf32>
        %swap3A_745 = arith.constant 0 : i32
        %swap3A_746 = tpu.memref_slice %arg21[%swap3A_745] : memref<1728xf32, #tpu.memory_space<vmem>> -> memref<864xf32, #tpu.memory_space<vmem>>
        %swap3A_747 = arith.constant 32 : index
        %swap3A_748 = tpu.vector_load %swap3A_746[%swap3A_747] {strides = array<i32>} : memref<864xf32, #tpu.memory_space<vmem>>, vector<16xf32>,
        tpu.vector_store %swap3A_746[%swap3A_747], %mul3A_744 {strides = array<i32>} : memref<864xf32, #tpu.memory_space<vmem>>, vector<16xf32>,
        %get3A_749 = arith.constant 48 : index
        %get3A_750 = tpu.vector_load %arg20[%get3A_749] {strides = array<i32>} : memref<1280xf32, #tpu.memory_space<vmem>>, vector<16xf32>,
        %mul3A_751 = arith.mulf %get3A_750, %div3A_684 : vector<16xf32>
        %swap3A_752 = arith.constant 0 : i32
        %swap3A_753 = tpu.memref_slice %arg21[%swap3A_752] : memref<1728xf32, #tpu.memory_space<vmem>> -> memref<864xf32, #tpu.memory_space<vmem>>
        %swap3A_754 = arith.constant 48 : index
        %swap3A_755 = tpu.vector_load %swap3A_753[%swap3A_754] {strides = array<i32>} : memref<864xf32, #tpu.memory_space<vmem>>, vector<16xf32>,
        tpu.vector_store %swap3A_753[%swap3A_754], %mul3A_751 {strides = array<i32>} : memref<864xf32, #tpu.memory_space<vmem>>, vector<16xf32>,
        %get3A_756 = arith.constant 64 : index
        %get3A_757 = tpu.vector_load %arg20[%get3A_756] {strides = array<i32>} : memref<1280xf32, #tpu.memory_space<vmem>>, vector<16xf32>,
        %mul3A_758 = arith.mulf %get3A_757, %div3A_684 : vector<16xf32>
        %swap3A_759 = arith.constant 0 : i32
        %swap3A_760 = tpu.memref_slice %arg21[%swap3A_759] : memref<1728xf32, #tpu.memory_space<vmem>> -> memref<864xf32, #tpu.memory_space<vmem>>
        %swap3A_761 = arith.constant 64 : index
        %swap3A_762 = tpu.vector_load %swap3A_760[%swap3A_761] {strides = array<i32>} : memref<864xf32, #tpu.memory_space<vmem>>, vector<16xf32>,
        tpu.vector_store %swap3A_760[%swap3A_761], %mul3A_758 {strides = array<i32>} : memref<864xf32, #tpu.memory_space<vmem>>, vector<16xf32>,
        %get3A_763 = arith.constant 80 : index
        %get3A_764 = tpu.vector_load %arg20[%get3A_763] {strides = array<i32>} : memref<1280xf32, #tpu.memory_space<vmem>>, vector<16xf32>,
        %mul3A_765 = arith.mulf %get3A_764, %div3A_684 : vector<16xf32>
        %swap3A_766 = arith.constant 0 : i32
        %swap3A_767 = tpu.memref_slice %arg21[%swap3A_766] : memref<1728xf32, #tpu.memory_space<vmem>> -> memref<864xf32, #tpu.memory_space<vmem>>
        %swap3A_768 = arith.constant 80 : index
        %swap3A_769 = tpu.vector_load %swap3A_767[%swap3A_768] {strides = array<i32>} : memref<864xf32, #tpu.memory_space<vmem>>, vector<16xf32>,
        tpu.vector_store %swap3A_767[%swap3A_768], %mul3A_765 {strides = array<i32>} : memref<864xf32, #tpu.memory_space<vmem>>, vector<16xf32>,
        %get3A_770 = arith.constant 96 : index
        %get3A_771 = tpu.vector_load %arg20[%get3A_770] {strides = array<i32>} : memref<1280xf32, #tpu.memory_space<vmem>>, vector<16xf32>,
        %mul3A_772 = arith.mulf %get3A_771, %div3A_684 : vector<16xf32>
        %swap3A_773 = arith.constant 0 : i32
        %swap3A_774 = tpu.memref_slice %arg21[%swap3A_773] : memref<1728xf32, #tpu.memory_space<vmem>> -> memref<864xf32, #tpu.memory_space<vmem>>
        %swap3A_775 = arith.constant 96 : index
        %swap3A_776 = tpu.vector_load %swap3A_774[%swap3A_775] {strides = array<i32>} : memref<864xf32, #tpu.memory_space<vmem>>, vector<16xf32>,
        tpu.vector_store %swap3A_774[%swap3A_775], %mul3A_772 {strides = array<i32>} : memref<864xf32, #tpu.memory_space<vmem>>, vector<16xf32>,
        %get3A_777 = arith.constant 112 : index
        %get3A_778 = tpu.vector_load %arg20[%get3A_777] {strides = array<i32>} : memref<1280xf32, #tpu.memory_space<vmem>>, vector<16xf32>,
        %mul3A_779 = arith.mulf %get3A_778, %div3A_684 : vector<16xf32>
        %swap3A_780 = arith.constant 0 : i32
        %swap3A_781 = tpu.memref_slice %arg21[%swap3A_780] : memref<1728xf32, #tpu.memory_space<vmem>> -> memref<864xf32, #tpu.memory_space<vmem>>
        %swap3A_782 = arith.constant 112 : index
        %swap3A_783 = tpu.vector_load %swap3A_781[%swap3A_782] {strides = array<i32>} : memref<864xf32, #tpu.memory_space<vmem>>, vector<16xf32>,
        tpu.vector_store %swap3A_781[%swap3A_782], %mul3A_779 {strides = array<i32>} : memref<864xf32, #tpu.memory_space<vmem>>, vector<16xf32>,
        %get3A_784 = arith.constant 128 : index
        %get3A_785 = tpu.vector_load %arg20[%get3A_784] {strides = array<i32>} : memref<1280xf32, #tpu.memory_space<vmem>>, vector<16xf32>,
        %mul3A_786 = arith.mulf %get3A_785, %div3A_684 : vector<16xf32>
        %swap3A_787 = arith.constant 0 : i32
        %swap3A_788 = tpu.memref_slice %arg21[%swap3A_787] : memref<1728xf32, #tpu.memory_space<vmem>> -> memref<864xf32, #tpu.memory_space<vmem>>
        %swap3A_789 = arith.constant 128 : index
        %swap3A_790 = tpu.vector_load %swap3A_788[%swap3A_789] {strides = array<i32>} : memref<864xf32, #tpu.memory_space<vmem>>, vector<16xf32>,
        tpu.vector_store %swap3A_788[%swap3A_789], %mul3A_786 {strides = array<i32>} : memref<864xf32, #tpu.memory_space<vmem>>, vector<16xf32>,
        %get3A_791 = arith.constant 144 : index
        %get3A_792 = tpu.vector_load %arg20[%get3A_791] {strides = array<i32>} : memref<1280xf32, #tpu.memory_space<vmem>>, vector<16xf32>,
        %mul3A_793 = arith.mulf %get3A_792, %div3A_684 : vector<16xf32>
        %swap3A_794 = arith.constant 0 : i32
        %swap3A_795 = tpu.memref_slice %arg21[%swap3A_794] : memref<1728xf32, #tpu.memory_space<vmem>> -> memref<864xf32, #tpu.memory_space<vmem>>
        %swap3A_796 = arith.constant 144 : index
        %swap3A_797 = tpu.vector_load %swap3A_795[%swap3A_796] {strides = array<i32>} : memref<864xf32, #tpu.memory_space<vmem>>, vector<16xf32>,
        tpu.vector_store %swap3A_795[%swap3A_796], %mul3A_793 {strides = array<i32>} : memref<864xf32, #tpu.memory_space<vmem>>, vector<16xf32>,
        %get3A_798 = arith.constant 160 : index
        %get3A_799 = tpu.vector_load %arg20[%get3A_798] {strides = array<i32>} : memref<1280xf32, #tpu.memory_space<vmem>>, vector<16xf32>,
        %mul3A_800 = arith.mulf %get3A_799, %div3A_684 : vector<16xf32>
        %swap3A_801 = arith.constant 0 : i32
        %swap3A_802 = tpu.memref_slice %arg21[%swap3A_801] : memref<1728xf32, #tpu.memory_space<vmem>> -> memref<864xf32, #tpu.memory_space<vmem>>
        %swap3A_803 = arith.constant 160 : index
        %swap3A_804 = tpu.vector_load %swap3A_802[%swap3A_803] {strides = array<i32>} : memref<864xf32, #tpu.memory_space<vmem>>, vector<16xf32>,
        tpu.vector_store %swap3A_802[%swap3A_803], %mul3A_800 {strides = array<i32>} : memref<864xf32, #tpu.memory_space<vmem>>, vector<16xf32>,
        %get3A_805 = arith.constant 176 : index
        %get3A_806 = tpu.vector_load %arg20[%get3A_805] {strides = array<i32>} : memref<1280xf32, #tpu.memory_space<vmem>>, vector<16xf32>,
        %mul3A_807 = arith.mulf %get3A_806, %div3A_684 : vector<16xf32>
        %swap3A_808 = arith.constant 0 : i32
        %swap3A_809 = tpu.memref_slice %arg21[%swap3A_808] : memref<1728xf32, #tpu.memory_space<vmem>> -> memref<864xf32, #tpu.memory_space<vmem>>
        %swap3A_810 = arith.constant 176 : index
        %swap3A_811 = tpu.vector_load %swap3A_809[%swap3A_810] {strides = array<i32>} : memref<864xf32, #tpu.memory_space<vmem>>, vector<16xf32>,
        tpu.vector_store %swap3A_809[%swap3A_810], %mul3A_807 {strides = array<i32>} : memref<864xf32, #tpu.memory_space<vmem>>, vector<16xf32>,
        %get3A_812 = arith.constant 192 : index
        %get3A_813 = tpu.vector_load %arg20[%get3A_812] {strides = array<i32>} : memref<1280xf32, #tpu.memory_space<vmem>>, vector<16xf32>,
        %mul3A_814 = arith.mulf %get3A_813, %div3A_684 : vector<16xf32>
        %swap3A_815 = arith.constant 0 : i32
        %swap3A_816 = tpu.memref_slice %arg21[%swap3A_815] : memref<1728xf32, #tpu.memory_space<vmem>> -> memref<864xf32, #tpu.memory_space<vmem>>
        %swap3A_817 = arith.constant 192 : index
        %swap3A_818 = tpu.vector_load %swap3A_816[%swap3A_817] {strides = array<i32>} : memref<864xf32, #tpu.memory_space<vmem>>, vector<16xf32>,
        tpu.vector_store %swap3A_816[%swap3A_817], %mul3A_814 {strides = array<i32>} : memref<864xf32, #tpu.memory_space<vmem>>, vector<16xf32>,
        %get3A_819 = arith.constant 208 : index
        %get3A_820 = tpu.vector_load %arg20[%get3A_819] {strides = array<i32>} : memref<1280xf32, #tpu.memory_space<vmem>>, vector<16xf32>,
        %mul3A_821 = arith.mulf %get3A_820, %div3A_684 : vector<16xf32>
        %swap3A_822 = arith.constant 0 : i32
        %swap3A_823 = tpu.memref_slice %arg21[%swap3A_822] : memref<1728xf32, #tpu.memory_space<vmem>> -> memref<864xf32, #tpu.memory_space<vmem>>
        %swap3A_824 = arith.constant 208 : index
        %swap3A_825 = tpu.vector_load %swap3A_823[%swap3A_824] {strides = array<i32>} : memref<864xf32, #tpu.memory_space<vmem>>, vector<16xf32>,
        tpu.vector_store %swap3A_823[%swap3A_824], %mul3A_821 {strides = array<i32>} : memref<864xf32, #tpu.memory_space<vmem>>, vector<16xf32>,
        %get3A_826 = arith.constant 224 : index
        %get3A_827 = tpu.vector_load %arg20[%get3A_826] {strides = array<i32>} : memref<1280xf32, #tpu.memory_space<vmem>>, vector<16xf32>,
        %mul3A_828 = arith.mulf %get3A_827, %div3A_684 : vector<16xf32>
        %swap3A_829 = arith.constant 0 : i32
        %swap3A_830 = tpu.memref_slice %arg21[%swap3A_829] : memref<1728xf32, #tpu.memory_space<vmem>> -> memref<864xf32, #tpu.memory_space<vmem>>
        %swap3A_831 = arith.constant 224 : index
        %swap3A_832 = tpu.vector_load %swap3A_830[%swap3A_831] {strides = array<i32>} : memref<864xf32, #tpu.memory_space<vmem>>, vector<16xf32>,
        tpu.vector_store %swap3A_830[%swap3A_831], %mul3A_828 {strides = array<i32>} : memref<864xf32, #tpu.memory_space<vmem>>, vector<16xf32>,
        %get3A_833 = arith.constant 240 : index
        %get3A_834 = tpu.vector_load %arg20[%get3A_833] {strides = array<i32>} : memref<1280xf32, #tpu.memory_space<vmem>>, vector<16xf32>,
        %mul3A_835 = arith.mulf %get3A_834, %div3A_684 : vector<16xf32>
        %swap3A_836 = arith.constant 0 : i32
        %swap3A_837 = tpu.memref_slice %arg21[%swap3A_836] : memref<1728xf32, #tpu.memory_space<vmem>> -> memref<864xf32, #tpu.memory_space<vmem>>
        %swap3A_838 = arith.constant 240 : index
        %swap3A_839 = tpu.vector_load %swap3A_837[%swap3A_838] {strides = array<i32>} : memref<864xf32, #tpu.memory_space<vmem>>, vector<16xf32>,
        tpu.vector_store %swap3A_837[%swap3A_838], %mul3A_835 {strides = array<i32>} : memref<864xf32, #tpu.memory_space<vmem>>, vector<16xf32>,
        %get3A_840 = arith.constant 256 : index
        %get3A_841 = tpu.vector_load %arg20[%get3A_840] {strides = array<i32>} : memref<1280xf32, #tpu.memory_space<vmem>>, vector<16xf32>,
        %mul3A_842 = arith.mulf %get3A_841, %div3A_684 : vector<16xf32>
        %swap3A_843 = arith.constant 0 : i32
        %swap3A_844 = tpu.memref_slice %arg21[%swap3A_843] : memref<1728xf32, #tpu.memory_space<vmem>> -> memref<864xf32, #tpu.memory_space<vmem>>
        %swap3A_845 = arith.constant 256 : index
        %swap3A_846 = tpu.vector_load %swap3A_844[%swap3A_845] {strides = array<i32>} : memref<864xf32, #tpu.memory_space<vmem>>, vector<16xf32>,
        tpu.vector_store %swap3A_844[%swap3A_845], %mul3A_842 {strides = array<i32>} : memref<864xf32, #tpu.memory_space<vmem>>, vector<16xf32>,
        %get3A_847 = arith.constant 272 : index
        %get3A_848 = tpu.vector_load %arg20[%get3A_847] {strides = array<i32>} : memref<1280xf32, #tpu.memory_space<vmem>>, vector<16xf32>,
        %mul3A_849 = arith.mulf %get3A_848, %div3A_684 : vector<16xf32>
        %swap3A_850 = arith.constant 0 : i32
        %swap3A_851 = tpu.memref_slice %arg21[%swap3A_850] : memref<1728xf32, #tpu.memory_space<vmem>> -> memref<864xf32, #tpu.memory_space<vmem>>
        %swap3A_852 = arith.constant 272 : index
        %swap3A_853 = tpu.vector_load %swap3A_851[%swap3A_852] {strides = array<i32>} : memref<864xf32, #tpu.memory_space<vmem>>, vector<16xf32>,
        tpu.vector_store %swap3A_851[%swap3A_852], %mul3A_849 {strides = array<i32>} : memref<864xf32, #tpu.memory_space<vmem>>, vector<16xf32>,
        %get3A_854 = arith.constant 288 : index
        %get3A_855 = tpu.vector_load %arg20[%get3A_854] {strides = array<i32>} : memref<1280xf32, #tpu.memory_space<vmem>>, vector<16xf32>,
        %mul3A_856 = arith.mulf %get3A_855, %div3A_684 : vector<16xf32>
        %swap3A_857 = arith.constant 0 : i32
        %swap3A_858 = tpu.memref_slice %arg21[%swap3A_857] : memref<1728xf32, #tpu.memory_space<vmem>> -> memref<864xf32, #tpu.memory_space<vmem>>
        %swap3A_859 = arith.constant 288 : index
        %swap3A_860 = tpu.vector_load %swap3A_858[%swap3A_859] {strides = array<i32>} : memref<864xf32, #tpu.memory_space<vmem>>, vector<16xf32>,
        tpu.vector_store %swap3A_858[%swap3A_859], %mul3A_856 {strides = array<i32>} : memref<864xf32, #tpu.memory_space<vmem>>, vector<16xf32>,
        %get3A_861 = arith.constant 304 : index
        %get3A_862 = tpu.vector_load %arg20[%get3A_861] {strides = array<i32>} : memref<1280xf32, #tpu.memory_space<vmem>>, vector<16xf32>,
        %mul3A_863 = arith.mulf %get3A_862, %div3A_684 : vector<16xf32>
        %swap3A_864 = arith.constant 0 : i32
        %swap3A_865 = tpu.memref_slice %arg21[%swap3A_864] : memref<1728xf32, #tpu.memory_space<vmem>> -> memref<864xf32, #tpu.memory_space<vmem>>
        %swap3A_866 = arith.constant 304 : index
        %swap3A_867 = tpu.vector_load %swap3A_865[%swap3A_866] {strides = array<i32>} : memref<864xf32, #tpu.memory_space<vmem>>, vector<16xf32>,
        tpu.vector_store %swap3A_865[%swap3A_866], %mul3A_863 {strides = array<i32>} : memref<864xf32, #tpu.memory_space<vmem>>, vector<16xf32>,
        %get3A_868 = arith.constant 320 : index
        %get3A_869 = tpu.vector_load %arg20[%get3A_868] {strides = array<i32>} : memref<1280xf32, #tpu.memory_space<vmem>>, vector<16xf32>,
        %mul3A_870 = arith.mulf %get3A_869, %div3A_684 : vector<16xf32>
        %swap3A_871 = arith.constant 0 : i32
        %swap3A_872 = tpu.memref_slice %arg21[%swap3A_871] : memref<1728xf32, #tpu.memory_space<vmem>> -> memref<864xf32, #tpu.memory_space<vmem>>
        %swap3A_873 = arith.constant 320 : index
        %swap3A_874 = tpu.vector_load %swap3A_872[%swap3A_873] {strides = array<i32>} : memref<864xf32, #tpu.memory_space<vmem>>, vector<16xf32>,
        tpu.vector_store %swap3A_872[%swap3A_873], %mul3A_870 {strides = array<i32>} : memref<864xf32, #tpu.memory_space<vmem>>, vector<16xf32>,
        %get3A_875 = arith.constant 336 : index
        %get3A_876 = tpu.vector_load %arg20[%get3A_875] {strides = array<i32>} : memref<1280xf32, #tpu.memory_space<vmem>>, vector<16xf32>,
        %mul3A_877 = arith.mulf %get3A_876, %div3A_684 : vector<16xf32>
        %swap3A_878 = arith.constant 0 : i32
        %swap3A_879 = tpu.memref_slice %arg21[%swap3A_878] : memref<1728xf32, #tpu.memory_space<vmem>> -> memref<864xf32, #tpu.memory_space<vmem>>
        %swap3A_880 = arith.constant 336 : index
        %swap3A_881 = tpu.vector_load %swap3A_879[%swap3A_880] {strides = array<i32>} : memref<864xf32, #tpu.memory_space<vmem>>, vector<16xf32>,
        tpu.vector_store %swap3A_879[%swap3A_880], %mul3A_877 {strides = array<i32>} : memref<864xf32, #tpu.memory_space<vmem>>, vector<16xf32>,
        %get3A_882 = arith.constant 352 : index
        %get3A_883 = tpu.vector_load %arg20[%get3A_882] {strides = array<i32>} : memref<1280xf32, #tpu.memory_space<vmem>>, vector<16xf32>,
        %mul3A_884 = arith.mulf %get3A_883, %div3A_684 : vector<16xf32>
        %swap3A_885 = arith.constant 0 : i32
        %swap3A_886 = tpu.memref_slice %arg21[%swap3A_885] : memref<1728xf32, #tpu.memory_space<vmem>> -> memref<864xf32, #tpu.memory_space<vmem>>
        %swap3A_887 = arith.constant 352 : index
        %swap3A_888 = tpu.vector_load %swap3A_886[%swap3A_887] {strides = array<i32>} : memref<864xf32, #tpu.memory_space<vmem>>, vector<16xf32>,
        tpu.vector_store %swap3A_886[%swap3A_887], %mul3A_884 {strides = array<i32>} : memref<864xf32, #tpu.memory_space<vmem>>, vector<16xf32>,
        %get3A_889 = arith.constant 368 : index
        %get3A_890 = tpu.vector_load %arg20[%get3A_889] {strides = array<i32>} : memref<1280xf32, #tpu.memory_space<vmem>>, vector<16xf32>,
        %mul3A_891 = arith.mulf %get3A_890, %div3A_684 : vector<16xf32>
        %swap3A_892 = arith.constant 0 : i32
        %swap3A_893 = tpu.memref_slice %arg21[%swap3A_892] : memref<1728xf32, #tpu.memory_space<vmem>> -> memref<864xf32, #tpu.memory_space<vmem>>
        %swap3A_894 = arith.constant 368 : index
        %swap3A_895 = tpu.vector_load %swap3A_893[%swap3A_894] {strides = array<i32>} : memref<864xf32, #tpu.memory_space<vmem>>, vector<16xf32>,
        tpu.vector_store %swap3A_893[%swap3A_894], %mul3A_891 {strides = array<i32>} : memref<864xf32, #tpu.memory_space<vmem>>, vector<16xf32>,
        %get3A_896 = arith.constant 384 : index
        %get3A_897 = tpu.vector_load %arg20[%get3A_896] {strides = array<i32>} : memref<1280xf32, #tpu.memory_space<vmem>>, vector<16xf32>,
        %mul3A_898 = arith.mulf %get3A_897, %div3A_684 : vector<16xf32>
        %swap3A_899 = arith.constant 0 : i32
        %swap3A_900 = tpu.memref_slice %arg21[%swap3A_899] : memref<1728xf32, #tpu.memory_space<vmem>> -> memref<864xf32, #tpu.memory_space<vmem>>
        %swap3A_901 = arith.constant 384 : index
        %swap3A_902 = tpu.vector_load %swap3A_900[%swap3A_901] {strides = array<i32>} : memref<864xf32, #tpu.memory_space<vmem>>, vector<16xf32>,
        tpu.vector_store %swap3A_900[%swap3A_901], %mul3A_898 {strides = array<i32>} : memref<864xf32, #tpu.memory_space<vmem>>, vector<16xf32>,
        %get3A_903 = arith.constant 400 : index
        %get3A_904 = tpu.vector_load %arg20[%get3A_903] {strides = array<i32>} : memref<1280xf32, #tpu.memory_space<vmem>>, vector<16xf32>,
        %mul3A_905 = arith.mulf %get3A_904, %div3A_684 : vector<16xf32>
        %swap3A_906 = arith.constant 0 : i32
        %swap3A_907 = tpu.memref_slice %arg21[%swap3A_906] : memref<1728xf32, #tpu.memory_space<vmem>> -> memref<864xf32, #tpu.memory_space<vmem>>
        %swap3A_908 = arith.constant 400 : index
        %swap3A_909 = tpu.vector_load %swap3A_907[%swap3A_908] {strides = array<i32>} : memref<864xf32, #tpu.memory_space<vmem>>, vector<16xf32>,
        tpu.vector_store %swap3A_907[%swap3A_908], %mul3A_905 {strides = array<i32>} : memref<864xf32, #tpu.memory_space<vmem>>, vector<16xf32>,
        %get3A_910 = arith.constant 416 : index
        %get3A_911 = tpu.vector_load %arg20[%get3A_910] {strides = array<i32>} : memref<1280xf32, #tpu.memory_space<vmem>>, vector<16xf32>,
        %mul3A_912 = arith.mulf %get3A_911, %div3A_684 : vector<16xf32>
        %swap3A_913 = arith.constant 0 : i32
        %swap3A_914 = tpu.memref_slice %arg21[%swap3A_913] : memref<1728xf32, #tpu.memory_space<vmem>> -> memref<864xf32, #tpu.memory_space<vmem>>
        %swap3A_915 = arith.constant 416 : index
        %swap3A_916 = tpu.vector_load %swap3A_914[%swap3A_915] {strides = array<i32>} : memref<864xf32, #tpu.memory_space<vmem>>, vector<16xf32>,
        tpu.vector_store %swap3A_914[%swap3A_915], %mul3A_912 {strides = array<i32>} : memref<864xf32, #tpu.memory_space<vmem>>, vector<16xf32>,
        %get3A_917 = arith.constant 432 : index
        %get3A_918 = tpu.vector_load %arg20[%get3A_917] {strides = array<i32>} : memref<1280xf32, #tpu.memory_space<vmem>>, vector<16xf32>,
        %mul3A_919 = arith.mulf %get3A_918, %div3A_684 : vector<16xf32>
        %swap3A_920 = arith.constant 0 : i32
        %swap3A_921 = tpu.memref_slice %arg21[%swap3A_920] : memref<1728xf32, #tpu.memory_space<vmem>> -> memref<864xf32, #tpu.memory_space<vmem>>
        %swap3A_922 = arith.constant 432 : index
        %swap3A_923 = tpu.vector_load %swap3A_921[%swap3A_922] {strides = array<i32>} : memref<864xf32, #tpu.memory_space<vmem>>, vector<16xf32>,
        tpu.vector_store %swap3A_921[%swap3A_922], %mul3A_919 {strides = array<i32>} : memref<864xf32, #tpu.memory_space<vmem>>, vector<16xf32>,
        %get3A_924 = arith.constant 448 : index
        %get3A_925 = tpu.vector_load %arg20[%get3A_924] {strides = array<i32>} : memref<1280xf32, #tpu.memory_space<vmem>>, vector<16xf32>,
        %mul3A_926 = arith.mulf %get3A_925, %div3A_684 : vector<16xf32>
        %swap3A_927 = arith.constant 0 : i32
        %swap3A_928 = tpu.memref_slice %arg21[%swap3A_927] : memref<1728xf32, #tpu.memory_space<vmem>> -> memref<864xf32, #tpu.memory_space<vmem>>
        %swap3A_929 = arith.constant 448 : index
        %swap3A_930 = tpu.vector_load %swap3A_928[%swap3A_929] {strides = array<i32>} : memref<864xf32, #tpu.memory_space<vmem>>, vector<16xf32>,
        tpu.vector_store %swap3A_928[%swap3A_929], %mul3A_926 {strides = array<i32>} : memref<864xf32, #tpu.memory_space<vmem>>, vector<16xf32>,
        %get3A_931 = arith.constant 464 : index
        %get3A_932 = tpu.vector_load %arg20[%get3A_931] {strides = array<i32>} : memref<1280xf32, #tpu.memory_space<vmem>>, vector<16xf32>,
        %mul3A_933 = arith.mulf %get3A_932, %div3A_684 : vector<16xf32>
        %swap3A_934 = arith.constant 0 : i32
        %swap3A_935 = tpu.memref_slice %arg21[%swap3A_934] : memref<1728xf32, #tpu.memory_space<vmem>> -> memref<864xf32, #tpu.memory_space<vmem>>
        %swap3A_936 = arith.constant 464 : index
        %swap3A_937 = tpu.vector_load %swap3A_935[%swap3A_936] {strides = array<i32>} : memref<864xf32, #tpu.memory_space<vmem>>, vector<16xf32>,
        tpu.vector_store %swap3A_935[%swap3A_936], %mul3A_933 {strides = array<i32>} : memref<864xf32, #tpu.memory_space<vmem>>, vector<16xf32>,
        %get3A_938 = arith.constant 480 : index
        %get3A_939 = tpu.vector_load %arg20[%get3A_938] {strides = array<i32>} : memref<1280xf32, #tpu.memory_space<vmem>>, vector<16xf32>,
        %mul3A_940 = arith.mulf %get3A_939, %div3A_684 : vector<16xf32>
        %swap3A_941 = arith.constant 0 : i32
        %swap3A_942 = tpu.memref_slice %arg21[%swap3A_941] : memref<1728xf32, #tpu.memory_space<vmem>> -> memref<864xf32, #tpu.memory_space<vmem>>
        %swap3A_943 = arith.constant 480 : index
        %swap3A_944 = tpu.vector_load %swap3A_942[%swap3A_943] {strides = array<i32>} : memref<864xf32, #tpu.memory_space<vmem>>, vector<16xf32>,
        tpu.vector_store %swap3A_942[%swap3A_943], %mul3A_940 {strides = array<i32>} : memref<864xf32, #tpu.memory_space<vmem>>, vector<16xf32>,
        %get3A_945 = arith.constant 496 : index
        %get3A_946 = tpu.vector_load %arg20[%get3A_945] {strides = array<i32>} : memref<1280xf32, #tpu.memory_space<vmem>>, vector<16xf32>,
        %mul3A_947 = arith.mulf %get3A_946, %div3A_684 : vector<16xf32>
        %swap3A_948 = arith.constant 0 : i32
        %swap3A_949 = tpu.memref_slice %arg21[%swap3A_948] : memref<1728xf32, #tpu.memory_space<vmem>> -> memref<864xf32, #tpu.memory_space<vmem>>
        %swap3A_950 = arith.constant 496 : index
        %swap3A_951 = tpu.vector_load %swap3A_949[%swap3A_950] {strides = array<i32>} : memref<864xf32, #tpu.memory_space<vmem>>, vector<16xf32>,
        tpu.vector_store %swap3A_949[%swap3A_950], %mul3A_947 {strides = array<i32>} : memref<864xf32, #tpu.memory_space<vmem>>, vector<16xf32>,
        %get3A_952 = arith.constant 512 : index
        %get3A_953 = tpu.vector_load %arg20[%get3A_952] {strides = array<i32>} : memref<1280xf32, #tpu.memory_space<vmem>>, vector<16xf32>,
        %mul3A_954 = arith.mulf %get3A_953, %div3A_684 : vector<16xf32>
        %swap3A_955 = arith.constant 0 : i32
        %swap3A_956 = tpu.memref_slice %arg21[%swap3A_955] : memref<1728xf32, #tpu.memory_space<vmem>> -> memref<864xf32, #tpu.memory_space<vmem>>
        %swap3A_957 = arith.constant 512 : index
        %swap3A_958 = tpu.vector_load %swap3A_956[%swap3A_957] {strides = array<i32>} : memref<864xf32, #tpu.memory_space<vmem>>, vector<16xf32>,
        tpu.vector_store %swap3A_956[%swap3A_957], %mul3A_954 {strides = array<i32>} : memref<864xf32, #tpu.memory_space<vmem>>, vector<16xf32>,
        %get3A_959 = arith.constant 528 : index
        %get3A_960 = tpu.vector_load %arg20[%get3A_959] {strides = array<i32>} : memref<1280xf32, #tpu.memory_space<vmem>>, vector<16xf32>,
        %mul3A_961 = arith.mulf %get3A_960, %div3A_684 : vector<16xf32>
        %swap3A_962 = arith.constant 0 : i32
        %swap3A_963 = tpu.memref_slice %arg21[%swap3A_962] : memref<1728xf32, #tpu.memory_space<vmem>> -> memref<864xf32, #tpu.memory_space<vmem>>
        %swap3A_964 = arith.constant 528 : index
        %swap3A_965 = tpu.vector_load %swap3A_963[%swap3A_964] {strides = array<i32>} : memref<864xf32, #tpu.memory_space<vmem>>, vector<16xf32>,
        tpu.vector_store %swap3A_963[%swap3A_964], %mul3A_961 {strides = array<i32>} : memref<864xf32, #tpu.memory_space<vmem>>, vector<16xf32>,
        %get3A_966 = arith.constant 544 : index
        %get3A_967 = tpu.vector_load %arg20[%get3A_966] {strides = array<i32>} : memref<1280xf32, #tpu.memory_space<vmem>>, vector<16xf32>,
        %mul3A_968 = arith.mulf %get3A_967, %div3A_684 : vector<16xf32>
        %swap3A_969 = arith.constant 0 : i32
        %swap3A_970 = tpu.memref_slice %arg21[%swap3A_969] : memref<1728xf32, #tpu.memory_space<vmem>> -> memref<864xf32, #tpu.memory_space<vmem>>
        %swap3A_971 = arith.constant 544 : index
        %swap3A_972 = tpu.vector_load %swap3A_970[%swap3A_971] {strides = array<i32>} : memref<864xf32, #tpu.memory_space<vmem>>, vector<16xf32>,
        tpu.vector_store %swap3A_970[%swap3A_971], %mul3A_968 {strides = array<i32>} : memref<864xf32, #tpu.memory_space<vmem>>, vector<16xf32>,
        %get3A_973 = arith.constant 560 : index
        %get3A_974 = tpu.vector_load %arg20[%get3A_973] {strides = array<i32>} : memref<1280xf32, #tpu.memory_space<vmem>>, vector<16xf32>,
        %mul3A_975 = arith.mulf %get3A_974, %div3A_684 : vector<16xf32>
        %swap3A_976 = arith.constant 0 : i32
        %swap3A_977 = tpu.memref_slice %arg21[%swap3A_976] : memref<1728xf32, #tpu.memory_space<vmem>> -> memref<864xf32, #tpu.memory_space<vmem>>
        %swap3A_978 = arith.constant 560 : index
        %swap3A_979 = tpu.vector_load %swap3A_977[%swap3A_978] {strides = array<i32>} : memref<864xf32, #tpu.memory_space<vmem>>, vector<16xf32>,
        tpu.vector_store %swap3A_977[%swap3A_978], %mul3A_975 {strides = array<i32>} : memref<864xf32, #tpu.memory_space<vmem>>, vector<16xf32>,
        %get3A_980 = arith.constant 576 : index
        %get3A_981 = tpu.vector_load %arg20[%get3A_980] {strides = array<i32>} : memref<1280xf32, #tpu.memory_space<vmem>>, vector<16xf32>,
        %mul3A_982 = arith.mulf %get3A_981, %div3A_684 : vector<16xf32>
        %swap3A_983 = arith.constant 0 : i32
        %swap3A_984 = tpu.memref_slice %arg21[%swap3A_983] : memref<1728xf32, #tpu.memory_space<vmem>> -> memref<864xf32, #tpu.memory_space<vmem>>
        %swap3A_985 = arith.constant 576 : index
        %swap3A_986 = tpu.vector_load %swap3A_984[%swap3A_985] {strides = array<i32>} : memref<864xf32, #tpu.memory_space<vmem>>, vector<16xf32>,
        tpu.vector_store %swap3A_984[%swap3A_985], %mul3A_982 {strides = array<i32>} : memref<864xf32, #tpu.memory_space<vmem>>, vector<16xf32>,
        %get3A_987 = arith.constant 592 : index
        %get3A_988 = tpu.vector_load %arg20[%get3A_987] {strides = array<i32>} : memref<1280xf32, #tpu.memory_space<vmem>>, vector<16xf32>,
        %mul3A_989 = arith.mulf %get3A_988, %div3A_684 : vector<16xf32>
        %swap3A_990 = arith.constant 0 : i32
        %swap3A_991 = tpu.memref_slice %arg21[%swap3A_990] : memref<1728xf32, #tpu.memory_space<vmem>> -> memref<864xf32, #tpu.memory_space<vmem>>
        %swap3A_992 = arith.constant 592 : index
        %swap3A_993 = tpu.vector_load %swap3A_991[%swap3A_992] {strides = array<i32>} : memref<864xf32, #tpu.memory_space<vmem>>, vector<16xf32>,
        tpu.vector_store %swap3A_991[%swap3A_992], %mul3A_989 {strides = array<i32>} : memref<864xf32, #tpu.memory_space<vmem>>, vector<16xf32>,
        %get3A_994 = arith.constant 608 : index
        %get3A_995 = tpu.vector_load %arg20[%get3A_994] {strides = array<i32>} : memref<1280xf32, #tpu.memory_space<vmem>>, vector<16xf32>,
        %mul3A_996 = arith.mulf %get3A_995, %div3A_684 : vector<16xf32>
        %swap3A_997 = arith.constant 0 : i32
        %swap3A_998 = tpu.memref_slice %arg21[%swap3A_997] : memref<1728xf32, #tpu.memory_space<vmem>> -> memref<864xf32, #tpu.memory_space<vmem>>
        %swap3A_999 = arith.constant 608 : index
        %swap3A_1000 = tpu.vector_load %swap3A_998[%swap3A_999] {strides = array<i32>} : memref<864xf32, #tpu.memory_space<vmem>>, vector<16xf32>,
        tpu.vector_store %swap3A_998[%swap3A_999], %mul3A_996 {strides = array<i32>} : memref<864xf32, #tpu.memory_space<vmem>>, vector<16xf32>,
        %get3A_1001 = arith.constant 624 : index
        %get3A_1002 = tpu.vector_load %arg20[%get3A_1001] {strides = array<i32>} : memref<1280xf32, #tpu.memory_space<vmem>>, vector<16xf32>,
        %mul3A_1003 = arith.mulf %get3A_1002, %div3A_684 : vector<16xf32>
        %swap3A_1004 = arith.constant 0 : i32
        %swap3A_1005 = tpu.memref_slice %arg21[%swap3A_1004] : memref<1728xf32, #tpu.memory_space<vmem>> -> memref<864xf32, #tpu.memory_space<vmem>>
        %swap3A_1006 = arith.constant 624 : index
        %swap3A_1007 = tpu.vector_load %swap3A_1005[%swap3A_1006] {strides = array<i32>} : memref<864xf32, #tpu.memory_space<vmem>>, vector<16xf32>,
        tpu.vector_store %swap3A_1005[%swap3A_1006], %mul3A_1003 {strides = array<i32>} : memref<864xf32, #tpu.memory_space<vmem>>, vector<16xf32>,
        %get3A_1008 = arith.constant 640 : index
        %get3A_1009 = tpu.vector_load %arg20[%get3A_1008] {strides = array<i32>} : memref<1280xf32, #tpu.memory_space<vmem>>, vector<16xf32>,
        %mul3A_1010 = arith.mulf %get3A_1009, %div3A_684 : vector<16xf32>
        %swap3A_1011 = arith.constant 0 : i32
        %swap3A_1012 = tpu.memref_slice %arg21[%swap3A_1011] : memref<1728xf32, #tpu.memory_space<vmem>> -> memref<864xf32, #tpu.memory_space<vmem>>
        %swap3A_1013 = arith.constant 640 : index
        %swap3A_1014 = tpu.vector_load %swap3A_1012[%swap3A_1013] {strides = array<i32>} : memref<864xf32, #tpu.memory_space<vmem>>, vector<16xf32>,
        tpu.vector_store %swap3A_1012[%swap3A_1013], %mul3A_1010 {strides = array<i32>} : memref<864xf32, #tpu.memory_space<vmem>>, vector<16xf32>,
        %get3A_1015 = arith.constant 656 : index
        %get3A_1016 = tpu.vector_load %arg20[%get3A_1015] {strides = array<i32>} : memref<1280xf32, #tpu.memory_space<vmem>>, vector<16xf32>,
        %mul3A_1017 = arith.mulf %get3A_1016, %div3A_684 : vector<16xf32>
        %swap3A_1018 = arith.constant 0 : i32
        %swap3A_1019 = tpu.memref_slice %arg21[%swap3A_1018] : memref<1728xf32, #tpu.memory_space<vmem>> -> memref<864xf32, #tpu.memory_space<vmem>>
        %swap3A_1020 = arith.constant 656 : index
        %swap3A_1021 = tpu.vector_load %swap3A_1019[%swap3A_1020] {strides = array<i32>} : memref<864xf32, #tpu.memory_space<vmem>>, vector<16xf32>,
        tpu.vector_store %swap3A_1019[%swap3A_1020], %mul3A_1017 {strides = array<i32>} : memref<864xf32, #tpu.memory_space<vmem>>, vector<16xf32>,
        %get3A_1022 = arith.constant 672 : index
        %get3A_1023 = tpu.vector_load %arg20[%get3A_1022] {strides = array<i32>} : memref<1280xf32, #tpu.memory_space<vmem>>, vector<16xf32>,
        %mul3A_1024 = arith.mulf %get3A_1023, %div3A_684 : vector<16xf32>
        %swap3A_1025 = arith.constant 0 : i32
        %swap3A_1026 = tpu.memref_slice %arg21[%swap3A_1025] : memref<1728xf32, #tpu.memory_space<vmem>> -> memref<864xf32, #tpu.memory_space<vmem>>
        %swap3A_1027 = arith.constant 672 : index
        %swap3A_1028 = tpu.vector_load %swap3A_1026[%swap3A_1027] {strides = array<i32>} : memref<864xf32, #tpu.memory_space<vmem>>, vector<16xf32>,
        tpu.vector_store %swap3A_1026[%swap3A_1027], %mul3A_1024 {strides = array<i32>} : memref<864xf32, #tpu.memory_space<vmem>>, vector<16xf32>,
        %get3A_1029 = arith.constant 688 : index
        %get3A_1030 = tpu.vector_load %arg20[%get3A_1029] {strides = array<i32>} : memref<1280xf32, #tpu.memory_space<vmem>>, vector<16xf32>,
        %mul3A_1031 = arith.mulf %get3A_1030, %div3A_684 : vector<16xf32>
        %swap3A_1032 = arith.constant 0 : i32
        %swap3A_1033 = tpu.memref_slice %arg21[%swap3A_1032] : memref<1728xf32, #tpu.memory_space<vmem>> -> memref<864xf32, #tpu.memory_space<vmem>>
        %swap3A_1034 = arith.constant 688 : index
        %swap3A_1035 = tpu.vector_load %swap3A_1033[%swap3A_1034] {strides = array<i32>} : memref<864xf32, #tpu.memory_space<vmem>>, vector<16xf32>,
        tpu.vector_store %swap3A_1033[%swap3A_1034], %mul3A_1031 {strides = array<i32>} : memref<864xf32, #tpu.memory_space<vmem>>, vector<16xf32>,
        %get3A_1036 = arith.constant 704 : index
        %get3A_1037 = tpu.vector_load %arg20[%get3A_1036] {strides = array<i32>} : memref<1280xf32, #tpu.memory_space<vmem>>, vector<16xf32>,
        %mul3A_1038 = arith.mulf %get3A_1037, %div3A_684 : vector<16xf32>
        %swap3A_1039 = arith.constant 0 : i32
        %swap3A_1040 = tpu.memref_slice %arg21[%swap3A_1039] : memref<1728xf32, #tpu.memory_space<vmem>> -> memref<864xf32, #tpu.memory_space<vmem>>
        %swap3A_1041 = arith.constant 704 : index
        %swap3A_1042 = tpu.vector_load %swap3A_1040[%swap3A_1041] {strides = array<i32>} : memref<864xf32, #tpu.memory_space<vmem>>, vector<16xf32>,
        tpu.vector_store %swap3A_1040[%swap3A_1041], %mul3A_1038 {strides = array<i32>} : memref<864xf32, #tpu.memory_space<vmem>>, vector<16xf32>,
        %get3A_1043 = arith.constant 720 : index
        %get3A_1044 = tpu.vector_load %arg20[%get3A_1043] {strides = array<i32>} : memref<1280xf32, #tpu.memory_space<vmem>>, vector<16xf32>,
        %mul3A_1045 = arith.mulf %get3A_1044, %div3A_684 : vector<16xf32>
        %swap3A_1046 = arith.constant 0 : i32
        %swap3A_1047 = tpu.memref_slice %arg21[%swap3A_1046] : memref<1728xf32, #tpu.memory_space<vmem>> -> memref<864xf32, #tpu.memory_space<vmem>>
        %swap3A_1048 = arith.constant 720 : index
        %swap3A_1049 = tpu.vector_load %swap3A_1047[%swap3A_1048] {strides = array<i32>} : memref<864xf32, #tpu.memory_space<vmem>>, vector<16xf32>,
        tpu.vector_store %swap3A_1047[%swap3A_1048], %mul3A_1045 {strides = array<i32>} : memref<864xf32, #tpu.memory_space<vmem>>, vector<16xf32>,
        %get3A_1050 = arith.constant 736 : index
        %get3A_1051 = tpu.vector_load %arg20[%get3A_1050] {strides = array<i32>} : memref<1280xf32, #tpu.memory_space<vmem>>, vector<16xf32>,
        %mul3A_1052 = arith.mulf %get3A_1051, %div3A_684 : vector<16xf32>
        %swap3A_1053 = arith.constant 0 : i32
        %swap3A_1054 = tpu.memref_slice %arg21[%swap3A_1053] : memref<1728xf32, #tpu.memory_space<vmem>> -> memref<864xf32, #tpu.memory_space<vmem>>
        %swap3A_1055 = arith.constant 736 : index
        %swap3A_1056 = tpu.vector_load %swap3A_1054[%swap3A_1055] {strides = array<i32>} : memref<864xf32, #tpu.memory_space<vmem>>, vector<16xf32>,
        tpu.vector_store %swap3A_1054[%swap3A_1055], %mul3A_1052 {strides = array<i32>} : memref<864xf32, #tpu.memory_space<vmem>>, vector<16xf32>,
        %get3A_1057 = arith.constant 752 : index
        %get3A_1058 = tpu.vector_load %arg20[%get3A_1057] {strides = array<i32>} : memref<1280xf32, #tpu.memory_space<vmem>>, vector<16xf32>,
        %mul3A_1059 = arith.mulf %get3A_1058, %div3A_684 : vector<16xf32>
        %swap3A_1060 = arith.constant 0 : i32
        %swap3A_1061 = tpu.memref_slice %arg21[%swap3A_1060] : memref<1728xf32, #tpu.memory_space<vmem>> -> memref<864xf32, #tpu.memory_space<vmem>>
        %swap3A_1062 = arith.constant 752 : index
        %swap3A_1063 = tpu.vector_load %swap3A_1061[%swap3A_1062] {strides = array<i32>} : memref<864xf32, #tpu.memory_space<vmem>>, vector<16xf32>,
        tpu.vector_store %swap3A_1061[%swap3A_1062], %mul3A_1059 {strides = array<i32>} : memref<864xf32, #tpu.memory_space<vmem>>, vector<16xf32>,
        %get3A_1064 = arith.constant 768 : index
        %get3A_1065 = tpu.vector_load %arg20[%get3A_1064] {strides = array<i32>} : memref<1280xf32, #tpu.memory_space<vmem>>, vector<16xf32>,
        %mul3A_1066 = arith.mulf %get3A_1065, %div3A_684 : vector<16xf32>
        %swap3A_1067 = arith.constant 0 : i32
        %swap3A_1068 = tpu.memref_slice %arg21[%swap3A_1067] : memref<1728xf32, #tpu.memory_space<vmem>> -> memref<864xf32, #tpu.memory_space<vmem>>
        %swap3A_1069 = arith.constant 768 : index
        %swap3A_1070 = tpu.vector_load %swap3A_1068[%swap3A_1069] {strides = array<i32>} : memref<864xf32, #tpu.memory_space<vmem>>, vector<16xf32>,
        tpu.vector_store %swap3A_1068[%swap3A_1069], %mul3A_1066 {strides = array<i32>} : memref<864xf32, #tpu.memory_space<vmem>>, vector<16xf32>,
        %get3A_1071 = arith.constant 784 : index
        %get3A_1072 = tpu.vector_load %arg20[%get3A_1071] {strides = array<i32>} : memref<1280xf32, #tpu.memory_space<vmem>>, vector<16xf32>,
        %mul3A_1073 = arith.mulf %get3A_1072, %div3A_684 : vector<16xf32>
        %swap3A_1074 = arith.constant 0 : i32
        %swap3A_1075 = tpu.memref_slice %arg21[%swap3A_1074] : memref<1728xf32, #tpu.memory_space<vmem>> -> memref<864xf32, #tpu.memory_space<vmem>>
        %swap3A_1076 = arith.constant 784 : index
        %swap3A_1077 = tpu.vector_load %swap3A_1075[%swap3A_1076] {strides = array<i32>} : memref<864xf32, #tpu.memory_space<vmem>>, vector<16xf32>,
        tpu.vector_store %swap3A_1075[%swap3A_1076], %mul3A_1073 {strides = array<i32>} : memref<864xf32, #tpu.memory_space<vmem>>, vector<16xf32>,
        %get3A_1078 = arith.constant 800 : index
        %get3A_1079 = tpu.vector_load %arg20[%get3A_1078] {strides = array<i32>} : memref<1280xf32, #tpu.memory_space<vmem>>, vector<16xf32>,
        %mul3A_1080 = arith.mulf %get3A_1079, %div3A_684 : vector<16xf32>
        %swap3A_1081 = arith.constant 0 : i32
        %swap3A_1082 = tpu.memref_slice %arg21[%swap3A_1081] : memref<1728xf32, #tpu.memory_space<vmem>> -> memref<864xf32, #tpu.memory_space<vmem>>
        %swap3A_1083 = arith.constant 800 : index
        %swap3A_1084 = tpu.vector_load %swap3A_1082[%swap3A_1083] {strides = array<i32>} : memref<864xf32, #tpu.memory_space<vmem>>, vector<16xf32>,
        tpu.vector_store %swap3A_1082[%swap3A_1083], %mul3A_1080 {strides = array<i32>} : memref<864xf32, #tpu.memory_space<vmem>>, vector<16xf32>,
        %get3A_1085 = arith.constant 816 : index
        %get3A_1086 = tpu.vector_load %arg20[%get3A_1085] {strides = array<i32>} : memref<1280xf32, #tpu.memory_space<vmem>>, vector<16xf32>,
        %mul3A_1087 = arith.mulf %get3A_1086, %div3A_684 : vector<16xf32>
        %swap3A_1088 = arith.constant 0 : i32
        %swap3A_1089 = tpu.memref_slice %arg21[%swap3A_1088] : memref<1728xf32, #tpu.memory_space<vmem>> -> memref<864xf32, #tpu.memory_space<vmem>>
        %swap3A_1090 = arith.constant 816 : index
        %swap3A_1091 = tpu.vector_load %swap3A_1089[%swap3A_1090] {strides = array<i32>} : memref<864xf32, #tpu.memory_space<vmem>>, vector<16xf32>,
        tpu.vector_store %swap3A_1089[%swap3A_1090], %mul3A_1087 {strides = array<i32>} : memref<864xf32, #tpu.memory_space<vmem>>, vector<16xf32>,
        %get3A_1092 = arith.constant 832 : index
        %get3A_1093 = tpu.vector_load %arg20[%get3A_1092] {strides = array<i32>} : memref<1280xf32, #tpu.memory_space<vmem>>, vector<16xf32>,
        %mul3A_1094 = arith.mulf %get3A_1093, %div3A_684 : vector<16xf32>
        %swap3A_1095 = arith.constant 0 : i32
        %swap3A_1096 = tpu.memref_slice %arg21[%swap3A_1095] : memref<1728xf32, #tpu.memory_space<vmem>> -> memref<864xf32, #tpu.memory_space<vmem>>
        %swap3A_1097 = arith.constant 832 : index
        %swap3A_1098 = tpu.vector_load %swap3A_1096[%swap3A_1097] {strides = array<i32>} : memref<864xf32, #tpu.memory_space<vmem>>, vector<16xf32>,
        tpu.vector_store %swap3A_1096[%swap3A_1097], %mul3A_1094 {strides = array<i32>} : memref<864xf32, #tpu.memory_space<vmem>>, vector<16xf32>,
        %get3A_1099 = arith.constant 848 : index
        %get3A_1100 = tpu.vector_load %arg20[%get3A_1099] {strides = array<i32>} : memref<1280xf32, #tpu.memory_space<vmem>>, vector<16xf32>,
        %mul3A_1101 = arith.mulf %get3A_1100, %div3A_684 : vector<16xf32>
        %swap3A_1102 = arith.constant 0 : i32
        %swap3A_1103 = tpu.memref_slice %arg21[%swap3A_1102] : memref<1728xf32, #tpu.memory_space<vmem>> -> memref<864xf32, #tpu.memory_space<vmem>>
        %swap3A_1104 = arith.constant 848 : index
        %swap3A_1105 = tpu.vector_load %swap3A_1103[%swap3A_1104] {strides = array<i32>} : memref<864xf32, #tpu.memory_space<vmem>>, vector<16xf32>,
        tpu.vector_store %swap3A_1103[%swap3A_1104], %mul3A_1101 {strides = array<i32>} : memref<864xf32, #tpu.memory_space<vmem>>, vector<16xf32>,
        %add3A_1106 = arith.addi %mul3A_2, %scan3A_409 : i32
        %mul3A_1107 = arith.constant 864 : i32
        %mul3A_1108 = arith.muli %add3A_1106, %mul3A_1107 : i32
        %dma_start3A = arith.constant 0 : i32
        %dma_start3A_1109 = tpu.memref_slice %arg21[%dma_start3A] : memref<1728xf32, #tpu.memory_space<vmem>> -> memref<864xf32, #tpu.memory_space<vmem>>
        %dma_start3A_1110 = tpu.memref_slice %arg10[%mul3A_1108] : memref<1769472xf32, #tpu.memory_space<hbm>> -> memref<864xf32, #tpu.memory_space<hbm>>
        %dma_start3A_1111 = tpu.memref_slice %arg10[%mul3A_1108] : memref<1769472xf32, #tpu.memory_space<hbm>> -> memref<864xf32, #tpu.memory_space<hbm>>
        %dma_start3A_1112 = arith.constant 0 : i32
        %dma_start3A_1113 = tpu.memref_slice %arg21[%dma_start3A_1112] : memref<1728xf32, #tpu.memory_space<vmem>> -> memref<864xf32, #tpu.memory_space<vmem>>
        tpu.enqueue_dma source(%dma_start3A_1113 : memref<864xf32, #tpu.memory_space<vmem>>) target(%dma_start3A_1111 : memref<864xf32, #tpu.memory_space<hbm>>) target_semaphore(%arg29 : memref<!tpu.dma_semaphore, #tpu.memory_space<semaphore_mem>>)
      } else {
      }
      %jit3A_703 = arith.constant 2 : i32
      %eq3A_704 = arith.constant 0 : i32
      %eq3A_705 = arith.cmpi eq, %jit3A_703, %eq3A_704 : i32
      %jit3A_706 = arith.constant 1 : i32
      %select_n3A_707 = arith.select %eq3A_705, %jit3A_706, %jit3A_703 : i32
      %rem3A_708 = arith.remsi %scan3A_409, %select_n3A_707 : i32
      %ne3A_709 = arith.constant 0 : i32
      %ne3A_710 = arith.cmpi ne, %rem3A_708, %ne3A_709 : i32
      %lt3A_711 = arith.constant 0 : i32
      %lt3A_712 = arith.cmpi slt, %rem3A_708, %lt3A_711 : i32
      %lt3A_713 = arith.constant 0 : i32
      %lt3A_714 = arith.cmpi slt, %select_n3A_707, %lt3A_713 : i32
      %ne3A_715 = arith.xori %lt3A_712, %lt3A_714 : i1
      %and3A_716 = arith.andi %ne3A_715, %ne3A_710 : i1
      %add3A_717 = arith.addi %rem3A_708, %select_n3A_707 : i32
      %select_n3A_718 = arith.select %and3A_716, %add3A_717, %rem3A_708 : i32
      %eq3A_719 = arith.constant 1 : i32
      %eq3A_720 = arith.cmpi eq, %select_n3A_718, %eq3A_719 : i32
      %convert_element_type3A_721 = arith.extui %eq3A_720 : i1 to i32
      %cond3A_722 = arith.constant 0 : i32
      %cond3A_723 = arith.cmpi ne, %convert_element_type3A_721, %cond3A_722 : i32
      scf.if %cond3A_723 {
        %gt3A = arith.constant 1 : i32
        %gt3A_724 = arith.cmpi sgt, %scan3A_409, %gt3A : i32
        %convert_element_type3A_725 = arith.extui %gt3A_724 : i1 to i32
        %cond3A_726 = arith.constant 0 : i32
        %cond3A_727 = arith.cmpi ne, %convert_element_type3A_725, %cond3A_726 : i32
        scf.if %cond3A_727 {
          %add3A_1114 = arith.addi %mul3A_2, %scan3A_409 : i32
          %sub3A_1115 = arith.constant 2 : i32
          %sub3A_1116 = arith.subi %add3A_1114, %sub3A_1115 : i32
          %mul3A_1117 = arith.constant 864 : i32
          %mul3A_1118 = arith.muli %sub3A_1116, %mul3A_1117 : i32
          %dma_wait3A_1119 = arith.constant 864 : i32
          %dma_wait3A_1120 = tpu.memref_slice %arg21[%dma_wait3A_1119] : memref<1728xf32, #tpu.memory_space<vmem>> -> memref<864xf32, #tpu.memory_space<vmem>>
          %dma_wait3A_1121 = tpu.memref_slice %arg10[%mul3A_1118] : memref<1769472xf32, #tpu.memory_space<hbm>> -> memref<864xf32, #tpu.memory_space<hbm>>
          %dma_wait3A_1122 = tpu.memref_slice %arg10[%mul3A_1118] : memref<1769472xf32, #tpu.memory_space<hbm>> -> memref<864xf32, #tpu.memory_space<hbm>>
          %dma_wait3A_1123 = arith.constant 864 : i32
          %dma_wait3A_1124 = tpu.memref_slice %arg21[%dma_wait3A_1123] : memref<1728xf32, #tpu.memory_space<vmem>> -> memref<864xf32, #tpu.memory_space<vmem>>
          tpu.wait_dma2 semaphore(%arg30 : memref<!tpu.dma_semaphore, #tpu.memory_space<semaphore_mem>>) src(%dma_wait3A_1124 : memref<864xf32, #tpu.memory_space<vmem>>) dst(%dma_wait3A_1122 : memref<864xf32, #tpu.memory_space<hbm>>)
        } else {
        }
        %get3A_728 = arith.constant 0 : index
        %get3A_729 = tpu.vector_load %arg20[%get3A_728] {strides = array<i32>} : memref<1280xf32, #tpu.memory_space<vmem>>, vector<16xf32>,
        %mul3A_730 = arith.mulf %get3A_729, %div3A_684 : vector<16xf32>
        %swap3A_731 = arith.constant 864 : i32
        %swap3A_732 = tpu.memref_slice %arg21[%swap3A_731] : memref<1728xf32, #tpu.memory_space<vmem>> -> memref<864xf32, #tpu.memory_space<vmem>>
        %swap3A_733 = arith.constant 0 : index
        %swap3A_734 = tpu.vector_load %swap3A_732[%swap3A_733] {strides = array<i32>} : memref<864xf32, #tpu.memory_space<vmem>>, vector<16xf32>,
        tpu.vector_store %swap3A_732[%swap3A_733], %mul3A_730 {strides = array<i32>} : memref<864xf32, #tpu.memory_space<vmem>>, vector<16xf32>,
        %get3A_735 = arith.constant 16 : index
        %get3A_736 = tpu.vector_load %arg20[%get3A_735] {strides = array<i32>} : memref<1280xf32, #tpu.memory_space<vmem>>, vector<16xf32>,
        %mul3A_737 = arith.mulf %get3A_736, %div3A_684 : vector<16xf32>
        %swap3A_738 = arith.constant 864 : i32
        %swap3A_739 = tpu.memref_slice %arg21[%swap3A_738] : memref<1728xf32, #tpu.memory_space<vmem>> -> memref<864xf32, #tpu.memory_space<vmem>>
        %swap3A_740 = arith.constant 16 : index
        %swap3A_741 = tpu.vector_load %swap3A_739[%swap3A_740] {strides = array<i32>} : memref<864xf32, #tpu.memory_space<vmem>>, vector<16xf32>,
        tpu.vector_store %swap3A_739[%swap3A_740], %mul3A_737 {strides = array<i32>} : memref<864xf32, #tpu.memory_space<vmem>>, vector<16xf32>,
        %get3A_742 = arith.constant 32 : index
        %get3A_743 = tpu.vector_load %arg20[%get3A_742] {strides = array<i32>} : memref<1280xf32, #tpu.memory_space<vmem>>, vector<16xf32>,
        %mul3A_744 = arith.mulf %get3A_743, %div3A_684 : vector<16xf32>
        %swap3A_745 = arith.constant 864 : i32
        %swap3A_746 = tpu.memref_slice %arg21[%swap3A_745] : memref<1728xf32, #tpu.memory_space<vmem>> -> memref<864xf32, #tpu.memory_space<vmem>>
        %swap3A_747 = arith.constant 32 : index
        %swap3A_748 = tpu.vector_load %swap3A_746[%swap3A_747] {strides = array<i32>} : memref<864xf32, #tpu.memory_space<vmem>>, vector<16xf32>,
        tpu.vector_store %swap3A_746[%swap3A_747], %mul3A_744 {strides = array<i32>} : memref<864xf32, #tpu.memory_space<vmem>>, vector<16xf32>,
        %get3A_749 = arith.constant 48 : index
        %get3A_750 = tpu.vector_load %arg20[%get3A_749] {strides = array<i32>} : memref<1280xf32, #tpu.memory_space<vmem>>, vector<16xf32>,
        %mul3A_751 = arith.mulf %get3A_750, %div3A_684 : vector<16xf32>
        %swap3A_752 = arith.constant 864 : i32
        %swap3A_753 = tpu.memref_slice %arg21[%swap3A_752] : memref<1728xf32, #tpu.memory_space<vmem>> -> memref<864xf32, #tpu.memory_space<vmem>>
        %swap3A_754 = arith.constant 48 : index
        %swap3A_755 = tpu.vector_load %swap3A_753[%swap3A_754] {strides = array<i32>} : memref<864xf32, #tpu.memory_space<vmem>>, vector<16xf32>,
        tpu.vector_store %swap3A_753[%swap3A_754], %mul3A_751 {strides = array<i32>} : memref<864xf32, #tpu.memory_space<vmem>>, vector<16xf32>,
        %get3A_756 = arith.constant 64 : index
        %get3A_757 = tpu.vector_load %arg20[%get3A_756] {strides = array<i32>} : memref<1280xf32, #tpu.memory_space<vmem>>, vector<16xf32>,
        %mul3A_758 = arith.mulf %get3A_757, %div3A_684 : vector<16xf32>
        %swap3A_759 = arith.constant 864 : i32
        %swap3A_760 = tpu.memref_slice %arg21[%swap3A_759] : memref<1728xf32, #tpu.memory_space<vmem>> -> memref<864xf32, #tpu.memory_space<vmem>>
        %swap3A_761 = arith.constant 64 : index
        %swap3A_762 = tpu.vector_load %swap3A_760[%swap3A_761] {strides = array<i32>} : memref<864xf32, #tpu.memory_space<vmem>>, vector<16xf32>,
        tpu.vector_store %swap3A_760[%swap3A_761], %mul3A_758 {strides = array<i32>} : memref<864xf32, #tpu.memory_space<vmem>>, vector<16xf32>,
        %get3A_763 = arith.constant 80 : index
        %get3A_764 = tpu.vector_load %arg20[%get3A_763] {strides = array<i32>} : memref<1280xf32, #tpu.memory_space<vmem>>, vector<16xf32>,
        %mul3A_765 = arith.mulf %get3A_764, %div3A_684 : vector<16xf32>
        %swap3A_766 = arith.constant 864 : i32
        %swap3A_767 = tpu.memref_slice %arg21[%swap3A_766] : memref<1728xf32, #tpu.memory_space<vmem>> -> memref<864xf32, #tpu.memory_space<vmem>>
        %swap3A_768 = arith.constant 80 : index
        %swap3A_769 = tpu.vector_load %swap3A_767[%swap3A_768] {strides = array<i32>} : memref<864xf32, #tpu.memory_space<vmem>>, vector<16xf32>,
        tpu.vector_store %swap3A_767[%swap3A_768], %mul3A_765 {strides = array<i32>} : memref<864xf32, #tpu.memory_space<vmem>>, vector<16xf32>,
        %get3A_770 = arith.constant 96 : index
        %get3A_771 = tpu.vector_load %arg20[%get3A_770] {strides = array<i32>} : memref<1280xf32, #tpu.memory_space<vmem>>, vector<16xf32>,
        %mul3A_772 = arith.mulf %get3A_771, %div3A_684 : vector<16xf32>
        %swap3A_773 = arith.constant 864 : i32
        %swap3A_774 = tpu.memref_slice %arg21[%swap3A_773] : memref<1728xf32, #tpu.memory_space<vmem>> -> memref<864xf32, #tpu.memory_space<vmem>>
        %swap3A_775 = arith.constant 96 : index
        %swap3A_776 = tpu.vector_load %swap3A_774[%swap3A_775] {strides = array<i32>} : memref<864xf32, #tpu.memory_space<vmem>>, vector<16xf32>,
        tpu.vector_store %swap3A_774[%swap3A_775], %mul3A_772 {strides = array<i32>} : memref<864xf32, #tpu.memory_space<vmem>>, vector<16xf32>,
        %get3A_777 = arith.constant 112 : index
        %get3A_778 = tpu.vector_load %arg20[%get3A_777] {strides = array<i32>} : memref<1280xf32, #tpu.memory_space<vmem>>, vector<16xf32>,
        %mul3A_779 = arith.mulf %get3A_778, %div3A_684 : vector<16xf32>
        %swap3A_780 = arith.constant 864 : i32
        %swap3A_781 = tpu.memref_slice %arg21[%swap3A_780] : memref<1728xf32, #tpu.memory_space<vmem>> -> memref<864xf32, #tpu.memory_space<vmem>>
        %swap3A_782 = arith.constant 112 : index
        %swap3A_783 = tpu.vector_load %swap3A_781[%swap3A_782] {strides = array<i32>} : memref<864xf32, #tpu.memory_space<vmem>>, vector<16xf32>,
        tpu.vector_store %swap3A_781[%swap3A_782], %mul3A_779 {strides = array<i32>} : memref<864xf32, #tpu.memory_space<vmem>>, vector<16xf32>,
        %get3A_784 = arith.constant 128 : index
        %get3A_785 = tpu.vector_load %arg20[%get3A_784] {strides = array<i32>} : memref<1280xf32, #tpu.memory_space<vmem>>, vector<16xf32>,
        %mul3A_786 = arith.mulf %get3A_785, %div3A_684 : vector<16xf32>
        %swap3A_787 = arith.constant 864 : i32
        %swap3A_788 = tpu.memref_slice %arg21[%swap3A_787] : memref<1728xf32, #tpu.memory_space<vmem>> -> memref<864xf32, #tpu.memory_space<vmem>>
        %swap3A_789 = arith.constant 128 : index
        %swap3A_790 = tpu.vector_load %swap3A_788[%swap3A_789] {strides = array<i32>} : memref<864xf32, #tpu.memory_space<vmem>>, vector<16xf32>,
        tpu.vector_store %swap3A_788[%swap3A_789], %mul3A_786 {strides = array<i32>} : memref<864xf32, #tpu.memory_space<vmem>>, vector<16xf32>,
        %get3A_791 = arith.constant 144 : index
        %get3A_792 = tpu.vector_load %arg20[%get3A_791] {strides = array<i32>} : memref<1280xf32, #tpu.memory_space<vmem>>, vector<16xf32>,
        %mul3A_793 = arith.mulf %get3A_792, %div3A_684 : vector<16xf32>
        %swap3A_794 = arith.constant 864 : i32
        %swap3A_795 = tpu.memref_slice %arg21[%swap3A_794] : memref<1728xf32, #tpu.memory_space<vmem>> -> memref<864xf32, #tpu.memory_space<vmem>>
        %swap3A_796 = arith.constant 144 : index
        %swap3A_797 = tpu.vector_load %swap3A_795[%swap3A_796] {strides = array<i32>} : memref<864xf32, #tpu.memory_space<vmem>>, vector<16xf32>,
        tpu.vector_store %swap3A_795[%swap3A_796], %mul3A_793 {strides = array<i32>} : memref<864xf32, #tpu.memory_space<vmem>>, vector<16xf32>,
        %get3A_798 = arith.constant 160 : index
        %get3A_799 = tpu.vector_load %arg20[%get3A_798] {strides = array<i32>} : memref<1280xf32, #tpu.memory_space<vmem>>, vector<16xf32>,
        %mul3A_800 = arith.mulf %get3A_799, %div3A_684 : vector<16xf32>
        %swap3A_801 = arith.constant 864 : i32
        %swap3A_802 = tpu.memref_slice %arg21[%swap3A_801] : memref<1728xf32, #tpu.memory_space<vmem>> -> memref<864xf32, #tpu.memory_space<vmem>>
        %swap3A_803 = arith.constant 160 : index
        %swap3A_804 = tpu.vector_load %swap3A_802[%swap3A_803] {strides = array<i32>} : memref<864xf32, #tpu.memory_space<vmem>>, vector<16xf32>,
        tpu.vector_store %swap3A_802[%swap3A_803], %mul3A_800 {strides = array<i32>} : memref<864xf32, #tpu.memory_space<vmem>>, vector<16xf32>,
        %get3A_805 = arith.constant 176 : index
        %get3A_806 = tpu.vector_load %arg20[%get3A_805] {strides = array<i32>} : memref<1280xf32, #tpu.memory_space<vmem>>, vector<16xf32>,
        %mul3A_807 = arith.mulf %get3A_806, %div3A_684 : vector<16xf32>
        %swap3A_808 = arith.constant 864 : i32
        %swap3A_809 = tpu.memref_slice %arg21[%swap3A_808] : memref<1728xf32, #tpu.memory_space<vmem>> -> memref<864xf32, #tpu.memory_space<vmem>>
        %swap3A_810 = arith.constant 176 : index
        %swap3A_811 = tpu.vector_load %swap3A_809[%swap3A_810] {strides = array<i32>} : memref<864xf32, #tpu.memory_space<vmem>>, vector<16xf32>,
        tpu.vector_store %swap3A_809[%swap3A_810], %mul3A_807 {strides = array<i32>} : memref<864xf32, #tpu.memory_space<vmem>>, vector<16xf32>,
        %get3A_812 = arith.constant 192 : index
        %get3A_813 = tpu.vector_load %arg20[%get3A_812] {strides = array<i32>} : memref<1280xf32, #tpu.memory_space<vmem>>, vector<16xf32>,
        %mul3A_814 = arith.mulf %get3A_813, %div3A_684 : vector<16xf32>
        %swap3A_815 = arith.constant 864 : i32
        %swap3A_816 = tpu.memref_slice %arg21[%swap3A_815] : memref<1728xf32, #tpu.memory_space<vmem>> -> memref<864xf32, #tpu.memory_space<vmem>>
        %swap3A_817 = arith.constant 192 : index
        %swap3A_818 = tpu.vector_load %swap3A_816[%swap3A_817] {strides = array<i32>} : memref<864xf32, #tpu.memory_space<vmem>>, vector<16xf32>,
        tpu.vector_store %swap3A_816[%swap3A_817], %mul3A_814 {strides = array<i32>} : memref<864xf32, #tpu.memory_space<vmem>>, vector<16xf32>,
        %get3A_819 = arith.constant 208 : index
        %get3A_820 = tpu.vector_load %arg20[%get3A_819] {strides = array<i32>} : memref<1280xf32, #tpu.memory_space<vmem>>, vector<16xf32>,
        %mul3A_821 = arith.mulf %get3A_820, %div3A_684 : vector<16xf32>
        %swap3A_822 = arith.constant 864 : i32
        %swap3A_823 = tpu.memref_slice %arg21[%swap3A_822] : memref<1728xf32, #tpu.memory_space<vmem>> -> memref<864xf32, #tpu.memory_space<vmem>>
        %swap3A_824 = arith.constant 208 : index
        %swap3A_825 = tpu.vector_load %swap3A_823[%swap3A_824] {strides = array<i32>} : memref<864xf32, #tpu.memory_space<vmem>>, vector<16xf32>,
        tpu.vector_store %swap3A_823[%swap3A_824], %mul3A_821 {strides = array<i32>} : memref<864xf32, #tpu.memory_space<vmem>>, vector<16xf32>,
        %get3A_826 = arith.constant 224 : index
        %get3A_827 = tpu.vector_load %arg20[%get3A_826] {strides = array<i32>} : memref<1280xf32, #tpu.memory_space<vmem>>, vector<16xf32>,
        %mul3A_828 = arith.mulf %get3A_827, %div3A_684 : vector<16xf32>
        %swap3A_829 = arith.constant 864 : i32
        %swap3A_830 = tpu.memref_slice %arg21[%swap3A_829] : memref<1728xf32, #tpu.memory_space<vmem>> -> memref<864xf32, #tpu.memory_space<vmem>>
        %swap3A_831 = arith.constant 224 : index
        %swap3A_832 = tpu.vector_load %swap3A_830[%swap3A_831] {strides = array<i32>} : memref<864xf32, #tpu.memory_space<vmem>>, vector<16xf32>,
        tpu.vector_store %swap3A_830[%swap3A_831], %mul3A_828 {strides = array<i32>} : memref<864xf32, #tpu.memory_space<vmem>>, vector<16xf32>,
        %get3A_833 = arith.constant 240 : index
        %get3A_834 = tpu.vector_load %arg20[%get3A_833] {strides = array<i32>} : memref<1280xf32, #tpu.memory_space<vmem>>, vector<16xf32>,
        %mul3A_835 = arith.mulf %get3A_834, %div3A_684 : vector<16xf32>
        %swap3A_836 = arith.constant 864 : i32
        %swap3A_837 = tpu.memref_slice %arg21[%swap3A_836] : memref<1728xf32, #tpu.memory_space<vmem>> -> memref<864xf32, #tpu.memory_space<vmem>>
        %swap3A_838 = arith.constant 240 : index
        %swap3A_839 = tpu.vector_load %swap3A_837[%swap3A_838] {strides = array<i32>} : memref<864xf32, #tpu.memory_space<vmem>>, vector<16xf32>,
        tpu.vector_store %swap3A_837[%swap3A_838], %mul3A_835 {strides = array<i32>} : memref<864xf32, #tpu.memory_space<vmem>>, vector<16xf32>,
        %get3A_840 = arith.constant 256 : index
        %get3A_841 = tpu.vector_load %arg20[%get3A_840] {strides = array<i32>} : memref<1280xf32, #tpu.memory_space<vmem>>, vector<16xf32>,
        %mul3A_842 = arith.mulf %get3A_841, %div3A_684 : vector<16xf32>
        %swap3A_843 = arith.constant 864 : i32
        %swap3A_844 = tpu.memref_slice %arg21[%swap3A_843] : memref<1728xf32, #tpu.memory_space<vmem>> -> memref<864xf32, #tpu.memory_space<vmem>>
        %swap3A_845 = arith.constant 256 : index
        %swap3A_846 = tpu.vector_load %swap3A_844[%swap3A_845] {strides = array<i32>} : memref<864xf32, #tpu.memory_space<vmem>>, vector<16xf32>,
        tpu.vector_store %swap3A_844[%swap3A_845], %mul3A_842 {strides = array<i32>} : memref<864xf32, #tpu.memory_space<vmem>>, vector<16xf32>,
        %get3A_847 = arith.constant 272 : index
        %get3A_848 = tpu.vector_load %arg20[%get3A_847] {strides = array<i32>} : memref<1280xf32, #tpu.memory_space<vmem>>, vector<16xf32>,
        %mul3A_849 = arith.mulf %get3A_848, %div3A_684 : vector<16xf32>
        %swap3A_850 = arith.constant 864 : i32
        %swap3A_851 = tpu.memref_slice %arg21[%swap3A_850] : memref<1728xf32, #tpu.memory_space<vmem>> -> memref<864xf32, #tpu.memory_space<vmem>>
        %swap3A_852 = arith.constant 272 : index
        %swap3A_853 = tpu.vector_load %swap3A_851[%swap3A_852] {strides = array<i32>} : memref<864xf32, #tpu.memory_space<vmem>>, vector<16xf32>,
        tpu.vector_store %swap3A_851[%swap3A_852], %mul3A_849 {strides = array<i32>} : memref<864xf32, #tpu.memory_space<vmem>>, vector<16xf32>,
        %get3A_854 = arith.constant 288 : index
        %get3A_855 = tpu.vector_load %arg20[%get3A_854] {strides = array<i32>} : memref<1280xf32, #tpu.memory_space<vmem>>, vector<16xf32>,
        %mul3A_856 = arith.mulf %get3A_855, %div3A_684 : vector<16xf32>
        %swap3A_857 = arith.constant 864 : i32
        %swap3A_858 = tpu.memref_slice %arg21[%swap3A_857] : memref<1728xf32, #tpu.memory_space<vmem>> -> memref<864xf32, #tpu.memory_space<vmem>>
        %swap3A_859 = arith.constant 288 : index
        %swap3A_860 = tpu.vector_load %swap3A_858[%swap3A_859] {strides = array<i32>} : memref<864xf32, #tpu.memory_space<vmem>>, vector<16xf32>,
        tpu.vector_store %swap3A_858[%swap3A_859], %mul3A_856 {strides = array<i32>} : memref<864xf32, #tpu.memory_space<vmem>>, vector<16xf32>,
        %get3A_861 = arith.constant 304 : index
        %get3A_862 = tpu.vector_load %arg20[%get3A_861] {strides = array<i32>} : memref<1280xf32, #tpu.memory_space<vmem>>, vector<16xf32>,
        %mul3A_863 = arith.mulf %get3A_862, %div3A_684 : vector<16xf32>
        %swap3A_864 = arith.constant 864 : i32
        %swap3A_865 = tpu.memref_slice %arg21[%swap3A_864] : memref<1728xf32, #tpu.memory_space<vmem>> -> memref<864xf32, #tpu.memory_space<vmem>>
        %swap3A_866 = arith.constant 304 : index
        %swap3A_867 = tpu.vector_load %swap3A_865[%swap3A_866] {strides = array<i32>} : memref<864xf32, #tpu.memory_space<vmem>>, vector<16xf32>,
        tpu.vector_store %swap3A_865[%swap3A_866], %mul3A_863 {strides = array<i32>} : memref<864xf32, #tpu.memory_space<vmem>>, vector<16xf32>,
        %get3A_868 = arith.constant 320 : index
        %get3A_869 = tpu.vector_load %arg20[%get3A_868] {strides = array<i32>} : memref<1280xf32, #tpu.memory_space<vmem>>, vector<16xf32>,
        %mul3A_870 = arith.mulf %get3A_869, %div3A_684 : vector<16xf32>
        %swap3A_871 = arith.constant 864 : i32
        %swap3A_872 = tpu.memref_slice %arg21[%swap3A_871] : memref<1728xf32, #tpu.memory_space<vmem>> -> memref<864xf32, #tpu.memory_space<vmem>>
        %swap3A_873 = arith.constant 320 : index
        %swap3A_874 = tpu.vector_load %swap3A_872[%swap3A_873] {strides = array<i32>} : memref<864xf32, #tpu.memory_space<vmem>>, vector<16xf32>,
        tpu.vector_store %swap3A_872[%swap3A_873], %mul3A_870 {strides = array<i32>} : memref<864xf32, #tpu.memory_space<vmem>>, vector<16xf32>,
        %get3A_875 = arith.constant 336 : index
        %get3A_876 = tpu.vector_load %arg20[%get3A_875] {strides = array<i32>} : memref<1280xf32, #tpu.memory_space<vmem>>, vector<16xf32>,
        %mul3A_877 = arith.mulf %get3A_876, %div3A_684 : vector<16xf32>
        %swap3A_878 = arith.constant 864 : i32
        %swap3A_879 = tpu.memref_slice %arg21[%swap3A_878] : memref<1728xf32, #tpu.memory_space<vmem>> -> memref<864xf32, #tpu.memory_space<vmem>>
        %swap3A_880 = arith.constant 336 : index
        %swap3A_881 = tpu.vector_load %swap3A_879[%swap3A_880] {strides = array<i32>} : memref<864xf32, #tpu.memory_space<vmem>>, vector<16xf32>,
        tpu.vector_store %swap3A_879[%swap3A_880], %mul3A_877 {strides = array<i32>} : memref<864xf32, #tpu.memory_space<vmem>>, vector<16xf32>,
        %get3A_882 = arith.constant 352 : index
        %get3A_883 = tpu.vector_load %arg20[%get3A_882] {strides = array<i32>} : memref<1280xf32, #tpu.memory_space<vmem>>, vector<16xf32>,
        %mul3A_884 = arith.mulf %get3A_883, %div3A_684 : vector<16xf32>
        %swap3A_885 = arith.constant 864 : i32
        %swap3A_886 = tpu.memref_slice %arg21[%swap3A_885] : memref<1728xf32, #tpu.memory_space<vmem>> -> memref<864xf32, #tpu.memory_space<vmem>>
        %swap3A_887 = arith.constant 352 : index
        %swap3A_888 = tpu.vector_load %swap3A_886[%swap3A_887] {strides = array<i32>} : memref<864xf32, #tpu.memory_space<vmem>>, vector<16xf32>,
        tpu.vector_store %swap3A_886[%swap3A_887], %mul3A_884 {strides = array<i32>} : memref<864xf32, #tpu.memory_space<vmem>>, vector<16xf32>,
        %get3A_889 = arith.constant 368 : index
        %get3A_890 = tpu.vector_load %arg20[%get3A_889] {strides = array<i32>} : memref<1280xf32, #tpu.memory_space<vmem>>, vector<16xf32>,
        %mul3A_891 = arith.mulf %get3A_890, %div3A_684 : vector<16xf32>
        %swap3A_892 = arith.constant 864 : i32
        %swap3A_893 = tpu.memref_slice %arg21[%swap3A_892] : memref<1728xf32, #tpu.memory_space<vmem>> -> memref<864xf32, #tpu.memory_space<vmem>>
        %swap3A_894 = arith.constant 368 : index
        %swap3A_895 = tpu.vector_load %swap3A_893[%swap3A_894] {strides = array<i32>} : memref<864xf32, #tpu.memory_space<vmem>>, vector<16xf32>,
        tpu.vector_store %swap3A_893[%swap3A_894], %mul3A_891 {strides = array<i32>} : memref<864xf32, #tpu.memory_space<vmem>>, vector<16xf32>,
        %get3A_896 = arith.constant 384 : index
        %get3A_897 = tpu.vector_load %arg20[%get3A_896] {strides = array<i32>} : memref<1280xf32, #tpu.memory_space<vmem>>, vector<16xf32>,
        %mul3A_898 = arith.mulf %get3A_897, %div3A_684 : vector<16xf32>
        %swap3A_899 = arith.constant 864 : i32
        %swap3A_900 = tpu.memref_slice %arg21[%swap3A_899] : memref<1728xf32, #tpu.memory_space<vmem>> -> memref<864xf32, #tpu.memory_space<vmem>>
        %swap3A_901 = arith.constant 384 : index
        %swap3A_902 = tpu.vector_load %swap3A_900[%swap3A_901] {strides = array<i32>} : memref<864xf32, #tpu.memory_space<vmem>>, vector<16xf32>,
        tpu.vector_store %swap3A_900[%swap3A_901], %mul3A_898 {strides = array<i32>} : memref<864xf32, #tpu.memory_space<vmem>>, vector<16xf32>,
        %get3A_903 = arith.constant 400 : index
        %get3A_904 = tpu.vector_load %arg20[%get3A_903] {strides = array<i32>} : memref<1280xf32, #tpu.memory_space<vmem>>, vector<16xf32>,
        %mul3A_905 = arith.mulf %get3A_904, %div3A_684 : vector<16xf32>
        %swap3A_906 = arith.constant 864 : i32
        %swap3A_907 = tpu.memref_slice %arg21[%swap3A_906] : memref<1728xf32, #tpu.memory_space<vmem>> -> memref<864xf32, #tpu.memory_space<vmem>>
        %swap3A_908 = arith.constant 400 : index
        %swap3A_909 = tpu.vector_load %swap3A_907[%swap3A_908] {strides = array<i32>} : memref<864xf32, #tpu.memory_space<vmem>>, vector<16xf32>,
        tpu.vector_store %swap3A_907[%swap3A_908], %mul3A_905 {strides = array<i32>} : memref<864xf32, #tpu.memory_space<vmem>>, vector<16xf32>,
        %get3A_910 = arith.constant 416 : index
        %get3A_911 = tpu.vector_load %arg20[%get3A_910] {strides = array<i32>} : memref<1280xf32, #tpu.memory_space<vmem>>, vector<16xf32>,
        %mul3A_912 = arith.mulf %get3A_911, %div3A_684 : vector<16xf32>
        %swap3A_913 = arith.constant 864 : i32
        %swap3A_914 = tpu.memref_slice %arg21[%swap3A_913] : memref<1728xf32, #tpu.memory_space<vmem>> -> memref<864xf32, #tpu.memory_space<vmem>>
        %swap3A_915 = arith.constant 416 : index
        %swap3A_916 = tpu.vector_load %swap3A_914[%swap3A_915] {strides = array<i32>} : memref<864xf32, #tpu.memory_space<vmem>>, vector<16xf32>,
        tpu.vector_store %swap3A_914[%swap3A_915], %mul3A_912 {strides = array<i32>} : memref<864xf32, #tpu.memory_space<vmem>>, vector<16xf32>,
        %get3A_917 = arith.constant 432 : index
        %get3A_918 = tpu.vector_load %arg20[%get3A_917] {strides = array<i32>} : memref<1280xf32, #tpu.memory_space<vmem>>, vector<16xf32>,
        %mul3A_919 = arith.mulf %get3A_918, %div3A_684 : vector<16xf32>
        %swap3A_920 = arith.constant 864 : i32
        %swap3A_921 = tpu.memref_slice %arg21[%swap3A_920] : memref<1728xf32, #tpu.memory_space<vmem>> -> memref<864xf32, #tpu.memory_space<vmem>>
        %swap3A_922 = arith.constant 432 : index
        %swap3A_923 = tpu.vector_load %swap3A_921[%swap3A_922] {strides = array<i32>} : memref<864xf32, #tpu.memory_space<vmem>>, vector<16xf32>,
        tpu.vector_store %swap3A_921[%swap3A_922], %mul3A_919 {strides = array<i32>} : memref<864xf32, #tpu.memory_space<vmem>>, vector<16xf32>,
        %get3A_924 = arith.constant 448 : index
        %get3A_925 = tpu.vector_load %arg20[%get3A_924] {strides = array<i32>} : memref<1280xf32, #tpu.memory_space<vmem>>, vector<16xf32>,
        %mul3A_926 = arith.mulf %get3A_925, %div3A_684 : vector<16xf32>
        %swap3A_927 = arith.constant 864 : i32
        %swap3A_928 = tpu.memref_slice %arg21[%swap3A_927] : memref<1728xf32, #tpu.memory_space<vmem>> -> memref<864xf32, #tpu.memory_space<vmem>>
        %swap3A_929 = arith.constant 448 : index
        %swap3A_930 = tpu.vector_load %swap3A_928[%swap3A_929] {strides = array<i32>} : memref<864xf32, #tpu.memory_space<vmem>>, vector<16xf32>,
        tpu.vector_store %swap3A_928[%swap3A_929], %mul3A_926 {strides = array<i32>} : memref<864xf32, #tpu.memory_space<vmem>>, vector<16xf32>,
        %get3A_931 = arith.constant 464 : index
        %get3A_932 = tpu.vector_load %arg20[%get3A_931] {strides = array<i32>} : memref<1280xf32, #tpu.memory_space<vmem>>, vector<16xf32>,
        %mul3A_933 = arith.mulf %get3A_932, %div3A_684 : vector<16xf32>
        %swap3A_934 = arith.constant 864 : i32
        %swap3A_935 = tpu.memref_slice %arg21[%swap3A_934] : memref<1728xf32, #tpu.memory_space<vmem>> -> memref<864xf32, #tpu.memory_space<vmem>>
        %swap3A_936 = arith.constant 464 : index
        %swap3A_937 = tpu.vector_load %swap3A_935[%swap3A_936] {strides = array<i32>} : memref<864xf32, #tpu.memory_space<vmem>>, vector<16xf32>,
        tpu.vector_store %swap3A_935[%swap3A_936], %mul3A_933 {strides = array<i32>} : memref<864xf32, #tpu.memory_space<vmem>>, vector<16xf32>,
        %get3A_938 = arith.constant 480 : index
        %get3A_939 = tpu.vector_load %arg20[%get3A_938] {strides = array<i32>} : memref<1280xf32, #tpu.memory_space<vmem>>, vector<16xf32>,
        %mul3A_940 = arith.mulf %get3A_939, %div3A_684 : vector<16xf32>
        %swap3A_941 = arith.constant 864 : i32
        %swap3A_942 = tpu.memref_slice %arg21[%swap3A_941] : memref<1728xf32, #tpu.memory_space<vmem>> -> memref<864xf32, #tpu.memory_space<vmem>>
        %swap3A_943 = arith.constant 480 : index
        %swap3A_944 = tpu.vector_load %swap3A_942[%swap3A_943] {strides = array<i32>} : memref<864xf32, #tpu.memory_space<vmem>>, vector<16xf32>,
        tpu.vector_store %swap3A_942[%swap3A_943], %mul3A_940 {strides = array<i32>} : memref<864xf32, #tpu.memory_space<vmem>>, vector<16xf32>,
        %get3A_945 = arith.constant 496 : index
        %get3A_946 = tpu.vector_load %arg20[%get3A_945] {strides = array<i32>} : memref<1280xf32, #tpu.memory_space<vmem>>, vector<16xf32>,
        %mul3A_947 = arith.mulf %get3A_946, %div3A_684 : vector<16xf32>
        %swap3A_948 = arith.constant 864 : i32
        %swap3A_949 = tpu.memref_slice %arg21[%swap3A_948] : memref<1728xf32, #tpu.memory_space<vmem>> -> memref<864xf32, #tpu.memory_space<vmem>>
        %swap3A_950 = arith.constant 496 : index
        %swap3A_951 = tpu.vector_load %swap3A_949[%swap3A_950] {strides = array<i32>} : memref<864xf32, #tpu.memory_space<vmem>>, vector<16xf32>,
        tpu.vector_store %swap3A_949[%swap3A_950], %mul3A_947 {strides = array<i32>} : memref<864xf32, #tpu.memory_space<vmem>>, vector<16xf32>,
        %get3A_952 = arith.constant 512 : index
        %get3A_953 = tpu.vector_load %arg20[%get3A_952] {strides = array<i32>} : memref<1280xf32, #tpu.memory_space<vmem>>, vector<16xf32>,
        %mul3A_954 = arith.mulf %get3A_953, %div3A_684 : vector<16xf32>
        %swap3A_955 = arith.constant 864 : i32
        %swap3A_956 = tpu.memref_slice %arg21[%swap3A_955] : memref<1728xf32, #tpu.memory_space<vmem>> -> memref<864xf32, #tpu.memory_space<vmem>>
        %swap3A_957 = arith.constant 512 : index
        %swap3A_958 = tpu.vector_load %swap3A_956[%swap3A_957] {strides = array<i32>} : memref<864xf32, #tpu.memory_space<vmem>>, vector<16xf32>,
        tpu.vector_store %swap3A_956[%swap3A_957], %mul3A_954 {strides = array<i32>} : memref<864xf32, #tpu.memory_space<vmem>>, vector<16xf32>,
        %get3A_959 = arith.constant 528 : index
        %get3A_960 = tpu.vector_load %arg20[%get3A_959] {strides = array<i32>} : memref<1280xf32, #tpu.memory_space<vmem>>, vector<16xf32>,
        %mul3A_961 = arith.mulf %get3A_960, %div3A_684 : vector<16xf32>
        %swap3A_962 = arith.constant 864 : i32
        %swap3A_963 = tpu.memref_slice %arg21[%swap3A_962] : memref<1728xf32, #tpu.memory_space<vmem>> -> memref<864xf32, #tpu.memory_space<vmem>>
        %swap3A_964 = arith.constant 528 : index
        %swap3A_965 = tpu.vector_load %swap3A_963[%swap3A_964] {strides = array<i32>} : memref<864xf32, #tpu.memory_space<vmem>>, vector<16xf32>,
        tpu.vector_store %swap3A_963[%swap3A_964], %mul3A_961 {strides = array<i32>} : memref<864xf32, #tpu.memory_space<vmem>>, vector<16xf32>,
        %get3A_966 = arith.constant 544 : index
        %get3A_967 = tpu.vector_load %arg20[%get3A_966] {strides = array<i32>} : memref<1280xf32, #tpu.memory_space<vmem>>, vector<16xf32>,
        %mul3A_968 = arith.mulf %get3A_967, %div3A_684 : vector<16xf32>
        %swap3A_969 = arith.constant 864 : i32
        %swap3A_970 = tpu.memref_slice %arg21[%swap3A_969] : memref<1728xf32, #tpu.memory_space<vmem>> -> memref<864xf32, #tpu.memory_space<vmem>>
        %swap3A_971 = arith.constant 544 : index
        %swap3A_972 = tpu.vector_load %swap3A_970[%swap3A_971] {strides = array<i32>} : memref<864xf32, #tpu.memory_space<vmem>>, vector<16xf32>,
        tpu.vector_store %swap3A_970[%swap3A_971], %mul3A_968 {strides = array<i32>} : memref<864xf32, #tpu.memory_space<vmem>>, vector<16xf32>,
        %get3A_973 = arith.constant 560 : index
        %get3A_974 = tpu.vector_load %arg20[%get3A_973] {strides = array<i32>} : memref<1280xf32, #tpu.memory_space<vmem>>, vector<16xf32>,
        %mul3A_975 = arith.mulf %get3A_974, %div3A_684 : vector<16xf32>
        %swap3A_976 = arith.constant 864 : i32
        %swap3A_977 = tpu.memref_slice %arg21[%swap3A_976] : memref<1728xf32, #tpu.memory_space<vmem>> -> memref<864xf32, #tpu.memory_space<vmem>>
        %swap3A_978 = arith.constant 560 : index
        %swap3A_979 = tpu.vector_load %swap3A_977[%swap3A_978] {strides = array<i32>} : memref<864xf32, #tpu.memory_space<vmem>>, vector<16xf32>,
        tpu.vector_store %swap3A_977[%swap3A_978], %mul3A_975 {strides = array<i32>} : memref<864xf32, #tpu.memory_space<vmem>>, vector<16xf32>,
        %get3A_980 = arith.constant 576 : index
        %get3A_981 = tpu.vector_load %arg20[%get3A_980] {strides = array<i32>} : memref<1280xf32, #tpu.memory_space<vmem>>, vector<16xf32>,
        %mul3A_982 = arith.mulf %get3A_981, %div3A_684 : vector<16xf32>
        %swap3A_983 = arith.constant 864 : i32
        %swap3A_984 = tpu.memref_slice %arg21[%swap3A_983] : memref<1728xf32, #tpu.memory_space<vmem>> -> memref<864xf32, #tpu.memory_space<vmem>>
        %swap3A_985 = arith.constant 576 : index
        %swap3A_986 = tpu.vector_load %swap3A_984[%swap3A_985] {strides = array<i32>} : memref<864xf32, #tpu.memory_space<vmem>>, vector<16xf32>,
        tpu.vector_store %swap3A_984[%swap3A_985], %mul3A_982 {strides = array<i32>} : memref<864xf32, #tpu.memory_space<vmem>>, vector<16xf32>,
        %get3A_987 = arith.constant 592 : index
        %get3A_988 = tpu.vector_load %arg20[%get3A_987] {strides = array<i32>} : memref<1280xf32, #tpu.memory_space<vmem>>, vector<16xf32>,
        %mul3A_989 = arith.mulf %get3A_988, %div3A_684 : vector<16xf32>
        %swap3A_990 = arith.constant 864 : i32
        %swap3A_991 = tpu.memref_slice %arg21[%swap3A_990] : memref<1728xf32, #tpu.memory_space<vmem>> -> memref<864xf32, #tpu.memory_space<vmem>>
        %swap3A_992 = arith.constant 592 : index
        %swap3A_993 = tpu.vector_load %swap3A_991[%swap3A_992] {strides = array<i32>} : memref<864xf32, #tpu.memory_space<vmem>>, vector<16xf32>,
        tpu.vector_store %swap3A_991[%swap3A_992], %mul3A_989 {strides = array<i32>} : memref<864xf32, #tpu.memory_space<vmem>>, vector<16xf32>,
        %get3A_994 = arith.constant 608 : index
        %get3A_995 = tpu.vector_load %arg20[%get3A_994] {strides = array<i32>} : memref<1280xf32, #tpu.memory_space<vmem>>, vector<16xf32>,
        %mul3A_996 = arith.mulf %get3A_995, %div3A_684 : vector<16xf32>
        %swap3A_997 = arith.constant 864 : i32
        %swap3A_998 = tpu.memref_slice %arg21[%swap3A_997] : memref<1728xf32, #tpu.memory_space<vmem>> -> memref<864xf32, #tpu.memory_space<vmem>>
        %swap3A_999 = arith.constant 608 : index
        %swap3A_1000 = tpu.vector_load %swap3A_998[%swap3A_999] {strides = array<i32>} : memref<864xf32, #tpu.memory_space<vmem>>, vector<16xf32>,
        tpu.vector_store %swap3A_998[%swap3A_999], %mul3A_996 {strides = array<i32>} : memref<864xf32, #tpu.memory_space<vmem>>, vector<16xf32>,
        %get3A_1001 = arith.constant 624 : index
        %get3A_1002 = tpu.vector_load %arg20[%get3A_1001] {strides = array<i32>} : memref<1280xf32, #tpu.memory_space<vmem>>, vector<16xf32>,
        %mul3A_1003 = arith.mulf %get3A_1002, %div3A_684 : vector<16xf32>
        %swap3A_1004 = arith.constant 864 : i32
        %swap3A_1005 = tpu.memref_slice %arg21[%swap3A_1004] : memref<1728xf32, #tpu.memory_space<vmem>> -> memref<864xf32, #tpu.memory_space<vmem>>
        %swap3A_1006 = arith.constant 624 : index
        %swap3A_1007 = tpu.vector_load %swap3A_1005[%swap3A_1006] {strides = array<i32>} : memref<864xf32, #tpu.memory_space<vmem>>, vector<16xf32>,
        tpu.vector_store %swap3A_1005[%swap3A_1006], %mul3A_1003 {strides = array<i32>} : memref<864xf32, #tpu.memory_space<vmem>>, vector<16xf32>,
        %get3A_1008 = arith.constant 640 : index
        %get3A_1009 = tpu.vector_load %arg20[%get3A_1008] {strides = array<i32>} : memref<1280xf32, #tpu.memory_space<vmem>>, vector<16xf32>,
        %mul3A_1010 = arith.mulf %get3A_1009, %div3A_684 : vector<16xf32>
        %swap3A_1011 = arith.constant 864 : i32
        %swap3A_1012 = tpu.memref_slice %arg21[%swap3A_1011] : memref<1728xf32, #tpu.memory_space<vmem>> -> memref<864xf32, #tpu.memory_space<vmem>>
        %swap3A_1013 = arith.constant 640 : index
        %swap3A_1014 = tpu.vector_load %swap3A_1012[%swap3A_1013] {strides = array<i32>} : memref<864xf32, #tpu.memory_space<vmem>>, vector<16xf32>,
        tpu.vector_store %swap3A_1012[%swap3A_1013], %mul3A_1010 {strides = array<i32>} : memref<864xf32, #tpu.memory_space<vmem>>, vector<16xf32>,
        %get3A_1015 = arith.constant 656 : index
        %get3A_1016 = tpu.vector_load %arg20[%get3A_1015] {strides = array<i32>} : memref<1280xf32, #tpu.memory_space<vmem>>, vector<16xf32>,
        %mul3A_1017 = arith.mulf %get3A_1016, %div3A_684 : vector<16xf32>
        %swap3A_1018 = arith.constant 864 : i32
        %swap3A_1019 = tpu.memref_slice %arg21[%swap3A_1018] : memref<1728xf32, #tpu.memory_space<vmem>> -> memref<864xf32, #tpu.memory_space<vmem>>
        %swap3A_1020 = arith.constant 656 : index
        %swap3A_1021 = tpu.vector_load %swap3A_1019[%swap3A_1020] {strides = array<i32>} : memref<864xf32, #tpu.memory_space<vmem>>, vector<16xf32>,
        tpu.vector_store %swap3A_1019[%swap3A_1020], %mul3A_1017 {strides = array<i32>} : memref<864xf32, #tpu.memory_space<vmem>>, vector<16xf32>,
        %get3A_1022 = arith.constant 672 : index
        %get3A_1023 = tpu.vector_load %arg20[%get3A_1022] {strides = array<i32>} : memref<1280xf32, #tpu.memory_space<vmem>>, vector<16xf32>,
        %mul3A_1024 = arith.mulf %get3A_1023, %div3A_684 : vector<16xf32>
        %swap3A_1025 = arith.constant 864 : i32
        %swap3A_1026 = tpu.memref_slice %arg21[%swap3A_1025] : memref<1728xf32, #tpu.memory_space<vmem>> -> memref<864xf32, #tpu.memory_space<vmem>>
        %swap3A_1027 = arith.constant 672 : index
        %swap3A_1028 = tpu.vector_load %swap3A_1026[%swap3A_1027] {strides = array<i32>} : memref<864xf32, #tpu.memory_space<vmem>>, vector<16xf32>,
        tpu.vector_store %swap3A_1026[%swap3A_1027], %mul3A_1024 {strides = array<i32>} : memref<864xf32, #tpu.memory_space<vmem>>, vector<16xf32>,
        %get3A_1029 = arith.constant 688 : index
        %get3A_1030 = tpu.vector_load %arg20[%get3A_1029] {strides = array<i32>} : memref<1280xf32, #tpu.memory_space<vmem>>, vector<16xf32>,
        %mul3A_1031 = arith.mulf %get3A_1030, %div3A_684 : vector<16xf32>
        %swap3A_1032 = arith.constant 864 : i32
        %swap3A_1033 = tpu.memref_slice %arg21[%swap3A_1032] : memref<1728xf32, #tpu.memory_space<vmem>> -> memref<864xf32, #tpu.memory_space<vmem>>
        %swap3A_1034 = arith.constant 688 : index
        %swap3A_1035 = tpu.vector_load %swap3A_1033[%swap3A_1034] {strides = array<i32>} : memref<864xf32, #tpu.memory_space<vmem>>, vector<16xf32>,
        tpu.vector_store %swap3A_1033[%swap3A_1034], %mul3A_1031 {strides = array<i32>} : memref<864xf32, #tpu.memory_space<vmem>>, vector<16xf32>,
        %get3A_1036 = arith.constant 704 : index
        %get3A_1037 = tpu.vector_load %arg20[%get3A_1036] {strides = array<i32>} : memref<1280xf32, #tpu.memory_space<vmem>>, vector<16xf32>,
        %mul3A_1038 = arith.mulf %get3A_1037, %div3A_684 : vector<16xf32>
        %swap3A_1039 = arith.constant 864 : i32
        %swap3A_1040 = tpu.memref_slice %arg21[%swap3A_1039] : memref<1728xf32, #tpu.memory_space<vmem>> -> memref<864xf32, #tpu.memory_space<vmem>>
        %swap3A_1041 = arith.constant 704 : index
        %swap3A_1042 = tpu.vector_load %swap3A_1040[%swap3A_1041] {strides = array<i32>} : memref<864xf32, #tpu.memory_space<vmem>>, vector<16xf32>,
        tpu.vector_store %swap3A_1040[%swap3A_1041], %mul3A_1038 {strides = array<i32>} : memref<864xf32, #tpu.memory_space<vmem>>, vector<16xf32>,
        %get3A_1043 = arith.constant 720 : index
        %get3A_1044 = tpu.vector_load %arg20[%get3A_1043] {strides = array<i32>} : memref<1280xf32, #tpu.memory_space<vmem>>, vector<16xf32>,
        %mul3A_1045 = arith.mulf %get3A_1044, %div3A_684 : vector<16xf32>
        %swap3A_1046 = arith.constant 864 : i32
        %swap3A_1047 = tpu.memref_slice %arg21[%swap3A_1046] : memref<1728xf32, #tpu.memory_space<vmem>> -> memref<864xf32, #tpu.memory_space<vmem>>
        %swap3A_1048 = arith.constant 720 : index
        %swap3A_1049 = tpu.vector_load %swap3A_1047[%swap3A_1048] {strides = array<i32>} : memref<864xf32, #tpu.memory_space<vmem>>, vector<16xf32>,
        tpu.vector_store %swap3A_1047[%swap3A_1048], %mul3A_1045 {strides = array<i32>} : memref<864xf32, #tpu.memory_space<vmem>>, vector<16xf32>,
        %get3A_1050 = arith.constant 736 : index
        %get3A_1051 = tpu.vector_load %arg20[%get3A_1050] {strides = array<i32>} : memref<1280xf32, #tpu.memory_space<vmem>>, vector<16xf32>,
        %mul3A_1052 = arith.mulf %get3A_1051, %div3A_684 : vector<16xf32>
        %swap3A_1053 = arith.constant 864 : i32
        %swap3A_1054 = tpu.memref_slice %arg21[%swap3A_1053] : memref<1728xf32, #tpu.memory_space<vmem>> -> memref<864xf32, #tpu.memory_space<vmem>>
        %swap3A_1055 = arith.constant 736 : index
        %swap3A_1056 = tpu.vector_load %swap3A_1054[%swap3A_1055] {strides = array<i32>} : memref<864xf32, #tpu.memory_space<vmem>>, vector<16xf32>,
        tpu.vector_store %swap3A_1054[%swap3A_1055], %mul3A_1052 {strides = array<i32>} : memref<864xf32, #tpu.memory_space<vmem>>, vector<16xf32>,
        %get3A_1057 = arith.constant 752 : index
        %get3A_1058 = tpu.vector_load %arg20[%get3A_1057] {strides = array<i32>} : memref<1280xf32, #tpu.memory_space<vmem>>, vector<16xf32>,
        %mul3A_1059 = arith.mulf %get3A_1058, %div3A_684 : vector<16xf32>
        %swap3A_1060 = arith.constant 864 : i32
        %swap3A_1061 = tpu.memref_slice %arg21[%swap3A_1060] : memref<1728xf32, #tpu.memory_space<vmem>> -> memref<864xf32, #tpu.memory_space<vmem>>
        %swap3A_1062 = arith.constant 752 : index
        %swap3A_1063 = tpu.vector_load %swap3A_1061[%swap3A_1062] {strides = array<i32>} : memref<864xf32, #tpu.memory_space<vmem>>, vector<16xf32>,
        tpu.vector_store %swap3A_1061[%swap3A_1062], %mul3A_1059 {strides = array<i32>} : memref<864xf32, #tpu.memory_space<vmem>>, vector<16xf32>,
        %get3A_1064 = arith.constant 768 : index
        %get3A_1065 = tpu.vector_load %arg20[%get3A_1064] {strides = array<i32>} : memref<1280xf32, #tpu.memory_space<vmem>>, vector<16xf32>,
        %mul3A_1066 = arith.mulf %get3A_1065, %div3A_684 : vector<16xf32>
        %swap3A_1067 = arith.constant 864 : i32
        %swap3A_1068 = tpu.memref_slice %arg21[%swap3A_1067] : memref<1728xf32, #tpu.memory_space<vmem>> -> memref<864xf32, #tpu.memory_space<vmem>>
        %swap3A_1069 = arith.constant 768 : index
        %swap3A_1070 = tpu.vector_load %swap3A_1068[%swap3A_1069] {strides = array<i32>} : memref<864xf32, #tpu.memory_space<vmem>>, vector<16xf32>,
        tpu.vector_store %swap3A_1068[%swap3A_1069], %mul3A_1066 {strides = array<i32>} : memref<864xf32, #tpu.memory_space<vmem>>, vector<16xf32>,
        %get3A_1071 = arith.constant 784 : index
        %get3A_1072 = tpu.vector_load %arg20[%get3A_1071] {strides = array<i32>} : memref<1280xf32, #tpu.memory_space<vmem>>, vector<16xf32>,
        %mul3A_1073 = arith.mulf %get3A_1072, %div3A_684 : vector<16xf32>
        %swap3A_1074 = arith.constant 864 : i32
        %swap3A_1075 = tpu.memref_slice %arg21[%swap3A_1074] : memref<1728xf32, #tpu.memory_space<vmem>> -> memref<864xf32, #tpu.memory_space<vmem>>
        %swap3A_1076 = arith.constant 784 : index
        %swap3A_1077 = tpu.vector_load %swap3A_1075[%swap3A_1076] {strides = array<i32>} : memref<864xf32, #tpu.memory_space<vmem>>, vector<16xf32>,
        tpu.vector_store %swap3A_1075[%swap3A_1076], %mul3A_1073 {strides = array<i32>} : memref<864xf32, #tpu.memory_space<vmem>>, vector<16xf32>,
        %get3A_1078 = arith.constant 800 : index
        %get3A_1079 = tpu.vector_load %arg20[%get3A_1078] {strides = array<i32>} : memref<1280xf32, #tpu.memory_space<vmem>>, vector<16xf32>,
        %mul3A_1080 = arith.mulf %get3A_1079, %div3A_684 : vector<16xf32>
        %swap3A_1081 = arith.constant 864 : i32
        %swap3A_1082 = tpu.memref_slice %arg21[%swap3A_1081] : memref<1728xf32, #tpu.memory_space<vmem>> -> memref<864xf32, #tpu.memory_space<vmem>>
        %swap3A_1083 = arith.constant 800 : index
        %swap3A_1084 = tpu.vector_load %swap3A_1082[%swap3A_1083] {strides = array<i32>} : memref<864xf32, #tpu.memory_space<vmem>>, vector<16xf32>,
        tpu.vector_store %swap3A_1082[%swap3A_1083], %mul3A_1080 {strides = array<i32>} : memref<864xf32, #tpu.memory_space<vmem>>, vector<16xf32>,
        %get3A_1085 = arith.constant 816 : index
        %get3A_1086 = tpu.vector_load %arg20[%get3A_1085] {strides = array<i32>} : memref<1280xf32, #tpu.memory_space<vmem>>, vector<16xf32>,
        %mul3A_1087 = arith.mulf %get3A_1086, %div3A_684 : vector<16xf32>
        %swap3A_1088 = arith.constant 864 : i32
        %swap3A_1089 = tpu.memref_slice %arg21[%swap3A_1088] : memref<1728xf32, #tpu.memory_space<vmem>> -> memref<864xf32, #tpu.memory_space<vmem>>
        %swap3A_1090 = arith.constant 816 : index
        %swap3A_1091 = tpu.vector_load %swap3A_1089[%swap3A_1090] {strides = array<i32>} : memref<864xf32, #tpu.memory_space<vmem>>, vector<16xf32>,
        tpu.vector_store %swap3A_1089[%swap3A_1090], %mul3A_1087 {strides = array<i32>} : memref<864xf32, #tpu.memory_space<vmem>>, vector<16xf32>,
        %get3A_1092 = arith.constant 832 : index
        %get3A_1093 = tpu.vector_load %arg20[%get3A_1092] {strides = array<i32>} : memref<1280xf32, #tpu.memory_space<vmem>>, vector<16xf32>,
        %mul3A_1094 = arith.mulf %get3A_1093, %div3A_684 : vector<16xf32>
        %swap3A_1095 = arith.constant 864 : i32
        %swap3A_1096 = tpu.memref_slice %arg21[%swap3A_1095] : memref<1728xf32, #tpu.memory_space<vmem>> -> memref<864xf32, #tpu.memory_space<vmem>>
        %swap3A_1097 = arith.constant 832 : index
        %swap3A_1098 = tpu.vector_load %swap3A_1096[%swap3A_1097] {strides = array<i32>} : memref<864xf32, #tpu.memory_space<vmem>>, vector<16xf32>,
        tpu.vector_store %swap3A_1096[%swap3A_1097], %mul3A_1094 {strides = array<i32>} : memref<864xf32, #tpu.memory_space<vmem>>, vector<16xf32>,
        %get3A_1099 = arith.constant 848 : index
        %get3A_1100 = tpu.vector_load %arg20[%get3A_1099] {strides = array<i32>} : memref<1280xf32, #tpu.memory_space<vmem>>, vector<16xf32>,
        %mul3A_1101 = arith.mulf %get3A_1100, %div3A_684 : vector<16xf32>
        %swap3A_1102 = arith.constant 864 : i32
        %swap3A_1103 = tpu.memref_slice %arg21[%swap3A_1102] : memref<1728xf32, #tpu.memory_space<vmem>> -> memref<864xf32, #tpu.memory_space<vmem>>
        %swap3A_1104 = arith.constant 848 : index
        %swap3A_1105 = tpu.vector_load %swap3A_1103[%swap3A_1104] {strides = array<i32>} : memref<864xf32, #tpu.memory_space<vmem>>, vector<16xf32>,
        tpu.vector_store %swap3A_1103[%swap3A_1104], %mul3A_1101 {strides = array<i32>} : memref<864xf32, #tpu.memory_space<vmem>>, vector<16xf32>,
        %add3A_1106 = arith.addi %mul3A_2, %scan3A_409 : i32
        %mul3A_1107 = arith.constant 864 : i32
        %mul3A_1108 = arith.muli %add3A_1106, %mul3A_1107 : i32
        %dma_start3A = arith.constant 864 : i32
        %dma_start3A_1109 = tpu.memref_slice %arg21[%dma_start3A] : memref<1728xf32, #tpu.memory_space<vmem>> -> memref<864xf32, #tpu.memory_space<vmem>>
        %dma_start3A_1110 = tpu.memref_slice %arg10[%mul3A_1108] : memref<1769472xf32, #tpu.memory_space<hbm>> -> memref<864xf32, #tpu.memory_space<hbm>>
        %dma_start3A_1111 = tpu.memref_slice %arg10[%mul3A_1108] : memref<1769472xf32, #tpu.memory_space<hbm>> -> memref<864xf32, #tpu.memory_space<hbm>>
        %dma_start3A_1112 = arith.constant 864 : i32
        %dma_start3A_1113 = tpu.memref_slice %arg21[%dma_start3A_1112] : memref<1728xf32, #tpu.memory_space<vmem>> -> memref<864xf32, #tpu.memory_space<vmem>>
        tpu.enqueue_dma source(%dma_start3A_1113 : memref<864xf32, #tpu.memory_space<vmem>>) target(%dma_start3A_1111 : memref<864xf32, #tpu.memory_space<hbm>>) target_semaphore(%arg30 : memref<!tpu.dma_semaphore, #tpu.memory_space<semaphore_mem>>)
      } else {
      }
    }
    %scan3A_385 = arith.constant 64 : i32
    %add3A_386 = arith.constant 64 : i32
    %add3A_387 = arith.addi %mul3A_2, %add3A_386 : i32
    %sub3A_388 = arith.constant 2 : i32
    %sub3A_389 = arith.subi %add3A_387, %sub3A_388 : i32
    %mul3A_390 = arith.constant 864 : i32
    %mul3A_391 = arith.muli %sub3A_389, %mul3A_390 : i32
    %dma_wait3A = arith.constant 0 : i32
    %dma_wait3A_392 = tpu.memref_slice %arg21[%dma_wait3A] : memref<1728xf32, #tpu.memory_space<vmem>> -> memref<864xf32, #tpu.memory_space<vmem>>
    %dma_wait3A_393 = tpu.memref_slice %arg10[%mul3A_391] : memref<1769472xf32, #tpu.memory_space<hbm>> -> memref<864xf32, #tpu.memory_space<hbm>>
    %dma_wait3A_394 = tpu.memref_slice %arg10[%mul3A_391] : memref<1769472xf32, #tpu.memory_space<hbm>> -> memref<864xf32, #tpu.memory_space<hbm>>
    %dma_wait3A_395 = arith.constant 0 : i32
    %dma_wait3A_396 = tpu.memref_slice %arg21[%dma_wait3A_395] : memref<1728xf32, #tpu.memory_space<vmem>> -> memref<864xf32, #tpu.memory_space<vmem>>
    tpu.wait_dma2 semaphore(%arg29 : memref<!tpu.dma_semaphore, #tpu.memory_space<semaphore_mem>>) src(%dma_wait3A_396 : memref<864xf32, #tpu.memory_space<vmem>>) dst(%dma_wait3A_394 : memref<864xf32, #tpu.memory_space<hbm>>)
    %add3A_397 = arith.constant 64 : i32
    %add3A_398 = arith.addi %mul3A_2, %add3A_397 : i32
    %sub3A_399 = arith.constant 1 : i32
    %sub3A_400 = arith.subi %add3A_398, %sub3A_399 : i32
    %mul3A_401 = arith.constant 864 : i32
    %mul3A_402 = arith.muli %sub3A_400, %mul3A_401 : i32
    %dma_wait3A_403 = arith.constant 864 : i32
    %dma_wait3A_404 = tpu.memref_slice %arg21[%dma_wait3A_403] : memref<1728xf32, #tpu.memory_space<vmem>> -> memref<864xf32, #tpu.memory_space<vmem>>
    %dma_wait3A_405 = tpu.memref_slice %arg10[%mul3A_402] : memref<1769472xf32, #tpu.memory_space<hbm>> -> memref<864xf32, #tpu.memory_space<hbm>>
    %dma_wait3A_406 = tpu.memref_slice %arg10[%mul3A_402] : memref<1769472xf32, #tpu.memory_space<hbm>> -> memref<864xf32, #tpu.memory_space<hbm>>
    %dma_wait3A_407 = arith.constant 864 : i32
    %dma_wait3A_408 = tpu.memref_slice %arg21[%dma_wait3A_407] : memref<1728xf32, #tpu.memory_space<vmem>> -> memref<864xf32, #tpu.memory_space<vmem>>
    tpu.wait_dma2 semaphore(%arg30 : memref<!tpu.dma_semaphore, #tpu.memory_space<semaphore_mem>>) src(%dma_wait3A_408 : memref<864xf32, #tpu.memory_space<vmem>>) dst(%dma_wait3A_406 : memref<864xf32, #tpu.memory_space<hbm>>)
    return
  }
}

module attributes {stable_mosaic.version = 14 : i64} {
  func.func @_mm_body(%arg0: memref<2048x864xf32, #tpu.memory_space<vmem>>, %arg1: memref<864x32xf32, #tpu.memory_space<vmem>>, %arg2: memref<1x32xf32, #tpu.memory_space<vmem>>, %arg3: memref<2048x32xf32, #tpu.memory_space<vmem>>) attributes {dimension_semantics = [], scalar_prefetch = 0 : i64, scratch_operands = 0 : i64, tpu.core_type = #tpu.core_type<tc>} {
    %get3A = arith.constant 0 : index
    %get3A_0 = arith.constant 0 : index
    %get3A_1 = vector.load %arg0[%get3A, %get3A_0] : memref<2048x864xf32, #tpu.memory_space<vmem>>, vector<2048x864xf32>
    %get3A_2 = arith.constant 0 : index
    %get3A_3 = arith.constant 0 : index
    %get3A_4 = vector.load %arg1[%get3A_2, %get3A_3] : memref<864x32xf32, #tpu.memory_space<vmem>>, vector<864x32xf32>
    %dot_general3A = arith.constant dense<0.000000e+00> : vector<2048x32xf32>
    %dot_general3A_5 = tpu.matmul %get3A_1, %get3A_4, %dot_general3A {dimension_numbers = #tpu.dot_dimension_numbers<[1], [0], [0], [1], [0, 0, 1, 1], [], []>, transpose_lhs_hint = false} : vector<2048x864xf32>, vector<864x32xf32>, vector<2048x32xf32> -> vector<2048x32xf32>
    %get3A_6 = arith.constant 0 : index
    %get3A_7 = arith.constant 0 : index
    %get3A_8 = vector.load %arg2[%get3A_6, %get3A_7] : memref<1x32xf32, #tpu.memory_space<vmem>>, vector<1x32xf32>
    %get3A_9 = vector.shape_cast %get3A_8 : vector<1x32xf32> to vector<32xf32>
    %broadcast_in_dim3A = vector.shape_cast %get3A_9 : vector<32xf32> to vector<1x32xf32>
    %add3A = vector.broadcast %broadcast_in_dim3A : vector<1x32xf32> to vector<2048x32xf32>
    %add3A_10 = arith.addf %dot_general3A_5, %add3A : vector<2048x32xf32>
    %swap3A = arith.constant 0 : index
    %swap3A_11 = arith.constant 0 : index
    %swap3A_12 = vector.load %arg3[%swap3A, %swap3A_11] : memref<2048x32xf32, #tpu.memory_space<vmem>>, vector<2048x32xf32>
    tpu.vector_store %arg3[%swap3A, %swap3A_11], %add3A_10 {strides = array<i32>} : memref<2048x32xf32, #tpu.memory_space<vmem>>, vector<2048x32xf32>,
    return
  }
}

</mosaic_0001>

<sc_bundles>
// kernel: kernel.5.cloned.1.call-start
scs
__scs_entry_jumppad:
0x0: {  	(pc) =	sbr.rel $0x88, $3  }
0x1: {  	(tag) =	ssettag $0x0;
	lr =	simm.s32 $0x1  }
0x2: {  	[smem:$0x3F9B] =	sst lr;
	_ =	strace $0xD0000000  }
0x3: {  	_ = 	snop  }
0x4: {  	_ = 	snop  }
0x5: {  	_ = 	snop  }
0x6: {  	_ = 	snop  }
0x7: {  	_ = 	snop  }
__scs_overlays_trampoline_lowered:
0x8: {  	[smem:$0x3FAA] =	sst s0  }
0x9: {  	[smem:$0x3FAB] =	sst s1  }
0xa: {  	[smem:$0x3FAC] =	sst s2  }
0xb: {  	[smem:$0x3FAD] =	sst s3  }
0xc: {  	[smem:$0x3FAE] =	sst s4  }
0xd: {  	[smem:$0x3FAF] =	sst s5  }
0xe: {  	[smem:$0x3FB0] =	sst s6  }
0xf: {  	[smem:$0x3FB1] =	sst s7  }
0x10: {  	[smem:$0x3FB2] =	sst s8  }
0x11: {  	[smem:$0x3FB3] =	sst s9;
	s0 =	simm.s32 @!p0 $0x0  }
0x12: {  	s1 =	sld [smem:$0x3F99];
	s0 =	simm.s32 @p0 $0x1  }
0x13: {  	[smem:$0x3FB4] =	sst s0;
	s0 =	simm.s32 @!p1 $0x0  }
0x14: {  	s2 =	sld [smem:$0x3F98];
	s0 =	simm.s32 @p1 $0x1  }
0x15: {  	[smem:$0x3FB5] =	sst s0;
	s0 =	simm.s32 @!p2 $0x0  }
0x16: {  	s3 =	sld [smem:$0x3FDB];
	s0 =	simm.s32 @p2 $0x1  }
0x17: {  	s4 =	simm.s32 $0x1BF5;
	[smem:$0x3FB7] =	sst s0  }
0x18: {  	s0 =	sld [smem:$0x3F9A];
	_ =	swait.ge [sflag:s4], $0x0  }
0x19: {  	s7 =	sld [smem:$0x3F9B]  }
0x1a: {  	s8 =	sadd.s32 $0xFFFFE003, lr  }
0x1b: {  	s9 =	sadd.s32 $0xFFFFFEF7, lr;
	s5 =	simm.s32 $0xFFFFFFFF;
	p2 =	slt.u32 s8, $0xFFFFF086  }
0x1c: {  	p1 =	slt.u32 s9, $0xF7A;
	s5 =	simm.s32 @!p2 $0x0  }
0x1d: {  	s5 =	simm.s32 @p1 $0x1;
	p0 =	seq.s32 s7, s2  }
0x1e: {  	s7 =	smul.u32 @!p0 $0xF7A, s2;
	p2 =	seq.s32 @!p0 s5, $0x0  }
0x1f: {  	s9 =	smul.u32 $0xF7A, s1;
	s8 =	simm.s32 @!p0 $0x1BF5;
	p2 =	por !p2, p0  }
0x20: {  	[sflag:s8] =	ssyncset.s32 @!p0 $0xFFFFF086;
	s6 =	sadd.s32 @!p0 s3, s7;
	s7 =	simm.s32 @!p0 $0x108  }
0x21: {  	s3 =	sadd.s32 s3, s9;
	s6 =	sadd.s32 @!p0 $0x88, s6;
	s7 =	simm.s32 @p2 $0x1082  }
0x22: {  	[simem:s7], [sflag:s8] =	dma.local @!p0 [hbm:s6], $0xF7A  }
0x23: {  	s9 =	sor.u32 $0xD0000000, s2;
	s6 =	simm.s32 $0x108;
	_ =	swait.ge @!p0 [sflag:s8], $0x0  }
0x24: {  	s3 =	sadd.s32 $0x88, s3;
	s6 =	simm.s32 @!p1 $0x1082;
	[sflag:s4] =	ssyncset.s32 $0xFFFFF086  }
0x25: {  	[simem:s6], [sflag:s4] =	dma.local [hbm:s3], $0xF7A  }
0x26: {  	[smem:$0x3F9B] =	sst s1;
	(tag) =	ssettag s2;
	_ =	strace s9  }
0x27: {  	s1 =	sld [smem:$0x3FAB]  }
0x28: {  	s2 =	sld [smem:$0x3FAC]  }
0x29: {  	s4 =	sld [smem:$0x3FAE]  }
0x2a: {  	p0 =	seq.s32 s5, $0x0;
	s5 =	sld [smem:$0x3FAF]  }
0x2b: {  	s6 =	sld [smem:$0x3FB0]  }
0x2c: {  	s7 =	sld [smem:$0x3FB1]  }
0x2d: {  	s3 =	simm.s32 $0x108;
	s8 =	sld [smem:$0x3FB2]  }
0x2e: {  	s3 =	simm.s32 @!p0 $0x1082;
	s9 =	sld [smem:$0x3FB3]  }
0x2f: {  	lr =	sadd.s32 s0, s3;
	s0 =	sld [smem:$0x3FAA]  }
0x30: {  	s3 =	sld [smem:$0x3FAD]  }
0x31: {  	[smem:$0x3FB6] =	sst s10  }
0x32: {  	s10 =	sld [smem:$0x3FB4];
	_ =	sdelay $0x3  }
0x33: {  	p0 =	seq.s32 s10, $0x1;
	s10 =	sld [smem:$0x3FB6];
	_ =	sdelay $0x3  }
0x34: {  	[smem:$0x3FB6] =	sst s10  }
0x35: {  	s10 =	sld [smem:$0x3FB5];
	_ =	sdelay $0x3  }
0x36: {  	p1 =	seq.s32 s10, $0x1;
	s10 =	sld [smem:$0x3FB6];
	_ =	sdelay $0x3  }
0x37: {  	[smem:$0x3FB6] =	sst s10  }
0x38: {  	s10 =	sld [smem:$0x3FB7]  }
0x39: {  	_ = 	snop;
	(pc) =	sbr.ind lr, $3  }
0x3a: {  	_ = 	snop  }
0x3b: {  	_ = 	snop  }
0x3c: {  	p2 =	seq.s32 s10, $0x1;
	s10 =	sld [smem:$0x3FB6]  }
0x3d: {  	_ =	shalt  }
0x3e: {  	_ =	shalt  }
0x3f: {  	_ =	shalt  }
0x40: {  	_ =	shalt  }
0x41: {  	_ =	shalt  }
0x42: {  	_ =	shalt  }
0x43: {  	_ =	shalt  }
0x44: {  	_ =	shalt  }
0x45: {  	_ =	shalt  }
0x46: {  	_ =	shalt  }
0x47: {  	_ =	shalt  }
0x48: {  	_ =	shalt  }
0x49: {  	_ =	shalt  }
0x4a: {  	_ =	shalt  }
0x4b: {  	_ =	shalt  }
0x4c: {  	_ =	shalt  }
0x4d: {  	_ =	shalt  }
0x4e: {  	_ =	shalt  }
0x4f: {  	_ =	shalt  }
0x50: {  	_ =	shalt  }
0x51: {  	_ =	shalt  }
0x52: {  	_ =	shalt  }
0x53: {  	_ =	shalt  }
0x54: {  	_ =	shalt  }
0x55: {  	_ =	shalt  }
0x56: {  	_ =	shalt  }
0x57: {  	_ =	shalt  }
0x58: {  	_ =	shalt  }
0x59: {  	_ =	shalt  }
0x5a: {  	_ =	shalt  }
0x5b: {  	_ =	shalt  }
0x5c: {  	_ =	shalt  }
0x5d: {  	_ =	shalt  }
0x5e: {  	_ =	shalt  }
0x5f: {  	_ =	shalt  }
0x60: {  	_ =	shalt  }
0x61: {  	_ =	shalt  }
0x62: {  	_ =	shalt  }
0x63: {  	_ =	shalt  }
0x64: {  	_ =	shalt  }
0x65: {  	_ =	shalt  }
0x66: {  	_ =	shalt  }
0x67: {  	_ =	shalt  }
0x68: {  	_ =	shalt  }
0x69: {  	_ =	shalt  }
0x6a: {  	_ =	shalt  }
0x6b: {  	_ =	shalt  }
0x6c: {  	_ =	shalt  }
0x6d: {  	_ =	shalt  }
0x6e: {  	_ =	shalt  }
0x6f: {  	_ =	shalt  }
0x70: {  	_ =	shalt  }
0x71: {  	_ =	shalt  }
0x72: {  	_ =	shalt  }
0x73: {  	_ =	shalt  }
0x74: {  	_ =	shalt  }
0x75: {  	_ =	shalt  }
0x76: {  	_ =	shalt  }
0x77: {  	_ =	shalt  }
0x78: {  	_ =	shalt  }
0x79: {  	_ =	shalt  }
0x7a: {  	_ =	shalt  }
0x7b: {  	_ =	shalt  }
0x7c: {  	_ =	shalt  }
0x7d: {  	_ =	shalt  }
0x7e: {  	_ =	shalt  }
0x7f: {  	_ =	shalt  }
0x80: {  	_ =	shalt  }
0x81: {  	_ =	shalt  }
0x82: {  	_ =	shalt  }
0x83: {  	_ =	shalt  }
0x84: {  	_ =	shalt  }
0x85: {  	_ =	shalt  }
0x86: {  	_ =	shalt  }
0x87: {  	_ =	shalt  }
.Lfunc_end0:
.L_simem_size_0:
called_computation_lowered:
.L_overlay_start_0:
0x88: {  	s2 =	sld [smem:$0x3FD9]  }
0x89: {  	s3 =	sld [smem:$0x3FFE];
	_ =	sdelay $0x1  }
0x8a: {  	s1 =	srdreg.scid  }
0x8b: {  	s0 =	sand.u32 $0x1, s1  }
0x8c: {  	s17 =	sshll.u32 s0, $0xA;
	s2 =	sadd.s32 s3, s2  }
0x8d: {  	s2 =	sadd.s32 s2, s17  }
0x8e: {  	[smem:$0x3FC2] =	sst s2  }
0x8f: {  	_ = 	snop  }
0x90: {  	s2 =	sld [smem:$0x3FD0];
	(tm) =	ssettm $0x1  }
0x91: {  	s18 =	sld [smem:$0x3FFB];
	_ =	sdelay $0x3  }
0x92: {  	_ =	strace s18  }
0x93: {  	s3 =	sld [smem:$0x3FFC];
	_ =	sdelay $0x3  }
0x94: {  	_ =	strace s3  }
0x95: {  	s3 =	sld [smem:$0x3FFD];
	_ =	sdelay $0x3  }
0x96: {  	_ =	strace s3  }
0x97: {  	_ =	strace $0x8FFFFFFF  }
0x98: {  	s19 =	sld [smem:$0x3FDB];
	_ =	sdelay $0x1  }
0x99: {  	s4 =	simm.s32 $_scs_section_size  }
0x9a: {  	s5 =	simm.s32 $_size__tile_overlayer_lowered;
	s6 =	simm.s32 $_tile_overlayer_lowered  }
0x9b: {  	s22 =	simm.s32 $0x1BFF;
	s21 =	sshll.u32 s6, $0x1;
	s3 =	sadd.s32 s4, s19  }
0x9c: {  	s7 =	simm.s32 $0x0;
	s20 =	sshll.u32 s5, $0x1;
	s5 =	sadd.s32 s21, s3  }
0x9d: {  	[timem:s7], [sflag:s22] =	dma.local [hbm:s5], s20  }
0x9e: {  	_ =	swait.ge [sflag:s22], s20  }
0x9f: {  	s4 =	ssub.s32 $0x0, s20;
	[sflag:s22] =	ssyncset.done $0x0  }
0xa0: {  	[sflag:s22] =	ssyncadd.s32 s4;
	_ =	sdelay $0x1  }
0xa1: {  	s23 =	simm.s32 $0x1B8B  }
0xa2: {  	_ =	swait.ge [sflag:s23], $0x1  }
0xa3: {  	[sflag:s23] =	ssyncset.done $0x0  }
0xa4: {  	s25 =	simm.s32 $0x1B8E;
	s24 =	sld [smem:$0x3FFE];
	[sflag:s23] =	ssyncadd.s32 $0xFFFFFFFF  }
0xa5: {  	s26 =	simm.s32 $execute0_lowered;
	[smem:$0x3FD2] =	sst s25  }
0xa6: {  	s5 =	sshll.u32 s26, $0x1;
	_ =	strace $0x80000046;
	[dreg:$0x1] =	wrdreg $0xFFFFFFFF  }
0xa7: {  	s28 =	simm.s32 $_size_execute0_lowered;
	s3 =	sadd.s32 s3, s5;
	[dreg:$0x0] =	wrdreg $0x0  }
0xa8: {  	s5 =	sshll.u32 s28, $0x1;
	[dreg:$0x2] =	wrdreg s3  }
0xa9: {  	[dreg:$0x3] =	wrdreg s5  }
0xaa: {  	[dreg:$0x4] =	wrdreg $0xC0  }
0xab: {  	_ =	task [dreg:s7], $0x5FFFF  }
0xac: {  	[dreg:$0x1] =	wrdreg $0xFFFFFFFF  }
0xad: {  	[dreg:$0x0] =	wrdreg $0x60  }
0xae: {  	[dreg:$0x2] =	wrdreg s24  }
0xaf: {  	[dreg:$0x3] =	wrdreg s2  }
0xb0: {  	[dreg:$0x4] =	wrdreg $0x9  }
0xb1: {  	_ =	task.clear_ibuf [dreg:s7], $0x5FFFF;
	_ =	strace $0x90000046  }
0xb2: {  	s29 =	simm.s32 $0x9;
	_ =	strace $0x80000048  }
0xb3: {  	_ =	swait.ge [sflag:s29], $0x1  }
0xb4: {  	[sflag:s29] =	ssyncadd.s32 $0xFFFFFFFF  }
0xb5: {  	_ =	strace $0x90000048  }
0xb6: {  	_ =	sfence  }
0xb7: {  	s30 =	sld [smem:$0x0];
	_ =	sdelay $0x2  }
0xb8: {  	s31 =	sshll.u32 s1, $0xD;
	s1 =	sshrl.u32 s1, $0x2  }
0xb9: {  	s3 =	sand.u32 $0x4000, s31;
	s1 =	sadd.s32 s1, s30  }
0xba: {  	s0 =	sor.u32 s3, s0;
	s1 =	sshll.u32 s1, $0x11  }
0xbb: {  	s0 =	sor.u32 s1, s0  }
0xbc: {  	s0 =	sadd.s32 $0x8F2B, s0  }
0xbd: {  	[sflag:s0] =	ssyncadd.remote.s32 $0x1  }
0xbe: {  	_ =	sfence.sel $0xFFFF  }
0xbf: {  	[dreg:$0x0] =	wrdreg $0xFFFFFFFF;
	(pc) =	sbr.abs _section_cstart, $3  }
0xc0: {  	[dreg:$0x1] =	wrdreg $0xFFFFFFFF  }
0xc1: {  	_ =	task.clear_ibuf [dreg:s7], $0x2FFFF;
	_ =	strace $0x9FFFFFFF  }
0xc2: {  	(tm) =	ssettm $0x7FFFFFFF  }
0xc3: {  	_ =	shalt  }
tec
execute0_lowered:
.L_overlay_start_1:
0x0: {  	(tag) =	ssettag $0x1  }
0x1: {  	s0 =	rddreg [dreg:$0x0];
	s1 =	srdreg.scid  }
0x2: {  	s3 =	simm.s32 $0x0;
	s2 =	stileid.u32;
	s14 =	simm.s32 $0x3  }
0x3: {  	s15 =	simm.s32 $0x1000;
	s16 =	simm.s32 $0x2000;
	s17 =	simm.s32 $0x3000  }
0x4: {  	s28 =	simm.s32 $0x13200;
	s29 =	simm.s32 $0x1;
	s30 =	simm.s32 $0x14280  }
0x5: {  	s31 =	simm.s32 $0x2;
	s1 =	sand.u32 $0x1, s1;
	[smem:$0x7FF] =	sst s3  }
0x6: {  	s2 =	sshll.u32 s2, $0x7;
	s5 =	sadd.s32 $0x1800, s0;
	s22 =	sadd.s32 $0x1600, s0  }
0x7: {  	s24 =	sadd.s32 $0x1400, s0;
	_ =	strace $0x80000047;
	[dreg:$0x3] =	wrdreg s5  }
0x8: {  	s8 =	sadd.s32 $0x1A00, s0;
	s4 =	sshll.u32 s1, $0x6;
	[dreg:$0x4] =	wrdreg s22  }
0x9: {  	s1 =	ssub.s32 $0x2, s1;
	[dreg:$0x5] =	wrdreg s24;
	s22 =	simm.s32 $0x1A000  }
0xa: {  	v0 =	vimm.s32 $0x0;
	v1 =	vimm.s32 $0xF;
	v2 =	vlaneseq.u32;
	s24 =	simm.s32 $0x14E80;
	s5 =	sor.u32 s4, s2;
	s25 =	sshrl.u32 s1, $0x1  }
.Ltmp0:
0xb: {  	v3 =	vimm.f32 $0.0e+00;
	v4 =	vimm.s32 $0x1;
	v5 =	vimm.s32 $0x9;
	s23 =	sshrl.u32 s5, $0x3;
	s26 =	ssub.s32 s1, s25;
	(pc) =	sbr.rel .LBB2_1-.Ltmp0, $4  }
0xc: {  	v6 =	vimm.s32 $0x3;
	v7 =	vimm.s32 $0x5;
	v8 =	vimm.s32 $0x4;
	s25 =	simm.s32 $0x15E80;
	s1 =	simm.s32 $0x19E80;
	s2 =	sadd.s32 s23, s0  }
0xd: {  	v9 =	vimm.s32 $0x2;
	v10 =	vimm.s32 $0x6;
	v11 =	vimm.s32 $0x7;
	s13 =	smax.u32 s26, $0x1;
	s23 =	simm.s32 $0x17E80;
	s26 =	simm.s32 $0x16E80  }
0xe: {  	v12 =	vimm.s32 $0x8;
	v13 =	vimm.s32 $0xA;
	v14 =	vimm.s32 $0xB;
	s0 =	simm.s32 $0x14AE0;
	s9 =	sadd.s32 $0x1200, s2;
	s10 =	sadd.s32 $0x1000, s2  }
0xf: {  	v15 =	vimm.s32 $0xC;
	v16 =	vimm.s32 $0xD;
	v17 =	vimm.s32 $0xE;
	s11 =	sadd.s32 $0xE00, s2;
	s12 =	sadd.s32 $0xC00, s2;
	s2 =	simm.s32 $0x0  }
.LBB2_31:
0x10: {  	s2 =	sadd.s32 $0x1, s2  }
0x11: {  	_ =	swait.ge [sflag:s29], $0x360;
	p0 =	sne.s32 s2, s13  }
.Ltmp1:
0x12: {  	[sflag:s29] =	ssyncset.done $0x0;
	(pc) =	sbr.rel @!p0 .LBB2_32-.Ltmp1, $4  }
0x13: {  	[sflag:s29] =	ssyncadd.s32 $0xFFFFFCA0  }
0x14: {  	_ =	swait.ge [sflag:s31], $0x360  }
0x15: {  	[sflag:s31] =	ssyncset.done $0x0  }
0x16: {  	[sflag:s31] =	ssyncadd.s32 $0xFFFFFCA0  }
.LBB2_1:
0x17: {  	s4 =	rddreg [dreg:$0x3]  }
0x18: {  	[tilespmem:s3], [sflag:$0x3] =	stream.linear.gather [hbm4b:s4+s3], $0x1000, $0x38;
	[tilespmem:$0x1A180] =	vst v63  }
0x19: {  	_ =	swait.ge [sflag:s14], $0x1000  }
0x1a: {  	[sflag:s14] =	ssyncset.done $0x0  }
0x1b: {  	s21 =	rddreg [dreg:$0x4];
	[sflag:s14] =	ssyncadd.s32 $0xFFFFF000  }
0x1c: {  	[tilespmem:s15], [sflag:$0x3] =	stream.linear.gather [hbm4b:s21+s3], $0x1000, $0x38;
	[tilespmem:$0x1A180] =	vst v63  }
0x1d: {  	_ =	swait.ge [sflag:s14], $0x1000  }
0x1e: {  	[sflag:s14] =	ssyncset.done $0x0  }
0x1f: {  	s6 =	rddreg [dreg:$0x5];
	[sflag:s14] =	ssyncadd.s32 $0xFFFFF000  }
0x20: {  	[tilespmem:s16], [sflag:$0x3] =	stream.linear.gather [hbm4b:s6+s3], $0x1000, $0x38;
	[tilespmem:$0x1A180] =	vst v63  }
0x21: {  	_ =	swait.ge [sflag:s14], $0x1000  }
0x22: {  	[sflag:s14] =	ssyncset.done $0x0  }
0x23: {  	[sflag:s14] =	ssyncadd.s32 $0xFFFFF000  }
0x24: {  	s7 =	rddreg [dreg:$0x1]  }
0x25: {  	[tilespmem:s17], [sflag:$0x3] =	stream.linear.gather [hbm4b:s7+s3], $0x10000, $0x38;
	[tilespmem:$0x1A180] =	vst v63  }
0x26: {  	_ =	swait.ge [sflag:s14], $0x10000  }
0x27: {  	[sflag:s14] =	ssyncset.done $0x0  }
0x28: {  	s18 =	simm.s32 $0x13000;
	[sflag:s14] =	ssyncadd.s32 $0xFFFF0000  }
0x29: {  	[tilespmem:s18], [sflag:$0x3] =	stream.linear.gather [hbm4b:s9+s3], $0x40, $0x38;
	[tilespmem:$0x1A180] =	vst v63  }
0x2a: {  	_ =	swait.ge [sflag:s14], $0x40  }
0x2b: {  	[sflag:s14] =	ssyncset.done $0x0  }
0x2c: {  	s19 =	simm.s32 $0x13080;
	[sflag:s14] =	ssyncadd.s32 $0xFFFFFFC0  }
0x2d: {  	[tilespmem:s19], [sflag:$0x3] =	stream.linear.gather [hbm4b:s10+s3], $0x40, $0x38;
	[tilespmem:$0x1A180] =	vst v63  }
0x2e: {  	_ =	swait.ge [sflag:s14], $0x40  }
0x2f: {  	[sflag:s14] =	ssyncset.done $0x0  }
0x30: {  	s20 =	simm.s32 $0x13100;
	[sflag:s14] =	ssyncadd.s32 $0xFFFFFFC0  }
0x31: {  	[tilespmem:s20], [sflag:$0x3] =	stream.linear.gather [hbm4b:s11+s3], $0x40, $0x38;
	[tilespmem:$0x1A180] =	vst v63  }
0x32: {  	_ =	swait.ge [sflag:s14], $0x40  }
0x33: {  	[sflag:s14] =	ssyncset.done $0x0  }
0x34: {  	s21 =	simm.s32 $0x13180;
	[sflag:s14] =	ssyncadd.s32 $0xFFFFFFC0  }
0x35: {  	[tilespmem:s21], [sflag:$0x3] =	stream.linear.gather [hbm4b:s12+s3], $0x40, $0x38;
	[tilespmem:$0x1A180] =	vst v63  }
0x36: {  	_ =	swait.ge [sflag:s14], $0x40  }
0x37: {  	[sflag:s14] =	ssyncset.done $0x0  }
0x38: {  	s4 =	simm.s32 $0x0;
	[sflag:s14] =	ssyncadd.s32 $0xFFFFFFC0  }
0x39: {  	v18 =	vld [tilespmem:s4+$0x2000];
	_ =	sdelay $0x1  }
0x3a: {  	v19 =	vld [tilespmem:s4+$0x1000];
	_ =	sdelay $0x2  }
0x3b: {  	v18 =	vmul.f32 $1.600000000e+01, v18;
	_ =	sdelay $0x1  }
0x3c: {  	s6 =	simm.s32 $0x10;
	v20 =	vmul.f32 $1.600000000e+01, v19;
	v18 =	vtrunc.f32 v18  }
0x3d: {  	v19 =	vcvt.f32.s32 v18;
	v18 =	vld [tilespmem:s6+$0x2000]  }
0x3e: {  	v21 =	vtrunc.f32 v20;
	v20 =	vld [tilespmem:s6+$0x1000];
	_ =	sdelay $0x1  }
0x3f: {  	v21 =	vcvt.f32.s32 v21  }
0x40: {  	s18 =	simm.s32 $0x80;
	vm0 =	vgt.s32 v19, $0x0  }
.LBB2_2:
0x41: {  	s19 =	sshra.s32 s18, $0x2;
	p0 =	sne.s32 s18, $0x3FC0;
	s18 =	sadd.s32 $0x40, s18;
	v22 =	vmul.f32 $1.600000000e+01, v18;
	vm1 =	vgt.s32 v21, $0x0;
	v19 =	vnsel vm0, $0x0, v19  }
.Ltmp2:
0x42: {  	v18 =	vld [tilespmem:s19+$0x2000];
	v23 =	vmul.f32 $1.600000000e+01, v20;
	v21 =	vnsel vm1, $0x0, v21;
	v19 =	vmin.u32 v19, $0xF;
	(pc) =	sbr.rel @p0 .LBB2_2-.Ltmp2, $4  }
0x43: {  	v20 =	vld [tilespmem:s19+$0x1000];
	v22 =	vtrunc.f32 v22;
	v21 =	vmin.u32 v21, $0xF;
	v24 =	vshll.u32 v19, $0x4  }
0x44: {  	v23 =	vtrunc.f32 v23;
	v19 =	vcvt.f32.s32 v22;
	v22 =	vor.u32 v21, v24  }
0x45: {  	v21 =	vcvt.f32.s32 v23;
	[tilespmem:s4+$0x18E80] =	vst v22;
	s4 =	smov.u32 s6;
	s6 =	smov.u32 s19  }
0x46: {  	vm0 =	vgt.s32 v19, $0x0  }
0x47: {  	v18 =	vmul.f32 $1.600000000e+01, v18  }
0x48: {  	v20 =	vmul.f32 $1.600000000e+01, v20  }
0x49: {  	v18 =	vtrunc.f32 v18  }
0x4a: {  	v20 =	vtrunc.f32 v20;
	v18 =	vcvt.f32.s32 v18  }
0x4b: {  	vm1 =	vgt.s32 v21, $0x0;
	v19 =	vnsel vm0, $0x0, v19;
	v20 =	vcvt.f32.s32 v20  }
0x4c: {  	v21 =	vnsel vm1, $0x0, v21;
	v19 =	vmin.u32 v19, $0xF;
	vm14 =	vgt.s32 v18, $0x0  }
0x4d: {  	v21 =	vmin.u32 v21, $0xF;
	vm15 =	vgt.s32 v20, $0x0;
	v18 =	vnsel vm14, $0x0, v18  }
0x4e: {  	v19 =	vshll.u32 v19, $0x4;
	v20 =	vnsel vm15, $0x0, v20;
	v18 =	vmin.u32 v18, $0xF  }
0x4f: {  	v19 =	vor.u32 v21, v19;
	v20 =	vmin.u32 v20, $0xF;
	v18 =	vshll.u32 v18, $0x4  }
0x50: {  	[tilespmem:s4+$0x18E80] =	vst v19;
	v18 =	vor.u32 v20, v18  }
0x51: {  	[tilespmem:s6+$0x18E80] =	vst v18  }
0x52: {  	[tilespmem:$0x1A000] =	vst v0  }
0x53: {  	[tilespmem:$0x1A010] =	vst v0  }
0x54: {  	[tilespmem:$0x1A020] =	vst v0  }
0x55: {  	[tilespmem:$0x1A030] =	vst v0  }
0x56: {  	[tilespmem:$0x1A040] =	vst v0  }
0x57: {  	[tilespmem:$0x1A050] =	vst v0  }
0x58: {  	[tilespmem:$0x1A060] =	vst v0  }
0x59: {  	[tilespmem:$0x1A070] =	vst v0  }
0x5a: {  	[tilespmem:$0x1A080] =	vst v0  }
0x5b: {  	[tilespmem:$0x1A090] =	vst v0  }
0x5c: {  	[tilespmem:$0x1A0A0] =	vst v0  }
0x5d: {  	[tilespmem:$0x1A0B0] =	vst v0  }
0x5e: {  	[tilespmem:$0x1A0C0] =	vst v0  }
0x5f: {  	[tilespmem:$0x1A0D0] =	vst v0  }
0x60: {  	[tilespmem:$0x1A0E0] =	vst v0  }
0x61: {  	[tilespmem:$0x1A0F0] =	vst v0  }
0x62: {  	s4 =	simm.s32 $0x40;
	s6 =	simm.s32 $0x0;
	[tilespmem:$0x1A100] =	vst v0  }
.LBB2_4:
0x63: {  	p0 =	sne.s32 s4, $0x3FC0;
	v18 =	vld [tilespmem:s6+$0x18E80];
	_ =	sdelay $0x4  }
0x64: {  	(xrf1) =	vunique.msk.u32 $0xffff, v18;
	_ =	sdelay $0xd  }
0x65: {  	_, v19, vm0 =	vpop (xrf1);
	_ =	sdelay $0x1  }
.Ltmp3:
0x66: {  	(pc) =	sbr.rel @p0 .LBB2_4-.Ltmp3, $2  }
0x67: {  	_ =	sdelay $0x2  }
0x68: {  	s6 =	sshra.s32 s4, $0x2;
	s4 =	sadd.s32 $0x40, s4;
	[tilespmem:v18+s22+$0x0] =	vst.idx.add.s32.msk vm0, v19  }
0x69: {  	v18 =	vld [tilespmem:s6+$0x18E80];
	_ =	sdelay $0x4  }
0x6a: {  	(xrf1) =	vunique.msk.u32 $0xffff, v18;
	_ =	sdelay $0xd  }
0x6b: {  	_, v19, vm0 =	vpop (xrf1);
	_ =	sdelay $0x5  }
0x6c: {  	[tilespmem:v18+s22+$0x0] =	vst.idx.add.s32.msk vm0, v19  }
0x6d: {  	v18 =	vld [tilespmem:$0x1A000]  }
0x6e: {  	v19 =	vld [tilespmem:$0x1A010];
	_ =	sdelay $0x1  }
0x6f: {  	v20 =	vld [tilespmem:$0x1A020]  }
0x70: {  	v21 =	vld [tilespmem:$0x1A030]  }
0x71: {  	(xrf0) =	vadd.scan.msk.s32 $0xffff, v18  }
0x72: {  	(xrf0) =	vadd.scan.msk.s32 $0xffff, v19  }
0x73: {  	v22 =	vld [tilespmem:$0x1A040]  }
0x74: {  	v23 =	vld [tilespmem:$0x1A050];
	(xrf0) =	vadd.scan.msk.s32 $0xffff, v20  }
0x75: {  	v24 =	vld [tilespmem:$0x1A060];
	(xrf0) =	vadd.scan.msk.s32 $0xffff, v21  }
0x76: {  	v25 =	vld [tilespmem:$0x1A070]  }
0x77: {  	v27 =	vld [tilespmem:$0x1A080];
	v26, _, _ =	vpop (xrf0)  }
0x78: {  	(xrf0) =	vadd.scan.msk.s32 $0xffff, v22;
	v28, _, _ =	vpop (xrf0)  }
0x79: {  	v31 =	vld [tilespmem:$0x1A090];
	v29 =	vperm.xlane v26, v1;
	(xrf0) =	vadd.scan.msk.s32 $0xffff, v23;
	v30 =	vperm.xlane v28, v1  }
0x7a: {  	v33 =	vld [tilespmem:$0x1A0A0];
	v32, _, _ =	vpop (xrf0);
	(xrf0) =	vadd.scan.msk.s32 $0xffff, v24  }
0x7b: {  	v35 =	vld [tilespmem:$0x1A0B0];
	v19 =	vsub.s32 v29, v19;
	v50 =	vperm.xlane v32, v1;
	v34, _, _ =	vpop (xrf0);
	(xrf0) =	vadd.scan.msk.s32 $0xffff, v25;
	v29 =	vadd.s32 v29, v30  }
0x7c: {  	v19 =	vadd.s32 v28, v19;
	v51 =	vperm.xlane v34, v1;
	(xrf0) =	vadd.scan.msk.s32 $0xffff, v27;
	v30 =	vld [tilespmem:$0x1A0C0];
	v20 =	vsub.s32 v29, v20  }
0x7d: {  	[tilespmem:$0x19E90] =	vst v19;
	v19 =	vadd.s32 v32, v20;
	v20 =	vadd.s32 v29, v50  }
0x7e: {  	v18 =	vsub.s32 v26, v18;
	v52, _, _ =	vpop (xrf0);
	(xrf0) =	vadd.scan.msk.s32 $0xffff, v31;
	v32 =	vld [tilespmem:$0x1A0D0];
	v21 =	vsub.s32 v20, v21;
	v20 =	vadd.s32 v20, v51  }
0x7f: {  	v53 =	vperm.xlane v52, v1;
	[tilespmem:$0x19EA0] =	vst v19;
	v55, _, _ =	vpop (xrf0);
	(xrf0) =	vadd.scan.msk.s32 $0xffff, v33;
	v19 =	vadd.s32 v34, v21  }
0x80: {  	v56 =	vld [tilespmem:$0x1A0E0];
	v54 =	vsub.s32 v20, v22;
	v57 =	vperm.xlane v55, v1;
	v58, _, _ =	vpop (xrf0);
	(xrf0) =	vadd.scan.msk.s32 $0xffff, v35;
	[tilespmem:$0x19EB0] =	vst v19  }
0x81: {  	v19 =	vadd.s32 v52, v54;
	v20 =	vadd.s32 v20, v53;
	v59 =	vperm.xlane v58, v1;
	v60, _, _ =	vpop (xrf0);
	(xrf0) =	vadd.scan.msk.s32 $0xffff, v30  }
0x82: {  	[tilespmem:$0x19EC0] =	vst v19;
	v19 =	vsub.s32 v20, v23;
	v20 =	vadd.s32 v20, v57;
	v61 =	vperm.xlane v60, v1;
	v62, _, _ =	vpop (xrf0)  }
0x83: {  	v36 =	vld [tilespmem:$0x1A0F0];
	v24 =	vsub.s32 v20, v24;
	v20 =	vadd.s32 v20, v59;
	v63 =	vperm.xlane v62, v1;
	(xrf0) =	vadd.scan.msk.s32 $0xffff, v32  }
0x84: {  	[tilespmem:$0x19E80] =	vst v18;
	v25 =	vsub.s32 v20, v25;
	v20 =	vadd.s32 v20, v61;
	v39, _, _ =	vpop (xrf0)  }
0x85: {  	v19 =	vadd.s32 v55, v19;
	(xrf0) =	vadd.scan.msk.s32 $0xffff, v56;
	v23 =	vadd.s32 v20, v63;
	v41 =	vperm.xlane v39, v1  }
0x86: {  	[tilespmem:$0x19ED0] =	vst v19;
	v40, _, _ =	vpop (xrf0);
	v19 =	vadd.s32 v60, v25;
	v20 =	vsub.s32 v20, v27;
	v42 =	vsub.s32 v23, v31  }
0x87: {  	v43 =	vperm.xlane v40, v1;
	v44, _, _ =	vpop (xrf0);
	[tilespmem:$0x19EF0] =	vst v19;
	v19 =	vadd.s32 v62, v20;
	v45 =	vadd.s32 v23, v41  }
0x88: {  	(xrf0) =	vadd.scan.msk.s32 $0xffff, v36;
	v20 =	vadd.s32 v39, v42;
	v47 =	vperm.xlane v44, v1;
	v48, _, _ =	vpop (xrf0);
	v46 =	vsub.s32 v45, v33  }
0x89: {  	[tilespmem:$0x19F00] =	vst v19;
	v21 =	vadd.s32 v45, v43;
	v51 =	vperm.xlane v48, v1;
	v49, _, _ =	vpop (xrf0);
	v19 =	vadd.s32 v40, v46  }
0x8a: {  	[tilespmem:$0x19F10] =	vst v20;
	v50 =	vsub.s32 v21, v35;
	v21 =	vadd.s32 v21, v47;
	v53 =	vperm.xlane v49, v1  }
0x8b: {  	v20 =	vadd.s32 v44, v50;
	[tilespmem:$0x19F20] =	vst v19;
	v19 =	vsub.s32 v21, v30;
	v21 =	vadd.s32 v21, v51  }
0x8c: {  	v52, _, _ =	vpop (xrf0);
	[tilespmem:$0x19F30] =	vst v20;
	v19 =	vadd.s32 v48, v19;
	v20 =	vsub.s32 v21, v32;
	v21 =	vadd.s32 v21, v53  }
0x8d: {  	v57 =	vld [tilespmem:$0x19EB0];
	v54 =	vperm.xlane v52, v1;
	[tilespmem:$0x19F40] =	vst v19;
	v19 =	vadd.s32 v49, v20;
	v20 =	vsub.s32 v21, v56  }
0x8e: {  	[tilespmem:$0x1A000] =	vst v18;
	v24 =	vadd.s32 v58, v24  }
0x8f: {  	[tilespmem:$0x19EE0] =	vst v24;
	v21 =	vadd.s32 v21, v54  }
0x90: {  	v18 =	vld [tilespmem:$0x19ED0];
	[tilespmem:$0x19F50] =	vst v19;
	v19 =	vadd.s32 v52, v20;
	v55 =	vsub.s32 v21, v36;
	v20, _, _ =	vpop (xrf0)  }
0x91: {  	v58 =	vld [tilespmem:$0x19EE0];
	[tilespmem:$0x19F60] =	vst v19;
	v19 =	vadd.s32 v20, v55;
	v20 =	vperm.xlane v20, v1  }
0x92: {  	[tilespmem:$0x1A030] =	vst v57;
	v59 =	vld [tilespmem:$0x19F00]  }
0x93: {  	[tilespmem:$0x19F70] =	vst v19;
	v19 =	vld [tilespmem:$0x19EA0];
	v20 =	vadd.s32 v21, v20  }
0x94: {  	[tilespmem:$0x19F80] =	vst v20;
	v20 =	vld [tilespmem:$0x19EC0]  }
0x95: {  	[tilespmem:$0x1A050] =	vst v18;
	v18 =	vld [tilespmem:$0x19F20]  }
0x96: {  	[tilespmem:$0x1A060] =	vst v58;
	v60 =	vld [tilespmem:$0x19F30]  }
0x97: {  	v56 =	vld [tilespmem:$0x19E90];
	[tilespmem:$0x1A080] =	vst v59  }
0x98: {  	[tilespmem:$0x1A020] =	vst v19;
	v19 =	vld [tilespmem:$0x19EF0]  }
0x99: {  	[tilespmem:$0x1A040] =	vst v20;
	v20 =	vld [tilespmem:$0x19F10]  }
0x9a: {  	v61 =	vld [tilespmem:$0x19F50];
	[tilespmem:$0x1A0A0] =	vst v18  }
0x9b: {  	[tilespmem:$0x1A0B0] =	vst v60;
	v18 =	vld [tilespmem:$0x19F70]  }
0x9c: {  	[tilespmem:$0x1A010] =	vst v56;
	v62 =	vld [tilespmem:$0x19F80]  }
0x9d: {  	[tilespmem:$0x1A070] =	vst v19;
	v19 =	vld [tilespmem:$0x19F40]  }
0x9e: {  	[tilespmem:$0x1A090] =	vst v20;
	v20 =	vld [tilespmem:$0x19F60]  }
0x9f: {  	[tilespmem:$0x1A0D0] =	vst v61  }
0xa0: {  	[tilespmem:$0x1A0F0] =	vst v18  }
0xa1: {  	[tilespmem:$0x1A100] =	vst v62  }
0xa2: {  	[tilespmem:$0x1A0C0] =	vst v19  }
0xa3: {  	s19 =	simm.s32 $0x18E80;
	[tilespmem:$0x1A0E0] =	vst v20  }
0xa4: {  	v18 =	vld [tilespmem:s19+$0x0];
	_ =	sdelay $0x4  }
0xa5: {  	(xrf1) =	vunique.msk.u32 $0xffff, v18;
	_ =	sdelay $0x9  }
0xa6: {  	v20 =	vld.idx.msk [tilespmem:v18+s22+$0x0], $0xffff;
	_ =	sdelay $0x3  }
0xa7: {  	_, v19, vm0 =	vpop (xrf1)  }
0xa8: {  	v20 =	vadd.s32 v19, v20  }
0xa9: {  	v20 =	vadd.s32 $0xFFFFFFFF, v20;
	_ =	sdelay $0x2  }
0xaa: {  	s18 =	simm.s32 $0x0  }
0xab: {  	v63 =	vor.u32 s18, v2  }
0xac: {  	[tilespmem:v20+s23+$0x0] =	vst.idx.msk $0xffff, v63  }
0xad: {  	v21 =	vld [tilespmem:s18+$0x0];
	_ =	sdelay $0x4  }
0xae: {  	s20 =	simm.s32 $0x1000;
	[tilespmem:v20+s24+$0x0] =	vst.idx.msk $0xffff, v21  }
0xaf: {  	v21 =	vld [tilespmem:s20+$0x0];
	_ =	sdelay $0x4  }
0xb0: {  	s4 =	simm.s32 $0x2000;
	[tilespmem:v20+s25+$0x0] =	vst.idx.msk $0xffff, v21  }
0xb1: {  	v21 =	vld [tilespmem:s4+$0x0];
	_ =	sdelay $0x4  }
0xb2: {  	s21 =	simm.s32 $0x10;
	s6 =	simm.s32 $0x0;
	s4 =	simm.s32 $0x2010;
	[tilespmem:v20+s26+$0x0] =	vst.idx.msk $0xffff, v21  }
.LBB2_6:
0xb3: {  	[tilespmem:v18+s22+$0x0] =	vst.idx.add.s32.msk vm0, v19;
	s19 =	sadd.s32 $0x10, s19;
	s6 =	sadd.s32 $0x10, s6;
	s20 =	sadd.s32 $0x10, s20  }
0xb4: {  	p0 =	sne.s32 s21, $0xFF0;
	s7 =	smov.u32 s21;
	s21 =	sadd.s32 $0x10, s21;
	v18 =	vld [tilespmem:s19+$0x0]  }
0xb5: {  	_ =	sdelay $0x3  }
0xb6: {  	(xrf1) =	vunique.msk.u32 $0xffff, v18;
	_ =	sdelay $0x8  }
0xb7: {  	v20 =	vld.idx.msk [tilespmem:v18+s22+$0x0], $0xffff;
	_ =	sdelay $0x4  }
0xb8: {  	_, v19, vm0 =	vpop (xrf1)  }
0xb9: {  	v20 =	vadd.s32 v19, v20  }
0xba: {  	v20 =	vadd.s32 $0xFFFFFFFF, v20;
	_ =	sdelay $0x3  }
0xbb: {  	v21 =	vor.u32 s7, v2  }
0xbc: {  	[tilespmem:v20+s23+$0x0] =	vst.idx.msk $0xffff, v21  }
0xbd: {  	v21 =	vld [tilespmem:s6+$0x0];
	_ =	sdelay $0x4  }
0xbe: {  	[tilespmem:v20+s24+$0x0] =	vst.idx.msk $0xffff, v21  }
0xbf: {  	v21 =	vld [tilespmem:s20+$0x0];
	_ =	sdelay $0x4  }
0xc0: {  	[tilespmem:v20+s25+$0x0] =	vst.idx.msk $0xffff, v21  }
0xc1: {  	v21 =	vld [tilespmem:s4+$0x0]  }
.Ltmp4:
0xc2: {  	(pc) =	sbr.rel @p0 .LBB2_6-.Ltmp4, $2  }
0xc3: {  	_ =	sdelay $0x2  }
0xc4: {  	s4 =	sadd.s32 $0x10, s4;
	[tilespmem:v20+s26+$0x0] =	vst.idx.msk $0xffff, v21  }
0xc5: {  	_ = 	snop  }
.Ltmp5:
0xc6: {  	_ = 	snop;
	(pc) =	sbr.rel .LBB2_8-.Ltmp5, $2  }
0xc7: {  	_ =	sdelay $0x2  }
0xc8: {  	[tilespmem:v18+s22+$0x0] =	vst.idx.add.s32.msk vm0, v19  }
.LBB2_30:
0xc9: {  	s18 =	sadd.s32 $0x1, s18  }
0xca: {  	p0 =	sne.s32 s18, $0x40  }
.Ltmp6:
0xcb: {  	_ = 	snop;
	(pc) =	sbr.rel @!p0 .LBB2_31-.Ltmp6, $1  }
0xcc: {  	_ =	sdelay $0x3  }
.LBB2_8:
0xcd: {  	s4 =	sand.u32 $0x30, s18  }
0xce: {  	v18 =	vld [tilespmem:s4+$0x13100]  }
0xcf: {  	v19 =	vld [tilespmem:s4+$0x13180];
	_ =	sdelay $0x2  }
0xd0: {  	s6 =	sand.u32 $0xF, s18  }
0xd1: {  	v20 =	vmov s6  }
0xd2: {  	v18 =	vperm.xlane v18, v20;
	v23 =	vperm.xlane v19, v20;
	_ =	sdelay $0x1  }
0xd3: {  	v19 =	vsub.f32 v18, v23  }
0xd4: {  	v21 =	vadd.f32 v23, v18  }
0xd5: {  	v19 =	vmul.f32 $1.600000000e+01, v19  }
0xd6: {  	v21 =	vmul.f32 $1.600000000e+01, v21  }
0xd7: {  	v19 =	vtrunc.f32 v19  }
0xd8: {  	v21 =	vtrunc.f32 v21;
	v19 =	vcvt.f32.s32 v19  }
0xd9: {  	v21 =	vcvt.f32.s32 v21  }
0xda: {  	vm0 =	vgt.s32 v19, $0x0  }
0xdb: {  	vm15 =	vgt.s32 v21, $0x0;
	v19 =	vnsel vm0, $0x0, v19  }
0xdc: {  	v21 =	vnsel vm15, $0x0, v21;
	v19 =	vmin.u32 v19, $0xF  }
0xdd: {  	v21 =	vmin.u32 v21, $0xF;
	v19 =	vshll.u32 v19, $0x8  }
0xde: {  	v19 =	vor.u32 v21, v19  }
0xdf: {  	v19 =	vor.u32 $0x80000000, v19  }
0xe0: {  	(xrf0) =	vmax.scan.msk.u32 $0xffff, v19;
	_ =	sdelay $0x5  }
0xe1: {  	v19, _, _ =	vpop (xrf0)  }
0xe2: {  	(v2sf) =	vpush v19, $0xF;
	_ =	sdelay $0xd  }
0xe3: {  	(erf) = vrcp.f32 v23  }
0xe4: {  	s19 =	spop (v2sf)  }
0xe5: {  	s21 =	sshra.s32 s19, $0x8  }
0xe6: {  	v21 =	vld [tilespmem:s4+$0x13080];
	s19 =	sand.u32 $0xFF, s19;
	s20 =	sxor.u32 $0xFF800000, s21  }
0xe7: {  	v19 =	vld [tilespmem:s4+$0x13000];
	p0 =	sgt.s32 s20, s19  }
.Ltmp7:
0xe8: {  	_ = 	snop;
	(pc) =	sbr.rel @!p0 .LBB2_9-.Ltmp7, $2  }
0xe9: {  	_ =	sdelay $0x2  }
0xea: {  	v22 =	vimm.s32 $0x0;
	v19 =	vperm.xlane v19, v20;
	v20 =	vperm.xlane v21, v20;
	v21 =	vpop (erf)  }
.LBB2_25:
0xeb: {  	v23 =	vadd.s32 v2, v22;
	_ =	sdelay $0x4  }
0xec: {  	[tilespmem:v23+s28+$0x0] =	vst.idx.msk $0xffff, v0  }
0xed: {  	[tilespmem:$0x14280] =	vst v3  }
0xee: {  	[tilespmem:$0x14290] =	vst v3  }
0xef: {  	[tilespmem:$0x142A0] =	vst v3  }
0xf0: {  	[tilespmem:$0x142B0] =	vst v3  }
0xf1: {  	[tilespmem:$0x142C0] =	vst v3  }
0xf2: {  	[tilespmem:$0x142D0] =	vst v3  }
0xf3: {  	[tilespmem:$0x142E0] =	vst v3  }
0xf4: {  	[tilespmem:$0x142F0] =	vst v3  }
0xf5: {  	[tilespmem:$0x14300] =	vst v3  }
0xf6: {  	[tilespmem:$0x14310] =	vst v3  }
0xf7: {  	[tilespmem:$0x14320] =	vst v3  }
0xf8: {  	[tilespmem:$0x14330] =	vst v3  }
0xf9: {  	[tilespmem:$0x14340] =	vst v3  }
0xfa: {  	[tilespmem:$0x14350] =	vst v3  }
0xfb: {  	[tilespmem:$0x14360] =	vst v3  }
0xfc: {  	[tilespmem:$0x14370] =	vst v3  }
0xfd: {  	[tilespmem:$0x14380] =	vst v3  }
0xfe: {  	v23 =	vxor.u32 $0x80000000, v22;
	[tilespmem:$0x14390] =	vst v3  }
0xff: {  	[tilespmem:$0x143A0] =	vst v3;
	(xrf0) =	vmax.scan.msk.u32 $0xffff, v23  }
0x100: {  	[tilespmem:$0x143B0] =	vst v3  }
0x101: {  	[tilespmem:$0x143C0] =	vst v3  }
0x102: {  	[tilespmem:$0x143D0] =	vst v3  }
0x103: {  	[tilespmem:$0x143E0] =	vst v3  }
0x104: {  	[tilespmem:$0x143F0] =	vst v3  }
0x105: {  	[tilespmem:$0x14400] =	vst v3;
	v23, _, _ =	vpop (xrf0)  }
0x106: {  	[tilespmem:$0x14410] =	vst v3;
	(v2sf) =	vpush v23, $0xF  }
0x107: {  	[tilespmem:$0x14420] =	vst v3  }
0x108: {  	[tilespmem:$0x14430] =	vst v3  }
0x109: {  	[tilespmem:$0x14440] =	vst v3  }
0x10a: {  	[tilespmem:$0x14450] =	vst v3  }
0x10b: {  	[tilespmem:$0x14460] =	vst v3  }
0x10c: {  	[tilespmem:$0x14470] =	vst v3  }
0x10d: {  	[tilespmem:$0x14480] =	vst v3  }
0x10e: {  	[tilespmem:$0x14490] =	vst v3  }
0x10f: {  	[tilespmem:$0x144A0] =	vst v3  }
0x110: {  	[tilespmem:$0x144B0] =	vst v3  }
0x111: {  	[tilespmem:$0x144C0] =	vst v3  }
0x112: {  	[tilespmem:$0x144D0] =	vst v3  }
0x113: {  	[tilespmem:$0x144E0] =	vst v3  }
0x114: {  	[tilespmem:$0x144F0] =	vst v3  }
0x115: {  	[tilespmem:$0x14500] =	vst v3;
	s4 =	spop (v2sf)  }
0x116: {  	[tilespmem:$0x14510] =	vst v3;
	s4 =	sadd.s32 $0x8000000F, s4  }
0x117: {  	[tilespmem:$0x14520] =	vst v3;
	s6 =	sand.u32 $0xF, s4  }
0x118: {  	[tilespmem:$0x14530] =	vst v3;
	s21 =	sshra.s32 s4, $0x1F;
	p1 =	slt.s32 s4, $0x1;
	p0 =	sne.s32 s6, $0x0  }
0x119: {  	[tilespmem:$0x14540] =	vst v3;
	s6 =	sshrl.u32 s21, $0x1C;
	p0 =	por !p1, !p0  }
0x11a: {  	[tilespmem:$0x14550] =	vst v3;
	s4 =	sadd.s32 s6, s4;
	s6 =	simm.s32 $0x1;
	p0 =	por !p0, !p0  }
0x11b: {  	[tilespmem:$0x14560] =	vst v3;
	s4 =	sshra.s32 s4, $0x4;
	s6 =	simm.s32 @!p0 $0x0  }
0x11c: {  	[tilespmem:$0x14570] =	vst v3;
	s19 =	ssub.s32 s4, s6  }
0x11d: {  	[tilespmem:$0x14580] =	vst v3;
	p0 =	slt.s32 s19, $0x1  }
.Ltmp8:
0x11e: {  	[tilespmem:$0x14590] =	vst v3;
	(pc) =	sbr.rel @p0 .LBB2_28-.Ltmp8, $4  }
0x11f: {  	[tilespmem:$0x145A0] =	vst v3  }
0x120: {  	[tilespmem:$0x145B0] =	vst v3  }
0x121: {  	[tilespmem:$0x145C0] =	vst v3  }
0x122: {  	[tilespmem:$0x145D0] =	vst v3  }
0x123: {  	s20 =	simm.s32 $0x13200;
	s21 =	simm.s32 $0x0  }
.LBB2_27:
0x124: {  	v23 =	vld [tilespmem:s20+$0x0];
	_ =	sdelay $0x7  }
0x125: {  	v24 =	vld.idx.msk [tilespmem:v23+s3+$0x0], $0xffff  }
0x126: {  	v25 =	vld.idx.msk [tilespmem:v23+s15+$0x0], $0xffff;
	_ =	sdelay $0x1  }
0x127: {  	v26 =	vld.idx.msk [tilespmem:v23+s16+$0x0], $0xffff;
	_ =	sdelay $0x2  }
0x128: {  	v24 =	vsub.f32 v24, v19;
	v25 =	vsub.f32 v25, v20;
	_ =	sdelay $0x1  }
0x129: {  	v26 =	vsub.f32 v26, v18;
	v27 =	vmul.f32 v24, v24;
	v28 =	vmul.f32 v25, v25;
	_ =	sdelay $0x1  }
0x12a: {  	v46 =	vmul.f32 v26, v26;
	v27 =	vadd.f32 v28, v27;
	_ =	sdelay $0x1  }
0x12b: {  	v27 =	vadd.f32 v46, v27;
	_ =	sdelay $0x1  }
0x12c: {  	v27 =	vmax.f32 v27, $9.999999680e-21  }
0x12d: {  	v47 =	vshra.s32 v27, $0x1;
	v29 =	vmul.f32 $5.000000000e-01, v27  }
0x12e: {  	v28 =	vsub.s32 $0x5F3759DF, v47  }
0x12f: {  	v30 =	vmul.f32 v28, v29;
	_ =	sdelay $0x1  }
0x130: {  	v30 =	vmul.f32 v28, v30;
	_ =	sdelay $0x1  }
0x131: {  	v24 =	vmul.f32 v24, v21;
	v25 =	vmul.f32 v25, v21;
	v30 =	vsub.f32 $1.500000000e+00, v30  }
0x132: {  	v26 =	vmul.f32 v26, v21  }
0x133: {  	v48 =	vand.u32 $0x7FFFFFFF, v24;
	v31 =	vand.u32 $0x7FFFFFFF, v25;
	v28 =	vmul.f32 v28, v30  }
0x134: {  	v49 =	vand.u32 $0x7FFFFFFF, v26;
	v30 =	vmax.f32 v48, v31  }
0x135: {  	v30 =	vmax.f32 v30, v49;
	v29 =	vmul.f32 v28, v29  }
0x136: {  	v31 =	vmax.f32 v30, $9.999999930e-09  }
0x137: {  	(erf) = vrcp.f32 v31;
	v29 =	vmul.f32 v29, v28;
	_ =	sdelay $0x1  }
0x138: {  	v29 =	vsub.f32 $1.500000000e+00, v29;
	_ =	sdelay $0x1  }
0x139: {  	v28 =	vmul.f32 v29, v28;
	_ =	sdelay $0x1  }
0x13a: {  	v27 =	vmul.f32 v28, v27;
	_ =	sdelay $0x1  }
0x13b: {  	v27 =	vmul.f32 v27, v21  }
0x13c: {  	v50 =	vpop (erf)  }
0x13d: {  	v27 =	vmul.f32 v27, v50  }
0x13e: {  	vm0 =	vgt.f32 v30, $9.999999930e-09  }
0x13f: {  	v27 =	vnsel vm0, $0x0, v27  }
0x140: {  	v24 =	vmul.f32 v27, v24  }
0x141: {  	v25 =	vmul.f32 v27, v25;
	v26 =	vmul.f32 v27, v26;
	v27 =	vshll.u32 v23, $0x4  }
0x142: {  	v23 =	vperm.xlane v27, v0;
	v24 =	vadd.f32 $1.000000000e+00, v24  }
0x143: {  	v25 =	vadd.f32 $1.000000000e+00, v25;
	v26 =	vadd.f32 $1.000000000e+00, v26  }
0x144: {  	v34 =	vadd.s32 v2, v23;
	v24 =	vmax.f32 v24, $0.0e+00  }
0x145: {  	v25 =	vmax.f32 v25, $0.0e+00;
	v26 =	vmax.f32 v26, $0.0e+00;
	v24 =	vmin.f32 v24, $2.000000000e+00  }
0x146: {  	v25 =	vmin.f32 v25, $2.000000000e+00;
	v26 =	vmin.f32 v26, $2.000000000e+00;
	v51 =	vtrunc.f32 v24  }
0x147: {  	v53 =	vtrunc.f32 v25;
	v55 =	vtrunc.f32 v26  }
0x148: {  	v52 =	vcvt.f32.s32 v51;
	v54 =	vcvt.f32.s32 v53  }
0x149: {  	v57 =	vor.u32 s21, v2;
	v30 =	vcvt.f32.s32 v55  }
0x14a: {  	vm15 =	vlt.s32 v57, v22;
	v56 =	vcvt.s32.f32 v52;
	v32 =	vcvt.s32.f32 v54  }
0x14b: {  	v58 =	vld.idx.msk [tilespmem:v34+s17+$0x0], $0xffff;
	v34 =	vor.u32 $0x80, v2;
	v33 =	vcvt.s32.f32 v30;
	v29 =	vmul.u32 $0x3, v54  }
0x14c: {  	v28 =	vmul.u32 $0x9, v52;
	v24 =	vsub.f32 v24, v56;
	v25 =	vsub.f32 v25, v32  }
0x14d: {  	v23 =	vsub.f32 v26, v33;
	v26 =	vsel vm15, $0x3F800000, v0;
	v29 =	vadd.s32 v30, v29  }
0x14e: {  	v30 =	vor.u32 $0x10, v2;
	v59 =	vperm.xlane v26, v0;
	v28 =	vadd.s32 v28, v29  }
0x14f: {  	v29 =	vor.u32 $0x70, v2;
	v31 =	vperm.xlane v24, v0;
	v32 =	vperm.xlane v25, v0  }
0x150: {  	v33 =	vperm.xlane v23, v0;
	v28 =	vshll.u32 v28, $0x5;
	v46 =	vunpack.i.u.bf16.f32 v58  }
0x151: {  	v47 =	vunpack.i.l.bf16.f32 v58;
	v45 =	vperm.xlane v28, v0;
	v44 =	vmul.f32 v59, v31  }
0x152: {  	v60 =	vsub.f32 $1.000000000e+00, v32;
	v61 =	vsub.f32 $1.000000000e+00, v33;
	v48 =	vmul.f32 v33, v32  }
0x153: {  	v31 =	vor.u32 $0x20, v2;
	v62 =	vadd.s32 v2, v45;
	v40 =	vadd.s32 v30, v45  }
0x154: {  	v41 =	vadd.s32 v31, v45;
	v52 =	vadd.s32 v29, v45;
	v58 =	vadd.s32 v34, v45  }
0x155: {  	v35 =	vsub.f32 v59, v44;
	v38 =	vmul.f32 v61, v60;
	v39 =	vmul.f32 v33, v60  }
0x156: {  	v42 =	vmul.f32 v61, v32;
	v32 =	vor.u32 $0x30, v2;
	v33 =	vor.u32 $0x60, v2  }
0x157: {  	v49 =	vadd.s32 v32, v45;
	v36 =	vmul.f32 v35, v38;
	v43 =	vmul.f32 v35, v39  }
0x158: {  	v51 =	vadd.s32 v33, v45;
	v50 =	vmul.f32 v35, v42;
	v56 =	vmul.f32 v35, v48  }
0x159: {  	v35 =	vor.u32 $0x90, v2;
	v53 =	vmul.f32 v44, v39;
	v37 =	vmul.f32 v36, v47  }
0x15a: {  	v60 =	vadd.s32 v35, v45;
	v36 =	vmul.f32 v36, v46;
	v63 =	vmul.f32 v43, v47  }
0x15b: {  	v54 =	vmul.f32 v43, v46;
	v55 =	vmul.f32 v50, v47;
	[tilespmem:v62+s30+$0x0] =	vst.idx.add.f32.msk $0xffff, v37  }
0x15c: {  	v59 =	vmul.f32 v50, v46;
	v61 =	vmul.f32 v56, v47;
	v37 =	vor.u32 $0x130, v2;
	[tilespmem:v40+s30+$0x0] =	vst.idx.add.f32.msk $0xffff, v36  }
0x15d: {  	v36 =	vor.u32 $0x120, v2;
	v57 =	vadd.s32 v37, v45;
	[tilespmem:v41+s30+$0x0] =	vst.idx.add.f32.msk $0xffff, v63;
	v63 =	vmul.f32 v38, v44  }
0x15e: {  	v62 =	vadd.s32 v36, v45;
	v38 =	vor.u32 $0x140, v2;
	v41 =	vmul.f32 v56, v46;
	[tilespmem:v49+s30+$0x0] =	vst.idx.add.f32.msk $0xffff, v54  }
0x15f: {  	v39 =	vor.u32 $0x150, v2;
	v54 =	vadd.s32 v38, v45;
	[tilespmem:v51+s30+$0x0] =	vst.idx.add.f32.msk $0xffff, v55;
	v49 =	vmul.f32 v63, v46  }
0x160: {  	v55 =	vadd.s32 v39, v45;
	[tilespmem:v52+s30+$0x0] =	vst.idx.add.f32.msk $0xffff, v59;
	v59 =	vmul.f32 v53, v47  }
0x161: {  	v40 =	vor.u32 $0x180, v2;
	[tilespmem:v58+s30+$0x0] =	vst.idx.add.f32.msk $0xffff, v61;
	v58 =	vmul.f32 v63, v47;
	v61 =	vmul.f32 v42, v44  }
0x162: {  	[tilespmem:v60+s30+$0x0] =	vst.idx.add.f32.msk $0xffff, v41;
	v60 =	vmul.f32 v53, v46;
	v53 =	vadd.s32 v40, v45;
	v41 =	vor.u32 $0x190, v2  }
0x163: {  	v42 =	vor.u32 $0x1A0, v2;
	v63 =	vperm.xlane v27, v4;
	[tilespmem:v62+s30+$0x0] =	vst.idx.add.f32.msk $0xffff, v58;
	v52 =	vadd.s32 v41, v45  }
0x164: {  	v43 =	vor.u32 $0x1B0, v2;
	v44 =	vmul.f32 v44, v48;
	v62 =	vadd.s32 v42, v45;
	[tilespmem:v57+s30+$0x0] =	vst.idx.add.f32.msk $0xffff, v49  }
0x165: {  	v56 =	vmul.f32 v61, v47;
	v45 =	vadd.s32 v43, v45;
	[tilespmem:v54+s30+$0x0] =	vst.idx.add.f32.msk $0xffff, v59  }
0x166: {  	[tilespmem:v55+s30+$0x0] =	vst.idx.add.f32.msk $0xffff, v60;
	v60 =	vmul.f32 v61, v46  }
0x167: {  	v47 =	vmul.f32 v44, v47;
	v61 =	vadd.s32 v2, v63;
	[tilespmem:v53+s30+$0x0] =	vst.idx.add.f32.msk $0xffff, v56  }
0x168: {  	v44 =	vmul.f32 v44, v46;
	[tilespmem:v52+s30+$0x0] =	vst.idx.add.f32.msk $0xffff, v60  }
0x169: {  	v58 =	vperm.xlane v26, v4;
	[tilespmem:v62+s30+$0x0] =	vst.idx.add.f32.msk $0xffff, v47;
	v62 =	vperm.xlane v24, v4  }
0x16a: {  	v47 =	vperm.xlane v23, v4;
	[tilespmem:v45+s30+$0x0] =	vst.idx.add.f32.msk $0xffff, v44;
	v45 =	vperm.xlane v25, v4;
	_ =	sdelay $0x1  }
0x16b: {  	v63 =	vld.idx.msk [tilespmem:v61+s17+$0x0], $0xffff;
	v44 =	vmul.f32 v58, v62;
	v60 =	vsub.f32 $1.000000000e+00, v47;
	v59 =	vsub.f32 $1.000000000e+00, v45  }
0x16c: {  	v51 =	vperm.xlane v28, v4  }
0x16d: {  	v48 =	vsub.f32 v58, v44;
	v52 =	vmul.f32 v60, v59  }
0x16e: {  	v57 =	vadd.s32 v31, v51;
	v54 =	vadd.s32 v2, v51;
	v50 =	vmul.f32 v60, v45  }
0x16f: {  	v56 =	vadd.s32 v30, v51;
	v49 =	vmul.f32 v47, v59;
	v55 =	vmul.f32 v48, v52  }
0x170: {  	v45 =	vmul.f32 v47, v45;
	v60 =	vadd.s32 v32, v51;
	v46 =	vunpack.i.l.bf16.f32 v63  }
0x171: {  	v53 =	vunpack.i.u.bf16.f32 v63;
	v59 =	vmul.f32 v48, v49;
	v58 =	vmul.f32 v55, v46  }
0x172: {  	v52 =	vmul.f32 v52, v44;
	v61 =	vmul.f32 v55, v53;
	v55 =	vadd.s32 v33, v51  }
0x173: {  	v62 =	vmul.f32 v59, v46;
	[tilespmem:v54+s30+$0x0] =	vst.idx.add.f32.msk $0xffff, v58;
	v58 =	vmul.f32 v48, v50  }
0x174: {  	v49 =	vmul.f32 v44, v49;
	v63 =	vmul.f32 v59, v53;
	[tilespmem:v56+s30+$0x0] =	vst.idx.add.f32.msk $0xffff, v61  }
0x175: {  	v56 =	vadd.s32 v29, v51;
	[tilespmem:v57+s30+$0x0] =	vst.idx.add.f32.msk $0xffff, v62;
	v61 =	vmul.f32 v58, v46  }
0x176: {  	v57 =	vadd.s32 v34, v51;
	v62 =	vmul.f32 v48, v45;
	v48 =	vadd.s32 v35, v51  }
0x177: {  	[tilespmem:v60+s30+$0x0] =	vst.idx.add.f32.msk $0xffff, v63;
	v63 =	vmul.f32 v58, v53;
	v58 =	vmul.f32 v49, v46  }
0x178: {  	v49 =	vmul.f32 v49, v53;
	[tilespmem:v55+s30+$0x0] =	vst.idx.add.f32.msk $0xffff, v61;
	v55 =	vadd.s32 v36, v51  }
0x179: {  	v60 =	vmul.f32 v62, v46;
	v61 =	vadd.s32 v37, v51;
	v47 =	vmul.f32 v62, v53  }
0x17a: {  	v62 =	vadd.s32 v38, v51;
	[tilespmem:v56+s30+$0x0] =	vst.idx.add.f32.msk $0xffff, v63;
	v63 =	vmul.f32 v52, v46  }
0x17b: {  	[tilespmem:v57+s30+$0x0] =	vst.idx.add.f32.msk $0xffff, v60;
	v57 =	vmul.f32 v52, v53;
	v52 =	vadd.s32 v39, v51  }
0x17c: {  	v60 =	vadd.s32 v42, v51;
	[tilespmem:v48+s30+$0x0] =	vst.idx.add.f32.msk $0xffff, v47;
	v47 =	vadd.s32 v40, v51  }
0x17d: {  	v48 =	vmul.f32 v50, v44;
	v50 =	vadd.s32 v41, v51;
	[tilespmem:v55+s30+$0x0] =	vst.idx.add.f32.msk $0xffff, v63  }
0x17e: {  	v44 =	vmul.f32 v44, v45;
	[tilespmem:v61+s30+$0x0] =	vst.idx.add.f32.msk $0xffff, v57;
	v61 =	vperm.xlane v27, v9  }
0x17f: {  	v63 =	vadd.s32 v43, v51;
	[tilespmem:v62+s30+$0x0] =	vst.idx.add.f32.msk $0xffff, v58;
	v62 =	vmul.f32 v48, v46  }
0x180: {  	v48 =	vmul.f32 v48, v53;
	[tilespmem:v52+s30+$0x0] =	vst.idx.add.f32.msk $0xffff, v49;
	v55 =	vadd.s32 v2, v61  }
0x181: {  	v45 =	vperm.xlane v25, v9;
	v46 =	vmul.f32 v44, v46;
	[tilespmem:v47+s30+$0x0] =	vst.idx.add.f32.msk $0xffff, v62  }
0x182: {  	v57 =	vperm.xlane v24, v9;
	v44 =	vmul.f32 v44, v53;
	[tilespmem:v50+s30+$0x0] =	vst.idx.add.f32.msk $0xffff, v48  }
0x183: {  	v58 =	vperm.xlane v26, v9;
	v47 =	vperm.xlane v23, v9;
	[tilespmem:v60+s30+$0x0] =	vst.idx.add.f32.msk $0xffff, v46  }
0x184: {  	[tilespmem:v63+s30+$0x0] =	vst.idx.add.f32.msk $0xffff, v44  }
0x185: {  	v59 =	vsub.f32 $1.000000000e+00, v45;
	v60 =	vsub.f32 $1.000000000e+00, v47;
	v44 =	vmul.f32 v58, v57;
	v46 =	vld.idx.msk [tilespmem:v55+s17+$0x0], $0xffff  }
0x186: {  	v51 =	vperm.xlane v28, v9  }
0x187: {  	v52 =	vmul.f32 v60, v59;
	v48 =	vsub.f32 v58, v44  }
0x188: {  	v54 =	vadd.s32 v2, v51;
	v56 =	vadd.s32 v30, v51;
	v49 =	vmul.f32 v47, v59  }
0x189: {  	v57 =	vadd.s32 v31, v51;
	v50 =	vmul.f32 v60, v45;
	v55 =	vmul.f32 v48, v52  }
0x18a: {  	v45 =	vmul.f32 v47, v45;
	v53 =	vunpack.i.u.bf16.f32 v46;
	v46 =	vunpack.i.l.bf16.f32 v46  }
0x18b: {  	v60 =	vadd.s32 v32, v51;
	v59 =	vmul.f32 v48, v49;
	v58 =	vmul.f32 v55, v46  }
0x18c: {  	v52 =	vmul.f32 v52, v44;
	v61 =	vmul.f32 v55, v53;
	v55 =	vadd.s32 v33, v51  }
0x18d: {  	v62 =	vmul.f32 v59, v46;
	[tilespmem:v54+s30+$0x0] =	vst.idx.add.f32.msk $0xffff, v58;
	v58 =	vmul.f32 v48, v50  }
0x18e: {  	v49 =	vmul.f32 v44, v49;
	v63 =	vmul.f32 v59, v53;
	[tilespmem:v56+s30+$0x0] =	vst.idx.add.f32.msk $0xffff, v61  }
0x18f: {  	v56 =	vadd.s32 v29, v51;
	[tilespmem:v57+s30+$0x0] =	vst.idx.add.f32.msk $0xffff, v62;
	v61 =	vmul.f32 v58, v46  }
0x190: {  	v57 =	vadd.s32 v34, v51;
	v62 =	vmul.f32 v48, v45;
	v48 =	vadd.s32 v35, v51  }
0x191: {  	[tilespmem:v60+s30+$0x0] =	vst.idx.add.f32.msk $0xffff, v63;
	v63 =	vmul.f32 v58, v53;
	v58 =	vmul.f32 v49, v46  }
0x192: {  	v49 =	vmul.f32 v49, v53;
	[tilespmem:v55+s30+$0x0] =	vst.idx.add.f32.msk $0xffff, v61;
	v55 =	vadd.s32 v36, v51  }
0x193: {  	v60 =	vmul.f32 v62, v46;
	v61 =	vadd.s32 v37, v51;
	v47 =	vmul.f32 v62, v53  }
0x194: {  	v62 =	vadd.s32 v38, v51;
	[tilespmem:v56+s30+$0x0] =	vst.idx.add.f32.msk $0xffff, v63;
	v63 =	vmul.f32 v52, v46  }
0x195: {  	[tilespmem:v57+s30+$0x0] =	vst.idx.add.f32.msk $0xffff, v60;
	v57 =	vmul.f32 v52, v53;
	v52 =	vadd.s32 v39, v51  }
0x196: {  	v60 =	vadd.s32 v42, v51;
	[tilespmem:v48+s30+$0x0] =	vst.idx.add.f32.msk $0xffff, v47;
	v47 =	vadd.s32 v40, v51  }
0x197: {  	v48 =	vmul.f32 v50, v44;
	v50 =	vadd.s32 v41, v51;
	[tilespmem:v55+s30+$0x0] =	vst.idx.add.f32.msk $0xffff, v63  }
0x198: {  	v44 =	vmul.f32 v44, v45;
	[tilespmem:v61+s30+$0x0] =	vst.idx.add.f32.msk $0xffff, v57;
	v61 =	vperm.xlane v27, v6  }
0x199: {  	v63 =	vadd.s32 v43, v51;
	[tilespmem:v62+s30+$0x0] =	vst.idx.add.f32.msk $0xffff, v58;
	v62 =	vmul.f32 v48, v46  }
0x19a: {  	v48 =	vmul.f32 v48, v53;
	[tilespmem:v52+s30+$0x0] =	vst.idx.add.f32.msk $0xffff, v49;
	v55 =	vadd.s32 v2, v61  }
0x19b: {  	v45 =	vperm.xlane v25, v6;
	v46 =	vmul.f32 v44, v46;
	[tilespmem:v47+s30+$0x0] =	vst.idx.add.f32.msk $0xffff, v62  }
0x19c: {  	v57 =	vperm.xlane v24, v6;
	v44 =	vmul.f32 v44, v53;
	[tilespmem:v50+s30+$0x0] =	vst.idx.add.f32.msk $0xffff, v48  }
0x19d: {  	v58 =	vperm.xlane v26, v6;
	v47 =	vperm.xlane v23, v6;
	[tilespmem:v60+s30+$0x0] =	vst.idx.add.f32.msk $0xffff, v46  }
0x19e: {  	[tilespmem:v63+s30+$0x0] =	vst.idx.add.f32.msk $0xffff, v44  }
0x19f: {  	v59 =	vsub.f32 $1.000000000e+00, v45;
	v60 =	vsub.f32 $1.000000000e+00, v47;
	v44 =	vmul.f32 v58, v57;
	v46 =	vld.idx.msk [tilespmem:v55+s17+$0x0], $0xffff  }
0x1a0: {  	v51 =	vperm.xlane v28, v6  }
0x1a1: {  	v52 =	vmul.f32 v60, v59;
	v48 =	vsub.f32 v58, v44  }
0x1a2: {  	v54 =	vadd.s32 v2, v51;
	v56 =	vadd.s32 v30, v51;
	v49 =	vmul.f32 v47, v59  }
0x1a3: {  	v57 =	vadd.s32 v31, v51;
	v50 =	vmul.f32 v60, v45;
	v55 =	vmul.f32 v48, v52  }
0x1a4: {  	v45 =	vmul.f32 v47, v45;
	v53 =	vunpack.i.u.bf16.f32 v46;
	v46 =	vunpack.i.l.bf16.f32 v46  }
0x1a5: {  	v60 =	vadd.s32 v32, v51;
	v59 =	vmul.f32 v48, v49;
	v58 =	vmul.f32 v55, v46  }
0x1a6: {  	v52 =	vmul.f32 v52, v44;
	v61 =	vmul.f32 v55, v53;
	v55 =	vadd.s32 v33, v51  }
0x1a7: {  	v62 =	vmul.f32 v59, v46;
	[tilespmem:v54+s30+$0x0] =	vst.idx.add.f32.msk $0xffff, v58;
	v58 =	vmul.f32 v48, v50  }
0x1a8: {  	v49 =	vmul.f32 v44, v49;
	v63 =	vmul.f32 v59, v53;
	[tilespmem:v56+s30+$0x0] =	vst.idx.add.f32.msk $0xffff, v61  }
0x1a9: {  	v56 =	vadd.s32 v29, v51;
	[tilespmem:v57+s30+$0x0] =	vst.idx.add.f32.msk $0xffff, v62;
	v61 =	vmul.f32 v58, v46  }
0x1aa: {  	v57 =	vadd.s32 v34, v51;
	v62 =	vmul.f32 v48, v45;
	v48 =	vadd.s32 v35, v51  }
0x1ab: {  	[tilespmem:v60+s30+$0x0] =	vst.idx.add.f32.msk $0xffff, v63;
	v63 =	vmul.f32 v58, v53;
	v58 =	vmul.f32 v49, v46  }
0x1ac: {  	v49 =	vmul.f32 v49, v53;
	[tilespmem:v55+s30+$0x0] =	vst.idx.add.f32.msk $0xffff, v61;
	v55 =	vadd.s32 v36, v51  }
0x1ad: {  	v60 =	vmul.f32 v62, v46;
	v61 =	vadd.s32 v37, v51;
	v47 =	vmul.f32 v62, v53  }
0x1ae: {  	v62 =	vadd.s32 v38, v51;
	[tilespmem:v56+s30+$0x0] =	vst.idx.add.f32.msk $0xffff, v63;
	v63 =	vmul.f32 v52, v46  }
0x1af: {  	[tilespmem:v57+s30+$0x0] =	vst.idx.add.f32.msk $0xffff, v60;
	v57 =	vmul.f32 v52, v53;
	v52 =	vadd.s32 v39, v51  }
0x1b0: {  	v60 =	vadd.s32 v42, v51;
	[tilespmem:v48+s30+$0x0] =	vst.idx.add.f32.msk $0xffff, v47;
	v47 =	vadd.s32 v40, v51  }
0x1b1: {  	v48 =	vmul.f32 v50, v44;
	v50 =	vadd.s32 v41, v51;
	[tilespmem:v55+s30+$0x0] =	vst.idx.add.f32.msk $0xffff, v63  }
0x1b2: {  	v44 =	vmul.f32 v44, v45;
	[tilespmem:v61+s30+$0x0] =	vst.idx.add.f32.msk $0xffff, v57;
	v61 =	vperm.xlane v27, v8  }
0x1b3: {  	v63 =	vadd.s32 v43, v51;
	[tilespmem:v62+s30+$0x0] =	vst.idx.add.f32.msk $0xffff, v58;
	v62 =	vmul.f32 v48, v46  }
0x1b4: {  	v48 =	vmul.f32 v48, v53;
	[tilespmem:v52+s30+$0x0] =	vst.idx.add.f32.msk $0xffff, v49;
	v55 =	vadd.s32 v2, v61  }
0x1b5: {  	v45 =	vperm.xlane v25, v8;
	v46 =	vmul.f32 v44, v46;
	[tilespmem:v47+s30+$0x0] =	vst.idx.add.f32.msk $0xffff, v62  }
0x1b6: {  	v57 =	vperm.xlane v24, v8;
	v44 =	vmul.f32 v44, v53;
	[tilespmem:v50+s30+$0x0] =	vst.idx.add.f32.msk $0xffff, v48  }
0x1b7: {  	v58 =	vperm.xlane v26, v8;
	v47 =	vperm.xlane v23, v8;
	[tilespmem:v60+s30+$0x0] =	vst.idx.add.f32.msk $0xffff, v46  }
0x1b8: {  	[tilespmem:v63+s30+$0x0] =	vst.idx.add.f32.msk $0xffff, v44  }
0x1b9: {  	v59 =	vsub.f32 $1.000000000e+00, v45;
	v60 =	vsub.f32 $1.000000000e+00, v47;
	v44 =	vmul.f32 v58, v57;
	v46 =	vld.idx.msk [tilespmem:v55+s17+$0x0], $0xffff  }
0x1ba: {  	v51 =	vperm.xlane v28, v8  }
0x1bb: {  	v52 =	vmul.f32 v60, v59;
	v48 =	vsub.f32 v58, v44  }
0x1bc: {  	v54 =	vadd.s32 v2, v51;
	v56 =	vadd.s32 v30, v51;
	v49 =	vmul.f32 v47, v59  }
0x1bd: {  	v57 =	vadd.s32 v31, v51;
	v50 =	vmul.f32 v60, v45;
	v55 =	vmul.f32 v48, v52  }
0x1be: {  	v45 =	vmul.f32 v47, v45;
	v53 =	vunpack.i.u.bf16.f32 v46;
	v46 =	vunpack.i.l.bf16.f32 v46  }
0x1bf: {  	v60 =	vadd.s32 v32, v51;
	v59 =	vmul.f32 v48, v49;
	v58 =	vmul.f32 v55, v46  }
0x1c0: {  	v52 =	vmul.f32 v52, v44;
	v61 =	vmul.f32 v55, v53;
	v55 =	vadd.s32 v33, v51  }
0x1c1: {  	v62 =	vmul.f32 v59, v46;
	[tilespmem:v54+s30+$0x0] =	vst.idx.add.f32.msk $0xffff, v58;
	v58 =	vmul.f32 v48, v50  }
0x1c2: {  	v49 =	vmul.f32 v44, v49;
	v63 =	vmul.f32 v59, v53;
	[tilespmem:v56+s30+$0x0] =	vst.idx.add.f32.msk $0xffff, v61  }
0x1c3: {  	v56 =	vadd.s32 v29, v51;
	[tilespmem:v57+s30+$0x0] =	vst.idx.add.f32.msk $0xffff, v62;
	v61 =	vmul.f32 v58, v46  }
0x1c4: {  	v57 =	vadd.s32 v34, v51;
	v62 =	vmul.f32 v48, v45;
	v48 =	vadd.s32 v35, v51  }
0x1c5: {  	[tilespmem:v60+s30+$0x0] =	vst.idx.add.f32.msk $0xffff, v63;
	v63 =	vmul.f32 v58, v53;
	v58 =	vmul.f32 v49, v46  }
0x1c6: {  	v49 =	vmul.f32 v49, v53;
	[tilespmem:v55+s30+$0x0] =	vst.idx.add.f32.msk $0xffff, v61;
	v55 =	vadd.s32 v36, v51  }
0x1c7: {  	v60 =	vmul.f32 v62, v46;
	v61 =	vadd.s32 v37, v51;
	v47 =	vmul.f32 v62, v53  }
0x1c8: {  	v62 =	vadd.s32 v38, v51;
	[tilespmem:v56+s30+$0x0] =	vst.idx.add.f32.msk $0xffff, v63;
	v63 =	vmul.f32 v52, v46  }
0x1c9: {  	[tilespmem:v57+s30+$0x0] =	vst.idx.add.f32.msk $0xffff, v60;
	v57 =	vmul.f32 v52, v53;
	v52 =	vadd.s32 v39, v51  }
0x1ca: {  	v60 =	vadd.s32 v42, v51;
	[tilespmem:v48+s30+$0x0] =	vst.idx.add.f32.msk $0xffff, v47;
	v47 =	vadd.s32 v40, v51  }
0x1cb: {  	v48 =	vmul.f32 v50, v44;
	v50 =	vadd.s32 v41, v51;
	[tilespmem:v55+s30+$0x0] =	vst.idx.add.f32.msk $0xffff, v63  }
0x1cc: {  	v44 =	vmul.f32 v44, v45;
	[tilespmem:v61+s30+$0x0] =	vst.idx.add.f32.msk $0xffff, v57;
	v61 =	vperm.xlane v27, v7  }
0x1cd: {  	v63 =	vadd.s32 v43, v51;
	[tilespmem:v62+s30+$0x0] =	vst.idx.add.f32.msk $0xffff, v58;
	v62 =	vmul.f32 v48, v46  }
0x1ce: {  	v48 =	vmul.f32 v48, v53;
	[tilespmem:v52+s30+$0x0] =	vst.idx.add.f32.msk $0xffff, v49;
	v55 =	vadd.s32 v2, v61  }
0x1cf: {  	v45 =	vperm.xlane v25, v7;
	v46 =	vmul.f32 v44, v46;
	[tilespmem:v47+s30+$0x0] =	vst.idx.add.f32.msk $0xffff, v62  }
0x1d0: {  	v57 =	vperm.xlane v24, v7;
	v44 =	vmul.f32 v44, v53;
	[tilespmem:v50+s30+$0x0] =	vst.idx.add.f32.msk $0xffff, v48  }
0x1d1: {  	v58 =	vperm.xlane v26, v7;
	v47 =	vperm.xlane v23, v7;
	[tilespmem:v60+s30+$0x0] =	vst.idx.add.f32.msk $0xffff, v46  }
0x1d2: {  	[tilespmem:v63+s30+$0x0] =	vst.idx.add.f32.msk $0xffff, v44  }
0x1d3: {  	v59 =	vsub.f32 $1.000000000e+00, v45;
	v60 =	vsub.f32 $1.000000000e+00, v47;
	v44 =	vmul.f32 v58, v57;
	v46 =	vld.idx.msk [tilespmem:v55+s17+$0x0], $0xffff  }
0x1d4: {  	v51 =	vperm.xlane v28, v7  }
0x1d5: {  	v52 =	vmul.f32 v60, v59;
	v48 =	vsub.f32 v58, v44  }
0x1d6: {  	v54 =	vadd.s32 v2, v51;
	v56 =	vadd.s32 v30, v51;
	v49 =	vmul.f32 v47, v59  }
0x1d7: {  	v57 =	vadd.s32 v31, v51;
	v50 =	vmul.f32 v60, v45;
	v55 =	vmul.f32 v48, v52  }
0x1d8: {  	v45 =	vmul.f32 v47, v45;
	v53 =	vunpack.i.u.bf16.f32 v46;
	v46 =	vunpack.i.l.bf16.f32 v46  }
0x1d9: {  	v60 =	vadd.s32 v32, v51;
	v59 =	vmul.f32 v48, v49;
	v58 =	vmul.f32 v55, v46  }
0x1da: {  	v52 =	vmul.f32 v52, v44;
	v61 =	vmul.f32 v55, v53;
	v55 =	vadd.s32 v33, v51  }
0x1db: {  	v62 =	vmul.f32 v59, v46;
	[tilespmem:v54+s30+$0x0] =	vst.idx.add.f32.msk $0xffff, v58;
	v58 =	vmul.f32 v48, v50  }
0x1dc: {  	v49 =	vmul.f32 v44, v49;
	v63 =	vmul.f32 v59, v53;
	[tilespmem:v56+s30+$0x0] =	vst.idx.add.f32.msk $0xffff, v61  }
0x1dd: {  	v56 =	vadd.s32 v29, v51;
	[tilespmem:v57+s30+$0x0] =	vst.idx.add.f32.msk $0xffff, v62;
	v61 =	vmul.f32 v58, v46  }
0x1de: {  	v57 =	vadd.s32 v34, v51;
	v62 =	vmul.f32 v48, v45;
	v48 =	vadd.s32 v35, v51  }
0x1df: {  	[tilespmem:v60+s30+$0x0] =	vst.idx.add.f32.msk $0xffff, v63;
	v63 =	vmul.f32 v58, v53;
	v58 =	vmul.f32 v49, v46  }
0x1e0: {  	v49 =	vmul.f32 v49, v53;
	[tilespmem:v55+s30+$0x0] =	vst.idx.add.f32.msk $0xffff, v61;
	v55 =	vadd.s32 v36, v51  }
0x1e1: {  	v60 =	vmul.f32 v62, v46;
	v61 =	vadd.s32 v37, v51;
	v47 =	vmul.f32 v62, v53  }
0x1e2: {  	v62 =	vadd.s32 v38, v51;
	[tilespmem:v56+s30+$0x0] =	vst.idx.add.f32.msk $0xffff, v63;
	v63 =	vmul.f32 v52, v46  }
0x1e3: {  	[tilespmem:v57+s30+$0x0] =	vst.idx.add.f32.msk $0xffff, v60;
	v57 =	vmul.f32 v52, v53;
	v52 =	vadd.s32 v39, v51  }
0x1e4: {  	v60 =	vadd.s32 v42, v51;
	[tilespmem:v48+s30+$0x0] =	vst.idx.add.f32.msk $0xffff, v47;
	v47 =	vadd.s32 v40, v51  }
0x1e5: {  	v48 =	vmul.f32 v50, v44;
	v50 =	vadd.s32 v41, v51;
	[tilespmem:v55+s30+$0x0] =	vst.idx.add.f32.msk $0xffff, v63  }
0x1e6: {  	v44 =	vmul.f32 v44, v45;
	[tilespmem:v61+s30+$0x0] =	vst.idx.add.f32.msk $0xffff, v57;
	v61 =	vperm.xlane v27, v10  }
0x1e7: {  	v63 =	vadd.s32 v43, v51;
	[tilespmem:v62+s30+$0x0] =	vst.idx.add.f32.msk $0xffff, v58;
	v62 =	vmul.f32 v48, v46  }
0x1e8: {  	v48 =	vmul.f32 v48, v53;
	[tilespmem:v52+s30+$0x0] =	vst.idx.add.f32.msk $0xffff, v49;
	v55 =	vadd.s32 v2, v61  }
0x1e9: {  	v45 =	vperm.xlane v25, v10;
	v46 =	vmul.f32 v44, v46;
	[tilespmem:v47+s30+$0x0] =	vst.idx.add.f32.msk $0xffff, v62  }
0x1ea: {  	v57 =	vperm.xlane v24, v10;
	v44 =	vmul.f32 v44, v53;
	[tilespmem:v50+s30+$0x0] =	vst.idx.add.f32.msk $0xffff, v48  }
0x1eb: {  	v58 =	vperm.xlane v26, v10;
	v47 =	vperm.xlane v23, v10;
	[tilespmem:v60+s30+$0x0] =	vst.idx.add.f32.msk $0xffff, v46  }
0x1ec: {  	[tilespmem:v63+s30+$0x0] =	vst.idx.add.f32.msk $0xffff, v44  }
0x1ed: {  	v59 =	vsub.f32 $1.000000000e+00, v45;
	v60 =	vsub.f32 $1.000000000e+00, v47;
	v44 =	vmul.f32 v58, v57;
	v46 =	vld.idx.msk [tilespmem:v55+s17+$0x0], $0xffff  }
0x1ee: {  	v51 =	vperm.xlane v28, v10  }
0x1ef: {  	v52 =	vmul.f32 v60, v59;
	v48 =	vsub.f32 v58, v44  }
0x1f0: {  	v54 =	vadd.s32 v2, v51;
	v56 =	vadd.s32 v30, v51;
	v49 =	vmul.f32 v47, v59  }
0x1f1: {  	v57 =	vadd.s32 v31, v51;
	v50 =	vmul.f32 v60, v45;
	v55 =	vmul.f32 v48, v52  }
0x1f2: {  	v45 =	vmul.f32 v47, v45;
	v53 =	vunpack.i.u.bf16.f32 v46;
	v46 =	vunpack.i.l.bf16.f32 v46  }
0x1f3: {  	v60 =	vadd.s32 v32, v51;
	v59 =	vmul.f32 v48, v49;
	v58 =	vmul.f32 v55, v46  }
0x1f4: {  	v52 =	vmul.f32 v52, v44;
	v61 =	vmul.f32 v55, v53;
	v55 =	vadd.s32 v33, v51  }
0x1f5: {  	v62 =	vmul.f32 v59, v46;
	[tilespmem:v54+s30+$0x0] =	vst.idx.add.f32.msk $0xffff, v58;
	v58 =	vmul.f32 v48, v50  }
0x1f6: {  	v49 =	vmul.f32 v44, v49;
	v63 =	vmul.f32 v59, v53;
	[tilespmem:v56+s30+$0x0] =	vst.idx.add.f32.msk $0xffff, v61  }
0x1f7: {  	v56 =	vadd.s32 v29, v51;
	[tilespmem:v57+s30+$0x0] =	vst.idx.add.f32.msk $0xffff, v62;
	v61 =	vmul.f32 v58, v46  }
0x1f8: {  	v57 =	vadd.s32 v34, v51;
	v62 =	vmul.f32 v48, v45;
	v48 =	vadd.s32 v35, v51  }
0x1f9: {  	[tilespmem:v60+s30+$0x0] =	vst.idx.add.f32.msk $0xffff, v63;
	v63 =	vmul.f32 v58, v53;
	v58 =	vmul.f32 v49, v46  }
0x1fa: {  	v49 =	vmul.f32 v49, v53;
	[tilespmem:v55+s30+$0x0] =	vst.idx.add.f32.msk $0xffff, v61;
	v55 =	vadd.s32 v36, v51  }
0x1fb: {  	v60 =	vmul.f32 v62, v46;
	v61 =	vadd.s32 v37, v51;
	v47 =	vmul.f32 v62, v53  }
0x1fc: {  	v62 =	vadd.s32 v38, v51;
	[tilespmem:v56+s30+$0x0] =	vst.idx.add.f32.msk $0xffff, v63;
	v63 =	vmul.f32 v52, v46  }
0x1fd: {  	[tilespmem:v57+s30+$0x0] =	vst.idx.add.f32.msk $0xffff, v60;
	v57 =	vmul.f32 v52, v53;
	v52 =	vadd.s32 v39, v51  }
0x1fe: {  	v60 =	vadd.s32 v42, v51;
	[tilespmem:v48+s30+$0x0] =	vst.idx.add.f32.msk $0xffff, v47;
	v47 =	vadd.s32 v40, v51  }
0x1ff: {  	v48 =	vmul.f32 v50, v44;
	v50 =	vadd.s32 v41, v51;
	[tilespmem:v55+s30+$0x0] =	vst.idx.add.f32.msk $0xffff, v63  }
0x200: {  	v44 =	vmul.f32 v44, v45;
	[tilespmem:v61+s30+$0x0] =	vst.idx.add.f32.msk $0xffff, v57;
	v61 =	vperm.xlane v27, v11  }
0x201: {  	v63 =	vadd.s32 v43, v51;
	[tilespmem:v62+s30+$0x0] =	vst.idx.add.f32.msk $0xffff, v58;
	v62 =	vmul.f32 v48, v46  }
0x202: {  	v48 =	vmul.f32 v48, v53;
	[tilespmem:v52+s30+$0x0] =	vst.idx.add.f32.msk $0xffff, v49;
	v55 =	vadd.s32 v2, v61  }
0x203: {  	v45 =	vperm.xlane v25, v11;
	v46 =	vmul.f32 v44, v46;
	[tilespmem:v47+s30+$0x0] =	vst.idx.add.f32.msk $0xffff, v62  }
0x204: {  	v57 =	vperm.xlane v24, v11;
	v44 =	vmul.f32 v44, v53;
	[tilespmem:v50+s30+$0x0] =	vst.idx.add.f32.msk $0xffff, v48  }
0x205: {  	v58 =	vperm.xlane v26, v11;
	v47 =	vperm.xlane v23, v11;
	[tilespmem:v60+s30+$0x0] =	vst.idx.add.f32.msk $0xffff, v46  }
0x206: {  	[tilespmem:v63+s30+$0x0] =	vst.idx.add.f32.msk $0xffff, v44  }
0x207: {  	v59 =	vsub.f32 $1.000000000e+00, v45;
	v60 =	vsub.f32 $1.000000000e+00, v47;
	v44 =	vmul.f32 v58, v57;
	v46 =	vld.idx.msk [tilespmem:v55+s17+$0x0], $0xffff  }
0x208: {  	v51 =	vperm.xlane v28, v11  }
0x209: {  	v52 =	vmul.f32 v60, v59;
	v48 =	vsub.f32 v58, v44  }
0x20a: {  	v54 =	vadd.s32 v2, v51;
	v56 =	vadd.s32 v30, v51;
	v49 =	vmul.f32 v47, v59  }
0x20b: {  	v57 =	vadd.s32 v31, v51;
	v50 =	vmul.f32 v60, v45;
	v55 =	vmul.f32 v48, v52  }
0x20c: {  	v45 =	vmul.f32 v47, v45;
	v53 =	vunpack.i.u.bf16.f32 v46;
	v46 =	vunpack.i.l.bf16.f32 v46  }
0x20d: {  	v60 =	vadd.s32 v32, v51;
	v59 =	vmul.f32 v48, v49;
	v58 =	vmul.f32 v55, v46  }
0x20e: {  	v52 =	vmul.f32 v52, v44;
	v61 =	vmul.f32 v55, v53;
	v55 =	vadd.s32 v33, v51  }
0x20f: {  	v62 =	vmul.f32 v59, v46;
	[tilespmem:v54+s30+$0x0] =	vst.idx.add.f32.msk $0xffff, v58;
	v58 =	vmul.f32 v48, v50  }
0x210: {  	v49 =	vmul.f32 v44, v49;
	v63 =	vmul.f32 v59, v53;
	[tilespmem:v56+s30+$0x0] =	vst.idx.add.f32.msk $0xffff, v61  }
0x211: {  	v56 =	vadd.s32 v29, v51;
	[tilespmem:v57+s30+$0x0] =	vst.idx.add.f32.msk $0xffff, v62;
	v61 =	vmul.f32 v58, v46  }
0x212: {  	v57 =	vadd.s32 v34, v51;
	v62 =	vmul.f32 v48, v45;
	v48 =	vadd.s32 v35, v51  }
0x213: {  	[tilespmem:v60+s30+$0x0] =	vst.idx.add.f32.msk $0xffff, v63;
	v63 =	vmul.f32 v58, v53;
	v58 =	vmul.f32 v49, v46  }
0x214: {  	v49 =	vmul.f32 v49, v53;
	[tilespmem:v55+s30+$0x0] =	vst.idx.add.f32.msk $0xffff, v61;
	v55 =	vadd.s32 v36, v51  }
0x215: {  	v60 =	vmul.f32 v62, v46;
	v61 =	vadd.s32 v37, v51;
	v47 =	vmul.f32 v62, v53  }
0x216: {  	v62 =	vadd.s32 v38, v51;
	[tilespmem:v56+s30+$0x0] =	vst.idx.add.f32.msk $0xffff, v63;
	v63 =	vmul.f32 v52, v46  }
0x217: {  	[tilespmem:v57+s30+$0x0] =	vst.idx.add.f32.msk $0xffff, v60;
	v57 =	vmul.f32 v52, v53;
	v52 =	vadd.s32 v39, v51  }
0x218: {  	v60 =	vadd.s32 v42, v51;
	[tilespmem:v48+s30+$0x0] =	vst.idx.add.f32.msk $0xffff, v47;
	v47 =	vadd.s32 v40, v51  }
0x219: {  	v48 =	vmul.f32 v50, v44;
	v50 =	vadd.s32 v41, v51;
	[tilespmem:v55+s30+$0x0] =	vst.idx.add.f32.msk $0xffff, v63  }
0x21a: {  	v44 =	vmul.f32 v44, v45;
	[tilespmem:v61+s30+$0x0] =	vst.idx.add.f32.msk $0xffff, v57;
	v61 =	vperm.xlane v27, v12  }
0x21b: {  	v63 =	vadd.s32 v43, v51;
	[tilespmem:v62+s30+$0x0] =	vst.idx.add.f32.msk $0xffff, v58;
	v62 =	vmul.f32 v48, v46  }
0x21c: {  	v48 =	vmul.f32 v48, v53;
	[tilespmem:v52+s30+$0x0] =	vst.idx.add.f32.msk $0xffff, v49;
	v55 =	vadd.s32 v2, v61  }
0x21d: {  	v45 =	vperm.xlane v25, v12;
	v46 =	vmul.f32 v44, v46;
	[tilespmem:v47+s30+$0x0] =	vst.idx.add.f32.msk $0xffff, v62  }
0x21e: {  	v57 =	vperm.xlane v24, v12;
	v44 =	vmul.f32 v44, v53;
	[tilespmem:v50+s30+$0x0] =	vst.idx.add.f32.msk $0xffff, v48  }
0x21f: {  	v58 =	vperm.xlane v26, v12;
	v47 =	vperm.xlane v23, v12;
	[tilespmem:v60+s30+$0x0] =	vst.idx.add.f32.msk $0xffff, v46  }
0x220: {  	[tilespmem:v63+s30+$0x0] =	vst.idx.add.f32.msk $0xffff, v44  }
0x221: {  	v59 =	vsub.f32 $1.000000000e+00, v45;
	v60 =	vsub.f32 $1.000000000e+00, v47;
	v44 =	vmul.f32 v58, v57;
	v46 =	vld.idx.msk [tilespmem:v55+s17+$0x0], $0xffff  }
0x222: {  	v51 =	vperm.xlane v28, v12  }
0x223: {  	v52 =	vmul.f32 v60, v59;
	v48 =	vsub.f32 v58, v44  }
0x224: {  	v54 =	vadd.s32 v2, v51;
	v56 =	vadd.s32 v30, v51;
	v49 =	vmul.f32 v47, v59  }
0x225: {  	v57 =	vadd.s32 v31, v51;
	v50 =	vmul.f32 v60, v45;
	v55 =	vmul.f32 v48, v52  }
0x226: {  	v45 =	vmul.f32 v47, v45;
	v53 =	vunpack.i.u.bf16.f32 v46;
	v46 =	vunpack.i.l.bf16.f32 v46  }
0x227: {  	v60 =	vadd.s32 v32, v51;
	v59 =	vmul.f32 v48, v49;
	v58 =	vmul.f32 v55, v46  }
0x228: {  	v52 =	vmul.f32 v52, v44;
	v61 =	vmul.f32 v55, v53;
	v55 =	vadd.s32 v33, v51  }
0x229: {  	v62 =	vmul.f32 v59, v46;
	[tilespmem:v54+s30+$0x0] =	vst.idx.add.f32.msk $0xffff, v58;
	v58 =	vmul.f32 v48, v50  }
0x22a: {  	v49 =	vmul.f32 v44, v49;
	v63 =	vmul.f32 v59, v53;
	[tilespmem:v56+s30+$0x0] =	vst.idx.add.f32.msk $0xffff, v61  }
0x22b: {  	v56 =	vadd.s32 v29, v51;
	[tilespmem:v57+s30+$0x0] =	vst.idx.add.f32.msk $0xffff, v62;
	v61 =	vmul.f32 v58, v46  }
0x22c: {  	v57 =	vadd.s32 v34, v51;
	v62 =	vmul.f32 v48, v45;
	v48 =	vadd.s32 v35, v51  }
0x22d: {  	[tilespmem:v60+s30+$0x0] =	vst.idx.add.f32.msk $0xffff, v63;
	v63 =	vmul.f32 v58, v53;
	v58 =	vmul.f32 v49, v46  }
0x22e: {  	v49 =	vmul.f32 v49, v53;
	[tilespmem:v55+s30+$0x0] =	vst.idx.add.f32.msk $0xffff, v61;
	v55 =	vadd.s32 v36, v51  }
0x22f: {  	v60 =	vmul.f32 v62, v46;
	v61 =	vadd.s32 v37, v51;
	v47 =	vmul.f32 v62, v53  }
0x230: {  	v62 =	vadd.s32 v38, v51;
	[tilespmem:v56+s30+$0x0] =	vst.idx.add.f32.msk $0xffff, v63;
	v63 =	vmul.f32 v52, v46  }
0x231: {  	[tilespmem:v57+s30+$0x0] =	vst.idx.add.f32.msk $0xffff, v60;
	v57 =	vmul.f32 v52, v53;
	v52 =	vadd.s32 v39, v51  }
0x232: {  	v60 =	vadd.s32 v42, v51;
	[tilespmem:v48+s30+$0x0] =	vst.idx.add.f32.msk $0xffff, v47;
	v47 =	vadd.s32 v40, v51  }
0x233: {  	v48 =	vmul.f32 v50, v44;
	v50 =	vadd.s32 v41, v51;
	[tilespmem:v55+s30+$0x0] =	vst.idx.add.f32.msk $0xffff, v63  }
0x234: {  	v44 =	vmul.f32 v44, v45;
	[tilespmem:v61+s30+$0x0] =	vst.idx.add.f32.msk $0xffff, v57;
	v61 =	vperm.xlane v27, v5  }
0x235: {  	v63 =	vadd.s32 v43, v51;
	[tilespmem:v62+s30+$0x0] =	vst.idx.add.f32.msk $0xffff, v58;
	v62 =	vmul.f32 v48, v46  }
0x236: {  	v48 =	vmul.f32 v48, v53;
	[tilespmem:v52+s30+$0x0] =	vst.idx.add.f32.msk $0xffff, v49;
	v55 =	vadd.s32 v2, v61  }
0x237: {  	v45 =	vperm.xlane v25, v5;
	v46 =	vmul.f32 v44, v46;
	[tilespmem:v47+s30+$0x0] =	vst.idx.add.f32.msk $0xffff, v62  }
0x238: {  	v57 =	vperm.xlane v24, v5;
	v44 =	vmul.f32 v44, v53;
	[tilespmem:v50+s30+$0x0] =	vst.idx.add.f32.msk $0xffff, v48  }
0x239: {  	v58 =	vperm.xlane v26, v5;
	v47 =	vperm.xlane v23, v5;
	[tilespmem:v60+s30+$0x0] =	vst.idx.add.f32.msk $0xffff, v46  }
0x23a: {  	[tilespmem:v63+s30+$0x0] =	vst.idx.add.f32.msk $0xffff, v44  }
0x23b: {  	v59 =	vsub.f32 $1.000000000e+00, v45;
	v60 =	vsub.f32 $1.000000000e+00, v47;
	v44 =	vmul.f32 v58, v57;
	v46 =	vld.idx.msk [tilespmem:v55+s17+$0x0], $0xffff  }
0x23c: {  	v51 =	vperm.xlane v28, v5  }
0x23d: {  	v52 =	vmul.f32 v60, v59;
	v48 =	vsub.f32 v58, v44  }
0x23e: {  	v54 =	vadd.s32 v2, v51;
	v56 =	vadd.s32 v30, v51;
	v49 =	vmul.f32 v47, v59  }
0x23f: {  	v57 =	vadd.s32 v31, v51;
	v50 =	vmul.f32 v60, v45;
	v55 =	vmul.f32 v48, v52  }
0x240: {  	v45 =	vmul.f32 v47, v45;
	v53 =	vunpack.i.u.bf16.f32 v46;
	v46 =	vunpack.i.l.bf16.f32 v46  }
0x241: {  	v60 =	vadd.s32 v32, v51;
	v59 =	vmul.f32 v48, v49;
	v58 =	vmul.f32 v55, v46  }
0x242: {  	v52 =	vmul.f32 v52, v44;
	v61 =	vmul.f32 v55, v53;
	v55 =	vadd.s32 v33, v51  }
0x243: {  	v62 =	vmul.f32 v59, v46;
	[tilespmem:v54+s30+$0x0] =	vst.idx.add.f32.msk $0xffff, v58;
	v58 =	vmul.f32 v48, v50  }
0x244: {  	v49 =	vmul.f32 v44, v49;
	v63 =	vmul.f32 v59, v53;
	[tilespmem:v56+s30+$0x0] =	vst.idx.add.f32.msk $0xffff, v61  }
0x245: {  	v56 =	vadd.s32 v29, v51;
	[tilespmem:v57+s30+$0x0] =	vst.idx.add.f32.msk $0xffff, v62;
	v61 =	vmul.f32 v58, v46  }
0x246: {  	v57 =	vadd.s32 v34, v51;
	v62 =	vmul.f32 v48, v45;
	v48 =	vadd.s32 v35, v51  }
0x247: {  	[tilespmem:v60+s30+$0x0] =	vst.idx.add.f32.msk $0xffff, v63;
	v63 =	vmul.f32 v58, v53;
	v58 =	vmul.f32 v49, v46  }
0x248: {  	v49 =	vmul.f32 v49, v53;
	[tilespmem:v55+s30+$0x0] =	vst.idx.add.f32.msk $0xffff, v61;
	v55 =	vadd.s32 v36, v51  }
0x249: {  	v60 =	vmul.f32 v62, v46;
	v61 =	vadd.s32 v37, v51;
	v47 =	vmul.f32 v62, v53  }
0x24a: {  	v62 =	vadd.s32 v38, v51;
	[tilespmem:v56+s30+$0x0] =	vst.idx.add.f32.msk $0xffff, v63;
	v63 =	vmul.f32 v52, v46  }
0x24b: {  	[tilespmem:v57+s30+$0x0] =	vst.idx.add.f32.msk $0xffff, v60;
	v57 =	vmul.f32 v52, v53;
	v52 =	vadd.s32 v39, v51  }
0x24c: {  	v60 =	vadd.s32 v42, v51;
	[tilespmem:v48+s30+$0x0] =	vst.idx.add.f32.msk $0xffff, v47;
	v47 =	vadd.s32 v40, v51  }
0x24d: {  	v48 =	vmul.f32 v50, v44;
	v50 =	vadd.s32 v41, v51;
	[tilespmem:v55+s30+$0x0] =	vst.idx.add.f32.msk $0xffff, v63  }
0x24e: {  	v44 =	vmul.f32 v44, v45;
	[tilespmem:v61+s30+$0x0] =	vst.idx.add.f32.msk $0xffff, v57;
	v61 =	vperm.xlane v27, v13  }
0x24f: {  	v63 =	vadd.s32 v43, v51;
	[tilespmem:v62+s30+$0x0] =	vst.idx.add.f32.msk $0xffff, v58;
	v62 =	vmul.f32 v48, v46  }
0x250: {  	v48 =	vmul.f32 v48, v53;
	[tilespmem:v52+s30+$0x0] =	vst.idx.add.f32.msk $0xffff, v49;
	v55 =	vadd.s32 v2, v61  }
0x251: {  	v45 =	vperm.xlane v25, v13;
	v46 =	vmul.f32 v44, v46;
	[tilespmem:v47+s30+$0x0] =	vst.idx.add.f32.msk $0xffff, v62  }
0x252: {  	v57 =	vperm.xlane v24, v13;
	v44 =	vmul.f32 v44, v53;
	[tilespmem:v50+s30+$0x0] =	vst.idx.add.f32.msk $0xffff, v48  }
0x253: {  	v58 =	vperm.xlane v26, v13;
	v47 =	vperm.xlane v23, v13;
	[tilespmem:v60+s30+$0x0] =	vst.idx.add.f32.msk $0xffff, v46  }
0x254: {  	[tilespmem:v63+s30+$0x0] =	vst.idx.add.f32.msk $0xffff, v44  }
0x255: {  	v59 =	vsub.f32 $1.000000000e+00, v45;
	v60 =	vsub.f32 $1.000000000e+00, v47;
	v44 =	vmul.f32 v58, v57;
	v46 =	vld.idx.msk [tilespmem:v55+s17+$0x0], $0xffff  }
0x256: {  	v51 =	vperm.xlane v28, v13  }
0x257: {  	v52 =	vmul.f32 v60, v59;
	v48 =	vsub.f32 v58, v44  }
0x258: {  	v54 =	vadd.s32 v2, v51;
	v56 =	vadd.s32 v30, v51;
	v49 =	vmul.f32 v47, v59  }
0x259: {  	v57 =	vadd.s32 v31, v51;
	v50 =	vmul.f32 v60, v45;
	v55 =	vmul.f32 v48, v52  }
0x25a: {  	v45 =	vmul.f32 v47, v45;
	v53 =	vunpack.i.u.bf16.f32 v46;
	v46 =	vunpack.i.l.bf16.f32 v46  }
0x25b: {  	v60 =	vadd.s32 v32, v51;
	v59 =	vmul.f32 v48, v49;
	v58 =	vmul.f32 v55, v46  }
0x25c: {  	v52 =	vmul.f32 v52, v44;
	v61 =	vmul.f32 v55, v53;
	v55 =	vadd.s32 v33, v51  }
0x25d: {  	v62 =	vmul.f32 v59, v46;
	[tilespmem:v54+s30+$0x0] =	vst.idx.add.f32.msk $0xffff, v58;
	v58 =	vmul.f32 v48, v50  }
0x25e: {  	v49 =	vmul.f32 v44, v49;
	v63 =	vmul.f32 v59, v53;
	[tilespmem:v56+s30+$0x0] =	vst.idx.add.f32.msk $0xffff, v61  }
0x25f: {  	v56 =	vadd.s32 v29, v51;
	[tilespmem:v57+s30+$0x0] =	vst.idx.add.f32.msk $0xffff, v62;
	v61 =	vmul.f32 v58, v46  }
0x260: {  	v57 =	vadd.s32 v34, v51;
	v62 =	vmul.f32 v48, v45;
	v48 =	vadd.s32 v35, v51  }
0x261: {  	[tilespmem:v60+s30+$0x0] =	vst.idx.add.f32.msk $0xffff, v63;
	v63 =	vmul.f32 v58, v53;
	v58 =	vmul.f32 v49, v46  }
0x262: {  	v49 =	vmul.f32 v49, v53;
	[tilespmem:v55+s30+$0x0] =	vst.idx.add.f32.msk $0xffff, v61;
	v55 =	vadd.s32 v36, v51  }
0x263: {  	v60 =	vmul.f32 v62, v46;
	v61 =	vadd.s32 v37, v51;
	v47 =	vmul.f32 v62, v53  }
0x264: {  	v62 =	vadd.s32 v38, v51;
	[tilespmem:v56+s30+$0x0] =	vst.idx.add.f32.msk $0xffff, v63;
	v63 =	vmul.f32 v52, v46  }
0x265: {  	[tilespmem:v57+s30+$0x0] =	vst.idx.add.f32.msk $0xffff, v60;
	v57 =	vmul.f32 v52, v53;
	v52 =	vadd.s32 v39, v51  }
0x266: {  	v60 =	vadd.s32 v42, v51;
	[tilespmem:v48+s30+$0x0] =	vst.idx.add.f32.msk $0xffff, v47;
	v47 =	vadd.s32 v40, v51  }
0x267: {  	v48 =	vmul.f32 v50, v44;
	v50 =	vadd.s32 v41, v51;
	[tilespmem:v55+s30+$0x0] =	vst.idx.add.f32.msk $0xffff, v63  }
0x268: {  	v44 =	vmul.f32 v44, v45;
	[tilespmem:v61+s30+$0x0] =	vst.idx.add.f32.msk $0xffff, v57;
	v61 =	vperm.xlane v27, v14  }
0x269: {  	v63 =	vadd.s32 v43, v51;
	[tilespmem:v62+s30+$0x0] =	vst.idx.add.f32.msk $0xffff, v58;
	v62 =	vmul.f32 v48, v46  }
0x26a: {  	v48 =	vmul.f32 v48, v53;
	[tilespmem:v52+s30+$0x0] =	vst.idx.add.f32.msk $0xffff, v49;
	v55 =	vadd.s32 v2, v61  }
0x26b: {  	v45 =	vperm.xlane v25, v14;
	v46 =	vmul.f32 v44, v46;
	[tilespmem:v47+s30+$0x0] =	vst.idx.add.f32.msk $0xffff, v62  }
0x26c: {  	v57 =	vperm.xlane v24, v14;
	v44 =	vmul.f32 v44, v53;
	[tilespmem:v50+s30+$0x0] =	vst.idx.add.f32.msk $0xffff, v48  }
0x26d: {  	v58 =	vperm.xlane v26, v14;
	v47 =	vperm.xlane v23, v14;
	[tilespmem:v60+s30+$0x0] =	vst.idx.add.f32.msk $0xffff, v46  }
0x26e: {  	[tilespmem:v63+s30+$0x0] =	vst.idx.add.f32.msk $0xffff, v44  }
0x26f: {  	v59 =	vsub.f32 $1.000000000e+00, v45;
	v60 =	vsub.f32 $1.000000000e+00, v47;
	v44 =	vmul.f32 v58, v57;
	v46 =	vld.idx.msk [tilespmem:v55+s17+$0x0], $0xffff  }
0x270: {  	v51 =	vperm.xlane v28, v14  }
0x271: {  	v52 =	vmul.f32 v60, v59;
	v48 =	vsub.f32 v58, v44  }
0x272: {  	v54 =	vadd.s32 v2, v51;
	v56 =	vadd.s32 v30, v51;
	v49 =	vmul.f32 v47, v59  }
0x273: {  	v57 =	vadd.s32 v31, v51;
	v50 =	vmul.f32 v60, v45;
	v55 =	vmul.f32 v48, v52  }
0x274: {  	v45 =	vmul.f32 v47, v45;
	v53 =	vunpack.i.u.bf16.f32 v46;
	v46 =	vunpack.i.l.bf16.f32 v46  }
0x275: {  	v60 =	vadd.s32 v32, v51;
	v59 =	vmul.f32 v48, v49;
	v58 =	vmul.f32 v55, v46  }
0x276: {  	v52 =	vmul.f32 v52, v44;
	v61 =	vmul.f32 v55, v53;
	v55 =	vadd.s32 v33, v51  }
0x277: {  	v62 =	vmul.f32 v59, v46;
	[tilespmem:v54+s30+$0x0] =	vst.idx.add.f32.msk $0xffff, v58;
	v58 =	vmul.f32 v48, v50  }
0x278: {  	v49 =	vmul.f32 v44, v49;
	v63 =	vmul.f32 v59, v53;
	[tilespmem:v56+s30+$0x0] =	vst.idx.add.f32.msk $0xffff, v61  }
0x279: {  	v56 =	vadd.s32 v29, v51;
	[tilespmem:v57+s30+$0x0] =	vst.idx.add.f32.msk $0xffff, v62;
	v61 =	vmul.f32 v58, v46  }
0x27a: {  	v57 =	vadd.s32 v34, v51;
	v62 =	vmul.f32 v48, v45;
	v48 =	vadd.s32 v35, v51  }
0x27b: {  	[tilespmem:v60+s30+$0x0] =	vst.idx.add.f32.msk $0xffff, v63;
	v63 =	vmul.f32 v58, v53;
	v58 =	vmul.f32 v49, v46  }
0x27c: {  	v49 =	vmul.f32 v49, v53;
	[tilespmem:v55+s30+$0x0] =	vst.idx.add.f32.msk $0xffff, v61;
	v55 =	vadd.s32 v36, v51  }
0x27d: {  	v60 =	vmul.f32 v62, v46;
	v61 =	vadd.s32 v37, v51;
	v47 =	vmul.f32 v62, v53  }
0x27e: {  	v62 =	vadd.s32 v38, v51;
	[tilespmem:v56+s30+$0x0] =	vst.idx.add.f32.msk $0xffff, v63;
	v63 =	vmul.f32 v52, v46  }
0x27f: {  	[tilespmem:v57+s30+$0x0] =	vst.idx.add.f32.msk $0xffff, v60;
	v57 =	vmul.f32 v52, v53;
	v52 =	vadd.s32 v39, v51  }
0x280: {  	v60 =	vadd.s32 v42, v51;
	[tilespmem:v48+s30+$0x0] =	vst.idx.add.f32.msk $0xffff, v47;
	v47 =	vadd.s32 v40, v51  }
0x281: {  	v48 =	vmul.f32 v50, v44;
	v50 =	vadd.s32 v41, v51;
	[tilespmem:v55+s30+$0x0] =	vst.idx.add.f32.msk $0xffff, v63  }
0x282: {  	v44 =	vmul.f32 v44, v45;
	[tilespmem:v61+s30+$0x0] =	vst.idx.add.f32.msk $0xffff, v57;
	v61 =	vperm.xlane v27, v15  }
0x283: {  	v63 =	vadd.s32 v43, v51;
	[tilespmem:v62+s30+$0x0] =	vst.idx.add.f32.msk $0xffff, v58;
	v62 =	vmul.f32 v48, v46  }
0x284: {  	v48 =	vmul.f32 v48, v53;
	[tilespmem:v52+s30+$0x0] =	vst.idx.add.f32.msk $0xffff, v49;
	v55 =	vadd.s32 v2, v61  }
0x285: {  	v45 =	vperm.xlane v25, v15;
	v46 =	vmul.f32 v44, v46;
	[tilespmem:v47+s30+$0x0] =	vst.idx.add.f32.msk $0xffff, v62  }
0x286: {  	v57 =	vperm.xlane v24, v15;
	v44 =	vmul.f32 v44, v53;
	[tilespmem:v50+s30+$0x0] =	vst.idx.add.f32.msk $0xffff, v48  }
0x287: {  	v58 =	vperm.xlane v26, v15;
	v47 =	vperm.xlane v23, v15;
	[tilespmem:v60+s30+$0x0] =	vst.idx.add.f32.msk $0xffff, v46  }
0x288: {  	[tilespmem:v63+s30+$0x0] =	vst.idx.add.f32.msk $0xffff, v44  }
0x289: {  	v59 =	vsub.f32 $1.000000000e+00, v45;
	v60 =	vsub.f32 $1.000000000e+00, v47;
	v44 =	vmul.f32 v58, v57;
	v46 =	vld.idx.msk [tilespmem:v55+s17+$0x0], $0xffff  }
0x28a: {  	v51 =	vperm.xlane v28, v15  }
0x28b: {  	v52 =	vmul.f32 v60, v59;
	v48 =	vsub.f32 v58, v44  }
0x28c: {  	v54 =	vadd.s32 v2, v51;
	v56 =	vadd.s32 v30, v51;
	v49 =	vmul.f32 v47, v59  }
0x28d: {  	v57 =	vadd.s32 v31, v51;
	v50 =	vmul.f32 v60, v45;
	v55 =	vmul.f32 v48, v52  }
0x28e: {  	v45 =	vmul.f32 v47, v45;
	v53 =	vunpack.i.u.bf16.f32 v46;
	v46 =	vunpack.i.l.bf16.f32 v46  }
0x28f: {  	v60 =	vadd.s32 v32, v51;
	v59 =	vmul.f32 v48, v49;
	v58 =	vmul.f32 v55, v46  }
0x290: {  	v52 =	vmul.f32 v52, v44;
	v61 =	vmul.f32 v55, v53;
	v55 =	vadd.s32 v33, v51  }
0x291: {  	v62 =	vmul.f32 v59, v46;
	[tilespmem:v54+s30+$0x0] =	vst.idx.add.f32.msk $0xffff, v58;
	v58 =	vmul.f32 v48, v50  }
0x292: {  	v49 =	vmul.f32 v44, v49;
	v63 =	vmul.f32 v59, v53;
	[tilespmem:v56+s30+$0x0] =	vst.idx.add.f32.msk $0xffff, v61  }
0x293: {  	v56 =	vadd.s32 v29, v51;
	[tilespmem:v57+s30+$0x0] =	vst.idx.add.f32.msk $0xffff, v62;
	v61 =	vmul.f32 v58, v46  }
0x294: {  	v57 =	vadd.s32 v34, v51;
	v62 =	vmul.f32 v48, v45;
	v48 =	vadd.s32 v35, v51  }
0x295: {  	[tilespmem:v60+s30+$0x0] =	vst.idx.add.f32.msk $0xffff, v63;
	v63 =	vmul.f32 v58, v53;
	v58 =	vmul.f32 v49, v46  }
0x296: {  	v49 =	vmul.f32 v49, v53;
	[tilespmem:v55+s30+$0x0] =	vst.idx.add.f32.msk $0xffff, v61;
	v55 =	vadd.s32 v36, v51  }
0x297: {  	v60 =	vmul.f32 v62, v46;
	v61 =	vadd.s32 v37, v51;
	v47 =	vmul.f32 v62, v53  }
0x298: {  	v62 =	vadd.s32 v38, v51;
	[tilespmem:v56+s30+$0x0] =	vst.idx.add.f32.msk $0xffff, v63;
	v63 =	vmul.f32 v52, v46  }
0x299: {  	[tilespmem:v57+s30+$0x0] =	vst.idx.add.f32.msk $0xffff, v60;
	v57 =	vmul.f32 v52, v53;
	v52 =	vadd.s32 v39, v51  }
0x29a: {  	v60 =	vadd.s32 v42, v51;
	[tilespmem:v48+s30+$0x0] =	vst.idx.add.f32.msk $0xffff, v47;
	v47 =	vadd.s32 v40, v51  }
0x29b: {  	v48 =	vmul.f32 v50, v44;
	v50 =	vadd.s32 v41, v51;
	[tilespmem:v55+s30+$0x0] =	vst.idx.add.f32.msk $0xffff, v63  }
0x29c: {  	v44 =	vmul.f32 v44, v45;
	[tilespmem:v61+s30+$0x0] =	vst.idx.add.f32.msk $0xffff, v57;
	v61 =	vperm.xlane v27, v16  }
0x29d: {  	v63 =	vadd.s32 v43, v51;
	[tilespmem:v62+s30+$0x0] =	vst.idx.add.f32.msk $0xffff, v58;
	v62 =	vmul.f32 v48, v46  }
0x29e: {  	v48 =	vmul.f32 v48, v53;
	[tilespmem:v52+s30+$0x0] =	vst.idx.add.f32.msk $0xffff, v49;
	v55 =	vadd.s32 v2, v61  }
0x29f: {  	v45 =	vperm.xlane v25, v16;
	v46 =	vmul.f32 v44, v46;
	[tilespmem:v47+s30+$0x0] =	vst.idx.add.f32.msk $0xffff, v62  }
0x2a0: {  	v57 =	vperm.xlane v24, v16;
	v44 =	vmul.f32 v44, v53;
	[tilespmem:v50+s30+$0x0] =	vst.idx.add.f32.msk $0xffff, v48  }
0x2a1: {  	v58 =	vperm.xlane v26, v16;
	v47 =	vperm.xlane v23, v16;
	[tilespmem:v60+s30+$0x0] =	vst.idx.add.f32.msk $0xffff, v46  }
0x2a2: {  	[tilespmem:v63+s30+$0x0] =	vst.idx.add.f32.msk $0xffff, v44  }
0x2a3: {  	v59 =	vsub.f32 $1.000000000e+00, v45;
	v60 =	vsub.f32 $1.000000000e+00, v47;
	v44 =	vmul.f32 v58, v57;
	v46 =	vld.idx.msk [tilespmem:v55+s17+$0x0], $0xffff  }
0x2a4: {  	v51 =	vperm.xlane v28, v16  }
0x2a5: {  	v52 =	vmul.f32 v60, v59;
	v48 =	vsub.f32 v58, v44  }
0x2a6: {  	v54 =	vadd.s32 v2, v51;
	v56 =	vadd.s32 v30, v51;
	v49 =	vmul.f32 v47, v59  }
0x2a7: {  	v57 =	vadd.s32 v31, v51;
	v50 =	vmul.f32 v60, v45;
	v55 =	vmul.f32 v48, v52  }
0x2a8: {  	v45 =	vmul.f32 v47, v45;
	v53 =	vunpack.i.u.bf16.f32 v46;
	v46 =	vunpack.i.l.bf16.f32 v46  }
0x2a9: {  	v60 =	vadd.s32 v32, v51;
	v59 =	vmul.f32 v48, v49;
	v58 =	vmul.f32 v55, v46  }
0x2aa: {  	v52 =	vmul.f32 v52, v44;
	v61 =	vmul.f32 v55, v53;
	v55 =	vadd.s32 v33, v51  }
0x2ab: {  	v62 =	vmul.f32 v59, v46;
	[tilespmem:v54+s30+$0x0] =	vst.idx.add.f32.msk $0xffff, v58;
	v58 =	vmul.f32 v48, v50  }
0x2ac: {  	v63 =	vmul.f32 v59, v53;
	[tilespmem:v56+s30+$0x0] =	vst.idx.add.f32.msk $0xffff, v61;
	v56 =	vadd.s32 v29, v51  }
0x2ad: {  	[tilespmem:v57+s30+$0x0] =	vst.idx.add.f32.msk $0xffff, v62;
	v61 =	vmul.f32 v58, v46;
	v57 =	vadd.s32 v34, v51  }
0x2ae: {  	v62 =	vmul.f32 v48, v45;
	v48 =	vadd.s32 v35, v51;
	[tilespmem:v60+s30+$0x0] =	vst.idx.add.f32.msk $0xffff, v63  }
0x2af: {  	v63 =	vmul.f32 v58, v53;
	[tilespmem:v55+s30+$0x0] =	vst.idx.add.f32.msk $0xffff, v61;
	v55 =	vadd.s32 v36, v51  }
0x2b0: {  	v49 =	vmul.f32 v44, v49;
	v60 =	vmul.f32 v62, v46;
	v61 =	vadd.s32 v37, v51  }
0x2b1: {  	v47 =	vmul.f32 v62, v53;
	v62 =	vadd.s32 v38, v51;
	[tilespmem:v56+s30+$0x0] =	vst.idx.add.f32.msk $0xffff, v63  }
0x2b2: {  	v58 =	vmul.f32 v49, v46;
	v63 =	vmul.f32 v52, v46;
	[tilespmem:v57+s30+$0x0] =	vst.idx.add.f32.msk $0xffff, v60  }
0x2b3: {  	v57 =	vmul.f32 v52, v53;
	v52 =	vadd.s32 v39, v51;
	[tilespmem:v48+s30+$0x0] =	vst.idx.add.f32.msk $0xffff, v47  }
0x2b4: {  	v49 =	vmul.f32 v49, v53;
	v47 =	vadd.s32 v40, v51;
	[tilespmem:v55+s30+$0x0] =	vst.idx.add.f32.msk $0xffff, v63  }
0x2b5: {  	v60 =	vadd.s32 v41, v51;
	v48 =	vmul.f32 v50, v44;
	[tilespmem:v61+s30+$0x0] =	vst.idx.add.f32.msk $0xffff, v57  }
0x2b6: {  	v61 =	vadd.s32 v42, v51;
	[tilespmem:v62+s30+$0x0] =	vst.idx.add.f32.msk $0xffff, v58;
	v62 =	vperm.xlane v27, v17  }
0x2b7: {  	v44 =	vmul.f32 v44, v45;
	v63 =	vmul.f32 v48, v46;
	v58 =	vadd.s32 v43, v51  }
0x2b8: {  	v48 =	vmul.f32 v48, v53;
	[tilespmem:v52+s30+$0x0] =	vst.idx.add.f32.msk $0xffff, v49;
	v59 =	vadd.s32 v2, v62  }
0x2b9: {  	v46 =	vmul.f32 v44, v46;
	v44 =	vmul.f32 v44, v53;
	[tilespmem:v47+s30+$0x0] =	vst.idx.add.f32.msk $0xffff, v63  }
0x2ba: {  	[tilespmem:v60+s30+$0x0] =	vst.idx.add.f32.msk $0xffff, v48;
	v60 =	vperm.xlane v24, v17;
	v48 =	vperm.xlane v25, v17  }
0x2bb: {  	[tilespmem:v61+s30+$0x0] =	vst.idx.add.f32.msk $0xffff, v46;
	v46 =	vperm.xlane v23, v17;
	v61 =	vperm.xlane v26, v17  }
0x2bc: {  	[tilespmem:v58+s30+$0x0] =	vst.idx.add.f32.msk $0xffff, v44  }
0x2bd: {  	v62 =	vsub.f32 $1.000000000e+00, v48;
	v45 =	vmul.f32 v61, v60;
	v63 =	vsub.f32 $1.000000000e+00, v46;
	v44 =	vld.idx.msk [tilespmem:v59+s17+$0x0], $0xffff  }
0x2be: {  	v51 =	vperm.xlane v28, v17  }
0x2bf: {  	v50 =	vsub.f32 v61, v45;
	v52 =	vmul.f32 v63, v62  }
0x2c0: {  	v53 =	vadd.s32 v2, v51;
	v55 =	vadd.s32 v30, v51;
	v47 =	vmul.f32 v46, v62  }
0x2c1: {  	v58 =	vadd.s32 v31, v51;
	v46 =	vmul.f32 v46, v48;
	v60 =	vmul.f32 v50, v52  }
0x2c2: {  	v49 =	vmul.f32 v63, v48;
	v56 =	vunpack.i.u.bf16.f32 v44;
	v44 =	vunpack.i.l.bf16.f32 v44  }
0x2c3: {  	v59 =	vmul.f32 v50, v47;
	v57 =	vmul.f32 v60, v44  }
0x2c4: {  	v52 =	vmul.f32 v52, v45;
	v54 =	vmul.f32 v60, v56;
	v60 =	vadd.s32 v32, v51  }
0x2c5: {  	v61 =	vmul.f32 v59, v44;
	[tilespmem:v53+s30+$0x0] =	vst.idx.add.f32.msk $0xffff, v57;
	v53 =	vadd.s32 v33, v51  }
0x2c6: {  	v57 =	vadd.s32 v29, v51;
	[tilespmem:v55+s30+$0x0] =	vst.idx.add.f32.msk $0xffff, v54;
	v55 =	vmul.f32 v50, v49  }
0x2c7: {  	v62 =	vmul.f32 v59, v56;
	[tilespmem:v58+s30+$0x0] =	vst.idx.add.f32.msk $0xffff, v61;
	v58 =	vadd.s32 v34, v51  }
0x2c8: {  	v61 =	vmul.f32 v50, v46;
	v50 =	vadd.s32 v35, v51;
	v63 =	vmul.f32 v55, v44  }
0x2c9: {  	v54 =	vadd.s32 v36, v51;
	[tilespmem:v60+s30+$0x0] =	vst.idx.add.f32.msk $0xffff, v62;
	v62 =	vmul.f32 v55, v56  }
0x2ca: {  	v60 =	vadd.s32 v37, v51;
	[tilespmem:v53+s30+$0x0] =	vst.idx.add.f32.msk $0xffff, v63;
	v63 =	vmul.f32 v61, v44  }
0x2cb: {  	v48 =	vmul.f32 v61, v56;
	v61 =	vadd.s32 v38, v51;
	[tilespmem:v57+s30+$0x0] =	vst.idx.add.f32.msk $0xffff, v62  }
0x2cc: {  	v47 =	vmul.f32 v45, v47;
	v62 =	vmul.f32 v52, v44;
	[tilespmem:v58+s30+$0x0] =	vst.idx.add.f32.msk $0xffff, v63  }
0x2cd: {  	v27 =	vperm.xlane v27, v1;
	v63 =	vmul.f32 v52, v56;
	[tilespmem:v50+s30+$0x0] =	vst.idx.add.f32.msk $0xffff, v48  }
0x2ce: {  	v57 =	vmul.f32 v47, v44;
	v58 =	vadd.s32 v39, v51;
	[tilespmem:v54+s30+$0x0] =	vst.idx.add.f32.msk $0xffff, v62  }
0x2cf: {  	v27 =	vadd.s32 v2, v27;
	[tilespmem:v60+s30+$0x0] =	vst.idx.add.f32.msk $0xffff, v63;
	v60 =	vadd.s32 v40, v51  }
0x2d0: {  	v49 =	vmul.f32 v49, v45;
	[tilespmem:v61+s30+$0x0] =	vst.idx.add.f32.msk $0xffff, v57;
	v61 =	vadd.s32 v41, v51  }
0x2d1: {  	v24 =	vperm.xlane v24, v1;
	v47 =	vmul.f32 v47, v56;
	v62 =	vadd.s32 v42, v51  }
0x2d2: {  	v45 =	vmul.f32 v45, v46;
	v55 =	vadd.s32 v43, v51;
	v63 =	vmul.f32 v49, v44  }
0x2d3: {  	v25 =	vperm.xlane v25, v1;
	v57 =	vmul.f32 v49, v56;
	[tilespmem:v58+s30+$0x0] =	vst.idx.add.f32.msk $0xffff, v47  }
0x2d4: {  	v23 =	vperm.xlane v23, v1;
	v44 =	vmul.f32 v45, v44;
	[tilespmem:v60+s30+$0x0] =	vst.idx.add.f32.msk $0xffff, v63  }
0x2d5: {  	v26 =	vperm.xlane v26, v1;
	v45 =	vmul.f32 v45, v56;
	[tilespmem:v61+s30+$0x0] =	vst.idx.add.f32.msk $0xffff, v57  }
0x2d6: {  	v28 =	vperm.xlane v28, v1;
	[tilespmem:v62+s30+$0x0] =	vst.idx.add.f32.msk $0xffff, v44  }
0x2d7: {  	v24 =	vmul.f32 v26, v24;
	v59 =	vsub.f32 $1.000000000e+00, v23;
	v58 =	vsub.f32 $1.000000000e+00, v25;
	[tilespmem:v55+s30+$0x0] =	vst.idx.add.f32.msk $0xffff, v45  }
0x2d8: {  	v30 =	vadd.s32 v30, v28;
	v27 =	vld.idx.msk [tilespmem:v27+s17+$0x0], $0xffff  }
0x2d9: {  	v31 =	vadd.s32 v31, v28;
	v26 =	vsub.f32 v26, v24;
	v46 =	vmul.f32 v59, v58  }
0x2da: {  	v32 =	vadd.s32 v32, v28;
	v33 =	vadd.s32 v33, v28;
	v29 =	vadd.s32 v29, v28  }
0x2db: {  	v60 =	vadd.s32 v2, v28;
	v61 =	vmul.f32 v26, v46;
	v48 =	vmul.f32 v46, v24  }
0x2dc: {  	v50 =	vadd.s32 v38, v28;
	v44 =	vmul.f32 v23, v58;
	v23 =	vmul.f32 v23, v25  }
0x2dd: {  	v45 =	vmul.f32 v59, v25;
	v47 =	vunpack.i.u.bf16.f32 v27;
	v27 =	vunpack.i.l.bf16.f32 v27  }
0x2de: {  	v49 =	vadd.s32 v37, v28;
	v63 =	vmul.f32 v26, v44;
	v62 =	vmul.f32 v61, v27  }
0x2df: {  	v59 =	vadd.s32 v34, v28;
	v56 =	vmul.f32 v26, v45;
	v54 =	vmul.f32 v61, v47  }
0x2e0: {  	v52 =	vmul.f32 v24, v44;
	v55 =	vmul.f32 v63, v27;
	[tilespmem:v60+s30+$0x0] =	vst.idx.add.f32.msk $0xffff, v62  }
0x2e1: {  	v57 =	vmul.f32 v63, v47;
	v58 =	vmul.f32 v56, v27;
	[tilespmem:v30+s30+$0x0] =	vst.idx.add.f32.msk $0xffff, v54  }
0x2e2: {  	v61 =	vadd.s32 v35, v28;
	v60 =	vmul.f32 v26, v23;
	[tilespmem:v31+s30+$0x0] =	vst.idx.add.f32.msk $0xffff, v55  }
0x2e3: {  	v63 =	vadd.s32 v36, v28;
	v62 =	vmul.f32 v56, v47;
	[tilespmem:v32+s30+$0x0] =	vst.idx.add.f32.msk $0xffff, v57  }
0x2e4: {  	v51 =	vmul.f32 v48, v27;
	v36 =	vmul.f32 v60, v27;
	[tilespmem:v33+s30+$0x0] =	vst.idx.add.f32.msk $0xffff, v58  }
0x2e5: {  	v53 =	vmul.f32 v48, v47;
	v25 =	vmul.f32 v60, v47;
	[tilespmem:v29+s30+$0x0] =	vst.idx.add.f32.msk $0xffff, v62  }
0x2e6: {  	v56 =	vadd.s32 v40, v28;
	v54 =	vadd.s32 v39, v28;
	[tilespmem:v59+s30+$0x0] =	vst.idx.add.f32.msk $0xffff, v36  }
0x2e7: {  	v23 =	vmul.f32 v24, v23;
	v55 =	vmul.f32 v52, v27;
	[tilespmem:v61+s30+$0x0] =	vst.idx.add.f32.msk $0xffff, v25  }
0x2e8: {  	v57 =	vmul.f32 v45, v24;
	v58 =	vadd.s32 v41, v28;
	[tilespmem:v63+s30+$0x0] =	vst.idx.add.f32.msk $0xffff, v51  }
0x2e9: {  	v60 =	vadd.s32 v42, v28;
	v59 =	vmul.f32 v52, v47;
	[tilespmem:v49+s30+$0x0] =	vst.idx.add.f32.msk $0xffff, v53  }
0x2ea: {  	p0 =	seq.s32 s19, $0x1;
	v62 =	vadd.s32 v43, v28;
	v61 =	vmul.f32 v57, v27;
	[tilespmem:v50+s30+$0x0] =	vst.idx.add.f32.msk $0xffff, v55  }
.Ltmp9:
0x2eb: {  	v25 =	vmul.f32 v57, v47;
	[tilespmem:v54+s30+$0x0] =	vst.idx.add.f32.msk $0xffff, v59;
	(pc) =	sbr.rel @!p0 .LBB2_27-.Ltmp9, $4  }
0x2ec: {  	v63 =	vmul.f32 v23, v27;
	[tilespmem:v56+s30+$0x0] =	vst.idx.add.f32.msk $0xffff, v61  }
0x2ed: {  	v23 =	vmul.f32 v23, v47;
	[tilespmem:v58+s30+$0x0] =	vst.idx.add.f32.msk $0xffff, v25  }
0x2ee: {  	[tilespmem:v60+s30+$0x0] =	vst.idx.add.f32.msk $0xffff, v63  }
0x2ef: {  	s20 =	sadd.s32 $0x10, s20;
	s21 =	sadd.s32 $0x10, s21;
	s19 =	sadd.s32 $0xFFFFFFFF, s19;
	[tilespmem:v62+s30+$0x0] =	vst.idx.add.f32.msk $0xffff, v23  }
.LBB2_28:
0x2f0: {  	v18 =	vcvt.s32.f32 v22;
	_ =	sdelay $0x1  }
0x2f1: {  	v18 =	vmax.f32 v18, $1.000000000e+00  }
0x2f2: {  	(erf) = vrcp.f32 v18;
	_ =	sdelay $0x4  }
0x2f3: {  	s19 =	sand.u32 $0x1, s18  }
0x2f4: {  	p0 =	seq.s32 s19, $0x1  }
0x2f5: {  	p1 =	slt.u32 @!p0 s18, $0x2  }
0x2f6: {  	p1 =	por p1, p0  }
0x2f7: {  	s4 =	simm.s32 @!p1 $0x1;
	v18 =	vpop (erf)  }
0x2f8: {  	_ =	swait.ge @!p1 [sflag:s4], $0x360  }
0x2f9: {  	[sflag:s4] =	ssyncset.done @!p1 $0x0  }
0x2fa: {  	[sflag:s4] =	ssyncadd.s32 @!p1 $0xFFFFFCA0  }
0x2fb: {  	v19 =	vld @!p0 [tilespmem:$0x14280]  }
0x2fc: {  	v20 =	vld @!p0 [tilespmem:$0x14290]  }
0x2fd: {  	v21 =	vld @!p0 [tilespmem:$0x142A0]  }
0x2fe: {  	v22 =	vld @!p0 [tilespmem:$0x142B0]  }
0x2ff: {  	v23 =	vld @!p0 [tilespmem:$0x142C0]  }
0x300: {  	v24 =	vld @!p0 [tilespmem:$0x142D0];
	v19 =	vmul.f32 @!p0 v19, v18  }
0x301: {  	v25 =	vld @!p0 [tilespmem:$0x142E0];
	v20 =	vmul.f32 @!p0 v20, v18  }
0x302: {  	[tilespmem:$0x14780] =	vst @!p0 v19;
	v19 =	vmul.f32 @!p0 v21, v18;
	v21 =	vld @!p0 [tilespmem:$0x142F0]  }
0x303: {  	[tilespmem:$0x14790] =	vst @!p0 v20;
	v20 =	vmul.f32 @!p0 v22, v18;
	v22 =	vld @!p0 [tilespmem:$0x14300]  }
0x304: {  	[tilespmem:$0x147A0] =	vst @!p0 v19;
	v19 =	vmul.f32 @!p0 v23, v18;
	v23 =	vld @!p0 [tilespmem:$0x14310]  }
0x305: {  	[tilespmem:$0x147B0] =	vst @!p0 v20;
	v20 =	vmul.f32 @!p0 v24, v18;
	v24 =	vld @!p0 [tilespmem:$0x14320]  }
0x306: {  	[tilespmem:$0x147C0] =	vst @!p0 v19;
	v19 =	vmul.f32 @!p0 v25, v18;
	v25 =	vld @!p0 [tilespmem:$0x14330]  }
0x307: {  	[tilespmem:$0x147D0] =	vst @!p0 v20;
	v20 =	vmul.f32 @!p0 v21, v18;
	v21 =	vld @!p0 [tilespmem:$0x14340]  }
0x308: {  	[tilespmem:$0x147E0] =	vst @!p0 v19;
	v19 =	vmul.f32 @!p0 v22, v18;
	v22 =	vld @!p0 [tilespmem:$0x14350]  }
0x309: {  	[tilespmem:$0x147F0] =	vst @!p0 v20;
	v20 =	vmul.f32 @!p0 v23, v18;
	v23 =	vld @!p0 [tilespmem:$0x14360]  }
0x30a: {  	[tilespmem:$0x14800] =	vst @!p0 v19;
	v19 =	vmul.f32 @!p0 v24, v18;
	v24 =	vld @!p0 [tilespmem:$0x14370]  }
0x30b: {  	[tilespmem:$0x14810] =	vst @!p0 v20;
	v20 =	vmul.f32 @!p0 v25, v18;
	v25 =	vld @!p0 [tilespmem:$0x14380]  }
0x30c: {  	[tilespmem:$0x14820] =	vst @!p0 v19;
	v19 =	vmul.f32 @!p0 v21, v18;
	v21 =	vld @!p0 [tilespmem:$0x14390]  }
0x30d: {  	[tilespmem:$0x14830] =	vst @!p0 v20;
	v20 =	vmul.f32 @!p0 v22, v18;
	v22 =	vld @!p0 [tilespmem:$0x143A0]  }
0x30e: {  	[tilespmem:$0x14840] =	vst @!p0 v19;
	v19 =	vmul.f32 @!p0 v23, v18;
	v23 =	vld @!p0 [tilespmem:$0x143B0]  }
0x30f: {  	[tilespmem:$0x14850] =	vst @!p0 v20;
	v20 =	vmul.f32 @!p0 v24, v18;
	v24 =	vld @!p0 [tilespmem:$0x143C0]  }
0x310: {  	[tilespmem:$0x14860] =	vst @!p0 v19;
	v19 =	vmul.f32 @!p0 v25, v18;
	v25 =	vld @!p0 [tilespmem:$0x143D0]  }
0x311: {  	[tilespmem:$0x14870] =	vst @!p0 v20;
	v20 =	vmul.f32 @!p0 v21, v18;
	v21 =	vld @!p0 [tilespmem:$0x143E0]  }
0x312: {  	[tilespmem:$0x14880] =	vst @!p0 v19;
	v19 =	vmul.f32 @!p0 v22, v18;
	v22 =	vld @!p0 [tilespmem:$0x143F0]  }
0x313: {  	[tilespmem:$0x14890] =	vst @!p0 v20;
	v20 =	vmul.f32 @!p0 v23, v18;
	v23 =	vld @!p0 [tilespmem:$0x14400]  }
0x314: {  	[tilespmem:$0x148A0] =	vst @!p0 v19;
	v19 =	vmul.f32 @!p0 v24, v18;
	v24 =	vld @!p0 [tilespmem:$0x14410]  }
0x315: {  	[tilespmem:$0x148B0] =	vst @!p0 v20;
	v20 =	vmul.f32 @!p0 v25, v18;
	v25 =	vld @!p0 [tilespmem:$0x14420]  }
0x316: {  	[tilespmem:$0x148C0] =	vst @!p0 v19;
	v19 =	vmul.f32 @!p0 v21, v18;
	v21 =	vld @!p0 [tilespmem:$0x14430]  }
0x317: {  	[tilespmem:$0x148D0] =	vst @!p0 v20;
	v20 =	vmul.f32 @!p0 v22, v18;
	v22 =	vld @!p0 [tilespmem:$0x14440]  }
0x318: {  	[tilespmem:$0x148E0] =	vst @!p0 v19;
	v19 =	vmul.f32 @!p0 v23, v18;
	v23 =	vld @!p0 [tilespmem:$0x14450]  }
0x319: {  	[tilespmem:$0x148F0] =	vst @!p0 v20;
	v20 =	vmul.f32 @!p0 v24, v18;
	v24 =	vld @!p0 [tilespmem:$0x14460]  }
0x31a: {  	[tilespmem:$0x14900] =	vst @!p0 v19;
	v19 =	vmul.f32 @!p0 v25, v18;
	v25 =	vld @!p0 [tilespmem:$0x14470]  }
0x31b: {  	[tilespmem:$0x14910] =	vst @!p0 v20;
	v20 =	vmul.f32 @!p0 v21, v18;
	v21 =	vld @!p0 [tilespmem:$0x14480]  }
0x31c: {  	[tilespmem:$0x14920] =	vst @!p0 v19;
	v19 =	vmul.f32 @!p0 v22, v18;
	v22 =	vld @!p0 [tilespmem:$0x14490]  }
0x31d: {  	[tilespmem:$0x14930] =	vst @!p0 v20;
	v20 =	vmul.f32 @!p0 v23, v18;
	v23 =	vld @!p0 [tilespmem:$0x144A0]  }
0x31e: {  	[tilespmem:$0x14940] =	vst @!p0 v19;
	v19 =	vmul.f32 @!p0 v24, v18;
	v24 =	vld @!p0 [tilespmem:$0x144B0]  }
0x31f: {  	[tilespmem:$0x14950] =	vst @!p0 v20;
	v20 =	vmul.f32 @!p0 v25, v18;
	v25 =	vld @!p0 [tilespmem:$0x144C0]  }
0x320: {  	[tilespmem:$0x14960] =	vst @!p0 v19;
	v19 =	vmul.f32 @!p0 v21, v18;
	v21 =	vld @!p0 [tilespmem:$0x144D0]  }
0x321: {  	[tilespmem:$0x14970] =	vst @!p0 v20;
	v20 =	vmul.f32 @!p0 v22, v18;
	v22 =	vld @!p0 [tilespmem:$0x144E0]  }
0x322: {  	[tilespmem:$0x14980] =	vst @!p0 v19;
	v19 =	vmul.f32 @!p0 v23, v18;
	v23 =	vld @!p0 [tilespmem:$0x144F0]  }
0x323: {  	[tilespmem:$0x14990] =	vst @!p0 v20;
	v20 =	vmul.f32 @!p0 v24, v18;
	v24 =	vld @!p0 [tilespmem:$0x14500]  }
0x324: {  	[tilespmem:$0x149A0] =	vst @!p0 v19;
	v19 =	vmul.f32 @!p0 v25, v18;
	v25 =	vld @!p0 [tilespmem:$0x14510]  }
0x325: {  	[tilespmem:$0x149B0] =	vst @!p0 v20;
	v20 =	vmul.f32 @!p0 v21, v18;
	v21 =	vld @!p0 [tilespmem:$0x14520]  }
0x326: {  	[tilespmem:$0x149C0] =	vst @!p0 v19;
	v19 =	vmul.f32 @!p0 v22, v18;
	v22 =	vld @!p0 [tilespmem:$0x14530]  }
0x327: {  	[tilespmem:$0x149D0] =	vst @!p0 v20;
	v20 =	vmul.f32 @!p0 v23, v18;
	v23 =	vld @!p0 [tilespmem:$0x14540]  }
0x328: {  	[tilespmem:$0x149E0] =	vst @!p0 v19;
	v19 =	vmul.f32 @!p0 v24, v18;
	v24 =	vld @!p0 [tilespmem:$0x14550]  }
0x329: {  	[tilespmem:$0x149F0] =	vst @!p0 v20;
	v20 =	vmul.f32 @!p0 v25, v18;
	v25 =	vld @!p0 [tilespmem:$0x14560]  }
0x32a: {  	[tilespmem:$0x14A00] =	vst @!p0 v19;
	v19 =	vmul.f32 @!p0 v21, v18;
	v21 =	vld @!p0 [tilespmem:$0x14570]  }
0x32b: {  	[tilespmem:$0x14A10] =	vst @!p0 v20;
	v20 =	vmul.f32 @!p0 v22, v18;
	v22 =	vld @!p0 [tilespmem:$0x14580]  }
0x32c: {  	[tilespmem:$0x14A20] =	vst @!p0 v19;
	v19 =	vmul.f32 @!p0 v23, v18;
	v23 =	vld @!p0 [tilespmem:$0x14590]  }
0x32d: {  	[tilespmem:$0x14A30] =	vst @!p0 v20;
	v20 =	vmul.f32 @!p0 v24, v18;
	v24 =	vld @!p0 [tilespmem:$0x145A0]  }
0x32e: {  	[tilespmem:$0x14A40] =	vst @!p0 v19;
	v19 =	vmul.f32 @!p0 v25, v18;
	v25 =	vld @!p0 [tilespmem:$0x145B0]  }
0x32f: {  	[tilespmem:$0x14A50] =	vst @!p0 v20;
	v20 =	vmul.f32 @!p0 v21, v18;
	v21 =	vld @!p0 [tilespmem:$0x145C0]  }
0x330: {  	[tilespmem:$0x14A60] =	vst @!p0 v19;
	v19 =	vmul.f32 @!p0 v22, v18;
	v22 =	vld @!p0 [tilespmem:$0x145D0]  }
0x331: {  	[tilespmem:$0x14A70] =	vst @!p0 v20;
	v20 =	vmul.f32 @!p0 v23, v18  }
0x332: {  	[tilespmem:$0x14A80] =	vst @!p0 v19;
	v19 =	vmul.f32 @!p0 v24, v18  }
0x333: {  	[tilespmem:$0x14A90] =	vst @!p0 v20;
	v20 =	vmul.f32 @!p0 v25, v18  }
0x334: {  	s4 =	sadd.s32 @!p0 s5, s18;
	[tilespmem:$0x14AA0] =	vst @!p0 v19;
	v19 =	vmul.f32 @!p0 v21, v18  }
0x335: {  	s4 =	smul.u32 @!p0 $0x6C, s4;
	[tilespmem:$0x14AB0] =	vst @!p0 v20;
	v20 =	vmul.f32 @!p0 v22, v18  }
0x336: {  	s6 =	simm.s32 @!p0 $0x0;
	[tilespmem:$0x14AC0] =	vst @!p0 v19  }
0x337: {  	s7 =	simm.s32 @!p0 $0x14780;
	p1 =	seq.s32 @!p0 s19, $0x0;
	s4 =	sadd.s32 @!p0 s8, s4;
	[tilespmem:$0x14AD0] =	vst @!p0 v20  }
0x338: {  	[hbm4b:s4+s6] =	stream.linear.scatter @!p0 [tilespmem:s7], [sflag:$0x1], $0x360, $0x38;
	[tilespmem:$0x1A180] =	vst v63  }
0x339: {  	p0 =	por p0, !p1  }
.Ltmp10:
0x33a: {  	_ = 	snop;
	(pc) =	sbr.rel @!p0 .LBB2_30-.Ltmp10, $1  }
0x33b: {  	_ =	sdelay $0x3  }
0x33c: {  	p0 =	slt.u32 s18, $0x2  }
0x33d: {  	s4 =	simm.s32 @!p0 $0x2  }
0x33e: {  	_ =	swait.ge @!p0 [sflag:s4], $0x360  }
0x33f: {  	[sflag:s4] =	ssyncset.done @!p0 $0x0  }
0x340: {  	[sflag:s4] =	ssyncadd.s32 @!p0 $0xFFFFFCA0  }
0x341: {  	v19 =	vld [tilespmem:$0x14280]  }
0x342: {  	v20 =	vld [tilespmem:$0x14290]  }
0x343: {  	v21 =	vld [tilespmem:$0x142A0]  }
0x344: {  	v22 =	vld [tilespmem:$0x142B0]  }
0x345: {  	v23 =	vld [tilespmem:$0x142C0]  }
0x346: {  	v24 =	vld [tilespmem:$0x142D0];
	v19 =	vmul.f32 v19, v18  }
0x347: {  	v25 =	vld [tilespmem:$0x142E0];
	v20 =	vmul.f32 v20, v18  }
0x348: {  	v28 =	vld [tilespmem:$0x142F0];
	[tilespmem:$0x14AE0] =	vst v19;
	v19 =	vmul.f32 v21, v18  }
0x349: {  	v30 =	vld [tilespmem:$0x14300];
	v29 =	vmul.f32 v22, v18;
	[tilespmem:$0x14AF0] =	vst v20  }
0x34a: {  	v31 =	vld [tilespmem:$0x14310];
	[tilespmem:$0x14B00] =	vst v19;
	v19 =	vmul.f32 v23, v18  }
0x34b: {  	v33 =	vld [tilespmem:$0x14320];
	v32 =	vmul.f32 v24, v18;
	[tilespmem:$0x14B10] =	vst v29  }
0x34c: {  	v34 =	vld [tilespmem:$0x14330];
	[tilespmem:$0x14B20] =	vst v19;
	v19 =	vmul.f32 v25, v18  }
0x34d: {  	v36 =	vld [tilespmem:$0x14340];
	v35 =	vmul.f32 v28, v18;
	[tilespmem:$0x14B30] =	vst v32  }
0x34e: {  	v37 =	vld [tilespmem:$0x14350];
	[tilespmem:$0x14B40] =	vst v19;
	v19 =	vmul.f32 v30, v18  }
0x34f: {  	v39 =	vld [tilespmem:$0x14360];
	v38 =	vmul.f32 v31, v18;
	[tilespmem:$0x14B50] =	vst v35  }
0x350: {  	v40 =	vld [tilespmem:$0x14370];
	[tilespmem:$0x14B60] =	vst v19;
	v19 =	vmul.f32 v33, v18  }
0x351: {  	v42 =	vld [tilespmem:$0x14380];
	v41 =	vmul.f32 v34, v18;
	[tilespmem:$0x14B70] =	vst v38  }
0x352: {  	v43 =	vld [tilespmem:$0x14390];
	[tilespmem:$0x14B80] =	vst v19;
	v19 =	vmul.f32 v36, v18  }
0x353: {  	v45 =	vld [tilespmem:$0x143A0];
	v44 =	vmul.f32 v37, v18;
	[tilespmem:$0x14B90] =	vst v41  }
0x354: {  	v46 =	vld [tilespmem:$0x143B0];
	[tilespmem:$0x14BA0] =	vst v19;
	v19 =	vmul.f32 v39, v18  }
0x355: {  	v48 =	vld [tilespmem:$0x143C0];
	v47 =	vmul.f32 v40, v18;
	[tilespmem:$0x14BB0] =	vst v44  }
0x356: {  	v49 =	vld [tilespmem:$0x143D0];
	[tilespmem:$0x14BC0] =	vst v19;
	v19 =	vmul.f32 v42, v18  }
0x357: {  	v51 =	vld [tilespmem:$0x143E0];
	v50 =	vmul.f32 v43, v18;
	[tilespmem:$0x14BD0] =	vst v47  }
0x358: {  	v52 =	vld [tilespmem:$0x143F0];
	[tilespmem:$0x14BE0] =	vst v19;
	v19 =	vmul.f32 v45, v18  }
0x359: {  	v54 =	vld [tilespmem:$0x14400];
	v53 =	vmul.f32 v46, v18;
	[tilespmem:$0x14BF0] =	vst v50  }
0x35a: {  	v55 =	vld [tilespmem:$0x14410];
	[tilespmem:$0x14C00] =	vst v19;
	v19 =	vmul.f32 v48, v18  }
0x35b: {  	v57 =	vld [tilespmem:$0x14420];
	v56 =	vmul.f32 v49, v18;
	[tilespmem:$0x14C10] =	vst v53  }
0x35c: {  	v58 =	vld [tilespmem:$0x14430];
	[tilespmem:$0x14C20] =	vst v19;
	v19 =	vmul.f32 v51, v18  }
0x35d: {  	v60 =	vld [tilespmem:$0x14440];
	v59 =	vmul.f32 v52, v18;
	[tilespmem:$0x14C30] =	vst v56  }
0x35e: {  	v61 =	vld [tilespmem:$0x14450];
	[tilespmem:$0x14C40] =	vst v19;
	v19 =	vmul.f32 v54, v18  }
0x35f: {  	v63 =	vld [tilespmem:$0x14460];
	v62 =	vmul.f32 v55, v18;
	[tilespmem:$0x14C50] =	vst v59  }
0x360: {  	v28 =	vld [tilespmem:$0x14470];
	[tilespmem:$0x14C60] =	vst v19;
	v19 =	vmul.f32 v57, v18  }
0x361: {  	[tilespmem:$0x14C70] =	vst v62;
	v29 =	vmul.f32 v58, v18;
	v30 =	vld [tilespmem:$0x14480]  }
0x362: {  	v31 =	vld [tilespmem:$0x14490];
	[tilespmem:$0x14C80] =	vst v19;
	v19 =	vmul.f32 v60, v18  }
0x363: {  	v32 =	vmul.f32 v61, v18;
	[tilespmem:$0x14C90] =	vst v29;
	v33 =	vld [tilespmem:$0x144A0]  }
0x364: {  	v34 =	vld [tilespmem:$0x144B0];
	[tilespmem:$0x14CA0] =	vst v19;
	v19 =	vmul.f32 v63, v18  }
0x365: {  	[tilespmem:$0x14CB0] =	vst v32;
	v35 =	vmul.f32 v28, v18;
	v36 =	vld [tilespmem:$0x144C0]  }
0x366: {  	v37 =	vld [tilespmem:$0x144D0];
	[tilespmem:$0x14CC0] =	vst v19;
	v19 =	vmul.f32 v30, v18  }
0x367: {  	v38 =	vmul.f32 v31, v18;
	[tilespmem:$0x14CD0] =	vst v35;
	v39 =	vld [tilespmem:$0x144E0]  }
0x368: {  	v40 =	vld [tilespmem:$0x144F0];
	[tilespmem:$0x14CE0] =	vst v19;
	v19 =	vmul.f32 v33, v18  }
0x369: {  	v41 =	vmul.f32 v34, v18;
	[tilespmem:$0x14CF0] =	vst v38;
	v42 =	vld [tilespmem:$0x14500]  }
0x36a: {  	v43 =	vld [tilespmem:$0x14510];
	[tilespmem:$0x14D00] =	vst v19;
	v19 =	vmul.f32 v36, v18  }
0x36b: {  	v44 =	vmul.f32 v37, v18;
	[tilespmem:$0x14D10] =	vst v41;
	v45 =	vld [tilespmem:$0x14520]  }
0x36c: {  	v46 =	vld [tilespmem:$0x14530];
	[tilespmem:$0x14D20] =	vst v19;
	v19 =	vmul.f32 v39, v18  }
0x36d: {  	v47 =	vmul.f32 v40, v18;
	[tilespmem:$0x14D30] =	vst v44;
	v48 =	vld [tilespmem:$0x14540]  }
0x36e: {  	v49 =	vld [tilespmem:$0x14550];
	[tilespmem:$0x14D40] =	vst v19;
	v19 =	vmul.f32 v42, v18  }
0x36f: {  	v50 =	vmul.f32 v43, v18;
	[tilespmem:$0x14D50] =	vst v47;
	v51 =	vld [tilespmem:$0x14560]  }
0x370: {  	v52 =	vld [tilespmem:$0x14570];
	[tilespmem:$0x14D60] =	vst v19;
	v19 =	vmul.f32 v45, v18  }
0x371: {  	v53 =	vmul.f32 v46, v18;
	[tilespmem:$0x14D70] =	vst v50;
	v54 =	vld [tilespmem:$0x14580]  }
0x372: {  	v55 =	vld [tilespmem:$0x14590];
	[tilespmem:$0x14D80] =	vst v19;
	v19 =	vmul.f32 v48, v18  }
0x373: {  	v56 =	vmul.f32 v49, v18;
	[tilespmem:$0x14D90] =	vst v53;
	v57 =	vld [tilespmem:$0x145A0]  }
0x374: {  	v58 =	vld [tilespmem:$0x145B0];
	[tilespmem:$0x14DA0] =	vst v19;
	v19 =	vmul.f32 v51, v18  }
0x375: {  	v59 =	vmul.f32 v52, v18;
	[tilespmem:$0x14DB0] =	vst v56;
	v60 =	vld [tilespmem:$0x145C0]  }
0x376: {  	v61 =	vld [tilespmem:$0x145D0];
	[tilespmem:$0x14DC0] =	vst v19;
	v19 =	vmul.f32 v54, v18  }
0x377: {  	v62 =	vmul.f32 v55, v18;
	[tilespmem:$0x14DD0] =	vst v59  }
0x378: {  	[tilespmem:$0x14DE0] =	vst v19;
	v19 =	vmul.f32 v57, v18  }
0x379: {  	[tilespmem:$0x14DF0] =	vst v62;
	v63 =	vmul.f32 v58, v18  }
.Ltmp11:
0x37a: {  	s21 =	sadd.s32 s5, s18;
	[tilespmem:$0x14E00] =	vst v19;
	v19 =	vmul.f32 v60, v18;
	(pc) =	sbr.rel .LBB2_30-.Ltmp11, $4  }
0x37b: {  	s4 =	smul.u32 $0x6C, s21;
	[tilespmem:$0x14E10] =	vst v63;
	v18 =	vmul.f32 v61, v18  }
0x37c: {  	[tilespmem:$0x14E20] =	vst v19  }
0x37d: {  	s4 =	sadd.s32 s8, s4;
	[tilespmem:$0x14E30] =	vst v18  }
0x37e: {  	[hbm4b:s4+s3] =	stream.linear.scatter [tilespmem:s0], [sflag:$0x2], $0x360, $0x38;
	[tilespmem:$0x1A180] =	vst v63  }
.LBB2_9:
0x37f: {  	_ = 	snop  }
0x380: {  	v22 =	vadd.f32 v23, v20  }
0x381: {  	v24 =	vsub.f32 v20, v23  }
0x382: {  	v22 =	vmul.f32 $1.600000000e+01, v22  }
0x383: {  	v24 =	vmul.f32 $1.600000000e+01, v24  }
0x384: {  	v22 =	vtrunc.f32 v22  }
0x385: {  	v24 =	vtrunc.f32 v24;
	v22 =	vcvt.f32.s32 v22  }
.Ltmp12:
0x386: {  	v24 =	vcvt.f32.s32 v24;
	(pc) =	sbr.rel .LBB2_10-.Ltmp12, $4  }
0x387: {  	vm0 =	vgt.s32 v22, $0x0  }
0x388: {  	vm15 =	vgt.s32 v24, $0x0;
	v22 =	vnsel vm0, $0x0, v22  }
0x389: {  	v23 =	vmul.f32 v23, v23;
	v24 =	vnsel vm15, $0x0, v24;
	v25 =	vmin.u32 v22, $0xF  }
0x38a: {  	v24 =	vmin.u32 v24, $0xF;
	v22 =	vimm.s32 $0x0;
	v25 =	vadd.s32 $0x1, v25  }
.LBB2_12:
0x38b: {  	v30 =	vmov v26;
	v41 =	vmov v22  }
.LBB2_23:
0x38c: {  	_ =	sdelay $0x3  }
0x38d: {  	v35 =	vld.idx.msk [tilespmem:v30+s24+$0x0], $0xffff  }
0x38e: {  	v53 =	vld.idx.msk [tilespmem:v30+s25+$0x0], $0xffff  }
0x38f: {  	v40 =	vadd.f32 @p1 v42, v40  }
0x390: {  	v32 =	vsub.f32 @p0 v32, v19;
	v54 =	vld.idx.msk [tilespmem:v30+s26+$0x0], $0xffff;
	v34 =	vsub.f32 @p0 v34, v20  }
0x391: {  	v43 =	vmpcnt.ones.xlane @p3 vm1;
	vm6 =	vmmov @p2 vm6;
	vm2 =	vmmov @p0 vm2  }
0x392: {  	v32 =	vmul.f32 @p0 v32, v32;
	v38 =	vsub.f32 @p0 v38, v18;
	v34 =	vmul.f32 @p0 v34, v34  }
0x393: {  	vm13 =	vmmov vm0;
	v35 =	vsub.f32 v35, v19;
	v42 =	vsub.f32 v53, v20  }
0x394: {  	v26 =	vpsel p1, v33, v26;
	v32 =	vadd.f32 @p0 v34, v32;
	v34 =	vmul.f32 @p0 v38, v38  }
0x395: {  	v55 =	vsub.f32 v54, v18;
	v35 =	vmul.f32 v35, v35;
	v56 =	vmul.f32 v42, v42  }
0x396: {  	v27 =	vpsel p0, v28, v27;
	v32 =	vpsel p0, v32, v36;
	v34 =	vpsel p0, v34, v39  }
0x397: {  	v58 =	vmul.f32 v55, v55;
	v32 =	vadd.f32 @p0 v34, v32;
	v57 =	vadd.f32 v56, v35  }
0x398: {  	vm4 =	vmmov @p0 vm2;
	vm0 =	vmmov @p2 vm6;
	vm7 =	vle.f32 @p1 v40, v23  }
0x399: {  	vm5 =	vmand @p1 vm5, vm7;
	vm2 =	vle.f32 @p0 v32, v23;
	v59 =	vadd.f32 v58, v57  }
0x39a: {  	vm3 =	vmmov @p1 vm5;
	v36 =	vsel @p1 vm5, $0x1, v0;
	vm5 =	vmand @p0 vm4, vm2  }
0x39b: {  	vm14 =	vmmov vm13;
	(xrf0) =	vadd.scan.msk.s32 @p1 $0xffff, v36;
	v34 =	vsel @p0 vm5, $0x1, v0;
	vm15 =	vle.f32 v59, v23  }
0x39c: {  	v27 =	vpsel p0, v27, v0;
	v41 =	vadd.s32 @p3 v41, v43;
	(xrf0) =	vadd.scan.msk.s32 @p0 $0xffff, v34;
	vm4 =	vmand vm14, vm15  }
0x39d: {  	v32 =	vmpcnt.ones.xlane @p2 vm0;
	vm2 =	vmmov @p1 vm3;
	v60 =	vsel vm4, $0x1, v0  }
0x39e: {  	v41 =	vpsel p3, v41, v22;
	vm2 =	vmmov @p1 vm2;
	vm3 =	vmmov @p0 vm5;
	(xrf0) =	vadd.scan.msk.s32 $0xffff, v60  }
0x39f: {  	v28, _, _ =	vpop @p2 (xrf0);
	v32 =	vadd.s32 @p2 v41, v32;
	v33 =	vmpcnt.ones.xlane @p1 vm2;
	vm3 =	vmmov @p0 vm3  }
0x3a0: {  	v28 =	vadd.s32 @p2 v28, v41;
	v32 =	vpsel p2, v32, v22;
	vm3 =	vmmov @p0 vm3  }
0x3a1: {  	v28 =	vadd.s32 @p2 $0xFFFFFFFF, v28;
	v34, _, _ =	vpop @p1 (xrf0);
	v33 =	vadd.s32 @p1 v32, v33;
	v35 =	vmpcnt.ones.xlane @p0 vm3  }
0x3a2: {  	v37 =	vld.idx.msk @p2 [tilespmem:v37+s23+$0x0], $0xffff;
	v28 =	vpsel p2, v28, v0;
	v32 =	vadd.s32 @p1 v34, v32;
	v33 =	vpsel p1, v33, v22;
	v36, _, _ =	vpop @p0 (xrf0)  }
0x3a3: {  	v26 =	vld.idx.msk @p1 [tilespmem:v26+s23+$0x0], $0xffff;
	v32 =	vadd.s32 @p1 $0xFFFFFFFF, v32;
	v34 =	vadd.s32 @p0 v36, v33;
	v33 =	vadd.s32 @p0 v33, v35  }
0x3a4: {  	v27 =	vld.idx.msk @p0 [tilespmem:v27+s23+$0x0], $0xffff;
	v32 =	vpsel p1, v32, v0;
	v34 =	vadd.s32 @p0 $0xFFFFFFFF, v34;
	v22 =	vpsel p0, v33, v22;
	v61, _, _ =	vpop (xrf0)  }
0x3a5: {  	vm4 =	vmmov vm4;
	v33 =	vpsel p0, v34, v0;
	v62 =	vadd.s32 v61, v22  }
0x3a6: {  	v63 =	vld.idx.msk [tilespmem:v30+s23+$0x0], $0xffff;
	v34 =	vadd.s32 $0xFFFFFFFF, v62  }
0x3a7: {  	[tilespmem:v31+s28+$0x0] =	vst.idx.msk @p3 vm1, v29;
	v29 =	vpsel p2, v37, v0  }
0x3a8: {  	v26 =	vpsel p1, v26, v0;
	[tilespmem:v28+s28+$0x0] =	vst.idx.msk @p2 vm0, v29  }
0x3a9: {  	[tilespmem:v32+s28+$0x0] =	vst.idx.msk @p1 vm2, v26;
	v26 =	vpsel p0, v27, v0;
	v27 =	vmpcnt.ones.xlane vm4  }
0x3aa: {  	[tilespmem:v33+s28+$0x0] =	vst.idx.msk @p0 vm3, v26  }
0x3ab: {  	v22 =	vadd.s32 v22, v27;
	[tilespmem:v34+s28+$0x0] =	vst.idx.msk vm4, v63  }
.LBB2_24:
0x3ac: {  	p0 =	seq.s32 s20, s19  }
.Ltmp13:
0x3ad: {  	_ = 	snop;
	(pc) =	sbr.rel @p0 .LBB2_25-.Ltmp13, $3  }
0x3ae: {  	_ =	sdelay $0x1  }
0x3af: {  	s4 =	sadd.s32 $0x1, s20  }
0x3b0: {  	s20 =	smov.u32 s4  }
.LBB2_10:
0x3b1: {  	s4 =	sshll.u32 s20, $0x4  }
0x3b2: {  	v26 =	vor.u32 s4, v24  }
0x3b3: {  	v27 =	vadd.s32 s4, v25;
	_ =	sdelay $0x3  }
0x3b4: {  	v26 =	vld.idx.msk [tilespmem:v26+s1+$0x0], $0xffff  }
0x3b5: {  	v33 =	vld.idx.msk [tilespmem:v27+s1+$0x0], $0xffff;
	_ =	sdelay $0x4  }
0x3b6: {  	v27 =	vsub.s32 v33, v26  }
0x3b7: {  	v27 =	vxor.u32 $0x80000000, v27  }
0x3b8: {  	(xrf0) =	vmax.scan.msk.u32 $0xffff, v27;
	_ =	sdelay $0x5  }
0x3b9: {  	v27, _, _ =	vpop (xrf0)  }
0x3ba: {  	(v2sf) =	vpush v27, $0xF;
	_ =	sdelay $0xe  }
0x3bb: {  	s7 =	spop (v2sf)  }
0x3bc: {  	s4 =	sadd.s32 $0x8000000F, s7  }
0x3bd: {  	s6 =	sand.u32 $0xF, s4  }
0x3be: {  	s21 =	sshra.s32 s4, $0x1F;
	p1 =	slt.s32 s4, $0x1;
	p0 =	sne.s32 s6, $0x0  }
0x3bf: {  	s6 =	sshrl.u32 s21, $0x1C;
	p0 =	por !p1, !p0  }
0x3c0: {  	s4 =	sadd.s32 s6, s4;
	s6 =	simm.s32 $0x1;
	p0 =	por !p0, !p0  }
0x3c1: {  	s4 =	sshra.s32 s4, $0x4;
	s6 =	simm.s32 @!p0 $0x0  }
0x3c2: {  	s4 =	ssub.s32 s4, s6  }
0x3c3: {  	p0 =	slt.s32 s4, $0x1  }
.Ltmp14:
0x3c4: {  	_ = 	snop;
	(pc) =	sbr.rel @p0 .LBB2_24-.Ltmp14, $1  }
0x3c5: {  	_ =	sdelay $0x3  }
0x3c6: {  	p4 =	seq.s32 s4, $0x1  }
.Ltmp15:
0x3c7: {  	_ = 	snop;
	(pc) =	sbr.rel @p4 .LBB2_12-.Ltmp15, $4  }
0x3c8: {  	v35 =	vadd.s32 v2, v26;
	s6 =	simm.s32 $0x0  }
0x3c9: {  	v26 =	vadd.s32 s6, v35  }
0x3ca: {  	s4 =	sadd.s32 $0xFFFFFFFF, s4;
	p0 =	por $0x0, $0x0;
	vm0 =	vlt.s32 v26, v33  }
0x3cb: {  	p1 =	por $0x0, $0x0;
	p2 =	por $0x0, $0x0;
	p3 =	por $0x0, $0x0;
	v26 =	vnsel vm0, $0x0, v26  }
0x3cc: {  	_ = 	snop  }
0x3cd: {  	p4 =	seq.s32 s4, $0x1  }
.Ltmp16:
0x3ce: {  	_ = 	snop;
	(pc) =	sbr.rel @p4 .LBB2_14-.Ltmp16, $4  }
0x3cf: {  	s6 =	simm.s32 $0x10  }
0x3d0: {  	v32 =	vld.idx.msk [tilespmem:v26+s24+$0x0], $0xffff;
	v27 =	vadd.s32 s6, v35  }
0x3d1: {  	vm2 =	vmmov vm0;
	v34 =	vld.idx.msk [tilespmem:v26+s25+$0x0], $0xffff;
	vm0 =	vlt.s32 v27, v33  }
0x3d2: {  	s4 =	sadd.s32 $0xFFFFFFFF, s4;
	v38 =	vld.idx.msk [tilespmem:v26+s26+$0x0], $0xffff;
	p0 =	por $0x1, $0x1;
	v27 =	vnsel vm0, $0x0, v27  }
0x3d3: {  	_ =	sdelay $0x1  }
0x3d4: {  	p4 =	seq.s32 s4, $0x1  }
.Ltmp17:
0x3d5: {  	s6 =	simm.s32 $0x20;
	v28 =	vsub.f32 v32, v19;
	v29 =	vsub.f32 v34, v20;
	(pc) =	sbr.rel @p4 .LBB2_16-.Ltmp17, $4  }
0x3d6: {  	v31 =	vadd.s32 s6, v35  }
0x3d7: {  	v32 =	vld.idx.msk [tilespmem:v27+s24+$0x0], $0xffff;
	v30 =	vsub.f32 v38, v18;
	v28 =	vmul.f32 v28, v28;
	v29 =	vmul.f32 v29, v29  }
0x3d8: {  	vm5 =	vmmov vm2;
	vm2 =	vmmov vm0;
	vm0 =	vlt.s32 v31, v33;
	v34 =	vld.idx.msk [tilespmem:v27+s25+$0x0], $0xffff  }
0x3d9: {  	s4 =	sadd.s32 $0xFFFFFFFF, s4;
	p1 =	por $0x1, $0x1;
	v38 =	vld.idx.msk [tilespmem:v27+s26+$0x0], $0xffff;
	v42 =	vmul.f32 v30, v30;
	v40 =	vadd.f32 v29, v28;
	v28 =	vnsel vm0, $0x0, v31  }
0x3da: {  	_ = 	snop  }
0x3db: {  	v29 =	vadd.f32 v42, v40  }
0x3dc: {  	p4 =	seq.s32 s4, $0x1  }
.Ltmp18:
0x3dd: {  	s6 =	simm.s32 $0x30;
	v30 =	vsub.f32 v32, v19;
	vm1 =	vle.f32 v29, v23;
	v29 =	vsub.f32 v34, v20;
	(pc) =	sbr.rel @p4 .LBB2_18-.Ltmp18, $4  }
0x3de: {  	vm4 =	vmmov vm2;
	v37 =	vadd.s32 s6, v35;
	vm3 =	vmand vm5, vm1  }
0x3df: {  	v32 =	vld.idx.msk [tilespmem:v28+s24+$0x0], $0xffff;
	v31 =	vsub.f32 v38, v18;
	v30 =	vmul.f32 v30, v30;
	v29 =	vmul.f32 v29, v29  }
0x3e0: {  	vm2 =	vmmov vm0;
	vm0 =	vlt.s32 v37, v33;
	v34 =	vld.idx.msk [tilespmem:v28+s25+$0x0], $0xffff;
	v36 =	vsel vm3, $0x1, v0  }
0x3e1: {  	p2 =	por $0x1, $0x1;
	s6 =	sadd.s32 $0xFFFFFFFF, s4;
	v43 =	vnsel vm0, $0x0, v37;
	v38 =	vld.idx.msk [tilespmem:v28+s26+$0x0], $0xffff;
	(xrf0) =	vadd.scan.msk.s32 $0xffff, v36;
	v39 =	vmul.f32 v31, v31;
	v36 =	vadd.f32 v29, v30  }
0x3e2: {  	_ = 	snop  }
0x3e3: {  	v29 =	vadd.f32 v39, v36;
	_ =	sdelay $0x2  }
0x3e4: {  	vm1 =	vmmov vm3  }
0x3e5: {  	v30 =	vsub.f32 v32, v19;
	vm5 =	vle.f32 v29, v23;
	v31 =	vsub.f32 v34, v20;
	v29, _, _ =	vpop (xrf0)  }
0x3e6: {  	p4 =	seq.s32 s6, $0x1;
	vm6 =	vmand vm4, vm5;
	v37 =	vsub.f32 v38, v18;
	v62 =	vadd.s32 v29, v22  }
.Ltmp19:
0x3e7: {  	s4 =	simm.s32 $0x40;
	v63 =	vmul.f32 v31, v31;
	v40 =	vsel vm6, $0x1, v0;
	v29 =	vld.idx.msk [tilespmem:v26+s23+$0x0], $0xffff;
	v31 =	vadd.s32 $0xFFFFFFFF, v62;
	(pc) =	sbr.rel @p4 .LBB2_20-.Ltmp19, $4  }
0x3e8: {  	v41 =	vadd.s32 s4, v35;
	v32 =	vld.idx.msk [tilespmem:v43+s24+$0x0], $0xffff;
	v30 =	vmul.f32 v30, v30;
	(xrf0) =	vadd.scan.msk.s32 $0xffff, v40  }
0x3e9: {  	v34 =	vld.idx.msk [tilespmem:v43+s25+$0x0], $0xffff;
	vm5 =	vmmov vm2;
	vm2 =	vmmov vm0  }
0x3ea: {  	vm0 =	vlt.s32 v41, v33;
	v42 =	vmul.f32 v37, v37;
	v40 =	vadd.f32 v63, v30;
	v37 =	vmovc v27  }
0x3eb: {  	s6 =	sadd.s32 $0xFFFFFFFF, s6;
	p3 =	por $0x1, $0x1;
	v38 =	vld.idx.msk [tilespmem:v43+s26+$0x0], $0xffff;
	v30 =	vnsel vm0, $0x0, v41;
	v41 =	vmov v22  }
.LBB2_21:
0x3ec: {  	p4 =	seq.s32 s6, $0x1;
	v40 =	vadd.f32 v42, v40;
	v42 =	vmpcnt.ones.xlane vm1;
	[tilespmem:v31+s28+$0x0] =	vst.idx.msk vm1, v29;
	vm1 =	vmmov vm6;
	_ =	sdelay $0x1  }
0x3ed: {  	v44 =	vsub.f32 v32, v19;
	vm6 =	vle.f32 v40, v23;
	v31, _, _ =	vpop (xrf0);
	v41 =	vadd.s32 v41, v42  }
0x3ee: {  	v34 =	vsub.f32 v34, v20;
	vm6 =	vmand vm5, vm6;
	v29 =	vld.idx.msk [tilespmem:v37+s23+$0x0], $0xffff;
	v31 =	vadd.s32 v31, v41;
	v37 =	vmovc v28  }
.Ltmp20:
0x3ef: {  	v28 =	vmovc v43;
	v43 =	vmovc v30;
	vm5 =	vmmov vm2;
	v32 =	vld.idx.msk [tilespmem:v30+s24+$0x0], $0xffff;
	v40 =	vsel vm6, $0x1, v0;
	v31 =	vadd.s32 $0xFFFFFFFF, v31;
	(pc) =	sbr.rel @!p4 .LBB2_21-.Ltmp20, $4  }
0x3f0: {  	s4 =	sadd.s32 $0x10, s4;
	v42 =	vmul.f32 v44, v44;
	v38 =	vsub.f32 v38, v18;
	v44 =	vmul.f32 v34, v34;
	(xrf0) =	vadd.scan.msk.s32 $0xffff, v40  }
0x3f1: {  	v45 =	vadd.s32 s4, v35;
	vm2 =	vmmov vm0;
	v34 =	vld.idx.msk [tilespmem:v30+s25+$0x0], $0xffff  }
0x3f2: {  	vm0 =	vlt.s32 v45, v33;
	v40 =	vadd.f32 v44, v42;
	v42 =	vmul.f32 v38, v38  }
0x3f3: {  	s6 =	sadd.s32 $0xFFFFFFFF, s6;
	v38 =	vld.idx.msk [tilespmem:v30+s26+$0x0], $0xffff;
	v30 =	vnsel vm0, $0x0, v45  }
.Ltmp21:
0x3f4: {  	(pc) =	sbr.rel .LBB2_23-.Ltmp21, $2  }
0x3f5: {  	_ =	sdelay $0x2  }
0x3f6: {  	v33 =	vmov v28;
	v28 =	vmov v43  }
.LBB2_14:
.Ltmp22:
0x3f7: {  	(pc) =	sbr.rel .LBB2_23-.Ltmp22, $2  }
0x3f8: {  	_ =	sdelay $0x2  }
0x3f9: {  	v30 =	vmov v27;
	v28 =	vmov v26;
	v41 =	vmov v22  }
.LBB2_16:
.Ltmp23:
0x3fa: {  	(pc) =	sbr.rel .LBB2_23-.Ltmp23, $2  }
0x3fb: {  	_ =	sdelay $0x2  }
0x3fc: {  	v30 =	vmovc v28;
	v33 =	vmov v26;
	v28 =	vmov v27;
	v41 =	vmov v22  }
.LBB2_18:
.Ltmp24:
0x3fd: {  	(pc) =	sbr.rel .LBB2_23-.Ltmp24, $3  }
0x3fe: {  	_ =	sdelay $0x1  }
0x3ff: {  	vm6 =	vmmov vm3;
	v41 =	vmov v22;
	vm5 =	vmmov vm4  }
0x400: {  	v37 =	vmovc v26;
	v33 =	vmovc v27;
	v30 =	vmov v43;
	v40 =	vmov v36;
	v42 =	vmov v39  }
.LBB2_20:
.Ltmp25:
0x401: {  	(pc) =	sbr.rel .LBB2_23-.Ltmp25, $2  }
0x402: {  	_ =	sdelay $0x2  }
0x403: {  	v33 =	vmovc v28;
	v41 =	vmov v22;
	v37 =	vmov v27;
	v28 =	vmov v43  }
.LBB2_32:
0x404: {  	_ =	sfence.sel $0x180000  }
0x405: {  	[bflag:$0x0] =	sbarrier.arrive $0xFFFF  }
0x406: {  	_ =	strace $0x90000047  }
0x407: {  	s0 =	stileid.u32;
	[bflag:$0x2] =	sbarrier.arrive $0xFFFF  }
0x408: {  	p0 =	sne.s32 s0, $0x0;
	s0 =	rddreg [dreg:$0x2]  }
0x409: {  	s0 =	sadd.s32 @!p0 $0x100000, s0  }
0x40a: {  	[sflag:s0] =	ssyncadd.tile.s32 @!p0 $0x1;
	_ =	shalt  }
.Lfunc_end2:
_tile_overlayer_lowered:
.L_overlay_start_2:
0x40b: {  	(tag) =	ssettag $0x2  }
0x40c: {  	s0 =	rddreg [dreg:$0x0];
	s2 =	stileid.u32  }
0x40d: {  	s1 =	rddreg [dreg:$0x1];
	p0 =	sne.s32 s2, $0x0  }
0x40e: {  	s3 =	rddreg [dreg:$0x2];
	[bflag:$0x3] =	sbarrier.arrive $0xFFFF;
	s2 =	simm.s32 @!p0 $0x1C03  }
0x40f: {  	[timem:s3], [sflag:s2] =	dma.local @!p0 [hbm:s0], s1  }
0x410: {  	s0 =	simm.s32 @!p0 $0x3  }
0x411: {  	_ =	swait.ge @!p0 [sflag:s0], s1  }
0x412: {  	s1 =	ssub.s32 @!p0 $0x0, s1;
	[sflag:s0] =	ssyncset.done @!p0 $0x0  }
0x413: {  	[sflag:s0] =	ssyncadd.s32 @!p0 s1  }
0x414: {  	[bflag:$0x3] =	sbarrier.arrive $0xFFFF  }
0x415: {  	_ =	shalt  }

</sc_bundles>
